<compile_context>
chip_gen: v7x
topology: tpu7x:2x2x1
jax: 0.10.2.dev20260603
libtpu: 0.0.44.dev20260713+nightly
codegen_flags: <defaults>
</compile_context>

<pallas_src>
import functools

import jax
import jax.numpy as jnp
from jax import lax
from jax.experimental import pallas as pl
from jax.experimental.pallas import tpu as pltpu
from jax.experimental.pallas import tpu_sc as plsc

B = 128
C = 32768
TOPK = 10
CAND = 16
GAP_T = 0.01
NEG = -3.0e38

CHUNK = 128
NCH = C // CHUNK
NGRP = NCH // 16

NUM_WORKERS = 32
ROWS_PER_W = B // NUM_WORKERS


def _sc_topk_body(logits_hbm, cm_hbm, out_hbm, cmbuf, buf0, buf1,
                  stage, sem0, sem1):
    nc = 2
    cidx = lax.axis_index("c")
    sidx = lax.axis_index("s")
    wid = sidx * nc + cidx
    base = wid * ROWS_PER_W

    pltpu.sync_copy(cm_hbm.at[pl.ds(base, ROWS_PER_W)], cmbuf)

    iota = lax.iota(jnp.int32, 16)
    izero = jnp.zeros((16,), jnp.int32)
    tvecs = []
    offs = []
    for r in range(ROWS_PER_W):
        keys = jnp.full((16,), NEG, jnp.float32)
        vals = jnp.zeros((16,), jnp.int32)
        for g in range(NGRP):
            k = cmbuf[r, pl.ds(g * 16, 16)]
            v = iota + g * 16
            bk, bv = plsc.sort_key_val(k, v, descending=True)
            take = keys >= bk
            mk = jnp.where(take, keys, bk)
            mv = jnp.where(take, vals, bv)
            keys, vals = plsc.sort_key_val(mk, mv)
        tvecs.append(keys.at[izero].get(mode="promise_in_bounds"))
        offs.append(vals)

    bufs = (buf0, buf1)
    sems = (sem0, sem1)
    copies = [pltpu.async_copy(logits_hbm.at[base], buf0, sem0), None]
    for r in range(ROWS_PER_W):
        if r + 1 < ROWS_PER_W:
            copies[(r + 1) % 2] = pltpu.async_copy(
                logits_hbm.at[base + r + 1], bufs[(r + 1) % 2],
                sems[(r + 1) % 2])
        copies[r % 2].wait()
        ref = bufs[r % 2]
        tvec = tvecs[r]
        off = offs[r]

        def scan(o, cand, ref=ref, tvec=tvec, off=off):
            for u in range(4):
                x = plsc.load_gather(ref, [off + (o * 4 + u) * NCH])
                msk = x >= tvec

                def do_merge(c):
                    sx = jnp.sort(jnp.where(msk, x, NEG))
                    merged = jnp.maximum(c, lax.rev(sx, (0,)))
                    return jnp.sort(merged)

                cand = lax.cond(jnp.any(msk), do_merge, lambda c: c, cand)
            return cand

        cand = lax.fori_loop(0, CHUNK // 4, scan,
                             jnp.full((16,), NEG, jnp.float32))
        stage[r, pl.ds(0, 16)] = lax.rev(cand, (0,))

    pltpu.sync_copy(stage, out_hbm.at[pl.ds(base, ROWS_PER_W)])


def _sc_topk(logits, cm):
    mesh = plsc.VectorSubcoreMesh(core_axis_name="c", subcore_axis_name="s")
    return pl.kernel(
        _sc_topk_body,
        mesh=mesh,
        compiler_params=pltpu.CompilerParams(needs_layout_passes=False),
        out_type=jax.ShapeDtypeStruct((B, CAND), jnp.float32),
        scratch_types=[
            pltpu.VMEM((ROWS_PER_W, NCH), jnp.float32),
            pltpu.VMEM((C,), jnp.float32),
            pltpu.VMEM((C,), jnp.float32),
            pltpu.VMEM((ROWS_PER_W, CAND), jnp.float32),
            pltpu.SemaphoreType.DMA,
            pltpu.SemaphoreType.DMA,
        ],
    )(logits, cm)


def _tc_stats_kernel(x_ref, m_ref, z_ref, s1_ref, a_ref, cm_ref):
    x = x_ref[...]
    cm = x[:, 0:NCH]
    sa = jnp.zeros((8, NCH), jnp.int32)
    for s in range(1, CHUNK):
        sl = x[:, s * NCH:(s + 1) * NCH]
        sa = jnp.where(sl > cm, s, sa)
        cm = jnp.maximum(cm, sl)
    m = jnp.max(cm, axis=1, keepdims=True)
    zp = jnp.zeros((8, NCH), jnp.float32)
    s1p = jnp.zeros((8, NCH), jnp.float32)
    for s in range(CHUNK):
        sl = x[:, s * NCH:(s + 1) * NCH] - m
        e = jnp.exp(sl)
        zp = zp + e
        s1p = s1p + sl * e
    z = jnp.sum(zp, axis=1, keepdims=True)
    s1 = jnp.sum(s1p, axis=1, keepdims=True)
    cols = lax.broadcasted_iota(jnp.int32, (8, NCH), 1)
    am = jnp.min(jnp.where(cm == m, sa * NCH + cols, C),
                 axis=1, keepdims=True)
    m_ref[...] = m
    z_ref[...] = z
    s1_ref[...] = s1
    a_ref[...] = am
    cm_ref[...] = cm


def _tc_stats(logits):
    n = B // 8
    o2 = jax.ShapeDtypeStruct((B, 1), jnp.float32)
    oi = jax.ShapeDtypeStruct((B, 1), jnp.int32)
    oc = jax.ShapeDtypeStruct((B, NCH), jnp.float32)
    spec2 = pl.BlockSpec((8, 1), lambda i: (i, 0))
    specc = pl.BlockSpec((8, NCH), lambda i: (i, 0))
    return pl.pallas_call(
        _tc_stats_kernel,
        grid=(n,),
        in_specs=[pl.BlockSpec((8, C), lambda i: (i, 0))],
        out_specs=[spec2, spec2, spec2, spec2, specc],
        out_shape=[o2, o2, o2, oi, oc],
    )(logits)


def _epilogue_kernel(m_ref, z_ref, zr_ref, s1_ref, a_ref, ar_ref, t_ref,
                     out_ref):
    m = m_ref[...]
    z = z_ref[...]
    z_row = zr_ref[...]
    s1 = s1_ref[...]
    am = a_ref[...]
    am_row = ar_ref[...]
    t = t_ref[...]

    eq = (am == am_row).astype(jnp.float32)
    z_col = jnp.mean(eq, axis=1, keepdims=True)
    z_rw = jnp.mean(eq, axis=0, keepdims=True)
    z_bar = jnp.mean(eq)
    bias_col = z_bar - z_col
    bias_row = z_bar - z_rw
    mask_col = bias_col >= 0.0
    mask_row = bias_row >= 0.0
    nm = jnp.sum(mask_row.astype(jnp.float32))

    def qrank(x_col, x_row):
        lo = jnp.sum(jnp.where(mask_row & (x_row < x_col), 1.0, 0.0),
                     axis=1, keepdims=True)
        hi = jnp.sum(jnp.where(mask_row & (x_row <= x_col), 1.0, 0.0),
                     axis=1, keepdims=True)
        q = ((lo + 1.0 + hi) * 0.5) / jnp.maximum(nm, 1.0)
        return jnp.where(mask_col, q, 0.0)

    conf_col = 1.0 / z
    conf_row = 1.0 / z_row
    q_z = qrank(bias_col, bias_row)
    q_k = qrank(conf_col, conf_row)

    ent_std = jnp.log(z) - s1 / z

    lane = lax.broadcasted_iota(jnp.int32, t.shape, 1)
    valid = lane < TOPK
    ek = jnp.where(valid, jnp.exp(t - t[:, 0:1]), 0.0)
    zk = jnp.sum(ek, axis=1, keepdims=True)
    p = ek / zk
    ent_topk = -jnp.sum(jnp.where(valid, p * jnp.log(p + 1e-8), 0.0),
                        axis=1, keepdims=True)

    et = jnp.where(valid, jnp.exp(t - m), 0.0)
    zt = z - jnp.sum(et, axis=1, keepdims=True)
    s1t = s1 - jnp.sum(jnp.where(valid, (t - m) * et, 0.0),
                       axis=1, keepdims=True)
    ent_tail = jnp.log(zt) - s1t / zt

    gap = (1.0 - jnp.exp(t[:, 1:2] - m)) / z
    high_conf = gap > GAP_T

    weights = jnp.where(mask_col, q_z * q_k, -0.5)
    fe = jnp.where(high_conf, ent_std,
                   jnp.where(mask_col, ent_topk, ent_tail))
    out_ref[...] = jnp.mean(weights * fe).reshape(1, 1)


def _epilogue(m, z, s1, am, cand):
    return pl.pallas_call(
        _epilogue_kernel,
        out_shape=jax.ShapeDtypeStruct((1, 1), jnp.float32),
    )(m, z, z.reshape(1, B), s1, am, am.reshape(1, B), cand)


def kernel(logits):
    m, z, s1, am, cm = _tc_stats(logits)
    cand = _sc_topk(logits, cm)
    loss = _epilogue(m, z, s1, am, cand)
    return loss[0, 0]

# --- scband reference (transcript-rebuilt; emitter-appended) ---
"""Pipeline reference for scband-mti-89077621719471 (READ-ONLY COPY).

The authoritative reference and input builder live on the scoring server;
editing this copy changes nothing except your own understanding.
"""

import jax, jax.numpy as jnp
import numpy as np

TOP_K = 10
GAP_THRESHOLD = 0.01


def setup_inputs(seed: int = 0) -> dict:
    key = jax.random.key(seed)
    logits = jax.random.normal(key, (128, 32768), dtype=jnp.float32)
    return {"logits": logits}


def _quantile_rank_masked(x, mask):
    # Tie-averaged quantile rank restricted to elements where mask is True.
    # Equivalent to torch quantile_rank(x[mask]) scattered back: for consecutive
    # integer ranks within a tie group, the averaged rank is (first+last)/2,
    # which equals (searchsorted_left + 1 + searchsorted_right) / 2.
    n = jnp.sum(mask).astype(jnp.float32)
    xm = jnp.where(mask, x, jnp.inf)
    s = jnp.sort(xm)
    lo = jnp.searchsorted(s, x, side='left').astype(jnp.float32)
    hi = jnp.searchsorted(s, x, side='right').astype(jnp.float32)
    avg_rank = (lo + 1.0 + hi) / 2.0
    nr = avg_rank / jnp.maximum(n, 1.0)
    return jnp.where(mask, nr, 0.0)


def _softmax_entropy(x):
    p = jax.nn.softmax(x, axis=1)
    lp = jax.nn.log_softmax(x, axis=1)
    return -(p * lp).sum(axis=1)


def _top_k_entropy(logits, k):
    topk_logits, _ = jax.lax.top_k(logits, k)
    p = jax.nn.softmax(topk_logits, axis=1)
    return -(p * jnp.log(p + 1e-08)).sum(axis=1)


def _tail_entropy(logits, k):
    B, C = logits.shape
    _, idx = jax.lax.top_k(logits, k)
    mask = jnp.zeros((B, C), dtype=bool)
    rows = jnp.arange(B)[:, None]
    mask = mask.at[rows, idx].set(True)
    tail_logits = jnp.where(mask, -1e9, logits)  # -1e9 ~ -inf, grad-safe
    p = jax.nn.softmax(tail_logits, axis=1)
    return -(p * jnp.log(p + 1e-08)).sum(axis=1)


def reference(logits):
    B, C = logits.shape
    probs = jax.nn.softmax(logits, axis=1)
    conf_values = probs.max(axis=1)
    pred_labels = jnp.argmax(probs, axis=1)
    ent_standard = _softmax_entropy(logits)
    ent_topk = _top_k_entropy(logits, TOP_K)
    ent_tail = _tail_entropy(logits, TOP_K)
    # class frequency of each sample's predicted label
    counts = jnp.bincount(pred_labels, length=C)
    z_values = counts[pred_labels].astype(jnp.float32) / B
    z_bar = z_values.mean()
    bias_levels = z_bar - z_values
    positive_mask = bias_levels >= 0
    top2, _ = jax.lax.top_k(probs, 2)
    prob_gap = top2[:, 0] - top2[:, 1]
    high_conf_mask = prob_gap > GAP_THRESHOLD
    q_z = _quantile_rank_masked(bias_levels, positive_mask)
    q_k = _quantile_rank_masked(conf_values, positive_mask)
    weights = jnp.where(positive_mask, q_z * q_k, -0.5)
    final_entropy = jnp.where(
        high_conf_mask,
        ent_standard,
        jnp.where(positive_mask, ent_topk, ent_tail),
    )
    loss_ent = (weights * final_entropy).mean()
    return loss_ent

if __name__ == "__main__":
    import jax
    _d = setup_inputs()
    print(jax.jit(kernel)(*tuple(_d.values())))

</pallas_src>

<mosaic_0001>
#map = affine_map<(d0, d1) -> (0, 0)>
module attributes {stable_mosaic.version = 14 : i64} {
  func.func @_sc_topk_body(%arg0: i32, %arg1: i32, %arg2: memref<128x32768xf32, #tpu.memory_space<hbm>>, %arg3: memref<128x256xf32, #tpu.memory_space<hbm>>, %arg4: memref<128x16xf32, #tpu.memory_space<hbm>>, %arg5: memref<4x256xf32, #tpu.memory_space<vmem>>, %arg6: memref<32768xf32, #tpu.memory_space<vmem>>, %arg7: memref<32768xf32, #tpu.memory_space<vmem>>, %arg8: memref<4x16xf32, #tpu.memory_space<vmem>>, %arg9: memref<!tpu.dma_semaphore, #tpu.memory_space<semaphore_mem>>, %arg10: memref<!tpu.dma_semaphore, #tpu.memory_space<semaphore_mem>>) attributes {dimension_semantics = [#tpu.dimension_semantics<core_parallel>, #tpu.dimension_semantics<subcore_parallel>], iteration_bounds = array<i64: 2, 16>, scalar_prefetch = 0 : i64, scratch_operands = 6 : i64, tpu.core_type = #tpu.core_type<sc_vector_subcore>, window_params = [{transform_indices = #map}, {transform_indices = #map}, {transform_indices = #map}]} {
    %mul3A = arith.constant 2 : i32
    %mul3A_0 = arith.muli %arg1, %mul3A : i32
    %add3A = arith.addi %mul3A_0, %arg0 : i32
    %mul3A_1 = arith.constant 4 : i32
    %mul3A_2 = arith.muli %add3A, %mul3A_1 : i32
    "tpu.region"() ({
      %run_scoped3A = tpu.sem_alloc : memref<!tpu.dma_semaphore, #tpu.memory_space<semaphore_mem>>
      %dma_start3A_1329 = arith.constant 0 : i32
      %dma_start3A_1330 = tpu.memref_slice %arg3[%mul3A_2, %dma_start3A_1329] : memref<128x256xf32, #tpu.memory_space<hbm>> -> memref<4x256xf32, #tpu.memory_space<hbm>>
      %dma_start3A_1331 = arith.constant 0 : i32
      %dma_start3A_1332 = tpu.memref_slice %arg3[%mul3A_2, %dma_start3A_1331] : memref<128x256xf32, #tpu.memory_space<hbm>> -> memref<4x256xf32, #tpu.memory_space<hbm>>
      tpu.enqueue_dma source(%dma_start3A_1332 : memref<4x256xf32, #tpu.memory_space<hbm>>) target(%arg5 : memref<4x256xf32, #tpu.memory_space<vmem>>) target_semaphore(%run_scoped3A : memref<!tpu.dma_semaphore, #tpu.memory_space<semaphore_mem>>)
      %dma_wait3A_1333 = arith.constant 0 : i32
      %dma_wait3A_1334 = tpu.memref_slice %arg3[%mul3A_2, %dma_wait3A_1333] : memref<128x256xf32, #tpu.memory_space<hbm>> -> memref<4x256xf32, #tpu.memory_space<hbm>>
      %dma_wait3A_1335 = arith.constant 0 : i32
      %dma_wait3A_1336 = tpu.memref_slice %arg3[%mul3A_2, %dma_wait3A_1335] : memref<128x256xf32, #tpu.memory_space<hbm>> -> memref<4x256xf32, #tpu.memory_space<hbm>>
      tpu.wait_dma2 semaphore(%run_scoped3A : memref<!tpu.dma_semaphore, #tpu.memory_space<semaphore_mem>>) src(%dma_wait3A_1336 : memref<4x256xf32, #tpu.memory_space<hbm>>) dst(%arg5 : memref<4x256xf32, #tpu.memory_space<vmem>>)
      tpu.yield
    }) : () -> ()
    %iota3A = tpu.iota {dimensions = array<i32: 0>} : vector<16xi32>
    %broadcast_in_dim3A = arith.constant 0 : i32
    %broadcast_in_dim3A_3 = vector.broadcast %broadcast_in_dim3A : i32 to vector<16xi32>
    %broadcast_in_dim3A_4 = arith.constant -3.000000e+38 : f32
    %broadcast_in_dim3A_5 = vector.broadcast %broadcast_in_dim3A_4 : f32 to vector<16xf32>
    %broadcast_in_dim3A_6 = arith.constant 0 : i32
    %broadcast_in_dim3A_7 = vector.broadcast %broadcast_in_dim3A_6 : i32 to vector<16xi32>
    %get3A = arith.constant 0 : i32
    %get3A_8 = arith.index_cast %get3A : i32 to index
    %get3A_9 = arith.constant 0 : index
    %get3A_10 = tpu.vector_load %arg5[%get3A_8, %get3A_9] {strides = array<i32>} : memref<4x256xf32, #tpu.memory_space<vmem>>, vector<16xf32>,
    %add3A_11 = arith.constant 0 : i32
    %add3A_12 = vector.broadcast %add3A_11 : i32 to vector<16xi32>
    %add3A_13 = arith.addi %iota3A, %add3A_12 : vector<16xi32>
    %masked_sort3A = arith.constant dense<true> : vector<16xi1>
    %masked_sort3A_14, %masked_sort3A_15, %masked_sort3A_16 = tpu.sort %get3A_10, %add3A_13 masked %masked_sort3A {descending = true} : (vector<16xf32>, vector<16xi32>, vector<16xi1>) -> (vector<16xi1>, vector<16xf32>, vector<16xi32>)
    %ge3A = arith.cmpf oge, %broadcast_in_dim3A_5, %masked_sort3A_15 : vector<16xf32>
    %select_n3A = arith.select %ge3A, %broadcast_in_dim3A_5, %masked_sort3A_15 : vector<16xi1>, vector<16xf32>
    %select_n3A_17 = arith.select %ge3A, %broadcast_in_dim3A_7, %masked_sort3A_16 : vector<16xi1>, vector<16xi32>
    %masked_sort3A_18 = arith.constant dense<true> : vector<16xi1>
    %masked_sort3A_19, %masked_sort3A_20, %masked_sort3A_21 = tpu.sort %select_n3A, %select_n3A_17 masked %masked_sort3A_18 : (vector<16xf32>, vector<16xi32>, vector<16xi1>) -> (vector<16xi1>, vector<16xf32>, vector<16xi32>)
    %get3A_22 = arith.constant 0 : i32
    %get3A_23 = arith.index_cast %get3A_22 : i32 to index
    %get3A_24 = arith.constant 16 : index
    %get3A_25 = tpu.vector_load %arg5[%get3A_23, %get3A_24] {strides = array<i32>} : memref<4x256xf32, #tpu.memory_space<vmem>>, vector<16xf32>,
    %add3A_26 = arith.constant 16 : i32
    %add3A_27 = vector.broadcast %add3A_26 : i32 to vector<16xi32>
    %add3A_28 = arith.addi %iota3A, %add3A_27 : vector<16xi32>
    %masked_sort3A_29 = arith.constant dense<true> : vector<16xi1>
    %masked_sort3A_30, %masked_sort3A_31, %masked_sort3A_32 = tpu.sort %get3A_25, %add3A_28 masked %masked_sort3A_29 {descending = true} : (vector<16xf32>, vector<16xi32>, vector<16xi1>) -> (vector<16xi1>, vector<16xf32>, vector<16xi32>)
    %ge3A_33 = arith.cmpf oge, %masked_sort3A_20, %masked_sort3A_31 : vector<16xf32>
    %select_n3A_34 = arith.select %ge3A_33, %masked_sort3A_20, %masked_sort3A_31 : vector<16xi1>, vector<16xf32>
    %select_n3A_35 = arith.select %ge3A_33, %masked_sort3A_21, %masked_sort3A_32 : vector<16xi1>, vector<16xi32>
    %masked_sort3A_36 = arith.constant dense<true> : vector<16xi1>
    %masked_sort3A_37, %masked_sort3A_38, %masked_sort3A_39 = tpu.sort %select_n3A_34, %select_n3A_35 masked %masked_sort3A_36 : (vector<16xf32>, vector<16xi32>, vector<16xi1>) -> (vector<16xi1>, vector<16xf32>, vector<16xi32>)
    %get3A_40 = arith.constant 0 : i32
    %get3A_41 = arith.index_cast %get3A_40 : i32 to index
    %get3A_42 = arith.constant 32 : index
    %get3A_43 = tpu.vector_load %arg5[%get3A_41, %get3A_42] {strides = array<i32>} : memref<4x256xf32, #tpu.memory_space<vmem>>, vector<16xf32>,
    %add3A_44 = arith.constant 32 : i32
    %add3A_45 = vector.broadcast %add3A_44 : i32 to vector<16xi32>
    %add3A_46 = arith.addi %iota3A, %add3A_45 : vector<16xi32>
    %masked_sort3A_47 = arith.constant dense<true> : vector<16xi1>
    %masked_sort3A_48, %masked_sort3A_49, %masked_sort3A_50 = tpu.sort %get3A_43, %add3A_46 masked %masked_sort3A_47 {descending = true} : (vector<16xf32>, vector<16xi32>, vector<16xi1>) -> (vector<16xi1>, vector<16xf32>, vector<16xi32>)
    %ge3A_51 = arith.cmpf oge, %masked_sort3A_38, %masked_sort3A_49 : vector<16xf32>
    %select_n3A_52 = arith.select %ge3A_51, %masked_sort3A_38, %masked_sort3A_49 : vector<16xi1>, vector<16xf32>
    %select_n3A_53 = arith.select %ge3A_51, %masked_sort3A_39, %masked_sort3A_50 : vector<16xi1>, vector<16xi32>
    %masked_sort3A_54 = arith.constant dense<true> : vector<16xi1>
    %masked_sort3A_55, %masked_sort3A_56, %masked_sort3A_57 = tpu.sort %select_n3A_52, %select_n3A_53 masked %masked_sort3A_54 : (vector<16xf32>, vector<16xi32>, vector<16xi1>) -> (vector<16xi1>, vector<16xf32>, vector<16xi32>)
    %get3A_58 = arith.constant 0 : i32
    %get3A_59 = arith.index_cast %get3A_58 : i32 to index
    %get3A_60 = arith.constant 48 : index
    %get3A_61 = tpu.vector_load %arg5[%get3A_59, %get3A_60] {strides = array<i32>} : memref<4x256xf32, #tpu.memory_space<vmem>>, vector<16xf32>,
    %add3A_62 = arith.constant 48 : i32
    %add3A_63 = vector.broadcast %add3A_62 : i32 to vector<16xi32>
    %add3A_64 = arith.addi %iota3A, %add3A_63 : vector<16xi32>
    %masked_sort3A_65 = arith.constant dense<true> : vector<16xi1>
    %masked_sort3A_66, %masked_sort3A_67, %masked_sort3A_68 = tpu.sort %get3A_61, %add3A_64 masked %masked_sort3A_65 {descending = true} : (vector<16xf32>, vector<16xi32>, vector<16xi1>) -> (vector<16xi1>, vector<16xf32>, vector<16xi32>)
    %ge3A_69 = arith.cmpf oge, %masked_sort3A_56, %masked_sort3A_67 : vector<16xf32>
    %select_n3A_70 = arith.select %ge3A_69, %masked_sort3A_56, %masked_sort3A_67 : vector<16xi1>, vector<16xf32>
    %select_n3A_71 = arith.select %ge3A_69, %masked_sort3A_57, %masked_sort3A_68 : vector<16xi1>, vector<16xi32>
    %masked_sort3A_72 = arith.constant dense<true> : vector<16xi1>
    %masked_sort3A_73, %masked_sort3A_74, %masked_sort3A_75 = tpu.sort %select_n3A_70, %select_n3A_71 masked %masked_sort3A_72 : (vector<16xf32>, vector<16xi32>, vector<16xi1>) -> (vector<16xi1>, vector<16xf32>, vector<16xi32>)
    %get3A_76 = arith.constant 0 : i32
    %get3A_77 = arith.index_cast %get3A_76 : i32 to index
    %get3A_78 = arith.constant 64 : index
    %get3A_79 = tpu.vector_load %arg5[%get3A_77, %get3A_78] {strides = array<i32>} : memref<4x256xf32, #tpu.memory_space<vmem>>, vector<16xf32>,
    %add3A_80 = arith.constant 64 : i32
    %add3A_81 = vector.broadcast %add3A_80 : i32 to vector<16xi32>
    %add3A_82 = arith.addi %iota3A, %add3A_81 : vector<16xi32>
    %masked_sort3A_83 = arith.constant dense<true> : vector<16xi1>
    %masked_sort3A_84, %masked_sort3A_85, %masked_sort3A_86 = tpu.sort %get3A_79, %add3A_82 masked %masked_sort3A_83 {descending = true} : (vector<16xf32>, vector<16xi32>, vector<16xi1>) -> (vector<16xi1>, vector<16xf32>, vector<16xi32>)
    %ge3A_87 = arith.cmpf oge, %masked_sort3A_74, %masked_sort3A_85 : vector<16xf32>
    %select_n3A_88 = arith.select %ge3A_87, %masked_sort3A_74, %masked_sort3A_85 : vector<16xi1>, vector<16xf32>
    %select_n3A_89 = arith.select %ge3A_87, %masked_sort3A_75, %masked_sort3A_86 : vector<16xi1>, vector<16xi32>
    %masked_sort3A_90 = arith.constant dense<true> : vector<16xi1>
    %masked_sort3A_91, %masked_sort3A_92, %masked_sort3A_93 = tpu.sort %select_n3A_88, %select_n3A_89 masked %masked_sort3A_90 : (vector<16xf32>, vector<16xi32>, vector<16xi1>) -> (vector<16xi1>, vector<16xf32>, vector<16xi32>)
    %get3A_94 = arith.constant 0 : i32
    %get3A_95 = arith.index_cast %get3A_94 : i32 to index
    %get3A_96 = arith.constant 80 : index
    %get3A_97 = tpu.vector_load %arg5[%get3A_95, %get3A_96] {strides = array<i32>} : memref<4x256xf32, #tpu.memory_space<vmem>>, vector<16xf32>,
    %add3A_98 = arith.constant 80 : i32
    %add3A_99 = vector.broadcast %add3A_98 : i32 to vector<16xi32>
    %add3A_100 = arith.addi %iota3A, %add3A_99 : vector<16xi32>
    %masked_sort3A_101 = arith.constant dense<true> : vector<16xi1>
    %masked_sort3A_102, %masked_sort3A_103, %masked_sort3A_104 = tpu.sort %get3A_97, %add3A_100 masked %masked_sort3A_101 {descending = true} : (vector<16xf32>, vector<16xi32>, vector<16xi1>) -> (vector<16xi1>, vector<16xf32>, vector<16xi32>)
    %ge3A_105 = arith.cmpf oge, %masked_sort3A_92, %masked_sort3A_103 : vector<16xf32>
    %select_n3A_106 = arith.select %ge3A_105, %masked_sort3A_92, %masked_sort3A_103 : vector<16xi1>, vector<16xf32>
    %select_n3A_107 = arith.select %ge3A_105, %masked_sort3A_93, %masked_sort3A_104 : vector<16xi1>, vector<16xi32>
    %masked_sort3A_108 = arith.constant dense<true> : vector<16xi1>
    %masked_sort3A_109, %masked_sort3A_110, %masked_sort3A_111 = tpu.sort %select_n3A_106, %select_n3A_107 masked %masked_sort3A_108 : (vector<16xf32>, vector<16xi32>, vector<16xi1>) -> (vector<16xi1>, vector<16xf32>, vector<16xi32>)
    %get3A_112 = arith.constant 0 : i32
    %get3A_113 = arith.index_cast %get3A_112 : i32 to index
    %get3A_114 = arith.constant 96 : index
    %get3A_115 = tpu.vector_load %arg5[%get3A_113, %get3A_114] {strides = array<i32>} : memref<4x256xf32, #tpu.memory_space<vmem>>, vector<16xf32>,
    %add3A_116 = arith.constant 96 : i32
    %add3A_117 = vector.broadcast %add3A_116 : i32 to vector<16xi32>
    %add3A_118 = arith.addi %iota3A, %add3A_117 : vector<16xi32>
    %masked_sort3A_119 = arith.constant dense<true> : vector<16xi1>
    %masked_sort3A_120, %masked_sort3A_121, %masked_sort3A_122 = tpu.sort %get3A_115, %add3A_118 masked %masked_sort3A_119 {descending = true} : (vector<16xf32>, vector<16xi32>, vector<16xi1>) -> (vector<16xi1>, vector<16xf32>, vector<16xi32>)
    %ge3A_123 = arith.cmpf oge, %masked_sort3A_110, %masked_sort3A_121 : vector<16xf32>
    %select_n3A_124 = arith.select %ge3A_123, %masked_sort3A_110, %masked_sort3A_121 : vector<16xi1>, vector<16xf32>
    %select_n3A_125 = arith.select %ge3A_123, %masked_sort3A_111, %masked_sort3A_122 : vector<16xi1>, vector<16xi32>
    %masked_sort3A_126 = arith.constant dense<true> : vector<16xi1>
    %masked_sort3A_127, %masked_sort3A_128, %masked_sort3A_129 = tpu.sort %select_n3A_124, %select_n3A_125 masked %masked_sort3A_126 : (vector<16xf32>, vector<16xi32>, vector<16xi1>) -> (vector<16xi1>, vector<16xf32>, vector<16xi32>)
    %get3A_130 = arith.constant 0 : i32
    %get3A_131 = arith.index_cast %get3A_130 : i32 to index
    %get3A_132 = arith.constant 112 : index
    %get3A_133 = tpu.vector_load %arg5[%get3A_131, %get3A_132] {strides = array<i32>} : memref<4x256xf32, #tpu.memory_space<vmem>>, vector<16xf32>,
    %add3A_134 = arith.constant 112 : i32
    %add3A_135 = vector.broadcast %add3A_134 : i32 to vector<16xi32>
    %add3A_136 = arith.addi %iota3A, %add3A_135 : vector<16xi32>
    %masked_sort3A_137 = arith.constant dense<true> : vector<16xi1>
    %masked_sort3A_138, %masked_sort3A_139, %masked_sort3A_140 = tpu.sort %get3A_133, %add3A_136 masked %masked_sort3A_137 {descending = true} : (vector<16xf32>, vector<16xi32>, vector<16xi1>) -> (vector<16xi1>, vector<16xf32>, vector<16xi32>)
    %ge3A_141 = arith.cmpf oge, %masked_sort3A_128, %masked_sort3A_139 : vector<16xf32>
    %select_n3A_142 = arith.select %ge3A_141, %masked_sort3A_128, %masked_sort3A_139 : vector<16xi1>, vector<16xf32>
    %select_n3A_143 = arith.select %ge3A_141, %masked_sort3A_129, %masked_sort3A_140 : vector<16xi1>, vector<16xi32>
    %masked_sort3A_144 = arith.constant dense<true> : vector<16xi1>
    %masked_sort3A_145, %masked_sort3A_146, %masked_sort3A_147 = tpu.sort %select_n3A_142, %select_n3A_143 masked %masked_sort3A_144 : (vector<16xf32>, vector<16xi32>, vector<16xi1>) -> (vector<16xi1>, vector<16xf32>, vector<16xi32>)
    %get3A_148 = arith.constant 0 : i32
    %get3A_149 = arith.index_cast %get3A_148 : i32 to index
    %get3A_150 = arith.constant 128 : index
    %get3A_151 = tpu.vector_load %arg5[%get3A_149, %get3A_150] {strides = array<i32>} : memref<4x256xf32, #tpu.memory_space<vmem>>, vector<16xf32>,
    %add3A_152 = arith.constant 128 : i32
    %add3A_153 = vector.broadcast %add3A_152 : i32 to vector<16xi32>
    %add3A_154 = arith.addi %iota3A, %add3A_153 : vector<16xi32>
    %masked_sort3A_155 = arith.constant dense<true> : vector<16xi1>
    %masked_sort3A_156, %masked_sort3A_157, %masked_sort3A_158 = tpu.sort %get3A_151, %add3A_154 masked %masked_sort3A_155 {descending = true} : (vector<16xf32>, vector<16xi32>, vector<16xi1>) -> (vector<16xi1>, vector<16xf32>, vector<16xi32>)
    %ge3A_159 = arith.cmpf oge, %masked_sort3A_146, %masked_sort3A_157 : vector<16xf32>
    %select_n3A_160 = arith.select %ge3A_159, %masked_sort3A_146, %masked_sort3A_157 : vector<16xi1>, vector<16xf32>
    %select_n3A_161 = arith.select %ge3A_159, %masked_sort3A_147, %masked_sort3A_158 : vector<16xi1>, vector<16xi32>
    %masked_sort3A_162 = arith.constant dense<true> : vector<16xi1>
    %masked_sort3A_163, %masked_sort3A_164, %masked_sort3A_165 = tpu.sort %select_n3A_160, %select_n3A_161 masked %masked_sort3A_162 : (vector<16xf32>, vector<16xi32>, vector<16xi1>) -> (vector<16xi1>, vector<16xf32>, vector<16xi32>)
    %get3A_166 = arith.constant 0 : i32
    %get3A_167 = arith.index_cast %get3A_166 : i32 to index
    %get3A_168 = arith.constant 144 : index
    %get3A_169 = tpu.vector_load %arg5[%get3A_167, %get3A_168] {strides = array<i32>} : memref<4x256xf32, #tpu.memory_space<vmem>>, vector<16xf32>,
    %add3A_170 = arith.constant 144 : i32
    %add3A_171 = vector.broadcast %add3A_170 : i32 to vector<16xi32>
    %add3A_172 = arith.addi %iota3A, %add3A_171 : vector<16xi32>
    %masked_sort3A_173 = arith.constant dense<true> : vector<16xi1>
    %masked_sort3A_174, %masked_sort3A_175, %masked_sort3A_176 = tpu.sort %get3A_169, %add3A_172 masked %masked_sort3A_173 {descending = true} : (vector<16xf32>, vector<16xi32>, vector<16xi1>) -> (vector<16xi1>, vector<16xf32>, vector<16xi32>)
    %ge3A_177 = arith.cmpf oge, %masked_sort3A_164, %masked_sort3A_175 : vector<16xf32>
    %select_n3A_178 = arith.select %ge3A_177, %masked_sort3A_164, %masked_sort3A_175 : vector<16xi1>, vector<16xf32>
    %select_n3A_179 = arith.select %ge3A_177, %masked_sort3A_165, %masked_sort3A_176 : vector<16xi1>, vector<16xi32>
    %masked_sort3A_180 = arith.constant dense<true> : vector<16xi1>
    %masked_sort3A_181, %masked_sort3A_182, %masked_sort3A_183 = tpu.sort %select_n3A_178, %select_n3A_179 masked %masked_sort3A_180 : (vector<16xf32>, vector<16xi32>, vector<16xi1>) -> (vector<16xi1>, vector<16xf32>, vector<16xi32>)
    %get3A_184 = arith.constant 0 : i32
    %get3A_185 = arith.index_cast %get3A_184 : i32 to index
    %get3A_186 = arith.constant 160 : index
    %get3A_187 = tpu.vector_load %arg5[%get3A_185, %get3A_186] {strides = array<i32>} : memref<4x256xf32, #tpu.memory_space<vmem>>, vector<16xf32>,
    %add3A_188 = arith.constant 160 : i32
    %add3A_189 = vector.broadcast %add3A_188 : i32 to vector<16xi32>
    %add3A_190 = arith.addi %iota3A, %add3A_189 : vector<16xi32>
    %masked_sort3A_191 = arith.constant dense<true> : vector<16xi1>
    %masked_sort3A_192, %masked_sort3A_193, %masked_sort3A_194 = tpu.sort %get3A_187, %add3A_190 masked %masked_sort3A_191 {descending = true} : (vector<16xf32>, vector<16xi32>, vector<16xi1>) -> (vector<16xi1>, vector<16xf32>, vector<16xi32>)
    %ge3A_195 = arith.cmpf oge, %masked_sort3A_182, %masked_sort3A_193 : vector<16xf32>
    %select_n3A_196 = arith.select %ge3A_195, %masked_sort3A_182, %masked_sort3A_193 : vector<16xi1>, vector<16xf32>
    %select_n3A_197 = arith.select %ge3A_195, %masked_sort3A_183, %masked_sort3A_194 : vector<16xi1>, vector<16xi32>
    %masked_sort3A_198 = arith.constant dense<true> : vector<16xi1>
    %masked_sort3A_199, %masked_sort3A_200, %masked_sort3A_201 = tpu.sort %select_n3A_196, %select_n3A_197 masked %masked_sort3A_198 : (vector<16xf32>, vector<16xi32>, vector<16xi1>) -> (vector<16xi1>, vector<16xf32>, vector<16xi32>)
    %get3A_202 = arith.constant 0 : i32
    %get3A_203 = arith.index_cast %get3A_202 : i32 to index
    %get3A_204 = arith.constant 176 : index
    %get3A_205 = tpu.vector_load %arg5[%get3A_203, %get3A_204] {strides = array<i32>} : memref<4x256xf32, #tpu.memory_space<vmem>>, vector<16xf32>,
    %add3A_206 = arith.constant 176 : i32
    %add3A_207 = vector.broadcast %add3A_206 : i32 to vector<16xi32>
    %add3A_208 = arith.addi %iota3A, %add3A_207 : vector<16xi32>
    %masked_sort3A_209 = arith.constant dense<true> : vector<16xi1>
    %masked_sort3A_210, %masked_sort3A_211, %masked_sort3A_212 = tpu.sort %get3A_205, %add3A_208 masked %masked_sort3A_209 {descending = true} : (vector<16xf32>, vector<16xi32>, vector<16xi1>) -> (vector<16xi1>, vector<16xf32>, vector<16xi32>)
    %ge3A_213 = arith.cmpf oge, %masked_sort3A_200, %masked_sort3A_211 : vector<16xf32>
    %select_n3A_214 = arith.select %ge3A_213, %masked_sort3A_200, %masked_sort3A_211 : vector<16xi1>, vector<16xf32>
    %select_n3A_215 = arith.select %ge3A_213, %masked_sort3A_201, %masked_sort3A_212 : vector<16xi1>, vector<16xi32>
    %masked_sort3A_216 = arith.constant dense<true> : vector<16xi1>
    %masked_sort3A_217, %masked_sort3A_218, %masked_sort3A_219 = tpu.sort %select_n3A_214, %select_n3A_215 masked %masked_sort3A_216 : (vector<16xf32>, vector<16xi32>, vector<16xi1>) -> (vector<16xi1>, vector<16xf32>, vector<16xi32>)
    %get3A_220 = arith.constant 0 : i32
    %get3A_221 = arith.index_cast %get3A_220 : i32 to index
    %get3A_222 = arith.constant 192 : index
    %get3A_223 = tpu.vector_load %arg5[%get3A_221, %get3A_222] {strides = array<i32>} : memref<4x256xf32, #tpu.memory_space<vmem>>, vector<16xf32>,
    %add3A_224 = arith.constant 192 : i32
    %add3A_225 = vector.broadcast %add3A_224 : i32 to vector<16xi32>
    %add3A_226 = arith.addi %iota3A, %add3A_225 : vector<16xi32>
    %masked_sort3A_227 = arith.constant dense<true> : vector<16xi1>
    %masked_sort3A_228, %masked_sort3A_229, %masked_sort3A_230 = tpu.sort %get3A_223, %add3A_226 masked %masked_sort3A_227 {descending = true} : (vector<16xf32>, vector<16xi32>, vector<16xi1>) -> (vector<16xi1>, vector<16xf32>, vector<16xi32>)
    %ge3A_231 = arith.cmpf oge, %masked_sort3A_218, %masked_sort3A_229 : vector<16xf32>
    %select_n3A_232 = arith.select %ge3A_231, %masked_sort3A_218, %masked_sort3A_229 : vector<16xi1>, vector<16xf32>
    %select_n3A_233 = arith.select %ge3A_231, %masked_sort3A_219, %masked_sort3A_230 : vector<16xi1>, vector<16xi32>
    %masked_sort3A_234 = arith.constant dense<true> : vector<16xi1>
    %masked_sort3A_235, %masked_sort3A_236, %masked_sort3A_237 = tpu.sort %select_n3A_232, %select_n3A_233 masked %masked_sort3A_234 : (vector<16xf32>, vector<16xi32>, vector<16xi1>) -> (vector<16xi1>, vector<16xf32>, vector<16xi32>)
    %get3A_238 = arith.constant 0 : i32
    %get3A_239 = arith.index_cast %get3A_238 : i32 to index
    %get3A_240 = arith.constant 208 : index
    %get3A_241 = tpu.vector_load %arg5[%get3A_239, %get3A_240] {strides = array<i32>} : memref<4x256xf32, #tpu.memory_space<vmem>>, vector<16xf32>,
    %add3A_242 = arith.constant 208 : i32
    %add3A_243 = vector.broadcast %add3A_242 : i32 to vector<16xi32>
    %add3A_244 = arith.addi %iota3A, %add3A_243 : vector<16xi32>
    %masked_sort3A_245 = arith.constant dense<true> : vector<16xi1>
    %masked_sort3A_246, %masked_sort3A_247, %masked_sort3A_248 = tpu.sort %get3A_241, %add3A_244 masked %masked_sort3A_245 {descending = true} : (vector<16xf32>, vector<16xi32>, vector<16xi1>) -> (vector<16xi1>, vector<16xf32>, vector<16xi32>)
    %ge3A_249 = arith.cmpf oge, %masked_sort3A_236, %masked_sort3A_247 : vector<16xf32>
    %select_n3A_250 = arith.select %ge3A_249, %masked_sort3A_236, %masked_sort3A_247 : vector<16xi1>, vector<16xf32>
    %select_n3A_251 = arith.select %ge3A_249, %masked_sort3A_237, %masked_sort3A_248 : vector<16xi1>, vector<16xi32>
    %masked_sort3A_252 = arith.constant dense<true> : vector<16xi1>
    %masked_sort3A_253, %masked_sort3A_254, %masked_sort3A_255 = tpu.sort %select_n3A_250, %select_n3A_251 masked %masked_sort3A_252 : (vector<16xf32>, vector<16xi32>, vector<16xi1>) -> (vector<16xi1>, vector<16xf32>, vector<16xi32>)
    %get3A_256 = arith.constant 0 : i32
    %get3A_257 = arith.index_cast %get3A_256 : i32 to index
    %get3A_258 = arith.constant 224 : index
    %get3A_259 = tpu.vector_load %arg5[%get3A_257, %get3A_258] {strides = array<i32>} : memref<4x256xf32, #tpu.memory_space<vmem>>, vector<16xf32>,
    %add3A_260 = arith.constant 224 : i32
    %add3A_261 = vector.broadcast %add3A_260 : i32 to vector<16xi32>
    %add3A_262 = arith.addi %iota3A, %add3A_261 : vector<16xi32>
    %masked_sort3A_263 = arith.constant dense<true> : vector<16xi1>
    %masked_sort3A_264, %masked_sort3A_265, %masked_sort3A_266 = tpu.sort %get3A_259, %add3A_262 masked %masked_sort3A_263 {descending = true} : (vector<16xf32>, vector<16xi32>, vector<16xi1>) -> (vector<16xi1>, vector<16xf32>, vector<16xi32>)
    %ge3A_267 = arith.cmpf oge, %masked_sort3A_254, %masked_sort3A_265 : vector<16xf32>
    %select_n3A_268 = arith.select %ge3A_267, %masked_sort3A_254, %masked_sort3A_265 : vector<16xi1>, vector<16xf32>
    %select_n3A_269 = arith.select %ge3A_267, %masked_sort3A_255, %masked_sort3A_266 : vector<16xi1>, vector<16xi32>
    %masked_sort3A_270 = arith.constant dense<true> : vector<16xi1>
    %masked_sort3A_271, %masked_sort3A_272, %masked_sort3A_273 = tpu.sort %select_n3A_268, %select_n3A_269 masked %masked_sort3A_270 : (vector<16xf32>, vector<16xi32>, vector<16xi1>) -> (vector<16xi1>, vector<16xf32>, vector<16xi32>)
    %get3A_274 = arith.constant 0 : i32
    %get3A_275 = arith.index_cast %get3A_274 : i32 to index
    %get3A_276 = arith.constant 240 : index
    %get3A_277 = tpu.vector_load %arg5[%get3A_275, %get3A_276] {strides = array<i32>} : memref<4x256xf32, #tpu.memory_space<vmem>>, vector<16xf32>,
    %add3A_278 = arith.constant 240 : i32
    %add3A_279 = vector.broadcast %add3A_278 : i32 to vector<16xi32>
    %add3A_280 = arith.addi %iota3A, %add3A_279 : vector<16xi32>
    %masked_sort3A_281 = arith.constant dense<true> : vector<16xi1>
    %masked_sort3A_282, %masked_sort3A_283, %masked_sort3A_284 = tpu.sort %get3A_277, %add3A_280 masked %masked_sort3A_281 {descending = true} : (vector<16xf32>, vector<16xi32>, vector<16xi1>) -> (vector<16xi1>, vector<16xf32>, vector<16xi32>)
    %ge3A_285 = arith.cmpf oge, %masked_sort3A_272, %masked_sort3A_283 : vector<16xf32>
    %select_n3A_286 = arith.select %ge3A_285, %masked_sort3A_272, %masked_sort3A_283 : vector<16xi1>, vector<16xf32>
    %select_n3A_287 = arith.select %ge3A_285, %masked_sort3A_273, %masked_sort3A_284 : vector<16xi1>, vector<16xi32>
    %masked_sort3A_288 = arith.constant dense<true> : vector<16xi1>
    %masked_sort3A_289, %masked_sort3A_290, %masked_sort3A_291 = tpu.sort %select_n3A_286, %select_n3A_287 masked %masked_sort3A_288 : (vector<16xf32>, vector<16xi32>, vector<16xi1>) -> (vector<16xi1>, vector<16xf32>, vector<16xi32>)
    %lt3A = arith.constant 0 : i32
    %lt3A_292 = vector.broadcast %lt3A : i32 to vector<16xi32>
    %lt3A_293 = arith.cmpi slt, %broadcast_in_dim3A_3, %lt3A_292 : vector<16xi32>
    %add3A_294 = arith.constant 16 : i32
    %add3A_295 = vector.broadcast %add3A_294 : i32 to vector<16xi32>
    %add3A_296 = arith.addi %broadcast_in_dim3A_3, %add3A_295 : vector<16xi32>
    %select_n3A_297 = arith.select %lt3A_293, %add3A_296, %broadcast_in_dim3A_3 : vector<16xi1>, vector<16xi32>
    %broadcast_in_dim3A_298 = vector.shape_cast %select_n3A_297 : vector<16xi32> to vector<16x1xi32>
    %gather3A = vector.shape_cast %broadcast_in_dim3A_298 : vector<16x1xi32> to vector<16xi32>
    %gather3A_299 = tpu.dynamic_gather %masked_sort3A_290[%gather3A] in [0] : vector<16xf32>, vector<16xi32> -> vector<16xf32>
    %broadcast_in_dim3A_300 = arith.constant -3.000000e+38 : f32
    %broadcast_in_dim3A_301 = vector.broadcast %broadcast_in_dim3A_300 : f32 to vector<16xf32>
    %broadcast_in_dim3A_302 = arith.constant 0 : i32
    %broadcast_in_dim3A_303 = vector.broadcast %broadcast_in_dim3A_302 : i32 to vector<16xi32>
    %get3A_304 = arith.constant 1 : i32
    %get3A_305 = arith.index_cast %get3A_304 : i32 to index
    %get3A_306 = arith.constant 0 : index
    %get3A_307 = tpu.vector_load %arg5[%get3A_305, %get3A_306] {strides = array<i32>} : memref<4x256xf32, #tpu.memory_space<vmem>>, vector<16xf32>,
    %add3A_308 = arith.constant 0 : i32
    %add3A_309 = vector.broadcast %add3A_308 : i32 to vector<16xi32>
    %add3A_310 = arith.addi %iota3A, %add3A_309 : vector<16xi32>
    %masked_sort3A_311 = arith.constant dense<true> : vector<16xi1>
    %masked_sort3A_312, %masked_sort3A_313, %masked_sort3A_314 = tpu.sort %get3A_307, %add3A_310 masked %masked_sort3A_311 {descending = true} : (vector<16xf32>, vector<16xi32>, vector<16xi1>) -> (vector<16xi1>, vector<16xf32>, vector<16xi32>)
    %ge3A_315 = arith.cmpf oge, %broadcast_in_dim3A_301, %masked_sort3A_313 : vector<16xf32>
    %select_n3A_316 = arith.select %ge3A_315, %broadcast_in_dim3A_301, %masked_sort3A_313 : vector<16xi1>, vector<16xf32>
    %select_n3A_317 = arith.select %ge3A_315, %broadcast_in_dim3A_303, %masked_sort3A_314 : vector<16xi1>, vector<16xi32>
    %masked_sort3A_318 = arith.constant dense<true> : vector<16xi1>
    %masked_sort3A_319, %masked_sort3A_320, %masked_sort3A_321 = tpu.sort %select_n3A_316, %select_n3A_317 masked %masked_sort3A_318 : (vector<16xf32>, vector<16xi32>, vector<16xi1>) -> (vector<16xi1>, vector<16xf32>, vector<16xi32>)
    %get3A_322 = arith.constant 1 : i32
    %get3A_323 = arith.index_cast %get3A_322 : i32 to index
    %get3A_324 = arith.constant 16 : index
    %get3A_325 = tpu.vector_load %arg5[%get3A_323, %get3A_324] {strides = array<i32>} : memref<4x256xf32, #tpu.memory_space<vmem>>, vector<16xf32>,
    %add3A_326 = arith.constant 16 : i32
    %add3A_327 = vector.broadcast %add3A_326 : i32 to vector<16xi32>
    %add3A_328 = arith.addi %iota3A, %add3A_327 : vector<16xi32>
    %masked_sort3A_329 = arith.constant dense<true> : vector<16xi1>
    %masked_sort3A_330, %masked_sort3A_331, %masked_sort3A_332 = tpu.sort %get3A_325, %add3A_328 masked %masked_sort3A_329 {descending = true} : (vector<16xf32>, vector<16xi32>, vector<16xi1>) -> (vector<16xi1>, vector<16xf32>, vector<16xi32>)
    %ge3A_333 = arith.cmpf oge, %masked_sort3A_320, %masked_sort3A_331 : vector<16xf32>
    %select_n3A_334 = arith.select %ge3A_333, %masked_sort3A_320, %masked_sort3A_331 : vector<16xi1>, vector<16xf32>
    %select_n3A_335 = arith.select %ge3A_333, %masked_sort3A_321, %masked_sort3A_332 : vector<16xi1>, vector<16xi32>
    %masked_sort3A_336 = arith.constant dense<true> : vector<16xi1>
    %masked_sort3A_337, %masked_sort3A_338, %masked_sort3A_339 = tpu.sort %select_n3A_334, %select_n3A_335 masked %masked_sort3A_336 : (vector<16xf32>, vector<16xi32>, vector<16xi1>) -> (vector<16xi1>, vector<16xf32>, vector<16xi32>)
    %get3A_340 = arith.constant 1 : i32
    %get3A_341 = arith.index_cast %get3A_340 : i32 to index
    %get3A_342 = arith.constant 32 : index
    %get3A_343 = tpu.vector_load %arg5[%get3A_341, %get3A_342] {strides = array<i32>} : memref<4x256xf32, #tpu.memory_space<vmem>>, vector<16xf32>,
    %add3A_344 = arith.constant 32 : i32
    %add3A_345 = vector.broadcast %add3A_344 : i32 to vector<16xi32>
    %add3A_346 = arith.addi %iota3A, %add3A_345 : vector<16xi32>
    %masked_sort3A_347 = arith.constant dense<true> : vector<16xi1>
    %masked_sort3A_348, %masked_sort3A_349, %masked_sort3A_350 = tpu.sort %get3A_343, %add3A_346 masked %masked_sort3A_347 {descending = true} : (vector<16xf32>, vector<16xi32>, vector<16xi1>) -> (vector<16xi1>, vector<16xf32>, vector<16xi32>)
    %ge3A_351 = arith.cmpf oge, %masked_sort3A_338, %masked_sort3A_349 : vector<16xf32>
    %select_n3A_352 = arith.select %ge3A_351, %masked_sort3A_338, %masked_sort3A_349 : vector<16xi1>, vector<16xf32>
    %select_n3A_353 = arith.select %ge3A_351, %masked_sort3A_339, %masked_sort3A_350 : vector<16xi1>, vector<16xi32>
    %masked_sort3A_354 = arith.constant dense<true> : vector<16xi1>
    %masked_sort3A_355, %masked_sort3A_356, %masked_sort3A_357 = tpu.sort %select_n3A_352, %select_n3A_353 masked %masked_sort3A_354 : (vector<16xf32>, vector<16xi32>, vector<16xi1>) -> (vector<16xi1>, vector<16xf32>, vector<16xi32>)
    %get3A_358 = arith.constant 1 : i32
    %get3A_359 = arith.index_cast %get3A_358 : i32 to index
    %get3A_360 = arith.constant 48 : index
    %get3A_361 = tpu.vector_load %arg5[%get3A_359, %get3A_360] {strides = array<i32>} : memref<4x256xf32, #tpu.memory_space<vmem>>, vector<16xf32>,
    %add3A_362 = arith.constant 48 : i32
    %add3A_363 = vector.broadcast %add3A_362 : i32 to vector<16xi32>
    %add3A_364 = arith.addi %iota3A, %add3A_363 : vector<16xi32>
    %masked_sort3A_365 = arith.constant dense<true> : vector<16xi1>
    %masked_sort3A_366, %masked_sort3A_367, %masked_sort3A_368 = tpu.sort %get3A_361, %add3A_364 masked %masked_sort3A_365 {descending = true} : (vector<16xf32>, vector<16xi32>, vector<16xi1>) -> (vector<16xi1>, vector<16xf32>, vector<16xi32>)
    %ge3A_369 = arith.cmpf oge, %masked_sort3A_356, %masked_sort3A_367 : vector<16xf32>
    %select_n3A_370 = arith.select %ge3A_369, %masked_sort3A_356, %masked_sort3A_367 : vector<16xi1>, vector<16xf32>
    %select_n3A_371 = arith.select %ge3A_369, %masked_sort3A_357, %masked_sort3A_368 : vector<16xi1>, vector<16xi32>
    %masked_sort3A_372 = arith.constant dense<true> : vector<16xi1>
    %masked_sort3A_373, %masked_sort3A_374, %masked_sort3A_375 = tpu.sort %select_n3A_370, %select_n3A_371 masked %masked_sort3A_372 : (vector<16xf32>, vector<16xi32>, vector<16xi1>) -> (vector<16xi1>, vector<16xf32>, vector<16xi32>)
    %get3A_376 = arith.constant 1 : i32
    %get3A_377 = arith.index_cast %get3A_376 : i32 to index
    %get3A_378 = arith.constant 64 : index
    %get3A_379 = tpu.vector_load %arg5[%get3A_377, %get3A_378] {strides = array<i32>} : memref<4x256xf32, #tpu.memory_space<vmem>>, vector<16xf32>,
    %add3A_380 = arith.constant 64 : i32
    %add3A_381 = vector.broadcast %add3A_380 : i32 to vector<16xi32>
    %add3A_382 = arith.addi %iota3A, %add3A_381 : vector<16xi32>
    %masked_sort3A_383 = arith.constant dense<true> : vector<16xi1>
    %masked_sort3A_384, %masked_sort3A_385, %masked_sort3A_386 = tpu.sort %get3A_379, %add3A_382 masked %masked_sort3A_383 {descending = true} : (vector<16xf32>, vector<16xi32>, vector<16xi1>) -> (vector<16xi1>, vector<16xf32>, vector<16xi32>)
    %ge3A_387 = arith.cmpf oge, %masked_sort3A_374, %masked_sort3A_385 : vector<16xf32>
    %select_n3A_388 = arith.select %ge3A_387, %masked_sort3A_374, %masked_sort3A_385 : vector<16xi1>, vector<16xf32>
    %select_n3A_389 = arith.select %ge3A_387, %masked_sort3A_375, %masked_sort3A_386 : vector<16xi1>, vector<16xi32>
    %masked_sort3A_390 = arith.constant dense<true> : vector<16xi1>
    %masked_sort3A_391, %masked_sort3A_392, %masked_sort3A_393 = tpu.sort %select_n3A_388, %select_n3A_389 masked %masked_sort3A_390 : (vector<16xf32>, vector<16xi32>, vector<16xi1>) -> (vector<16xi1>, vector<16xf32>, vector<16xi32>)
    %get3A_394 = arith.constant 1 : i32
    %get3A_395 = arith.index_cast %get3A_394 : i32 to index
    %get3A_396 = arith.constant 80 : index
    %get3A_397 = tpu.vector_load %arg5[%get3A_395, %get3A_396] {strides = array<i32>} : memref<4x256xf32, #tpu.memory_space<vmem>>, vector<16xf32>,
    %add3A_398 = arith.constant 80 : i32
    %add3A_399 = vector.broadcast %add3A_398 : i32 to vector<16xi32>
    %add3A_400 = arith.addi %iota3A, %add3A_399 : vector<16xi32>
    %masked_sort3A_401 = arith.constant dense<true> : vector<16xi1>
    %masked_sort3A_402, %masked_sort3A_403, %masked_sort3A_404 = tpu.sort %get3A_397, %add3A_400 masked %masked_sort3A_401 {descending = true} : (vector<16xf32>, vector<16xi32>, vector<16xi1>) -> (vector<16xi1>, vector<16xf32>, vector<16xi32>)
    %ge3A_405 = arith.cmpf oge, %masked_sort3A_392, %masked_sort3A_403 : vector<16xf32>
    %select_n3A_406 = arith.select %ge3A_405, %masked_sort3A_392, %masked_sort3A_403 : vector<16xi1>, vector<16xf32>
    %select_n3A_407 = arith.select %ge3A_405, %masked_sort3A_393, %masked_sort3A_404 : vector<16xi1>, vector<16xi32>
    %masked_sort3A_408 = arith.constant dense<true> : vector<16xi1>
    %masked_sort3A_409, %masked_sort3A_410, %masked_sort3A_411 = tpu.sort %select_n3A_406, %select_n3A_407 masked %masked_sort3A_408 : (vector<16xf32>, vector<16xi32>, vector<16xi1>) -> (vector<16xi1>, vector<16xf32>, vector<16xi32>)
    %get3A_412 = arith.constant 1 : i32
    %get3A_413 = arith.index_cast %get3A_412 : i32 to index
    %get3A_414 = arith.constant 96 : index
    %get3A_415 = tpu.vector_load %arg5[%get3A_413, %get3A_414] {strides = array<i32>} : memref<4x256xf32, #tpu.memory_space<vmem>>, vector<16xf32>,
    %add3A_416 = arith.constant 96 : i32
    %add3A_417 = vector.broadcast %add3A_416 : i32 to vector<16xi32>
    %add3A_418 = arith.addi %iota3A, %add3A_417 : vector<16xi32>
    %masked_sort3A_419 = arith.constant dense<true> : vector<16xi1>
    %masked_sort3A_420, %masked_sort3A_421, %masked_sort3A_422 = tpu.sort %get3A_415, %add3A_418 masked %masked_sort3A_419 {descending = true} : (vector<16xf32>, vector<16xi32>, vector<16xi1>) -> (vector<16xi1>, vector<16xf32>, vector<16xi32>)
    %ge3A_423 = arith.cmpf oge, %masked_sort3A_410, %masked_sort3A_421 : vector<16xf32>
    %select_n3A_424 = arith.select %ge3A_423, %masked_sort3A_410, %masked_sort3A_421 : vector<16xi1>, vector<16xf32>
    %select_n3A_425 = arith.select %ge3A_423, %masked_sort3A_411, %masked_sort3A_422 : vector<16xi1>, vector<16xi32>
    %masked_sort3A_426 = arith.constant dense<true> : vector<16xi1>
    %masked_sort3A_427, %masked_sort3A_428, %masked_sort3A_429 = tpu.sort %select_n3A_424, %select_n3A_425 masked %masked_sort3A_426 : (vector<16xf32>, vector<16xi32>, vector<16xi1>) -> (vector<16xi1>, vector<16xf32>, vector<16xi32>)
    %get3A_430 = arith.constant 1 : i32
    %get3A_431 = arith.index_cast %get3A_430 : i32 to index
    %get3A_432 = arith.constant 112 : index
    %get3A_433 = tpu.vector_load %arg5[%get3A_431, %get3A_432] {strides = array<i32>} : memref<4x256xf32, #tpu.memory_space<vmem>>, vector<16xf32>,
    %add3A_434 = arith.constant 112 : i32
    %add3A_435 = vector.broadcast %add3A_434 : i32 to vector<16xi32>
    %add3A_436 = arith.addi %iota3A, %add3A_435 : vector<16xi32>
    %masked_sort3A_437 = arith.constant dense<true> : vector<16xi1>
    %masked_sort3A_438, %masked_sort3A_439, %masked_sort3A_440 = tpu.sort %get3A_433, %add3A_436 masked %masked_sort3A_437 {descending = true} : (vector<16xf32>, vector<16xi32>, vector<16xi1>) -> (vector<16xi1>, vector<16xf32>, vector<16xi32>)
    %ge3A_441 = arith.cmpf oge, %masked_sort3A_428, %masked_sort3A_439 : vector<16xf32>
    %select_n3A_442 = arith.select %ge3A_441, %masked_sort3A_428, %masked_sort3A_439 : vector<16xi1>, vector<16xf32>
    %select_n3A_443 = arith.select %ge3A_441, %masked_sort3A_429, %masked_sort3A_440 : vector<16xi1>, vector<16xi32>
    %masked_sort3A_444 = arith.constant dense<true> : vector<16xi1>
    %masked_sort3A_445, %masked_sort3A_446, %masked_sort3A_447 = tpu.sort %select_n3A_442, %select_n3A_443 masked %masked_sort3A_444 : (vector<16xf32>, vector<16xi32>, vector<16xi1>) -> (vector<16xi1>, vector<16xf32>, vector<16xi32>)
    %get3A_448 = arith.constant 1 : i32
    %get3A_449 = arith.index_cast %get3A_448 : i32 to index
    %get3A_450 = arith.constant 128 : index
    %get3A_451 = tpu.vector_load %arg5[%get3A_449, %get3A_450] {strides = array<i32>} : memref<4x256xf32, #tpu.memory_space<vmem>>, vector<16xf32>,
    %add3A_452 = arith.constant 128 : i32
    %add3A_453 = vector.broadcast %add3A_452 : i32 to vector<16xi32>
    %add3A_454 = arith.addi %iota3A, %add3A_453 : vector<16xi32>
    %masked_sort3A_455 = arith.constant dense<true> : vector<16xi1>
    %masked_sort3A_456, %masked_sort3A_457, %masked_sort3A_458 = tpu.sort %get3A_451, %add3A_454 masked %masked_sort3A_455 {descending = true} : (vector<16xf32>, vector<16xi32>, vector<16xi1>) -> (vector<16xi1>, vector<16xf32>, vector<16xi32>)
    %ge3A_459 = arith.cmpf oge, %masked_sort3A_446, %masked_sort3A_457 : vector<16xf32>
    %select_n3A_460 = arith.select %ge3A_459, %masked_sort3A_446, %masked_sort3A_457 : vector<16xi1>, vector<16xf32>
    %select_n3A_461 = arith.select %ge3A_459, %masked_sort3A_447, %masked_sort3A_458 : vector<16xi1>, vector<16xi32>
    %masked_sort3A_462 = arith.constant dense<true> : vector<16xi1>
    %masked_sort3A_463, %masked_sort3A_464, %masked_sort3A_465 = tpu.sort %select_n3A_460, %select_n3A_461 masked %masked_sort3A_462 : (vector<16xf32>, vector<16xi32>, vector<16xi1>) -> (vector<16xi1>, vector<16xf32>, vector<16xi32>)
    %get3A_466 = arith.constant 1 : i32
    %get3A_467 = arith.index_cast %get3A_466 : i32 to index
    %get3A_468 = arith.constant 144 : index
    %get3A_469 = tpu.vector_load %arg5[%get3A_467, %get3A_468] {strides = array<i32>} : memref<4x256xf32, #tpu.memory_space<vmem>>, vector<16xf32>,
    %add3A_470 = arith.constant 144 : i32
    %add3A_471 = vector.broadcast %add3A_470 : i32 to vector<16xi32>
    %add3A_472 = arith.addi %iota3A, %add3A_471 : vector<16xi32>
    %masked_sort3A_473 = arith.constant dense<true> : vector<16xi1>
    %masked_sort3A_474, %masked_sort3A_475, %masked_sort3A_476 = tpu.sort %get3A_469, %add3A_472 masked %masked_sort3A_473 {descending = true} : (vector<16xf32>, vector<16xi32>, vector<16xi1>) -> (vector<16xi1>, vector<16xf32>, vector<16xi32>)
    %ge3A_477 = arith.cmpf oge, %masked_sort3A_464, %masked_sort3A_475 : vector<16xf32>
    %select_n3A_478 = arith.select %ge3A_477, %masked_sort3A_464, %masked_sort3A_475 : vector<16xi1>, vector<16xf32>
    %select_n3A_479 = arith.select %ge3A_477, %masked_sort3A_465, %masked_sort3A_476 : vector<16xi1>, vector<16xi32>
    %masked_sort3A_480 = arith.constant dense<true> : vector<16xi1>
    %masked_sort3A_481, %masked_sort3A_482, %masked_sort3A_483 = tpu.sort %select_n3A_478, %select_n3A_479 masked %masked_sort3A_480 : (vector<16xf32>, vector<16xi32>, vector<16xi1>) -> (vector<16xi1>, vector<16xf32>, vector<16xi32>)
    %get3A_484 = arith.constant 1 : i32
    %get3A_485 = arith.index_cast %get3A_484 : i32 to index
    %get3A_486 = arith.constant 160 : index
    %get3A_487 = tpu.vector_load %arg5[%get3A_485, %get3A_486] {strides = array<i32>} : memref<4x256xf32, #tpu.memory_space<vmem>>, vector<16xf32>,
    %add3A_488 = arith.constant 160 : i32
    %add3A_489 = vector.broadcast %add3A_488 : i32 to vector<16xi32>
    %add3A_490 = arith.addi %iota3A, %add3A_489 : vector<16xi32>
    %masked_sort3A_491 = arith.constant dense<true> : vector<16xi1>
    %masked_sort3A_492, %masked_sort3A_493, %masked_sort3A_494 = tpu.sort %get3A_487, %add3A_490 masked %masked_sort3A_491 {descending = true} : (vector<16xf32>, vector<16xi32>, vector<16xi1>) -> (vector<16xi1>, vector<16xf32>, vector<16xi32>)
    %ge3A_495 = arith.cmpf oge, %masked_sort3A_482, %masked_sort3A_493 : vector<16xf32>
    %select_n3A_496 = arith.select %ge3A_495, %masked_sort3A_482, %masked_sort3A_493 : vector<16xi1>, vector<16xf32>
    %select_n3A_497 = arith.select %ge3A_495, %masked_sort3A_483, %masked_sort3A_494 : vector<16xi1>, vector<16xi32>
    %masked_sort3A_498 = arith.constant dense<true> : vector<16xi1>
    %masked_sort3A_499, %masked_sort3A_500, %masked_sort3A_501 = tpu.sort %select_n3A_496, %select_n3A_497 masked %masked_sort3A_498 : (vector<16xf32>, vector<16xi32>, vector<16xi1>) -> (vector<16xi1>, vector<16xf32>, vector<16xi32>)
    %get3A_502 = arith.constant 1 : i32
    %get3A_503 = arith.index_cast %get3A_502 : i32 to index
    %get3A_504 = arith.constant 176 : index
    %get3A_505 = tpu.vector_load %arg5[%get3A_503, %get3A_504] {strides = array<i32>} : memref<4x256xf32, #tpu.memory_space<vmem>>, vector<16xf32>,
    %add3A_506 = arith.constant 176 : i32
    %add3A_507 = vector.broadcast %add3A_506 : i32 to vector<16xi32>
    %add3A_508 = arith.addi %iota3A, %add3A_507 : vector<16xi32>
    %masked_sort3A_509 = arith.constant dense<true> : vector<16xi1>
    %masked_sort3A_510, %masked_sort3A_511, %masked_sort3A_512 = tpu.sort %get3A_505, %add3A_508 masked %masked_sort3A_509 {descending = true} : (vector<16xf32>, vector<16xi32>, vector<16xi1>) -> (vector<16xi1>, vector<16xf32>, vector<16xi32>)
    %ge3A_513 = arith.cmpf oge, %masked_sort3A_500, %masked_sort3A_511 : vector<16xf32>
    %select_n3A_514 = arith.select %ge3A_513, %masked_sort3A_500, %masked_sort3A_511 : vector<16xi1>, vector<16xf32>
    %select_n3A_515 = arith.select %ge3A_513, %masked_sort3A_501, %masked_sort3A_512 : vector<16xi1>, vector<16xi32>
    %masked_sort3A_516 = arith.constant dense<true> : vector<16xi1>
    %masked_sort3A_517, %masked_sort3A_518, %masked_sort3A_519 = tpu.sort %select_n3A_514, %select_n3A_515 masked %masked_sort3A_516 : (vector<16xf32>, vector<16xi32>, vector<16xi1>) -> (vector<16xi1>, vector<16xf32>, vector<16xi32>)
    %get3A_520 = arith.constant 1 : i32
    %get3A_521 = arith.index_cast %get3A_520 : i32 to index
    %get3A_522 = arith.constant 192 : index
    %get3A_523 = tpu.vector_load %arg5[%get3A_521, %get3A_522] {strides = array<i32>} : memref<4x256xf32, #tpu.memory_space<vmem>>, vector<16xf32>,
    %add3A_524 = arith.constant 192 : i32
    %add3A_525 = vector.broadcast %add3A_524 : i32 to vector<16xi32>
    %add3A_526 = arith.addi %iota3A, %add3A_525 : vector<16xi32>
    %masked_sort3A_527 = arith.constant dense<true> : vector<16xi1>
    %masked_sort3A_528, %masked_sort3A_529, %masked_sort3A_530 = tpu.sort %get3A_523, %add3A_526 masked %masked_sort3A_527 {descending = true} : (vector<16xf32>, vector<16xi32>, vector<16xi1>) -> (vector<16xi1>, vector<16xf32>, vector<16xi32>)
    %ge3A_531 = arith.cmpf oge, %masked_sort3A_518, %masked_sort3A_529 : vector<16xf32>
    %select_n3A_532 = arith.select %ge3A_531, %masked_sort3A_518, %masked_sort3A_529 : vector<16xi1>, vector<16xf32>
    %select_n3A_533 = arith.select %ge3A_531, %masked_sort3A_519, %masked_sort3A_530 : vector<16xi1>, vector<16xi32>
    %masked_sort3A_534 = arith.constant dense<true> : vector<16xi1>
    %masked_sort3A_535, %masked_sort3A_536, %masked_sort3A_537 = tpu.sort %select_n3A_532, %select_n3A_533 masked %masked_sort3A_534 : (vector<16xf32>, vector<16xi32>, vector<16xi1>) -> (vector<16xi1>, vector<16xf32>, vector<16xi32>)
    %get3A_538 = arith.constant 1 : i32
    %get3A_539 = arith.index_cast %get3A_538 : i32 to index
    %get3A_540 = arith.constant 208 : index
    %get3A_541 = tpu.vector_load %arg5[%get3A_539, %get3A_540] {strides = array<i32>} : memref<4x256xf32, #tpu.memory_space<vmem>>, vector<16xf32>,
    %add3A_542 = arith.constant 208 : i32
    %add3A_543 = vector.broadcast %add3A_542 : i32 to vector<16xi32>
    %add3A_544 = arith.addi %iota3A, %add3A_543 : vector<16xi32>
    %masked_sort3A_545 = arith.constant dense<true> : vector<16xi1>
    %masked_sort3A_546, %masked_sort3A_547, %masked_sort3A_548 = tpu.sort %get3A_541, %add3A_544 masked %masked_sort3A_545 {descending = true} : (vector<16xf32>, vector<16xi32>, vector<16xi1>) -> (vector<16xi1>, vector<16xf32>, vector<16xi32>)
    %ge3A_549 = arith.cmpf oge, %masked_sort3A_536, %masked_sort3A_547 : vector<16xf32>
    %select_n3A_550 = arith.select %ge3A_549, %masked_sort3A_536, %masked_sort3A_547 : vector<16xi1>, vector<16xf32>
    %select_n3A_551 = arith.select %ge3A_549, %masked_sort3A_537, %masked_sort3A_548 : vector<16xi1>, vector<16xi32>
    %masked_sort3A_552 = arith.constant dense<true> : vector<16xi1>
    %masked_sort3A_553, %masked_sort3A_554, %masked_sort3A_555 = tpu.sort %select_n3A_550, %select_n3A_551 masked %masked_sort3A_552 : (vector<16xf32>, vector<16xi32>, vector<16xi1>) -> (vector<16xi1>, vector<16xf32>, vector<16xi32>)
    %get3A_556 = arith.constant 1 : i32
    %get3A_557 = arith.index_cast %get3A_556 : i32 to index
    %get3A_558 = arith.constant 224 : index
    %get3A_559 = tpu.vector_load %arg5[%get3A_557, %get3A_558] {strides = array<i32>} : memref<4x256xf32, #tpu.memory_space<vmem>>, vector<16xf32>,
    %add3A_560 = arith.constant 224 : i32
    %add3A_561 = vector.broadcast %add3A_560 : i32 to vector<16xi32>
    %add3A_562 = arith.addi %iota3A, %add3A_561 : vector<16xi32>
    %masked_sort3A_563 = arith.constant dense<true> : vector<16xi1>
    %masked_sort3A_564, %masked_sort3A_565, %masked_sort3A_566 = tpu.sort %get3A_559, %add3A_562 masked %masked_sort3A_563 {descending = true} : (vector<16xf32>, vector<16xi32>, vector<16xi1>) -> (vector<16xi1>, vector<16xf32>, vector<16xi32>)
    %ge3A_567 = arith.cmpf oge, %masked_sort3A_554, %masked_sort3A_565 : vector<16xf32>
    %select_n3A_568 = arith.select %ge3A_567, %masked_sort3A_554, %masked_sort3A_565 : vector<16xi1>, vector<16xf32>
    %select_n3A_569 = arith.select %ge3A_567, %masked_sort3A_555, %masked_sort3A_566 : vector<16xi1>, vector<16xi32>
    %masked_sort3A_570 = arith.constant dense<true> : vector<16xi1>
    %masked_sort3A_571, %masked_sort3A_572, %masked_sort3A_573 = tpu.sort %select_n3A_568, %select_n3A_569 masked %masked_sort3A_570 : (vector<16xf32>, vector<16xi32>, vector<16xi1>) -> (vector<16xi1>, vector<16xf32>, vector<16xi32>)
    %get3A_574 = arith.constant 1 : i32
    %get3A_575 = arith.index_cast %get3A_574 : i32 to index
    %get3A_576 = arith.constant 240 : index
    %get3A_577 = tpu.vector_load %arg5[%get3A_575, %get3A_576] {strides = array<i32>} : memref<4x256xf32, #tpu.memory_space<vmem>>, vector<16xf32>,
    %add3A_578 = arith.constant 240 : i32
    %add3A_579 = vector.broadcast %add3A_578 : i32 to vector<16xi32>
    %add3A_580 = arith.addi %iota3A, %add3A_579 : vector<16xi32>
    %masked_sort3A_581 = arith.constant dense<true> : vector<16xi1>
    %masked_sort3A_582, %masked_sort3A_583, %masked_sort3A_584 = tpu.sort %get3A_577, %add3A_580 masked %masked_sort3A_581 {descending = true} : (vector<16xf32>, vector<16xi32>, vector<16xi1>) -> (vector<16xi1>, vector<16xf32>, vector<16xi32>)
    %ge3A_585 = arith.cmpf oge, %masked_sort3A_572, %masked_sort3A_583 : vector<16xf32>
    %select_n3A_586 = arith.select %ge3A_585, %masked_sort3A_572, %masked_sort3A_583 : vector<16xi1>, vector<16xf32>
    %select_n3A_587 = arith.select %ge3A_585, %masked_sort3A_573, %masked_sort3A_584 : vector<16xi1>, vector<16xi32>
    %masked_sort3A_588 = arith.constant dense<true> : vector<16xi1>
    %masked_sort3A_589, %masked_sort3A_590, %masked_sort3A_591 = tpu.sort %select_n3A_586, %select_n3A_587 masked %masked_sort3A_588 : (vector<16xf32>, vector<16xi32>, vector<16xi1>) -> (vector<16xi1>, vector<16xf32>, vector<16xi32>)
    %lt3A_592 = arith.constant 0 : i32
    %lt3A_593 = vector.broadcast %lt3A_592 : i32 to vector<16xi32>
    %lt3A_594 = arith.cmpi slt, %broadcast_in_dim3A_3, %lt3A_593 : vector<16xi32>
    %add3A_595 = arith.constant 16 : i32
    %add3A_596 = vector.broadcast %add3A_595 : i32 to vector<16xi32>
    %add3A_597 = arith.addi %broadcast_in_dim3A_3, %add3A_596 : vector<16xi32>
    %select_n3A_598 = arith.select %lt3A_594, %add3A_597, %broadcast_in_dim3A_3 : vector<16xi1>, vector<16xi32>
    %broadcast_in_dim3A_599 = vector.shape_cast %select_n3A_598 : vector<16xi32> to vector<16x1xi32>
    %gather3A_600 = vector.shape_cast %broadcast_in_dim3A_599 : vector<16x1xi32> to vector<16xi32>
    %gather3A_601 = tpu.dynamic_gather %masked_sort3A_590[%gather3A_600] in [0] : vector<16xf32>, vector<16xi32> -> vector<16xf32>
    %broadcast_in_dim3A_602 = arith.constant -3.000000e+38 : f32
    %broadcast_in_dim3A_603 = vector.broadcast %broadcast_in_dim3A_602 : f32 to vector<16xf32>
    %broadcast_in_dim3A_604 = arith.constant 0 : i32
    %broadcast_in_dim3A_605 = vector.broadcast %broadcast_in_dim3A_604 : i32 to vector<16xi32>
    %get3A_606 = arith.constant 2 : i32
    %get3A_607 = arith.index_cast %get3A_606 : i32 to index
    %get3A_608 = arith.constant 0 : index
    %get3A_609 = tpu.vector_load %arg5[%get3A_607, %get3A_608] {strides = array<i32>} : memref<4x256xf32, #tpu.memory_space<vmem>>, vector<16xf32>,
    %add3A_610 = arith.constant 0 : i32
    %add3A_611 = vector.broadcast %add3A_610 : i32 to vector<16xi32>
    %add3A_612 = arith.addi %iota3A, %add3A_611 : vector<16xi32>
    %masked_sort3A_613 = arith.constant dense<true> : vector<16xi1>
    %masked_sort3A_614, %masked_sort3A_615, %masked_sort3A_616 = tpu.sort %get3A_609, %add3A_612 masked %masked_sort3A_613 {descending = true} : (vector<16xf32>, vector<16xi32>, vector<16xi1>) -> (vector<16xi1>, vector<16xf32>, vector<16xi32>)
    %ge3A_617 = arith.cmpf oge, %broadcast_in_dim3A_603, %masked_sort3A_615 : vector<16xf32>
    %select_n3A_618 = arith.select %ge3A_617, %broadcast_in_dim3A_603, %masked_sort3A_615 : vector<16xi1>, vector<16xf32>
    %select_n3A_619 = arith.select %ge3A_617, %broadcast_in_dim3A_605, %masked_sort3A_616 : vector<16xi1>, vector<16xi32>
    %masked_sort3A_620 = arith.constant dense<true> : vector<16xi1>
    %masked_sort3A_621, %masked_sort3A_622, %masked_sort3A_623 = tpu.sort %select_n3A_618, %select_n3A_619 masked %masked_sort3A_620 : (vector<16xf32>, vector<16xi32>, vector<16xi1>) -> (vector<16xi1>, vector<16xf32>, vector<16xi32>)
    %get3A_624 = arith.constant 2 : i32
    %get3A_625 = arith.index_cast %get3A_624 : i32 to index
    %get3A_626 = arith.constant 16 : index
    %get3A_627 = tpu.vector_load %arg5[%get3A_625, %get3A_626] {strides = array<i32>} : memref<4x256xf32, #tpu.memory_space<vmem>>, vector<16xf32>,
    %add3A_628 = arith.constant 16 : i32
    %add3A_629 = vector.broadcast %add3A_628 : i32 to vector<16xi32>
    %add3A_630 = arith.addi %iota3A, %add3A_629 : vector<16xi32>
    %masked_sort3A_631 = arith.constant dense<true> : vector<16xi1>
    %masked_sort3A_632, %masked_sort3A_633, %masked_sort3A_634 = tpu.sort %get3A_627, %add3A_630 masked %masked_sort3A_631 {descending = true} : (vector<16xf32>, vector<16xi32>, vector<16xi1>) -> (vector<16xi1>, vector<16xf32>, vector<16xi32>)
    %ge3A_635 = arith.cmpf oge, %masked_sort3A_622, %masked_sort3A_633 : vector<16xf32>
    %select_n3A_636 = arith.select %ge3A_635, %masked_sort3A_622, %masked_sort3A_633 : vector<16xi1>, vector<16xf32>
    %select_n3A_637 = arith.select %ge3A_635, %masked_sort3A_623, %masked_sort3A_634 : vector<16xi1>, vector<16xi32>
    %masked_sort3A_638 = arith.constant dense<true> : vector<16xi1>
    %masked_sort3A_639, %masked_sort3A_640, %masked_sort3A_641 = tpu.sort %select_n3A_636, %select_n3A_637 masked %masked_sort3A_638 : (vector<16xf32>, vector<16xi32>, vector<16xi1>) -> (vector<16xi1>, vector<16xf32>, vector<16xi32>)
    %get3A_642 = arith.constant 2 : i32
    %get3A_643 = arith.index_cast %get3A_642 : i32 to index
    %get3A_644 = arith.constant 32 : index
    %get3A_645 = tpu.vector_load %arg5[%get3A_643, %get3A_644] {strides = array<i32>} : memref<4x256xf32, #tpu.memory_space<vmem>>, vector<16xf32>,
    %add3A_646 = arith.constant 32 : i32
    %add3A_647 = vector.broadcast %add3A_646 : i32 to vector<16xi32>
    %add3A_648 = arith.addi %iota3A, %add3A_647 : vector<16xi32>
    %masked_sort3A_649 = arith.constant dense<true> : vector<16xi1>
    %masked_sort3A_650, %masked_sort3A_651, %masked_sort3A_652 = tpu.sort %get3A_645, %add3A_648 masked %masked_sort3A_649 {descending = true} : (vector<16xf32>, vector<16xi32>, vector<16xi1>) -> (vector<16xi1>, vector<16xf32>, vector<16xi32>)
    %ge3A_653 = arith.cmpf oge, %masked_sort3A_640, %masked_sort3A_651 : vector<16xf32>
    %select_n3A_654 = arith.select %ge3A_653, %masked_sort3A_640, %masked_sort3A_651 : vector<16xi1>, vector<16xf32>
    %select_n3A_655 = arith.select %ge3A_653, %masked_sort3A_641, %masked_sort3A_652 : vector<16xi1>, vector<16xi32>
    %masked_sort3A_656 = arith.constant dense<true> : vector<16xi1>
    %masked_sort3A_657, %masked_sort3A_658, %masked_sort3A_659 = tpu.sort %select_n3A_654, %select_n3A_655 masked %masked_sort3A_656 : (vector<16xf32>, vector<16xi32>, vector<16xi1>) -> (vector<16xi1>, vector<16xf32>, vector<16xi32>)
    %get3A_660 = arith.constant 2 : i32
    %get3A_661 = arith.index_cast %get3A_660 : i32 to index
    %get3A_662 = arith.constant 48 : index
    %get3A_663 = tpu.vector_load %arg5[%get3A_661, %get3A_662] {strides = array<i32>} : memref<4x256xf32, #tpu.memory_space<vmem>>, vector<16xf32>,
    %add3A_664 = arith.constant 48 : i32
    %add3A_665 = vector.broadcast %add3A_664 : i32 to vector<16xi32>
    %add3A_666 = arith.addi %iota3A, %add3A_665 : vector<16xi32>
    %masked_sort3A_667 = arith.constant dense<true> : vector<16xi1>
    %masked_sort3A_668, %masked_sort3A_669, %masked_sort3A_670 = tpu.sort %get3A_663, %add3A_666 masked %masked_sort3A_667 {descending = true} : (vector<16xf32>, vector<16xi32>, vector<16xi1>) -> (vector<16xi1>, vector<16xf32>, vector<16xi32>)
    %ge3A_671 = arith.cmpf oge, %masked_sort3A_658, %masked_sort3A_669 : vector<16xf32>
    %select_n3A_672 = arith.select %ge3A_671, %masked_sort3A_658, %masked_sort3A_669 : vector<16xi1>, vector<16xf32>
    %select_n3A_673 = arith.select %ge3A_671, %masked_sort3A_659, %masked_sort3A_670 : vector<16xi1>, vector<16xi32>
    %masked_sort3A_674 = arith.constant dense<true> : vector<16xi1>
    %masked_sort3A_675, %masked_sort3A_676, %masked_sort3A_677 = tpu.sort %select_n3A_672, %select_n3A_673 masked %masked_sort3A_674 : (vector<16xf32>, vector<16xi32>, vector<16xi1>) -> (vector<16xi1>, vector<16xf32>, vector<16xi32>)
    %get3A_678 = arith.constant 2 : i32
    %get3A_679 = arith.index_cast %get3A_678 : i32 to index
    %get3A_680 = arith.constant 64 : index
    %get3A_681 = tpu.vector_load %arg5[%get3A_679, %get3A_680] {strides = array<i32>} : memref<4x256xf32, #tpu.memory_space<vmem>>, vector<16xf32>,
    %add3A_682 = arith.constant 64 : i32
    %add3A_683 = vector.broadcast %add3A_682 : i32 to vector<16xi32>
    %add3A_684 = arith.addi %iota3A, %add3A_683 : vector<16xi32>
    %masked_sort3A_685 = arith.constant dense<true> : vector<16xi1>
    %masked_sort3A_686, %masked_sort3A_687, %masked_sort3A_688 = tpu.sort %get3A_681, %add3A_684 masked %masked_sort3A_685 {descending = true} : (vector<16xf32>, vector<16xi32>, vector<16xi1>) -> (vector<16xi1>, vector<16xf32>, vector<16xi32>)
    %ge3A_689 = arith.cmpf oge, %masked_sort3A_676, %masked_sort3A_687 : vector<16xf32>
    %select_n3A_690 = arith.select %ge3A_689, %masked_sort3A_676, %masked_sort3A_687 : vector<16xi1>, vector<16xf32>
    %select_n3A_691 = arith.select %ge3A_689, %masked_sort3A_677, %masked_sort3A_688 : vector<16xi1>, vector<16xi32>
    %masked_sort3A_692 = arith.constant dense<true> : vector<16xi1>
    %masked_sort3A_693, %masked_sort3A_694, %masked_sort3A_695 = tpu.sort %select_n3A_690, %select_n3A_691 masked %masked_sort3A_692 : (vector<16xf32>, vector<16xi32>, vector<16xi1>) -> (vector<16xi1>, vector<16xf32>, vector<16xi32>)
    %get3A_696 = arith.constant 2 : i32
    %get3A_697 = arith.index_cast %get3A_696 : i32 to index
    %get3A_698 = arith.constant 80 : index
    %get3A_699 = tpu.vector_load %arg5[%get3A_697, %get3A_698] {strides = array<i32>} : memref<4x256xf32, #tpu.memory_space<vmem>>, vector<16xf32>,
    %add3A_700 = arith.constant 80 : i32
    %add3A_701 = vector.broadcast %add3A_700 : i32 to vector<16xi32>
    %add3A_702 = arith.addi %iota3A, %add3A_701 : vector<16xi32>
    %masked_sort3A_703 = arith.constant dense<true> : vector<16xi1>
    %masked_sort3A_704, %masked_sort3A_705, %masked_sort3A_706 = tpu.sort %get3A_699, %add3A_702 masked %masked_sort3A_703 {descending = true} : (vector<16xf32>, vector<16xi32>, vector<16xi1>) -> (vector<16xi1>, vector<16xf32>, vector<16xi32>)
    %ge3A_707 = arith.cmpf oge, %masked_sort3A_694, %masked_sort3A_705 : vector<16xf32>
    %select_n3A_708 = arith.select %ge3A_707, %masked_sort3A_694, %masked_sort3A_705 : vector<16xi1>, vector<16xf32>
    %select_n3A_709 = arith.select %ge3A_707, %masked_sort3A_695, %masked_sort3A_706 : vector<16xi1>, vector<16xi32>
    %masked_sort3A_710 = arith.constant dense<true> : vector<16xi1>
    %masked_sort3A_711, %masked_sort3A_712, %masked_sort3A_713 = tpu.sort %select_n3A_708, %select_n3A_709 masked %masked_sort3A_710 : (vector<16xf32>, vector<16xi32>, vector<16xi1>) -> (vector<16xi1>, vector<16xf32>, vector<16xi32>)
    %get3A_714 = arith.constant 2 : i32
    %get3A_715 = arith.index_cast %get3A_714 : i32 to index
    %get3A_716 = arith.constant 96 : index
    %get3A_717 = tpu.vector_load %arg5[%get3A_715, %get3A_716] {strides = array<i32>} : memref<4x256xf32, #tpu.memory_space<vmem>>, vector<16xf32>,
    %add3A_718 = arith.constant 96 : i32
    %add3A_719 = vector.broadcast %add3A_718 : i32 to vector<16xi32>
    %add3A_720 = arith.addi %iota3A, %add3A_719 : vector<16xi32>
    %masked_sort3A_721 = arith.constant dense<true> : vector<16xi1>
    %masked_sort3A_722, %masked_sort3A_723, %masked_sort3A_724 = tpu.sort %get3A_717, %add3A_720 masked %masked_sort3A_721 {descending = true} : (vector<16xf32>, vector<16xi32>, vector<16xi1>) -> (vector<16xi1>, vector<16xf32>, vector<16xi32>)
    %ge3A_725 = arith.cmpf oge, %masked_sort3A_712, %masked_sort3A_723 : vector<16xf32>
    %select_n3A_726 = arith.select %ge3A_725, %masked_sort3A_712, %masked_sort3A_723 : vector<16xi1>, vector<16xf32>
    %select_n3A_727 = arith.select %ge3A_725, %masked_sort3A_713, %masked_sort3A_724 : vector<16xi1>, vector<16xi32>
    %masked_sort3A_728 = arith.constant dense<true> : vector<16xi1>
    %masked_sort3A_729, %masked_sort3A_730, %masked_sort3A_731 = tpu.sort %select_n3A_726, %select_n3A_727 masked %masked_sort3A_728 : (vector<16xf32>, vector<16xi32>, vector<16xi1>) -> (vector<16xi1>, vector<16xf32>, vector<16xi32>)
    %get3A_732 = arith.constant 2 : i32
    %get3A_733 = arith.index_cast %get3A_732 : i32 to index
    %get3A_734 = arith.constant 112 : index
    %get3A_735 = tpu.vector_load %arg5[%get3A_733, %get3A_734] {strides = array<i32>} : memref<4x256xf32, #tpu.memory_space<vmem>>, vector<16xf32>,
    %add3A_736 = arith.constant 112 : i32
    %add3A_737 = vector.broadcast %add3A_736 : i32 to vector<16xi32>
    %add3A_738 = arith.addi %iota3A, %add3A_737 : vector<16xi32>
    %masked_sort3A_739 = arith.constant dense<true> : vector<16xi1>
    %masked_sort3A_740, %masked_sort3A_741, %masked_sort3A_742 = tpu.sort %get3A_735, %add3A_738 masked %masked_sort3A_739 {descending = true} : (vector<16xf32>, vector<16xi32>, vector<16xi1>) -> (vector<16xi1>, vector<16xf32>, vector<16xi32>)
    %ge3A_743 = arith.cmpf oge, %masked_sort3A_730, %masked_sort3A_741 : vector<16xf32>
    %select_n3A_744 = arith.select %ge3A_743, %masked_sort3A_730, %masked_sort3A_741 : vector<16xi1>, vector<16xf32>
    %select_n3A_745 = arith.select %ge3A_743, %masked_sort3A_731, %masked_sort3A_742 : vector<16xi1>, vector<16xi32>
    %masked_sort3A_746 = arith.constant dense<true> : vector<16xi1>
    %masked_sort3A_747, %masked_sort3A_748, %masked_sort3A_749 = tpu.sort %select_n3A_744, %select_n3A_745 masked %masked_sort3A_746 : (vector<16xf32>, vector<16xi32>, vector<16xi1>) -> (vector<16xi1>, vector<16xf32>, vector<16xi32>)
    %get3A_750 = arith.constant 2 : i32
    %get3A_751 = arith.index_cast %get3A_750 : i32 to index
    %get3A_752 = arith.constant 128 : index
    %get3A_753 = tpu.vector_load %arg5[%get3A_751, %get3A_752] {strides = array<i32>} : memref<4x256xf32, #tpu.memory_space<vmem>>, vector<16xf32>,
    %add3A_754 = arith.constant 128 : i32
    %add3A_755 = vector.broadcast %add3A_754 : i32 to vector<16xi32>
    %add3A_756 = arith.addi %iota3A, %add3A_755 : vector<16xi32>
    %masked_sort3A_757 = arith.constant dense<true> : vector<16xi1>
    %masked_sort3A_758, %masked_sort3A_759, %masked_sort3A_760 = tpu.sort %get3A_753, %add3A_756 masked %masked_sort3A_757 {descending = true} : (vector<16xf32>, vector<16xi32>, vector<16xi1>) -> (vector<16xi1>, vector<16xf32>, vector<16xi32>)
    %ge3A_761 = arith.cmpf oge, %masked_sort3A_748, %masked_sort3A_759 : vector<16xf32>
    %select_n3A_762 = arith.select %ge3A_761, %masked_sort3A_748, %masked_sort3A_759 : vector<16xi1>, vector<16xf32>
    %select_n3A_763 = arith.select %ge3A_761, %masked_sort3A_749, %masked_sort3A_760 : vector<16xi1>, vector<16xi32>
    %masked_sort3A_764 = arith.constant dense<true> : vector<16xi1>
    %masked_sort3A_765, %masked_sort3A_766, %masked_sort3A_767 = tpu.sort %select_n3A_762, %select_n3A_763 masked %masked_sort3A_764 : (vector<16xf32>, vector<16xi32>, vector<16xi1>) -> (vector<16xi1>, vector<16xf32>, vector<16xi32>)
    %get3A_768 = arith.constant 2 : i32
    %get3A_769 = arith.index_cast %get3A_768 : i32 to index
    %get3A_770 = arith.constant 144 : index
    %get3A_771 = tpu.vector_load %arg5[%get3A_769, %get3A_770] {strides = array<i32>} : memref<4x256xf32, #tpu.memory_space<vmem>>, vector<16xf32>,
    %add3A_772 = arith.constant 144 : i32
    %add3A_773 = vector.broadcast %add3A_772 : i32 to vector<16xi32>
    %add3A_774 = arith.addi %iota3A, %add3A_773 : vector<16xi32>
    %masked_sort3A_775 = arith.constant dense<true> : vector<16xi1>
    %masked_sort3A_776, %masked_sort3A_777, %masked_sort3A_778 = tpu.sort %get3A_771, %add3A_774 masked %masked_sort3A_775 {descending = true} : (vector<16xf32>, vector<16xi32>, vector<16xi1>) -> (vector<16xi1>, vector<16xf32>, vector<16xi32>)
    %ge3A_779 = arith.cmpf oge, %masked_sort3A_766, %masked_sort3A_777 : vector<16xf32>
    %select_n3A_780 = arith.select %ge3A_779, %masked_sort3A_766, %masked_sort3A_777 : vector<16xi1>, vector<16xf32>
    %select_n3A_781 = arith.select %ge3A_779, %masked_sort3A_767, %masked_sort3A_778 : vector<16xi1>, vector<16xi32>
    %masked_sort3A_782 = arith.constant dense<true> : vector<16xi1>
    %masked_sort3A_783, %masked_sort3A_784, %masked_sort3A_785 = tpu.sort %select_n3A_780, %select_n3A_781 masked %masked_sort3A_782 : (vector<16xf32>, vector<16xi32>, vector<16xi1>) -> (vector<16xi1>, vector<16xf32>, vector<16xi32>)
    %get3A_786 = arith.constant 2 : i32
    %get3A_787 = arith.index_cast %get3A_786 : i32 to index
    %get3A_788 = arith.constant 160 : index
    %get3A_789 = tpu.vector_load %arg5[%get3A_787, %get3A_788] {strides = array<i32>} : memref<4x256xf32, #tpu.memory_space<vmem>>, vector<16xf32>,
    %add3A_790 = arith.constant 160 : i32
    %add3A_791 = vector.broadcast %add3A_790 : i32 to vector<16xi32>
    %add3A_792 = arith.addi %iota3A, %add3A_791 : vector<16xi32>
    %masked_sort3A_793 = arith.constant dense<true> : vector<16xi1>
    %masked_sort3A_794, %masked_sort3A_795, %masked_sort3A_796 = tpu.sort %get3A_789, %add3A_792 masked %masked_sort3A_793 {descending = true} : (vector<16xf32>, vector<16xi32>, vector<16xi1>) -> (vector<16xi1>, vector<16xf32>, vector<16xi32>)
    %ge3A_797 = arith.cmpf oge, %masked_sort3A_784, %masked_sort3A_795 : vector<16xf32>
    %select_n3A_798 = arith.select %ge3A_797, %masked_sort3A_784, %masked_sort3A_795 : vector<16xi1>, vector<16xf32>
    %select_n3A_799 = arith.select %ge3A_797, %masked_sort3A_785, %masked_sort3A_796 : vector<16xi1>, vector<16xi32>
    %masked_sort3A_800 = arith.constant dense<true> : vector<16xi1>
    %masked_sort3A_801, %masked_sort3A_802, %masked_sort3A_803 = tpu.sort %select_n3A_798, %select_n3A_799 masked %masked_sort3A_800 : (vector<16xf32>, vector<16xi32>, vector<16xi1>) -> (vector<16xi1>, vector<16xf32>, vector<16xi32>)
    %get3A_804 = arith.constant 2 : i32
    %get3A_805 = arith.index_cast %get3A_804 : i32 to index
    %get3A_806 = arith.constant 176 : index
    %get3A_807 = tpu.vector_load %arg5[%get3A_805, %get3A_806] {strides = array<i32>} : memref<4x256xf32, #tpu.memory_space<vmem>>, vector<16xf32>,
    %add3A_808 = arith.constant 176 : i32
    %add3A_809 = vector.broadcast %add3A_808 : i32 to vector<16xi32>
    %add3A_810 = arith.addi %iota3A, %add3A_809 : vector<16xi32>
    %masked_sort3A_811 = arith.constant dense<true> : vector<16xi1>
    %masked_sort3A_812, %masked_sort3A_813, %masked_sort3A_814 = tpu.sort %get3A_807, %add3A_810 masked %masked_sort3A_811 {descending = true} : (vector<16xf32>, vector<16xi32>, vector<16xi1>) -> (vector<16xi1>, vector<16xf32>, vector<16xi32>)
    %ge3A_815 = arith.cmpf oge, %masked_sort3A_802, %masked_sort3A_813 : vector<16xf32>
    %select_n3A_816 = arith.select %ge3A_815, %masked_sort3A_802, %masked_sort3A_813 : vector<16xi1>, vector<16xf32>
    %select_n3A_817 = arith.select %ge3A_815, %masked_sort3A_803, %masked_sort3A_814 : vector<16xi1>, vector<16xi32>
    %masked_sort3A_818 = arith.constant dense<true> : vector<16xi1>
    %masked_sort3A_819, %masked_sort3A_820, %masked_sort3A_821 = tpu.sort %select_n3A_816, %select_n3A_817 masked %masked_sort3A_818 : (vector<16xf32>, vector<16xi32>, vector<16xi1>) -> (vector<16xi1>, vector<16xf32>, vector<16xi32>)
    %get3A_822 = arith.constant 2 : i32
    %get3A_823 = arith.index_cast %get3A_822 : i32 to index
    %get3A_824 = arith.constant 192 : index
    %get3A_825 = tpu.vector_load %arg5[%get3A_823, %get3A_824] {strides = array<i32>} : memref<4x256xf32, #tpu.memory_space<vmem>>, vector<16xf32>,
    %add3A_826 = arith.constant 192 : i32
    %add3A_827 = vector.broadcast %add3A_826 : i32 to vector<16xi32>
    %add3A_828 = arith.addi %iota3A, %add3A_827 : vector<16xi32>
    %masked_sort3A_829 = arith.constant dense<true> : vector<16xi1>
    %masked_sort3A_830, %masked_sort3A_831, %masked_sort3A_832 = tpu.sort %get3A_825, %add3A_828 masked %masked_sort3A_829 {descending = true} : (vector<16xf32>, vector<16xi32>, vector<16xi1>) -> (vector<16xi1>, vector<16xf32>, vector<16xi32>)
    %ge3A_833 = arith.cmpf oge, %masked_sort3A_820, %masked_sort3A_831 : vector<16xf32>
    %select_n3A_834 = arith.select %ge3A_833, %masked_sort3A_820, %masked_sort3A_831 : vector<16xi1>, vector<16xf32>
    %select_n3A_835 = arith.select %ge3A_833, %masked_sort3A_821, %masked_sort3A_832 : vector<16xi1>, vector<16xi32>
    %masked_sort3A_836 = arith.constant dense<true> : vector<16xi1>
    %masked_sort3A_837, %masked_sort3A_838, %masked_sort3A_839 = tpu.sort %select_n3A_834, %select_n3A_835 masked %masked_sort3A_836 : (vector<16xf32>, vector<16xi32>, vector<16xi1>) -> (vector<16xi1>, vector<16xf32>, vector<16xi32>)
    %get3A_840 = arith.constant 2 : i32
    %get3A_841 = arith.index_cast %get3A_840 : i32 to index
    %get3A_842 = arith.constant 208 : index
    %get3A_843 = tpu.vector_load %arg5[%get3A_841, %get3A_842] {strides = array<i32>} : memref<4x256xf32, #tpu.memory_space<vmem>>, vector<16xf32>,
    %add3A_844 = arith.constant 208 : i32
    %add3A_845 = vector.broadcast %add3A_844 : i32 to vector<16xi32>
    %add3A_846 = arith.addi %iota3A, %add3A_845 : vector<16xi32>
    %masked_sort3A_847 = arith.constant dense<true> : vector<16xi1>
    %masked_sort3A_848, %masked_sort3A_849, %masked_sort3A_850 = tpu.sort %get3A_843, %add3A_846 masked %masked_sort3A_847 {descending = true} : (vector<16xf32>, vector<16xi32>, vector<16xi1>) -> (vector<16xi1>, vector<16xf32>, vector<16xi32>)
    %ge3A_851 = arith.cmpf oge, %masked_sort3A_838, %masked_sort3A_849 : vector<16xf32>
    %select_n3A_852 = arith.select %ge3A_851, %masked_sort3A_838, %masked_sort3A_849 : vector<16xi1>, vector<16xf32>
    %select_n3A_853 = arith.select %ge3A_851, %masked_sort3A_839, %masked_sort3A_850 : vector<16xi1>, vector<16xi32>
    %masked_sort3A_854 = arith.constant dense<true> : vector<16xi1>
    %masked_sort3A_855, %masked_sort3A_856, %masked_sort3A_857 = tpu.sort %select_n3A_852, %select_n3A_853 masked %masked_sort3A_854 : (vector<16xf32>, vector<16xi32>, vector<16xi1>) -> (vector<16xi1>, vector<16xf32>, vector<16xi32>)
    %get3A_858 = arith.constant 2 : i32
    %get3A_859 = arith.index_cast %get3A_858 : i32 to index
    %get3A_860 = arith.constant 224 : index
    %get3A_861 = tpu.vector_load %arg5[%get3A_859, %get3A_860] {strides = array<i32>} : memref<4x256xf32, #tpu.memory_space<vmem>>, vector<16xf32>,
    %add3A_862 = arith.constant 224 : i32
    %add3A_863 = vector.broadcast %add3A_862 : i32 to vector<16xi32>
    %add3A_864 = arith.addi %iota3A, %add3A_863 : vector<16xi32>
    %masked_sort3A_865 = arith.constant dense<true> : vector<16xi1>
    %masked_sort3A_866, %masked_sort3A_867, %masked_sort3A_868 = tpu.sort %get3A_861, %add3A_864 masked %masked_sort3A_865 {descending = true} : (vector<16xf32>, vector<16xi32>, vector<16xi1>) -> (vector<16xi1>, vector<16xf32>, vector<16xi32>)
    %ge3A_869 = arith.cmpf oge, %masked_sort3A_856, %masked_sort3A_867 : vector<16xf32>
    %select_n3A_870 = arith.select %ge3A_869, %masked_sort3A_856, %masked_sort3A_867 : vector<16xi1>, vector<16xf32>
    %select_n3A_871 = arith.select %ge3A_869, %masked_sort3A_857, %masked_sort3A_868 : vector<16xi1>, vector<16xi32>
    %masked_sort3A_872 = arith.constant dense<true> : vector<16xi1>
    %masked_sort3A_873, %masked_sort3A_874, %masked_sort3A_875 = tpu.sort %select_n3A_870, %select_n3A_871 masked %masked_sort3A_872 : (vector<16xf32>, vector<16xi32>, vector<16xi1>) -> (vector<16xi1>, vector<16xf32>, vector<16xi32>)
    %get3A_876 = arith.constant 2 : i32
    %get3A_877 = arith.index_cast %get3A_876 : i32 to index
    %get3A_878 = arith.constant 240 : index
    %get3A_879 = tpu.vector_load %arg5[%get3A_877, %get3A_878] {strides = array<i32>} : memref<4x256xf32, #tpu.memory_space<vmem>>, vector<16xf32>,
    %add3A_880 = arith.constant 240 : i32
    %add3A_881 = vector.broadcast %add3A_880 : i32 to vector<16xi32>
    %add3A_882 = arith.addi %iota3A, %add3A_881 : vector<16xi32>
    %masked_sort3A_883 = arith.constant dense<true> : vector<16xi1>
    %masked_sort3A_884, %masked_sort3A_885, %masked_sort3A_886 = tpu.sort %get3A_879, %add3A_882 masked %masked_sort3A_883 {descending = true} : (vector<16xf32>, vector<16xi32>, vector<16xi1>) -> (vector<16xi1>, vector<16xf32>, vector<16xi32>)
    %ge3A_887 = arith.cmpf oge, %masked_sort3A_874, %masked_sort3A_885 : vector<16xf32>
    %select_n3A_888 = arith.select %ge3A_887, %masked_sort3A_874, %masked_sort3A_885 : vector<16xi1>, vector<16xf32>
    %select_n3A_889 = arith.select %ge3A_887, %masked_sort3A_875, %masked_sort3A_886 : vector<16xi1>, vector<16xi32>
    %masked_sort3A_890 = arith.constant dense<true> : vector<16xi1>
    %masked_sort3A_891, %masked_sort3A_892, %masked_sort3A_893 = tpu.sort %select_n3A_888, %select_n3A_889 masked %masked_sort3A_890 : (vector<16xf32>, vector<16xi32>, vector<16xi1>) -> (vector<16xi1>, vector<16xf32>, vector<16xi32>)
    %lt3A_894 = arith.constant 0 : i32
    %lt3A_895 = vector.broadcast %lt3A_894 : i32 to vector<16xi32>
    %lt3A_896 = arith.cmpi slt, %broadcast_in_dim3A_3, %lt3A_895 : vector<16xi32>
    %add3A_897 = arith.constant 16 : i32
    %add3A_898 = vector.broadcast %add3A_897 : i32 to vector<16xi32>
    %add3A_899 = arith.addi %broadcast_in_dim3A_3, %add3A_898 : vector<16xi32>
    %select_n3A_900 = arith.select %lt3A_896, %add3A_899, %broadcast_in_dim3A_3 : vector<16xi1>, vector<16xi32>
    %broadcast_in_dim3A_901 = vector.shape_cast %select_n3A_900 : vector<16xi32> to vector<16x1xi32>
    %gather3A_902 = vector.shape_cast %broadcast_in_dim3A_901 : vector<16x1xi32> to vector<16xi32>
    %gather3A_903 = tpu.dynamic_gather %masked_sort3A_892[%gather3A_902] in [0] : vector<16xf32>, vector<16xi32> -> vector<16xf32>
    %broadcast_in_dim3A_904 = arith.constant -3.000000e+38 : f32
    %broadcast_in_dim3A_905 = vector.broadcast %broadcast_in_dim3A_904 : f32 to vector<16xf32>
    %broadcast_in_dim3A_906 = arith.constant 0 : i32
    %broadcast_in_dim3A_907 = vector.broadcast %broadcast_in_dim3A_906 : i32 to vector<16xi32>
    %get3A_908 = arith.constant 3 : i32
    %get3A_909 = arith.index_cast %get3A_908 : i32 to index
    %get3A_910 = arith.constant 0 : index
    %get3A_911 = tpu.vector_load %arg5[%get3A_909, %get3A_910] {strides = array<i32>} : memref<4x256xf32, #tpu.memory_space<vmem>>, vector<16xf32>,
    %add3A_912 = arith.constant 0 : i32
    %add3A_913 = vector.broadcast %add3A_912 : i32 to vector<16xi32>
    %add3A_914 = arith.addi %iota3A, %add3A_913 : vector<16xi32>
    %masked_sort3A_915 = arith.constant dense<true> : vector<16xi1>
    %masked_sort3A_916, %masked_sort3A_917, %masked_sort3A_918 = tpu.sort %get3A_911, %add3A_914 masked %masked_sort3A_915 {descending = true} : (vector<16xf32>, vector<16xi32>, vector<16xi1>) -> (vector<16xi1>, vector<16xf32>, vector<16xi32>)
    %ge3A_919 = arith.cmpf oge, %broadcast_in_dim3A_905, %masked_sort3A_917 : vector<16xf32>
    %select_n3A_920 = arith.select %ge3A_919, %broadcast_in_dim3A_905, %masked_sort3A_917 : vector<16xi1>, vector<16xf32>
    %select_n3A_921 = arith.select %ge3A_919, %broadcast_in_dim3A_907, %masked_sort3A_918 : vector<16xi1>, vector<16xi32>
    %masked_sort3A_922 = arith.constant dense<true> : vector<16xi1>
    %masked_sort3A_923, %masked_sort3A_924, %masked_sort3A_925 = tpu.sort %select_n3A_920, %select_n3A_921 masked %masked_sort3A_922 : (vector<16xf32>, vector<16xi32>, vector<16xi1>) -> (vector<16xi1>, vector<16xf32>, vector<16xi32>)
    %get3A_926 = arith.constant 3 : i32
    %get3A_927 = arith.index_cast %get3A_926 : i32 to index
    %get3A_928 = arith.constant 16 : index
    %get3A_929 = tpu.vector_load %arg5[%get3A_927, %get3A_928] {strides = array<i32>} : memref<4x256xf32, #tpu.memory_space<vmem>>, vector<16xf32>,
    %add3A_930 = arith.constant 16 : i32
    %add3A_931 = vector.broadcast %add3A_930 : i32 to vector<16xi32>
    %add3A_932 = arith.addi %iota3A, %add3A_931 : vector<16xi32>
    %masked_sort3A_933 = arith.constant dense<true> : vector<16xi1>
    %masked_sort3A_934, %masked_sort3A_935, %masked_sort3A_936 = tpu.sort %get3A_929, %add3A_932 masked %masked_sort3A_933 {descending = true} : (vector<16xf32>, vector<16xi32>, vector<16xi1>) -> (vector<16xi1>, vector<16xf32>, vector<16xi32>)
    %ge3A_937 = arith.cmpf oge, %masked_sort3A_924, %masked_sort3A_935 : vector<16xf32>
    %select_n3A_938 = arith.select %ge3A_937, %masked_sort3A_924, %masked_sort3A_935 : vector<16xi1>, vector<16xf32>
    %select_n3A_939 = arith.select %ge3A_937, %masked_sort3A_925, %masked_sort3A_936 : vector<16xi1>, vector<16xi32>
    %masked_sort3A_940 = arith.constant dense<true> : vector<16xi1>
    %masked_sort3A_941, %masked_sort3A_942, %masked_sort3A_943 = tpu.sort %select_n3A_938, %select_n3A_939 masked %masked_sort3A_940 : (vector<16xf32>, vector<16xi32>, vector<16xi1>) -> (vector<16xi1>, vector<16xf32>, vector<16xi32>)
    %get3A_944 = arith.constant 3 : i32
    %get3A_945 = arith.index_cast %get3A_944 : i32 to index
    %get3A_946 = arith.constant 32 : index
    %get3A_947 = tpu.vector_load %arg5[%get3A_945, %get3A_946] {strides = array<i32>} : memref<4x256xf32, #tpu.memory_space<vmem>>, vector<16xf32>,
    %add3A_948 = arith.constant 32 : i32
    %add3A_949 = vector.broadcast %add3A_948 : i32 to vector<16xi32>
    %add3A_950 = arith.addi %iota3A, %add3A_949 : vector<16xi32>
    %masked_sort3A_951 = arith.constant dense<true> : vector<16xi1>
    %masked_sort3A_952, %masked_sort3A_953, %masked_sort3A_954 = tpu.sort %get3A_947, %add3A_950 masked %masked_sort3A_951 {descending = true} : (vector<16xf32>, vector<16xi32>, vector<16xi1>) -> (vector<16xi1>, vector<16xf32>, vector<16xi32>)
    %ge3A_955 = arith.cmpf oge, %masked_sort3A_942, %masked_sort3A_953 : vector<16xf32>
    %select_n3A_956 = arith.select %ge3A_955, %masked_sort3A_942, %masked_sort3A_953 : vector<16xi1>, vector<16xf32>
    %select_n3A_957 = arith.select %ge3A_955, %masked_sort3A_943, %masked_sort3A_954 : vector<16xi1>, vector<16xi32>
    %masked_sort3A_958 = arith.constant dense<true> : vector<16xi1>
    %masked_sort3A_959, %masked_sort3A_960, %masked_sort3A_961 = tpu.sort %select_n3A_956, %select_n3A_957 masked %masked_sort3A_958 : (vector<16xf32>, vector<16xi32>, vector<16xi1>) -> (vector<16xi1>, vector<16xf32>, vector<16xi32>)
    %get3A_962 = arith.constant 3 : i32
    %get3A_963 = arith.index_cast %get3A_962 : i32 to index
    %get3A_964 = arith.constant 48 : index
    %get3A_965 = tpu.vector_load %arg5[%get3A_963, %get3A_964] {strides = array<i32>} : memref<4x256xf32, #tpu.memory_space<vmem>>, vector<16xf32>,
    %add3A_966 = arith.constant 48 : i32
    %add3A_967 = vector.broadcast %add3A_966 : i32 to vector<16xi32>
    %add3A_968 = arith.addi %iota3A, %add3A_967 : vector<16xi32>
    %masked_sort3A_969 = arith.constant dense<true> : vector<16xi1>
    %masked_sort3A_970, %masked_sort3A_971, %masked_sort3A_972 = tpu.sort %get3A_965, %add3A_968 masked %masked_sort3A_969 {descending = true} : (vector<16xf32>, vector<16xi32>, vector<16xi1>) -> (vector<16xi1>, vector<16xf32>, vector<16xi32>)
    %ge3A_973 = arith.cmpf oge, %masked_sort3A_960, %masked_sort3A_971 : vector<16xf32>
    %select_n3A_974 = arith.select %ge3A_973, %masked_sort3A_960, %masked_sort3A_971 : vector<16xi1>, vector<16xf32>
    %select_n3A_975 = arith.select %ge3A_973, %masked_sort3A_961, %masked_sort3A_972 : vector<16xi1>, vector<16xi32>
    %masked_sort3A_976 = arith.constant dense<true> : vector<16xi1>
    %masked_sort3A_977, %masked_sort3A_978, %masked_sort3A_979 = tpu.sort %select_n3A_974, %select_n3A_975 masked %masked_sort3A_976 : (vector<16xf32>, vector<16xi32>, vector<16xi1>) -> (vector<16xi1>, vector<16xf32>, vector<16xi32>)
    %get3A_980 = arith.constant 3 : i32
    %get3A_981 = arith.index_cast %get3A_980 : i32 to index
    %get3A_982 = arith.constant 64 : index
    %get3A_983 = tpu.vector_load %arg5[%get3A_981, %get3A_982] {strides = array<i32>} : memref<4x256xf32, #tpu.memory_space<vmem>>, vector<16xf32>,
    %add3A_984 = arith.constant 64 : i32
    %add3A_985 = vector.broadcast %add3A_984 : i32 to vector<16xi32>
    %add3A_986 = arith.addi %iota3A, %add3A_985 : vector<16xi32>
    %masked_sort3A_987 = arith.constant dense<true> : vector<16xi1>
    %masked_sort3A_988, %masked_sort3A_989, %masked_sort3A_990 = tpu.sort %get3A_983, %add3A_986 masked %masked_sort3A_987 {descending = true} : (vector<16xf32>, vector<16xi32>, vector<16xi1>) -> (vector<16xi1>, vector<16xf32>, vector<16xi32>)
    %ge3A_991 = arith.cmpf oge, %masked_sort3A_978, %masked_sort3A_989 : vector<16xf32>
    %select_n3A_992 = arith.select %ge3A_991, %masked_sort3A_978, %masked_sort3A_989 : vector<16xi1>, vector<16xf32>
    %select_n3A_993 = arith.select %ge3A_991, %masked_sort3A_979, %masked_sort3A_990 : vector<16xi1>, vector<16xi32>
    %masked_sort3A_994 = arith.constant dense<true> : vector<16xi1>
    %masked_sort3A_995, %masked_sort3A_996, %masked_sort3A_997 = tpu.sort %select_n3A_992, %select_n3A_993 masked %masked_sort3A_994 : (vector<16xf32>, vector<16xi32>, vector<16xi1>) -> (vector<16xi1>, vector<16xf32>, vector<16xi32>)
    %get3A_998 = arith.constant 3 : i32
    %get3A_999 = arith.index_cast %get3A_998 : i32 to index
    %get3A_1000 = arith.constant 80 : index
    %get3A_1001 = tpu.vector_load %arg5[%get3A_999, %get3A_1000] {strides = array<i32>} : memref<4x256xf32, #tpu.memory_space<vmem>>, vector<16xf32>,
    %add3A_1002 = arith.constant 80 : i32
    %add3A_1003 = vector.broadcast %add3A_1002 : i32 to vector<16xi32>
    %add3A_1004 = arith.addi %iota3A, %add3A_1003 : vector<16xi32>
    %masked_sort3A_1005 = arith.constant dense<true> : vector<16xi1>
    %masked_sort3A_1006, %masked_sort3A_1007, %masked_sort3A_1008 = tpu.sort %get3A_1001, %add3A_1004 masked %masked_sort3A_1005 {descending = true} : (vector<16xf32>, vector<16xi32>, vector<16xi1>) -> (vector<16xi1>, vector<16xf32>, vector<16xi32>)
    %ge3A_1009 = arith.cmpf oge, %masked_sort3A_996, %masked_sort3A_1007 : vector<16xf32>
    %select_n3A_1010 = arith.select %ge3A_1009, %masked_sort3A_996, %masked_sort3A_1007 : vector<16xi1>, vector<16xf32>
    %select_n3A_1011 = arith.select %ge3A_1009, %masked_sort3A_997, %masked_sort3A_1008 : vector<16xi1>, vector<16xi32>
    %masked_sort3A_1012 = arith.constant dense<true> : vector<16xi1>
    %masked_sort3A_1013, %masked_sort3A_1014, %masked_sort3A_1015 = tpu.sort %select_n3A_1010, %select_n3A_1011 masked %masked_sort3A_1012 : (vector<16xf32>, vector<16xi32>, vector<16xi1>) -> (vector<16xi1>, vector<16xf32>, vector<16xi32>)
    %get3A_1016 = arith.constant 3 : i32
    %get3A_1017 = arith.index_cast %get3A_1016 : i32 to index
    %get3A_1018 = arith.constant 96 : index
    %get3A_1019 = tpu.vector_load %arg5[%get3A_1017, %get3A_1018] {strides = array<i32>} : memref<4x256xf32, #tpu.memory_space<vmem>>, vector<16xf32>,
    %add3A_1020 = arith.constant 96 : i32
    %add3A_1021 = vector.broadcast %add3A_1020 : i32 to vector<16xi32>
    %add3A_1022 = arith.addi %iota3A, %add3A_1021 : vector<16xi32>
    %masked_sort3A_1023 = arith.constant dense<true> : vector<16xi1>
    %masked_sort3A_1024, %masked_sort3A_1025, %masked_sort3A_1026 = tpu.sort %get3A_1019, %add3A_1022 masked %masked_sort3A_1023 {descending = true} : (vector<16xf32>, vector<16xi32>, vector<16xi1>) -> (vector<16xi1>, vector<16xf32>, vector<16xi32>)
    %ge3A_1027 = arith.cmpf oge, %masked_sort3A_1014, %masked_sort3A_1025 : vector<16xf32>
    %select_n3A_1028 = arith.select %ge3A_1027, %masked_sort3A_1014, %masked_sort3A_1025 : vector<16xi1>, vector<16xf32>
    %select_n3A_1029 = arith.select %ge3A_1027, %masked_sort3A_1015, %masked_sort3A_1026 : vector<16xi1>, vector<16xi32>
    %masked_sort3A_1030 = arith.constant dense<true> : vector<16xi1>
    %masked_sort3A_1031, %masked_sort3A_1032, %masked_sort3A_1033 = tpu.sort %select_n3A_1028, %select_n3A_1029 masked %masked_sort3A_1030 : (vector<16xf32>, vector<16xi32>, vector<16xi1>) -> (vector<16xi1>, vector<16xf32>, vector<16xi32>)
    %get3A_1034 = arith.constant 3 : i32
    %get3A_1035 = arith.index_cast %get3A_1034 : i32 to index
    %get3A_1036 = arith.constant 112 : index
    %get3A_1037 = tpu.vector_load %arg5[%get3A_1035, %get3A_1036] {strides = array<i32>} : memref<4x256xf32, #tpu.memory_space<vmem>>, vector<16xf32>,
    %add3A_1038 = arith.constant 112 : i32
    %add3A_1039 = vector.broadcast %add3A_1038 : i32 to vector<16xi32>
    %add3A_1040 = arith.addi %iota3A, %add3A_1039 : vector<16xi32>
    %masked_sort3A_1041 = arith.constant dense<true> : vector<16xi1>
    %masked_sort3A_1042, %masked_sort3A_1043, %masked_sort3A_1044 = tpu.sort %get3A_1037, %add3A_1040 masked %masked_sort3A_1041 {descending = true} : (vector<16xf32>, vector<16xi32>, vector<16xi1>) -> (vector<16xi1>, vector<16xf32>, vector<16xi32>)
    %ge3A_1045 = arith.cmpf oge, %masked_sort3A_1032, %masked_sort3A_1043 : vector<16xf32>
    %select_n3A_1046 = arith.select %ge3A_1045, %masked_sort3A_1032, %masked_sort3A_1043 : vector<16xi1>, vector<16xf32>
    %select_n3A_1047 = arith.select %ge3A_1045, %masked_sort3A_1033, %masked_sort3A_1044 : vector<16xi1>, vector<16xi32>
    %masked_sort3A_1048 = arith.constant dense<true> : vector<16xi1>
    %masked_sort3A_1049, %masked_sort3A_1050, %masked_sort3A_1051 = tpu.sort %select_n3A_1046, %select_n3A_1047 masked %masked_sort3A_1048 : (vector<16xf32>, vector<16xi32>, vector<16xi1>) -> (vector<16xi1>, vector<16xf32>, vector<16xi32>)
    %get3A_1052 = arith.constant 3 : i32
    %get3A_1053 = arith.index_cast %get3A_1052 : i32 to index
    %get3A_1054 = arith.constant 128 : index
    %get3A_1055 = tpu.vector_load %arg5[%get3A_1053, %get3A_1054] {strides = array<i32>} : memref<4x256xf32, #tpu.memory_space<vmem>>, vector<16xf32>,
    %add3A_1056 = arith.constant 128 : i32
    %add3A_1057 = vector.broadcast %add3A_1056 : i32 to vector<16xi32>
    %add3A_1058 = arith.addi %iota3A, %add3A_1057 : vector<16xi32>
    %masked_sort3A_1059 = arith.constant dense<true> : vector<16xi1>
    %masked_sort3A_1060, %masked_sort3A_1061, %masked_sort3A_1062 = tpu.sort %get3A_1055, %add3A_1058 masked %masked_sort3A_1059 {descending = true} : (vector<16xf32>, vector<16xi32>, vector<16xi1>) -> (vector<16xi1>, vector<16xf32>, vector<16xi32>)
    %ge3A_1063 = arith.cmpf oge, %masked_sort3A_1050, %masked_sort3A_1061 : vector<16xf32>
    %select_n3A_1064 = arith.select %ge3A_1063, %masked_sort3A_1050, %masked_sort3A_1061 : vector<16xi1>, vector<16xf32>
    %select_n3A_1065 = arith.select %ge3A_1063, %masked_sort3A_1051, %masked_sort3A_1062 : vector<16xi1>, vector<16xi32>
    %masked_sort3A_1066 = arith.constant dense<true> : vector<16xi1>
    %masked_sort3A_1067, %masked_sort3A_1068, %masked_sort3A_1069 = tpu.sort %select_n3A_1064, %select_n3A_1065 masked %masked_sort3A_1066 : (vector<16xf32>, vector<16xi32>, vector<16xi1>) -> (vector<16xi1>, vector<16xf32>, vector<16xi32>)
    %get3A_1070 = arith.constant 3 : i32
    %get3A_1071 = arith.index_cast %get3A_1070 : i32 to index
    %get3A_1072 = arith.constant 144 : index
    %get3A_1073 = tpu.vector_load %arg5[%get3A_1071, %get3A_1072] {strides = array<i32>} : memref<4x256xf32, #tpu.memory_space<vmem>>, vector<16xf32>,
    %add3A_1074 = arith.constant 144 : i32
    %add3A_1075 = vector.broadcast %add3A_1074 : i32 to vector<16xi32>
    %add3A_1076 = arith.addi %iota3A, %add3A_1075 : vector<16xi32>
    %masked_sort3A_1077 = arith.constant dense<true> : vector<16xi1>
    %masked_sort3A_1078, %masked_sort3A_1079, %masked_sort3A_1080 = tpu.sort %get3A_1073, %add3A_1076 masked %masked_sort3A_1077 {descending = true} : (vector<16xf32>, vector<16xi32>, vector<16xi1>) -> (vector<16xi1>, vector<16xf32>, vector<16xi32>)
    %ge3A_1081 = arith.cmpf oge, %masked_sort3A_1068, %masked_sort3A_1079 : vector<16xf32>
    %select_n3A_1082 = arith.select %ge3A_1081, %masked_sort3A_1068, %masked_sort3A_1079 : vector<16xi1>, vector<16xf32>
    %select_n3A_1083 = arith.select %ge3A_1081, %masked_sort3A_1069, %masked_sort3A_1080 : vector<16xi1>, vector<16xi32>
    %masked_sort3A_1084 = arith.constant dense<true> : vector<16xi1>
    %masked_sort3A_1085, %masked_sort3A_1086, %masked_sort3A_1087 = tpu.sort %select_n3A_1082, %select_n3A_1083 masked %masked_sort3A_1084 : (vector<16xf32>, vector<16xi32>, vector<16xi1>) -> (vector<16xi1>, vector<16xf32>, vector<16xi32>)
    %get3A_1088 = arith.constant 3 : i32
    %get3A_1089 = arith.index_cast %get3A_1088 : i32 to index
    %get3A_1090 = arith.constant 160 : index
    %get3A_1091 = tpu.vector_load %arg5[%get3A_1089, %get3A_1090] {strides = array<i32>} : memref<4x256xf32, #tpu.memory_space<vmem>>, vector<16xf32>,
    %add3A_1092 = arith.constant 160 : i32
    %add3A_1093 = vector.broadcast %add3A_1092 : i32 to vector<16xi32>
    %add3A_1094 = arith.addi %iota3A, %add3A_1093 : vector<16xi32>
    %masked_sort3A_1095 = arith.constant dense<true> : vector<16xi1>
    %masked_sort3A_1096, %masked_sort3A_1097, %masked_sort3A_1098 = tpu.sort %get3A_1091, %add3A_1094 masked %masked_sort3A_1095 {descending = true} : (vector<16xf32>, vector<16xi32>, vector<16xi1>) -> (vector<16xi1>, vector<16xf32>, vector<16xi32>)
    %ge3A_1099 = arith.cmpf oge, %masked_sort3A_1086, %masked_sort3A_1097 : vector<16xf32>
    %select_n3A_1100 = arith.select %ge3A_1099, %masked_sort3A_1086, %masked_sort3A_1097 : vector<16xi1>, vector<16xf32>
    %select_n3A_1101 = arith.select %ge3A_1099, %masked_sort3A_1087, %masked_sort3A_1098 : vector<16xi1>, vector<16xi32>
    %masked_sort3A_1102 = arith.constant dense<true> : vector<16xi1>
    %masked_sort3A_1103, %masked_sort3A_1104, %masked_sort3A_1105 = tpu.sort %select_n3A_1100, %select_n3A_1101 masked %masked_sort3A_1102 : (vector<16xf32>, vector<16xi32>, vector<16xi1>) -> (vector<16xi1>, vector<16xf32>, vector<16xi32>)
    %get3A_1106 = arith.constant 3 : i32
    %get3A_1107 = arith.index_cast %get3A_1106 : i32 to index
    %get3A_1108 = arith.constant 176 : index
    %get3A_1109 = tpu.vector_load %arg5[%get3A_1107, %get3A_1108] {strides = array<i32>} : memref<4x256xf32, #tpu.memory_space<vmem>>, vector<16xf32>,
    %add3A_1110 = arith.constant 176 : i32
    %add3A_1111 = vector.broadcast %add3A_1110 : i32 to vector<16xi32>
    %add3A_1112 = arith.addi %iota3A, %add3A_1111 : vector<16xi32>
    %masked_sort3A_1113 = arith.constant dense<true> : vector<16xi1>
    %masked_sort3A_1114, %masked_sort3A_1115, %masked_sort3A_1116 = tpu.sort %get3A_1109, %add3A_1112 masked %masked_sort3A_1113 {descending = true} : (vector<16xf32>, vector<16xi32>, vector<16xi1>) -> (vector<16xi1>, vector<16xf32>, vector<16xi32>)
    %ge3A_1117 = arith.cmpf oge, %masked_sort3A_1104, %masked_sort3A_1115 : vector<16xf32>
    %select_n3A_1118 = arith.select %ge3A_1117, %masked_sort3A_1104, %masked_sort3A_1115 : vector<16xi1>, vector<16xf32>
    %select_n3A_1119 = arith.select %ge3A_1117, %masked_sort3A_1105, %masked_sort3A_1116 : vector<16xi1>, vector<16xi32>
    %masked_sort3A_1120 = arith.constant dense<true> : vector<16xi1>
    %masked_sort3A_1121, %masked_sort3A_1122, %masked_sort3A_1123 = tpu.sort %select_n3A_1118, %select_n3A_1119 masked %masked_sort3A_1120 : (vector<16xf32>, vector<16xi32>, vector<16xi1>) -> (vector<16xi1>, vector<16xf32>, vector<16xi32>)
    %get3A_1124 = arith.constant 3 : i32
    %get3A_1125 = arith.index_cast %get3A_1124 : i32 to index
    %get3A_1126 = arith.constant 192 : index
    %get3A_1127 = tpu.vector_load %arg5[%get3A_1125, %get3A_1126] {strides = array<i32>} : memref<4x256xf32, #tpu.memory_space<vmem>>, vector<16xf32>,
    %add3A_1128 = arith.constant 192 : i32
    %add3A_1129 = vector.broadcast %add3A_1128 : i32 to vector<16xi32>
    %add3A_1130 = arith.addi %iota3A, %add3A_1129 : vector<16xi32>
    %masked_sort3A_1131 = arith.constant dense<true> : vector<16xi1>
    %masked_sort3A_1132, %masked_sort3A_1133, %masked_sort3A_1134 = tpu.sort %get3A_1127, %add3A_1130 masked %masked_sort3A_1131 {descending = true} : (vector<16xf32>, vector<16xi32>, vector<16xi1>) -> (vector<16xi1>, vector<16xf32>, vector<16xi32>)
    %ge3A_1135 = arith.cmpf oge, %masked_sort3A_1122, %masked_sort3A_1133 : vector<16xf32>
    %select_n3A_1136 = arith.select %ge3A_1135, %masked_sort3A_1122, %masked_sort3A_1133 : vector<16xi1>, vector<16xf32>
    %select_n3A_1137 = arith.select %ge3A_1135, %masked_sort3A_1123, %masked_sort3A_1134 : vector<16xi1>, vector<16xi32>
    %masked_sort3A_1138 = arith.constant dense<true> : vector<16xi1>
    %masked_sort3A_1139, %masked_sort3A_1140, %masked_sort3A_1141 = tpu.sort %select_n3A_1136, %select_n3A_1137 masked %masked_sort3A_1138 : (vector<16xf32>, vector<16xi32>, vector<16xi1>) -> (vector<16xi1>, vector<16xf32>, vector<16xi32>)
    %get3A_1142 = arith.constant 3 : i32
    %get3A_1143 = arith.index_cast %get3A_1142 : i32 to index
    %get3A_1144 = arith.constant 208 : index
    %get3A_1145 = tpu.vector_load %arg5[%get3A_1143, %get3A_1144] {strides = array<i32>} : memref<4x256xf32, #tpu.memory_space<vmem>>, vector<16xf32>,
    %add3A_1146 = arith.constant 208 : i32
    %add3A_1147 = vector.broadcast %add3A_1146 : i32 to vector<16xi32>
    %add3A_1148 = arith.addi %iota3A, %add3A_1147 : vector<16xi32>
    %masked_sort3A_1149 = arith.constant dense<true> : vector<16xi1>
    %masked_sort3A_1150, %masked_sort3A_1151, %masked_sort3A_1152 = tpu.sort %get3A_1145, %add3A_1148 masked %masked_sort3A_1149 {descending = true} : (vector<16xf32>, vector<16xi32>, vector<16xi1>) -> (vector<16xi1>, vector<16xf32>, vector<16xi32>)
    %ge3A_1153 = arith.cmpf oge, %masked_sort3A_1140, %masked_sort3A_1151 : vector<16xf32>
    %select_n3A_1154 = arith.select %ge3A_1153, %masked_sort3A_1140, %masked_sort3A_1151 : vector<16xi1>, vector<16xf32>
    %select_n3A_1155 = arith.select %ge3A_1153, %masked_sort3A_1141, %masked_sort3A_1152 : vector<16xi1>, vector<16xi32>
    %masked_sort3A_1156 = arith.constant dense<true> : vector<16xi1>
    %masked_sort3A_1157, %masked_sort3A_1158, %masked_sort3A_1159 = tpu.sort %select_n3A_1154, %select_n3A_1155 masked %masked_sort3A_1156 : (vector<16xf32>, vector<16xi32>, vector<16xi1>) -> (vector<16xi1>, vector<16xf32>, vector<16xi32>)
    %get3A_1160 = arith.constant 3 : i32
    %get3A_1161 = arith.index_cast %get3A_1160 : i32 to index
    %get3A_1162 = arith.constant 224 : index
    %get3A_1163 = tpu.vector_load %arg5[%get3A_1161, %get3A_1162] {strides = array<i32>} : memref<4x256xf32, #tpu.memory_space<vmem>>, vector<16xf32>,
    %add3A_1164 = arith.constant 224 : i32
    %add3A_1165 = vector.broadcast %add3A_1164 : i32 to vector<16xi32>
    %add3A_1166 = arith.addi %iota3A, %add3A_1165 : vector<16xi32>
    %masked_sort3A_1167 = arith.constant dense<true> : vector<16xi1>
    %masked_sort3A_1168, %masked_sort3A_1169, %masked_sort3A_1170 = tpu.sort %get3A_1163, %add3A_1166 masked %masked_sort3A_1167 {descending = true} : (vector<16xf32>, vector<16xi32>, vector<16xi1>) -> (vector<16xi1>, vector<16xf32>, vector<16xi32>)
    %ge3A_1171 = arith.cmpf oge, %masked_sort3A_1158, %masked_sort3A_1169 : vector<16xf32>
    %select_n3A_1172 = arith.select %ge3A_1171, %masked_sort3A_1158, %masked_sort3A_1169 : vector<16xi1>, vector<16xf32>
    %select_n3A_1173 = arith.select %ge3A_1171, %masked_sort3A_1159, %masked_sort3A_1170 : vector<16xi1>, vector<16xi32>
    %masked_sort3A_1174 = arith.constant dense<true> : vector<16xi1>
    %masked_sort3A_1175, %masked_sort3A_1176, %masked_sort3A_1177 = tpu.sort %select_n3A_1172, %select_n3A_1173 masked %masked_sort3A_1174 : (vector<16xf32>, vector<16xi32>, vector<16xi1>) -> (vector<16xi1>, vector<16xf32>, vector<16xi32>)
    %get3A_1178 = arith.constant 3 : i32
    %get3A_1179 = arith.index_cast %get3A_1178 : i32 to index
    %get3A_1180 = arith.constant 240 : index
    %get3A_1181 = tpu.vector_load %arg5[%get3A_1179, %get3A_1180] {strides = array<i32>} : memref<4x256xf32, #tpu.memory_space<vmem>>, vector<16xf32>,
    %add3A_1182 = arith.constant 240 : i32
    %add3A_1183 = vector.broadcast %add3A_1182 : i32 to vector<16xi32>
    %add3A_1184 = arith.addi %iota3A, %add3A_1183 : vector<16xi32>
    %masked_sort3A_1185 = arith.constant dense<true> : vector<16xi1>
    %masked_sort3A_1186, %masked_sort3A_1187, %masked_sort3A_1188 = tpu.sort %get3A_1181, %add3A_1184 masked %masked_sort3A_1185 {descending = true} : (vector<16xf32>, vector<16xi32>, vector<16xi1>) -> (vector<16xi1>, vector<16xf32>, vector<16xi32>)
    %ge3A_1189 = arith.cmpf oge, %masked_sort3A_1176, %masked_sort3A_1187 : vector<16xf32>
    %select_n3A_1190 = arith.select %ge3A_1189, %masked_sort3A_1176, %masked_sort3A_1187 : vector<16xi1>, vector<16xf32>
    %select_n3A_1191 = arith.select %ge3A_1189, %masked_sort3A_1177, %masked_sort3A_1188 : vector<16xi1>, vector<16xi32>
    %masked_sort3A_1192 = arith.constant dense<true> : vector<16xi1>
    %masked_sort3A_1193, %masked_sort3A_1194, %masked_sort3A_1195 = tpu.sort %select_n3A_1190, %select_n3A_1191 masked %masked_sort3A_1192 : (vector<16xf32>, vector<16xi32>, vector<16xi1>) -> (vector<16xi1>, vector<16xf32>, vector<16xi32>)
    %lt3A_1196 = arith.constant 0 : i32
    %lt3A_1197 = vector.broadcast %lt3A_1196 : i32 to vector<16xi32>
    %lt3A_1198 = arith.cmpi slt, %broadcast_in_dim3A_3, %lt3A_1197 : vector<16xi32>
    %add3A_1199 = arith.constant 16 : i32
    %add3A_1200 = vector.broadcast %add3A_1199 : i32 to vector<16xi32>
    %add3A_1201 = arith.addi %broadcast_in_dim3A_3, %add3A_1200 : vector<16xi32>
    %select_n3A_1202 = arith.select %lt3A_1198, %add3A_1201, %broadcast_in_dim3A_3 : vector<16xi1>, vector<16xi32>
    %broadcast_in_dim3A_1203 = vector.shape_cast %select_n3A_1202 : vector<16xi32> to vector<16x1xi32>
    %gather3A_1204 = vector.shape_cast %broadcast_in_dim3A_1203 : vector<16x1xi32> to vector<16xi32>
    %gather3A_1205 = tpu.dynamic_gather %masked_sort3A_1194[%gather3A_1204] in [0] : vector<16xf32>, vector<16xi32> -> vector<16xf32>
    %dma_start3A = arith.constant 0 : i32
    %dma_start3A_1206 = tpu.memref_slice %arg2[%mul3A_2, %dma_start3A] : memref<128x32768xf32, #tpu.memory_space<hbm>> -> memref<1x32768xf32, #tpu.memory_space<hbm>>
    %dma_start3A_1207 = tpu.memref_squeeze %dma_start3A_1206 : memref<1x32768xf32, #tpu.memory_space<hbm>> -> memref<32768xf32, #tpu.memory_space<hbm>>
    %dma_start3A_1208 = arith.constant 0 : i32
    %dma_start3A_1209 = tpu.memref_slice %arg2[%mul3A_2, %dma_start3A_1208] : memref<128x32768xf32, #tpu.memory_space<hbm>> -> memref<1x32768xf32, #tpu.memory_space<hbm>>
    %dma_start3A_1210 = tpu.memref_squeeze %dma_start3A_1209 : memref<1x32768xf32, #tpu.memory_space<hbm>> -> memref<32768xf32, #tpu.memory_space<hbm>>
    tpu.enqueue_dma source(%dma_start3A_1210 : memref<32768xf32, #tpu.memory_space<hbm>>) target(%arg6 : memref<32768xf32, #tpu.memory_space<vmem>>) target_semaphore(%arg9 : memref<!tpu.dma_semaphore, #tpu.memory_space<semaphore_mem>>)
    %add3A_1211 = arith.constant 0 : i32
    %add3A_1212 = arith.addi %mul3A_2, %add3A_1211 : i32
    %add3A_1213 = arith.constant 1 : i32
    %add3A_1214 = arith.addi %add3A_1212, %add3A_1213 : i32
    %dma_start3A_1215 = arith.constant 0 : i32
    %dma_start3A_1216 = tpu.memref_slice %arg2[%add3A_1214, %dma_start3A_1215] : memref<128x32768xf32, #tpu.memory_space<hbm>> -> memref<1x32768xf32, #tpu.memory_space<hbm>>
    %dma_start3A_1217 = tpu.memref_squeeze %dma_start3A_1216 : memref<1x32768xf32, #tpu.memory_space<hbm>> -> memref<32768xf32, #tpu.memory_space<hbm>>
    %dma_start3A_1218 = arith.constant 0 : i32
    %dma_start3A_1219 = tpu.memref_slice %arg2[%add3A_1214, %dma_start3A_1218] : memref<128x32768xf32, #tpu.memory_space<hbm>> -> memref<1x32768xf32, #tpu.memory_space<hbm>>
    %dma_start3A_1220 = tpu.memref_squeeze %dma_start3A_1219 : memref<1x32768xf32, #tpu.memory_space<hbm>> -> memref<32768xf32, #tpu.memory_space<hbm>>
    tpu.enqueue_dma source(%dma_start3A_1220 : memref<32768xf32, #tpu.memory_space<hbm>>) target(%arg7 : memref<32768xf32, #tpu.memory_space<vmem>>) target_semaphore(%arg10 : memref<!tpu.dma_semaphore, #tpu.memory_space<semaphore_mem>>)
    %dma_wait3A = arith.constant 0 : i32
    %dma_wait3A_1221 = tpu.memref_slice %arg2[%mul3A_2, %dma_wait3A] : memref<128x32768xf32, #tpu.memory_space<hbm>> -> memref<1x32768xf32, #tpu.memory_space<hbm>>
    %dma_wait3A_1222 = tpu.memref_squeeze %dma_wait3A_1221 : memref<1x32768xf32, #tpu.memory_space<hbm>> -> memref<32768xf32, #tpu.memory_space<hbm>>
    %dma_wait3A_1223 = arith.constant 0 : i32
    %dma_wait3A_1224 = tpu.memref_slice %arg2[%mul3A_2, %dma_wait3A_1223] : memref<128x32768xf32, #tpu.memory_space<hbm>> -> memref<1x32768xf32, #tpu.memory_space<hbm>>
    %dma_wait3A_1225 = tpu.memref_squeeze %dma_wait3A_1224 : memref<1x32768xf32, #tpu.memory_space<hbm>> -> memref<32768xf32, #tpu.memory_space<hbm>>
    tpu.wait_dma2 semaphore(%arg9 : memref<!tpu.dma_semaphore, #tpu.memory_space<semaphore_mem>>) src(%dma_wait3A_1225 : memref<32768xf32, #tpu.memory_space<hbm>>) dst(%arg6 : memref<32768xf32, #tpu.memory_space<vmem>>)
    %broadcast_in_dim3A_1226 = arith.constant -3.000000e+38 : f32
    %broadcast_in_dim3A_1227 = vector.broadcast %broadcast_in_dim3A_1226 : f32 to vector<16xf32>
    %scan3A = arith.constant 0 : i32
    %scan3A_1228 = arith.constant 32 : i32
    %scan3A_1229 = arith.addi %scan3A, %scan3A_1228 : i32
    %scan3A_1230 = arith.constant 1 : i32
    %scan3A_1231 = scf.for %scan3A_1329 = %scan3A to %scan3A_1229 step %scan3A_1230 iter_args(%scan3A_1330 = %broadcast_in_dim3A_1227) -> (vector<16xf32>)  : i32 {
      %mul3A_1331 = arith.constant 4 : i32
      %mul3A_1332 = arith.muli %scan3A_1329, %mul3A_1331 : i32
      %add3A_1333 = arith.constant 0 : i32
      %add3A_1334 = arith.addi %mul3A_1332, %add3A_1333 : i32
      %mul3A_1335 = arith.constant 256 : i32
      %mul3A_1336 = arith.muli %add3A_1334, %mul3A_1335 : i32
      %add3A_1337 = vector.broadcast %mul3A_1336 : i32 to vector<16xi32>
      %add3A_1338 = arith.addi %masked_sort3A_291, %add3A_1337 : vector<16xi32>
      %gather3A_1339 = tpu.vector_load_idx %arg6[%add3A_1338] : memref<32768xf32, #tpu.memory_space<vmem>>[vector<16xi32>], vector<16xf32>,
      %ge3A_1340 = arith.cmpf oge, %gather3A_1339, %gather3A_299 : vector<16xf32>
      %reduce_or3A = arith.constant 1.000000e+00 : f32
      %reduce_or3A_1341 = arith.constant 0.000000e+00 : f32
      %reduce_or3A_1342 = vector.broadcast %reduce_or3A : f32 to vector<16xf32>
      %reduce_or3A_1343 = vector.broadcast %reduce_or3A_1341 : f32 to vector<16xf32>
      %reduce_or3A_1344 = arith.select %ge3A_1340, %reduce_or3A_1342, %reduce_or3A_1343 : vector<16xi1>, vector<16xf32>
      %reduce_or3A_1345 = arith.constant true
      %reduce_or3A_1346 = vector.broadcast %reduce_or3A_1345 : i1 to vector<16xi1>
      %reduce_or3A_1347 = tpu.scan <max>, %reduce_or3A_1344 masked %reduce_or3A_1346 : vector<16xf32>, vector<16xi1> -> vector<16xf32>
      %reduce_or3A_1348 = vector.extract %reduce_or3A_1347[15] : f32 from vector<16xf32>
      %reduce_or3A_1349 = arith.constant 0.000000e+00 : f32
      %reduce_or3A_1350 = arith.cmpf ogt, %reduce_or3A_1348, %reduce_or3A_1349 : f32
      %convert_element_type3A = arith.extui %reduce_or3A_1350 : i1 to i32
      %cond3A = arith.constant 0 : i32
      %cond3A_1351 = arith.cmpi ne, %convert_element_type3A, %cond3A : i32
      %cond3A_1352 = scf.if %cond3A_1351 -> (vector<16xf32>) {
        %jit3A = arith.constant -3.000000e+38 : f32
        %broadcast_in_dim3A_1428 = vector.broadcast %jit3A : f32 to vector<16xf32>
        %select_n3A_1429 = arith.select %ge3A_1340, %gather3A_1339, %broadcast_in_dim3A_1428 : vector<16xi1>, vector<16xf32>
        %sort3A = arith.constant dense<true> : vector<16xi1>
        %sort3A_1430, %sort3A_1431, %sort3A_1432 = tpu.sort %select_n3A_1429, %select_n3A_1429 masked %sort3A : (vector<16xf32>, vector<16xf32>, vector<16xi1>) -> (vector<16xi1>, vector<16xf32>, vector<16xf32>)
        %rev3A_1433 = arith.constant 15 : i32
        %rev3A_1434 = vector.broadcast %rev3A_1433 : i32 to vector<16xi32>
        %rev3A_1435 = tpu.iota {dimensions = array<i32: 0>} : vector<16xi32>
        %rev3A_1436 = arith.subi %rev3A_1434, %rev3A_1435 : vector<16xi32>
        %rev3A_1437 = tpu.dynamic_gather %sort3A_1431[%rev3A_1436] in [0] : vector<16xf32>, vector<16xi32> -> vector<16xf32>
        %max3A = arith.maximumf %scan3A_1330, %rev3A_1437 : vector<16xf32>
        %sort3A_1438 = arith.constant dense<true> : vector<16xi1>
        %sort3A_1439, %sort3A_1440, %sort3A_1441 = tpu.sort %max3A, %max3A masked %sort3A_1438 : (vector<16xf32>, vector<16xf32>, vector<16xi1>) -> (vector<16xi1>, vector<16xf32>, vector<16xf32>)
        scf.yield %sort3A_1440 : vector<16xf32>
      } else {
        scf.yield %scan3A_1330 : vector<16xf32>
      }
      %mul3A_1353 = arith.constant 4 : i32
      %mul3A_1354 = arith.muli %scan3A_1329, %mul3A_1353 : i32
      %add3A_1355 = arith.constant 1 : i32
      %add3A_1356 = arith.addi %mul3A_1354, %add3A_1355 : i32
      %mul3A_1357 = arith.constant 256 : i32
      %mul3A_1358 = arith.muli %add3A_1356, %mul3A_1357 : i32
      %add3A_1359 = vector.broadcast %mul3A_1358 : i32 to vector<16xi32>
      %add3A_1360 = arith.addi %masked_sort3A_291, %add3A_1359 : vector<16xi32>
      %gather3A_1361 = tpu.vector_load_idx %arg6[%add3A_1360] : memref<32768xf32, #tpu.memory_space<vmem>>[vector<16xi32>], vector<16xf32>,
      %ge3A_1362 = arith.cmpf oge, %gather3A_1361, %gather3A_299 : vector<16xf32>
      %reduce_or3A_1363 = arith.constant 1.000000e+00 : f32
      %reduce_or3A_1364 = arith.constant 0.000000e+00 : f32
      %reduce_or3A_1365 = vector.broadcast %reduce_or3A_1363 : f32 to vector<16xf32>
      %reduce_or3A_1366 = vector.broadcast %reduce_or3A_1364 : f32 to vector<16xf32>
      %reduce_or3A_1367 = arith.select %ge3A_1362, %reduce_or3A_1365, %reduce_or3A_1366 : vector<16xi1>, vector<16xf32>
      %reduce_or3A_1368 = arith.constant true
      %reduce_or3A_1369 = vector.broadcast %reduce_or3A_1368 : i1 to vector<16xi1>
      %reduce_or3A_1370 = tpu.scan <max>, %reduce_or3A_1367 masked %reduce_or3A_1369 : vector<16xf32>, vector<16xi1> -> vector<16xf32>
      %reduce_or3A_1371 = vector.extract %reduce_or3A_1370[15] : f32 from vector<16xf32>
      %reduce_or3A_1372 = arith.constant 0.000000e+00 : f32
      %reduce_or3A_1373 = arith.cmpf ogt, %reduce_or3A_1371, %reduce_or3A_1372 : f32
      %convert_element_type3A_1374 = arith.extui %reduce_or3A_1373 : i1 to i32
      %cond3A_1375 = arith.constant 0 : i32
      %cond3A_1376 = arith.cmpi ne, %convert_element_type3A_1374, %cond3A_1375 : i32
      %cond3A_1377 = scf.if %cond3A_1376 -> (vector<16xf32>) {
        %jit3A = arith.constant -3.000000e+38 : f32
        %broadcast_in_dim3A_1428 = vector.broadcast %jit3A : f32 to vector<16xf32>
        %select_n3A_1429 = arith.select %ge3A_1362, %gather3A_1361, %broadcast_in_dim3A_1428 : vector<16xi1>, vector<16xf32>
        %sort3A = arith.constant dense<true> : vector<16xi1>
        %sort3A_1430, %sort3A_1431, %sort3A_1432 = tpu.sort %select_n3A_1429, %select_n3A_1429 masked %sort3A : (vector<16xf32>, vector<16xf32>, vector<16xi1>) -> (vector<16xi1>, vector<16xf32>, vector<16xf32>)
        %rev3A_1433 = arith.constant 15 : i32
        %rev3A_1434 = vector.broadcast %rev3A_1433 : i32 to vector<16xi32>
        %rev3A_1435 = tpu.iota {dimensions = array<i32: 0>} : vector<16xi32>
        %rev3A_1436 = arith.subi %rev3A_1434, %rev3A_1435 : vector<16xi32>
        %rev3A_1437 = tpu.dynamic_gather %sort3A_1431[%rev3A_1436] in [0] : vector<16xf32>, vector<16xi32> -> vector<16xf32>
        %max3A = arith.maximumf %cond3A_1352, %rev3A_1437 : vector<16xf32>
        %sort3A_1438 = arith.constant dense<true> : vector<16xi1>
        %sort3A_1439, %sort3A_1440, %sort3A_1441 = tpu.sort %max3A, %max3A masked %sort3A_1438 : (vector<16xf32>, vector<16xf32>, vector<16xi1>) -> (vector<16xi1>, vector<16xf32>, vector<16xf32>)
        scf.yield %sort3A_1440 : vector<16xf32>
      } else {
        scf.yield %cond3A_1352 : vector<16xf32>
      }
      %mul3A_1378 = arith.constant 4 : i32
      %mul3A_1379 = arith.muli %scan3A_1329, %mul3A_1378 : i32
      %add3A_1380 = arith.constant 2 : i32
      %add3A_1381 = arith.addi %mul3A_1379, %add3A_1380 : i32
      %mul3A_1382 = arith.constant 256 : i32
      %mul3A_1383 = arith.muli %add3A_1381, %mul3A_1382 : i32
      %add3A_1384 = vector.broadcast %mul3A_1383 : i32 to vector<16xi32>
      %add3A_1385 = arith.addi %masked_sort3A_291, %add3A_1384 : vector<16xi32>
      %gather3A_1386 = tpu.vector_load_idx %arg6[%add3A_1385] : memref<32768xf32, #tpu.memory_space<vmem>>[vector<16xi32>], vector<16xf32>,
      %ge3A_1387 = arith.cmpf oge, %gather3A_1386, %gather3A_299 : vector<16xf32>
      %reduce_or3A_1388 = arith.constant 1.000000e+00 : f32
      %reduce_or3A_1389 = arith.constant 0.000000e+00 : f32
      %reduce_or3A_1390 = vector.broadcast %reduce_or3A_1388 : f32 to vector<16xf32>
      %reduce_or3A_1391 = vector.broadcast %reduce_or3A_1389 : f32 to vector<16xf32>
      %reduce_or3A_1392 = arith.select %ge3A_1387, %reduce_or3A_1390, %reduce_or3A_1391 : vector<16xi1>, vector<16xf32>
      %reduce_or3A_1393 = arith.constant true
      %reduce_or3A_1394 = vector.broadcast %reduce_or3A_1393 : i1 to vector<16xi1>
      %reduce_or3A_1395 = tpu.scan <max>, %reduce_or3A_1392 masked %reduce_or3A_1394 : vector<16xf32>, vector<16xi1> -> vector<16xf32>
      %reduce_or3A_1396 = vector.extract %reduce_or3A_1395[15] : f32 from vector<16xf32>
      %reduce_or3A_1397 = arith.constant 0.000000e+00 : f32
      %reduce_or3A_1398 = arith.cmpf ogt, %reduce_or3A_1396, %reduce_or3A_1397 : f32
      %convert_element_type3A_1399 = arith.extui %reduce_or3A_1398 : i1 to i32
      %cond3A_1400 = arith.constant 0 : i32
      %cond3A_1401 = arith.cmpi ne, %convert_element_type3A_1399, %cond3A_1400 : i32
      %cond3A_1402 = scf.if %cond3A_1401 -> (vector<16xf32>) {
        %jit3A = arith.constant -3.000000e+38 : f32
        %broadcast_in_dim3A_1428 = vector.broadcast %jit3A : f32 to vector<16xf32>
        %select_n3A_1429 = arith.select %ge3A_1387, %gather3A_1386, %broadcast_in_dim3A_1428 : vector<16xi1>, vector<16xf32>
        %sort3A = arith.constant dense<true> : vector<16xi1>
        %sort3A_1430, %sort3A_1431, %sort3A_1432 = tpu.sort %select_n3A_1429, %select_n3A_1429 masked %sort3A : (vector<16xf32>, vector<16xf32>, vector<16xi1>) -> (vector<16xi1>, vector<16xf32>, vector<16xf32>)
        %rev3A_1433 = arith.constant 15 : i32
        %rev3A_1434 = vector.broadcast %rev3A_1433 : i32 to vector<16xi32>
        %rev3A_1435 = tpu.iota {dimensions = array<i32: 0>} : vector<16xi32>
        %rev3A_1436 = arith.subi %rev3A_1434, %rev3A_1435 : vector<16xi32>
        %rev3A_1437 = tpu.dynamic_gather %sort3A_1431[%rev3A_1436] in [0] : vector<16xf32>, vector<16xi32> -> vector<16xf32>
        %max3A = arith.maximumf %cond3A_1377, %rev3A_1437 : vector<16xf32>
        %sort3A_1438 = arith.constant dense<true> : vector<16xi1>
        %sort3A_1439, %sort3A_1440, %sort3A_1441 = tpu.sort %max3A, %max3A masked %sort3A_1438 : (vector<16xf32>, vector<16xf32>, vector<16xi1>) -> (vector<16xi1>, vector<16xf32>, vector<16xf32>)
        scf.yield %sort3A_1440 : vector<16xf32>
      } else {
        scf.yield %cond3A_1377 : vector<16xf32>
      }
      %mul3A_1403 = arith.constant 4 : i32
      %mul3A_1404 = arith.muli %scan3A_1329, %mul3A_1403 : i32
      %add3A_1405 = arith.constant 3 : i32
      %add3A_1406 = arith.addi %mul3A_1404, %add3A_1405 : i32
      %mul3A_1407 = arith.constant 256 : i32
      %mul3A_1408 = arith.muli %add3A_1406, %mul3A_1407 : i32
      %add3A_1409 = vector.broadcast %mul3A_1408 : i32 to vector<16xi32>
      %add3A_1410 = arith.addi %masked_sort3A_291, %add3A_1409 : vector<16xi32>
      %gather3A_1411 = tpu.vector_load_idx %arg6[%add3A_1410] : memref<32768xf32, #tpu.memory_space<vmem>>[vector<16xi32>], vector<16xf32>,
      %ge3A_1412 = arith.cmpf oge, %gather3A_1411, %gather3A_299 : vector<16xf32>
      %reduce_or3A_1413 = arith.constant 1.000000e+00 : f32
      %reduce_or3A_1414 = arith.constant 0.000000e+00 : f32
      %reduce_or3A_1415 = vector.broadcast %reduce_or3A_1413 : f32 to vector<16xf32>
      %reduce_or3A_1416 = vector.broadcast %reduce_or3A_1414 : f32 to vector<16xf32>
      %reduce_or3A_1417 = arith.select %ge3A_1412, %reduce_or3A_1415, %reduce_or3A_1416 : vector<16xi1>, vector<16xf32>
      %reduce_or3A_1418 = arith.constant true
      %reduce_or3A_1419 = vector.broadcast %reduce_or3A_1418 : i1 to vector<16xi1>
      %reduce_or3A_1420 = tpu.scan <max>, %reduce_or3A_1417 masked %reduce_or3A_1419 : vector<16xf32>, vector<16xi1> -> vector<16xf32>
      %reduce_or3A_1421 = vector.extract %reduce_or3A_1420[15] : f32 from vector<16xf32>
      %reduce_or3A_1422 = arith.constant 0.000000e+00 : f32
      %reduce_or3A_1423 = arith.cmpf ogt, %reduce_or3A_1421, %reduce_or3A_1422 : f32
      %convert_element_type3A_1424 = arith.extui %reduce_or3A_1423 : i1 to i32
      %cond3A_1425 = arith.constant 0 : i32
      %cond3A_1426 = arith.cmpi ne, %convert_element_type3A_1424, %cond3A_1425 : i32
      %cond3A_1427 = scf.if %cond3A_1426 -> (vector<16xf32>) {
        %jit3A = arith.constant -3.000000e+38 : f32
        %broadcast_in_dim3A_1428 = vector.broadcast %jit3A : f32 to vector<16xf32>
        %select_n3A_1429 = arith.select %ge3A_1412, %gather3A_1411, %broadcast_in_dim3A_1428 : vector<16xi1>, vector<16xf32>
        %sort3A = arith.constant dense<true> : vector<16xi1>
        %sort3A_1430, %sort3A_1431, %sort3A_1432 = tpu.sort %select_n3A_1429, %select_n3A_1429 masked %sort3A : (vector<16xf32>, vector<16xf32>, vector<16xi1>) -> (vector<16xi1>, vector<16xf32>, vector<16xf32>)
        %rev3A_1433 = arith.constant 15 : i32
        %rev3A_1434 = vector.broadcast %rev3A_1433 : i32 to vector<16xi32>
        %rev3A_1435 = tpu.iota {dimensions = array<i32: 0>} : vector<16xi32>
        %rev3A_1436 = arith.subi %rev3A_1434, %rev3A_1435 : vector<16xi32>
        %rev3A_1437 = tpu.dynamic_gather %sort3A_1431[%rev3A_1436] in [0] : vector<16xf32>, vector<16xi32> -> vector<16xf32>
        %max3A = arith.maximumf %cond3A_1402, %rev3A_1437 : vector<16xf32>
        %sort3A_1438 = arith.constant dense<true> : vector<16xi1>
        %sort3A_1439, %sort3A_1440, %sort3A_1441 = tpu.sort %max3A, %max3A masked %sort3A_1438 : (vector<16xf32>, vector<16xf32>, vector<16xi1>) -> (vector<16xi1>, vector<16xf32>, vector<16xf32>)
        scf.yield %sort3A_1440 : vector<16xf32>
      } else {
        scf.yield %cond3A_1402 : vector<16xf32>
      }
      scf.yield %cond3A_1427 : vector<16xf32>
    }
    %scan3A_1232 = arith.constant 32 : i32
    %rev3A = arith.constant 15 : i32
    %rev3A_1233 = vector.broadcast %rev3A : i32 to vector<16xi32>
    %rev3A_1234 = tpu.iota {dimensions = array<i32: 0>} : vector<16xi32>
    %rev3A_1235 = arith.subi %rev3A_1233, %rev3A_1234 : vector<16xi32>
    %rev3A_1236 = tpu.dynamic_gather %scan3A_1231[%rev3A_1235] in [0] : vector<16xf32>, vector<16xi32> -> vector<16xf32>
    %swap3A = arith.constant 0 : i32
    %swap3A_1237 = arith.index_cast %swap3A : i32 to index
    %swap3A_1238 = arith.constant 0 : index
    %swap3A_1239 = tpu.vector_load %arg8[%swap3A_1237, %swap3A_1238] {strides = array<i32>} : memref<4x16xf32, #tpu.memory_space<vmem>>, vector<16xf32>,
    tpu.vector_store %arg8[%swap3A_1237, %swap3A_1238], %rev3A_1236 {strides = array<i32>} : memref<4x16xf32, #tpu.memory_space<vmem>>, vector<16xf32>,
    %add3A_1240 = arith.constant 1 : i32
    %add3A_1241 = arith.addi %mul3A_2, %add3A_1240 : i32
    %add3A_1242 = arith.constant 1 : i32
    %add3A_1243 = arith.addi %add3A_1241, %add3A_1242 : i32
    %dma_start3A_1244 = arith.constant 0 : i32
    %dma_start3A_1245 = tpu.memref_slice %arg2[%add3A_1243, %dma_start3A_1244] : memref<128x32768xf32, #tpu.memory_space<hbm>> -> memref<1x32768xf32, #tpu.memory_space<hbm>>
    %dma_start3A_1246 = tpu.memref_squeeze %dma_start3A_1245 : memref<1x32768xf32, #tpu.memory_space<hbm>> -> memref<32768xf32, #tpu.memory_space<hbm>>
    %dma_start3A_1247 = arith.constant 0 : i32
    %dma_start3A_1248 = tpu.memref_slice %arg2[%add3A_1243, %dma_start3A_1247] : memref<128x32768xf32, #tpu.memory_space<hbm>> -> memref<1x32768xf32, #tpu.memory_space<hbm>>
    %dma_start3A_1249 = tpu.memref_squeeze %dma_start3A_1248 : memref<1x32768xf32, #tpu.memory_space<hbm>> -> memref<32768xf32, #tpu.memory_space<hbm>>
    tpu.enqueue_dma source(%dma_start3A_1249 : memref<32768xf32, #tpu.memory_space<hbm>>) target(%arg6 : memref<32768xf32, #tpu.memory_space<vmem>>) target_semaphore(%arg9 : memref<!tpu.dma_semaphore, #tpu.memory_space<semaphore_mem>>)
    %dma_wait3A_1250 = arith.constant 0 : i32
    %dma_wait3A_1251 = tpu.memref_slice %arg2[%add3A_1214, %dma_wait3A_1250] : memref<128x32768xf32, #tpu.memory_space<hbm>> -> memref<1x32768xf32, #tpu.memory_space<hbm>>
    %dma_wait3A_1252 = tpu.memref_squeeze %dma_wait3A_1251 : memref<1x32768xf32, #tpu.memory_space<hbm>> -> memref<32768xf32, #tpu.memory_space<hbm>>
    %dma_wait3A_1253 = arith.constant 0 : i32
    %dma_wait3A_1254 = tpu.memref_slice %arg2[%add3A_1214, %dma_wait3A_1253] : memref<128x32768xf32, #tpu.memory_space<hbm>> -> memref<1x32768xf32, #tpu.memory_space<hbm>>
    %dma_wait3A_1255 = tpu.memref_squeeze %dma_wait3A_1254 : memref<1x32768xf32, #tpu.memory_space<hbm>> -> memref<32768xf32, #tpu.memory_space<hbm>>
    tpu.wait_dma2 semaphore(%arg10 : memref<!tpu.dma_semaphore, #tpu.memory_space<semaphore_mem>>) src(%dma_wait3A_1255 : memref<32768xf32, #tpu.memory_space<hbm>>) dst(%arg7 : memref<32768xf32, #tpu.memory_space<vmem>>)
    %broadcast_in_dim3A_1256 = arith.constant -3.000000e+38 : f32
    %broadcast_in_dim3A_1257 = vector.broadcast %broadcast_in_dim3A_1256 : f32 to vector<16xf32>
    %scan3A_1258 = arith.constant 0 : i32
    %scan3A_1259 = arith.constant 32 : i32
    %scan3A_1260 = arith.addi %scan3A_1258, %scan3A_1259 : i32
    %scan3A_1261 = arith.constant 1 : i32
    %scan3A_1262 = scf.for %scan3A_1329 = %scan3A_1258 to %scan3A_1260 step %scan3A_1261 iter_args(%scan3A_1330 = %broadcast_in_dim3A_1257) -> (vector<16xf32>)  : i32 {
      %mul3A_1331 = arith.constant 4 : i32
      %mul3A_1332 = arith.muli %scan3A_1329, %mul3A_1331 : i32
      %add3A_1333 = arith.constant 0 : i32
      %add3A_1334 = arith.addi %mul3A_1332, %add3A_1333 : i32
      %mul3A_1335 = arith.constant 256 : i32
      %mul3A_1336 = arith.muli %add3A_1334, %mul3A_1335 : i32
      %add3A_1337 = vector.broadcast %mul3A_1336 : i32 to vector<16xi32>
      %add3A_1338 = arith.addi %masked_sort3A_591, %add3A_1337 : vector<16xi32>
      %gather3A_1339 = tpu.vector_load_idx %arg7[%add3A_1338] : memref<32768xf32, #tpu.memory_space<vmem>>[vector<16xi32>], vector<16xf32>,
      %ge3A_1340 = arith.cmpf oge, %gather3A_1339, %gather3A_601 : vector<16xf32>
      %reduce_or3A = arith.constant 1.000000e+00 : f32
      %reduce_or3A_1341 = arith.constant 0.000000e+00 : f32
      %reduce_or3A_1342 = vector.broadcast %reduce_or3A : f32 to vector<16xf32>
      %reduce_or3A_1343 = vector.broadcast %reduce_or3A_1341 : f32 to vector<16xf32>
      %reduce_or3A_1344 = arith.select %ge3A_1340, %reduce_or3A_1342, %reduce_or3A_1343 : vector<16xi1>, vector<16xf32>
      %reduce_or3A_1345 = arith.constant true
      %reduce_or3A_1346 = vector.broadcast %reduce_or3A_1345 : i1 to vector<16xi1>
      %reduce_or3A_1347 = tpu.scan <max>, %reduce_or3A_1344 masked %reduce_or3A_1346 : vector<16xf32>, vector<16xi1> -> vector<16xf32>
      %reduce_or3A_1348 = vector.extract %reduce_or3A_1347[15] : f32 from vector<16xf32>
      %reduce_or3A_1349 = arith.constant 0.000000e+00 : f32
      %reduce_or3A_1350 = arith.cmpf ogt, %reduce_or3A_1348, %reduce_or3A_1349 : f32
      %convert_element_type3A = arith.extui %reduce_or3A_1350 : i1 to i32
      %cond3A = arith.constant 0 : i32
      %cond3A_1351 = arith.cmpi ne, %convert_element_type3A, %cond3A : i32
      %cond3A_1352 = scf.if %cond3A_1351 -> (vector<16xf32>) {
        %jit3A = arith.constant -3.000000e+38 : f32
        %broadcast_in_dim3A_1428 = vector.broadcast %jit3A : f32 to vector<16xf32>
        %select_n3A_1429 = arith.select %ge3A_1340, %gather3A_1339, %broadcast_in_dim3A_1428 : vector<16xi1>, vector<16xf32>
        %sort3A = arith.constant dense<true> : vector<16xi1>
        %sort3A_1430, %sort3A_1431, %sort3A_1432 = tpu.sort %select_n3A_1429, %select_n3A_1429 masked %sort3A : (vector<16xf32>, vector<16xf32>, vector<16xi1>) -> (vector<16xi1>, vector<16xf32>, vector<16xf32>)
        %rev3A_1433 = arith.constant 15 : i32
        %rev3A_1434 = vector.broadcast %rev3A_1433 : i32 to vector<16xi32>
        %rev3A_1435 = tpu.iota {dimensions = array<i32: 0>} : vector<16xi32>
        %rev3A_1436 = arith.subi %rev3A_1434, %rev3A_1435 : vector<16xi32>
        %rev3A_1437 = tpu.dynamic_gather %sort3A_1431[%rev3A_1436] in [0] : vector<16xf32>, vector<16xi32> -> vector<16xf32>
        %max3A = arith.maximumf %scan3A_1330, %rev3A_1437 : vector<16xf32>
        %sort3A_1438 = arith.constant dense<true> : vector<16xi1>
        %sort3A_1439, %sort3A_1440, %sort3A_1441 = tpu.sort %max3A, %max3A masked %sort3A_1438 : (vector<16xf32>, vector<16xf32>, vector<16xi1>) -> (vector<16xi1>, vector<16xf32>, vector<16xf32>)
        scf.yield %sort3A_1440 : vector<16xf32>
      } else {
        scf.yield %scan3A_1330 : vector<16xf32>
      }
      %mul3A_1353 = arith.constant 4 : i32
      %mul3A_1354 = arith.muli %scan3A_1329, %mul3A_1353 : i32
      %add3A_1355 = arith.constant 1 : i32
      %add3A_1356 = arith.addi %mul3A_1354, %add3A_1355 : i32
      %mul3A_1357 = arith.constant 256 : i32
      %mul3A_1358 = arith.muli %add3A_1356, %mul3A_1357 : i32
      %add3A_1359 = vector.broadcast %mul3A_1358 : i32 to vector<16xi32>
      %add3A_1360 = arith.addi %masked_sort3A_591, %add3A_1359 : vector<16xi32>
      %gather3A_1361 = tpu.vector_load_idx %arg7[%add3A_1360] : memref<32768xf32, #tpu.memory_space<vmem>>[vector<16xi32>], vector<16xf32>,
      %ge3A_1362 = arith.cmpf oge, %gather3A_1361, %gather3A_601 : vector<16xf32>
      %reduce_or3A_1363 = arith.constant 1.000000e+00 : f32
      %reduce_or3A_1364 = arith.constant 0.000000e+00 : f32
      %reduce_or3A_1365 = vector.broadcast %reduce_or3A_1363 : f32 to vector<16xf32>
      %reduce_or3A_1366 = vector.broadcast %reduce_or3A_1364 : f32 to vector<16xf32>
      %reduce_or3A_1367 = arith.select %ge3A_1362, %reduce_or3A_1365, %reduce_or3A_1366 : vector<16xi1>, vector<16xf32>
      %reduce_or3A_1368 = arith.constant true
      %reduce_or3A_1369 = vector.broadcast %reduce_or3A_1368 : i1 to vector<16xi1>
      %reduce_or3A_1370 = tpu.scan <max>, %reduce_or3A_1367 masked %reduce_or3A_1369 : vector<16xf32>, vector<16xi1> -> vector<16xf32>
      %reduce_or3A_1371 = vector.extract %reduce_or3A_1370[15] : f32 from vector<16xf32>
      %reduce_or3A_1372 = arith.constant 0.000000e+00 : f32
      %reduce_or3A_1373 = arith.cmpf ogt, %reduce_or3A_1371, %reduce_or3A_1372 : f32
      %convert_element_type3A_1374 = arith.extui %reduce_or3A_1373 : i1 to i32
      %cond3A_1375 = arith.constant 0 : i32
      %cond3A_1376 = arith.cmpi ne, %convert_element_type3A_1374, %cond3A_1375 : i32
      %cond3A_1377 = scf.if %cond3A_1376 -> (vector<16xf32>) {
        %jit3A = arith.constant -3.000000e+38 : f32
        %broadcast_in_dim3A_1428 = vector.broadcast %jit3A : f32 to vector<16xf32>
        %select_n3A_1429 = arith.select %ge3A_1362, %gather3A_1361, %broadcast_in_dim3A_1428 : vector<16xi1>, vector<16xf32>
        %sort3A = arith.constant dense<true> : vector<16xi1>
        %sort3A_1430, %sort3A_1431, %sort3A_1432 = tpu.sort %select_n3A_1429, %select_n3A_1429 masked %sort3A : (vector<16xf32>, vector<16xf32>, vector<16xi1>) -> (vector<16xi1>, vector<16xf32>, vector<16xf32>)
        %rev3A_1433 = arith.constant 15 : i32
        %rev3A_1434 = vector.broadcast %rev3A_1433 : i32 to vector<16xi32>
        %rev3A_1435 = tpu.iota {dimensions = array<i32: 0>} : vector<16xi32>
        %rev3A_1436 = arith.subi %rev3A_1434, %rev3A_1435 : vector<16xi32>
        %rev3A_1437 = tpu.dynamic_gather %sort3A_1431[%rev3A_1436] in [0] : vector<16xf32>, vector<16xi32> -> vector<16xf32>
        %max3A = arith.maximumf %cond3A_1352, %rev3A_1437 : vector<16xf32>
        %sort3A_1438 = arith.constant dense<true> : vector<16xi1>
        %sort3A_1439, %sort3A_1440, %sort3A_1441 = tpu.sort %max3A, %max3A masked %sort3A_1438 : (vector<16xf32>, vector<16xf32>, vector<16xi1>) -> (vector<16xi1>, vector<16xf32>, vector<16xf32>)
        scf.yield %sort3A_1440 : vector<16xf32>
      } else {
        scf.yield %cond3A_1352 : vector<16xf32>
      }
      %mul3A_1378 = arith.constant 4 : i32
      %mul3A_1379 = arith.muli %scan3A_1329, %mul3A_1378 : i32
      %add3A_1380 = arith.constant 2 : i32
      %add3A_1381 = arith.addi %mul3A_1379, %add3A_1380 : i32
      %mul3A_1382 = arith.constant 256 : i32
      %mul3A_1383 = arith.muli %add3A_1381, %mul3A_1382 : i32
      %add3A_1384 = vector.broadcast %mul3A_1383 : i32 to vector<16xi32>
      %add3A_1385 = arith.addi %masked_sort3A_591, %add3A_1384 : vector<16xi32>
      %gather3A_1386 = tpu.vector_load_idx %arg7[%add3A_1385] : memref<32768xf32, #tpu.memory_space<vmem>>[vector<16xi32>], vector<16xf32>,
      %ge3A_1387 = arith.cmpf oge, %gather3A_1386, %gather3A_601 : vector<16xf32>
      %reduce_or3A_1388 = arith.constant 1.000000e+00 : f32
      %reduce_or3A_1389 = arith.constant 0.000000e+00 : f32
      %reduce_or3A_1390 = vector.broadcast %reduce_or3A_1388 : f32 to vector<16xf32>
      %reduce_or3A_1391 = vector.broadcast %reduce_or3A_1389 : f32 to vector<16xf32>
      %reduce_or3A_1392 = arith.select %ge3A_1387, %reduce_or3A_1390, %reduce_or3A_1391 : vector<16xi1>, vector<16xf32>
      %reduce_or3A_1393 = arith.constant true
      %reduce_or3A_1394 = vector.broadcast %reduce_or3A_1393 : i1 to vector<16xi1>
      %reduce_or3A_1395 = tpu.scan <max>, %reduce_or3A_1392 masked %reduce_or3A_1394 : vector<16xf32>, vector<16xi1> -> vector<16xf32>
      %reduce_or3A_1396 = vector.extract %reduce_or3A_1395[15] : f32 from vector<16xf32>
      %reduce_or3A_1397 = arith.constant 0.000000e+00 : f32
      %reduce_or3A_1398 = arith.cmpf ogt, %reduce_or3A_1396, %reduce_or3A_1397 : f32
      %convert_element_type3A_1399 = arith.extui %reduce_or3A_1398 : i1 to i32
      %cond3A_1400 = arith.constant 0 : i32
      %cond3A_1401 = arith.cmpi ne, %convert_element_type3A_1399, %cond3A_1400 : i32
      %cond3A_1402 = scf.if %cond3A_1401 -> (vector<16xf32>) {
        %jit3A = arith.constant -3.000000e+38 : f32
        %broadcast_in_dim3A_1428 = vector.broadcast %jit3A : f32 to vector<16xf32>
        %select_n3A_1429 = arith.select %ge3A_1387, %gather3A_1386, %broadcast_in_dim3A_1428 : vector<16xi1>, vector<16xf32>
        %sort3A = arith.constant dense<true> : vector<16xi1>
        %sort3A_1430, %sort3A_1431, %sort3A_1432 = tpu.sort %select_n3A_1429, %select_n3A_1429 masked %sort3A : (vector<16xf32>, vector<16xf32>, vector<16xi1>) -> (vector<16xi1>, vector<16xf32>, vector<16xf32>)
        %rev3A_1433 = arith.constant 15 : i32
        %rev3A_1434 = vector.broadcast %rev3A_1433 : i32 to vector<16xi32>
        %rev3A_1435 = tpu.iota {dimensions = array<i32: 0>} : vector<16xi32>
        %rev3A_1436 = arith.subi %rev3A_1434, %rev3A_1435 : vector<16xi32>
        %rev3A_1437 = tpu.dynamic_gather %sort3A_1431[%rev3A_1436] in [0] : vector<16xf32>, vector<16xi32> -> vector<16xf32>
        %max3A = arith.maximumf %cond3A_1377, %rev3A_1437 : vector<16xf32>
        %sort3A_1438 = arith.constant dense<true> : vector<16xi1>
        %sort3A_1439, %sort3A_1440, %sort3A_1441 = tpu.sort %max3A, %max3A masked %sort3A_1438 : (vector<16xf32>, vector<16xf32>, vector<16xi1>) -> (vector<16xi1>, vector<16xf32>, vector<16xf32>)
        scf.yield %sort3A_1440 : vector<16xf32>
      } else {
        scf.yield %cond3A_1377 : vector<16xf32>
      }
      %mul3A_1403 = arith.constant 4 : i32
      %mul3A_1404 = arith.muli %scan3A_1329, %mul3A_1403 : i32
      %add3A_1405 = arith.constant 3 : i32
      %add3A_1406 = arith.addi %mul3A_1404, %add3A_1405 : i32
      %mul3A_1407 = arith.constant 256 : i32
      %mul3A_1408 = arith.muli %add3A_1406, %mul3A_1407 : i32
      %add3A_1409 = vector.broadcast %mul3A_1408 : i32 to vector<16xi32>
      %add3A_1410 = arith.addi %masked_sort3A_591, %add3A_1409 : vector<16xi32>
      %gather3A_1411 = tpu.vector_load_idx %arg7[%add3A_1410] : memref<32768xf32, #tpu.memory_space<vmem>>[vector<16xi32>], vector<16xf32>,
      %ge3A_1412 = arith.cmpf oge, %gather3A_1411, %gather3A_601 : vector<16xf32>
      %reduce_or3A_1413 = arith.constant 1.000000e+00 : f32
      %reduce_or3A_1414 = arith.constant 0.000000e+00 : f32
      %reduce_or3A_1415 = vector.broadcast %reduce_or3A_1413 : f32 to vector<16xf32>
      %reduce_or3A_1416 = vector.broadcast %reduce_or3A_1414 : f32 to vector<16xf32>
      %reduce_or3A_1417 = arith.select %ge3A_1412, %reduce_or3A_1415, %reduce_or3A_1416 : vector<16xi1>, vector<16xf32>
      %reduce_or3A_1418 = arith.constant true
      %reduce_or3A_1419 = vector.broadcast %reduce_or3A_1418 : i1 to vector<16xi1>
      %reduce_or3A_1420 = tpu.scan <max>, %reduce_or3A_1417 masked %reduce_or3A_1419 : vector<16xf32>, vector<16xi1> -> vector<16xf32>
      %reduce_or3A_1421 = vector.extract %reduce_or3A_1420[15] : f32 from vector<16xf32>
      %reduce_or3A_1422 = arith.constant 0.000000e+00 : f32
      %reduce_or3A_1423 = arith.cmpf ogt, %reduce_or3A_1421, %reduce_or3A_1422 : f32
      %convert_element_type3A_1424 = arith.extui %reduce_or3A_1423 : i1 to i32
      %cond3A_1425 = arith.constant 0 : i32
      %cond3A_1426 = arith.cmpi ne, %convert_element_type3A_1424, %cond3A_1425 : i32
      %cond3A_1427 = scf.if %cond3A_1426 -> (vector<16xf32>) {
        %jit3A = arith.constant -3.000000e+38 : f32
        %broadcast_in_dim3A_1428 = vector.broadcast %jit3A : f32 to vector<16xf32>
        %select_n3A_1429 = arith.select %ge3A_1412, %gather3A_1411, %broadcast_in_dim3A_1428 : vector<16xi1>, vector<16xf32>
        %sort3A = arith.constant dense<true> : vector<16xi1>
        %sort3A_1430, %sort3A_1431, %sort3A_1432 = tpu.sort %select_n3A_1429, %select_n3A_1429 masked %sort3A : (vector<16xf32>, vector<16xf32>, vector<16xi1>) -> (vector<16xi1>, vector<16xf32>, vector<16xf32>)
        %rev3A_1433 = arith.constant 15 : i32
        %rev3A_1434 = vector.broadcast %rev3A_1433 : i32 to vector<16xi32>
        %rev3A_1435 = tpu.iota {dimensions = array<i32: 0>} : vector<16xi32>
        %rev3A_1436 = arith.subi %rev3A_1434, %rev3A_1435 : vector<16xi32>
        %rev3A_1437 = tpu.dynamic_gather %sort3A_1431[%rev3A_1436] in [0] : vector<16xf32>, vector<16xi32> -> vector<16xf32>
        %max3A = arith.maximumf %cond3A_1402, %rev3A_1437 : vector<16xf32>
        %sort3A_1438 = arith.constant dense<true> : vector<16xi1>
        %sort3A_1439, %sort3A_1440, %sort3A_1441 = tpu.sort %max3A, %max3A masked %sort3A_1438 : (vector<16xf32>, vector<16xf32>, vector<16xi1>) -> (vector<16xi1>, vector<16xf32>, vector<16xf32>)
        scf.yield %sort3A_1440 : vector<16xf32>
      } else {
        scf.yield %cond3A_1402 : vector<16xf32>
      }
      scf.yield %cond3A_1427 : vector<16xf32>
    }
    %scan3A_1263 = arith.constant 32 : i32
    %rev3A_1264 = arith.constant 15 : i32
    %rev3A_1265 = vector.broadcast %rev3A_1264 : i32 to vector<16xi32>
    %rev3A_1266 = tpu.iota {dimensions = array<i32: 0>} : vector<16xi32>
    %rev3A_1267 = arith.subi %rev3A_1265, %rev3A_1266 : vector<16xi32>
    %rev3A_1268 = tpu.dynamic_gather %scan3A_1262[%rev3A_1267] in [0] : vector<16xf32>, vector<16xi32> -> vector<16xf32>
    %swap3A_1269 = arith.constant 1 : i32
    %swap3A_1270 = arith.index_cast %swap3A_1269 : i32 to index
    %swap3A_1271 = arith.constant 0 : index
    %swap3A_1272 = tpu.vector_load %arg8[%swap3A_1270, %swap3A_1271] {strides = array<i32>} : memref<4x16xf32, #tpu.memory_space<vmem>>, vector<16xf32>,
    tpu.vector_store %arg8[%swap3A_1270, %swap3A_1271], %rev3A_1268 {strides = array<i32>} : memref<4x16xf32, #tpu.memory_space<vmem>>, vector<16xf32>,
    %add3A_1273 = arith.constant 2 : i32
    %add3A_1274 = arith.addi %mul3A_2, %add3A_1273 : i32
    %add3A_1275 = arith.constant 1 : i32
    %add3A_1276 = arith.addi %add3A_1274, %add3A_1275 : i32
    %dma_start3A_1277 = arith.constant 0 : i32
    %dma_start3A_1278 = tpu.memref_slice %arg2[%add3A_1276, %dma_start3A_1277] : memref<128x32768xf32, #tpu.memory_space<hbm>> -> memref<1x32768xf32, #tpu.memory_space<hbm>>
    %dma_start3A_1279 = tpu.memref_squeeze %dma_start3A_1278 : memref<1x32768xf32, #tpu.memory_space<hbm>> -> memref<32768xf32, #tpu.memory_space<hbm>>
    %dma_start3A_1280 = arith.constant 0 : i32
    %dma_start3A_1281 = tpu.memref_slice %arg2[%add3A_1276, %dma_start3A_1280] : memref<128x32768xf32, #tpu.memory_space<hbm>> -> memref<1x32768xf32, #tpu.memory_space<hbm>>
    %dma_start3A_1282 = tpu.memref_squeeze %dma_start3A_1281 : memref<1x32768xf32, #tpu.memory_space<hbm>> -> memref<32768xf32, #tpu.memory_space<hbm>>
    tpu.enqueue_dma source(%dma_start3A_1282 : memref<32768xf32, #tpu.memory_space<hbm>>) target(%arg7 : memref<32768xf32, #tpu.memory_space<vmem>>) target_semaphore(%arg10 : memref<!tpu.dma_semaphore, #tpu.memory_space<semaphore_mem>>)
    %dma_wait3A_1283 = arith.constant 0 : i32
    %dma_wait3A_1284 = tpu.memref_slice %arg2[%add3A_1243, %dma_wait3A_1283] : memref<128x32768xf32, #tpu.memory_space<hbm>> -> memref<1x32768xf32, #tpu.memory_space<hbm>>
    %dma_wait3A_1285 = tpu.memref_squeeze %dma_wait3A_1284 : memref<1x32768xf32, #tpu.memory_space<hbm>> -> memref<32768xf32, #tpu.memory_space<hbm>>
    %dma_wait3A_1286 = arith.constant 0 : i32
    %dma_wait3A_1287 = tpu.memref_slice %arg2[%add3A_1243, %dma_wait3A_1286] : memref<128x32768xf32, #tpu.memory_space<hbm>> -> memref<1x32768xf32, #tpu.memory_space<hbm>>
    %dma_wait3A_1288 = tpu.memref_squeeze %dma_wait3A_1287 : memref<1x32768xf32, #tpu.memory_space<hbm>> -> memref<32768xf32, #tpu.memory_space<hbm>>
    tpu.wait_dma2 semaphore(%arg9 : memref<!tpu.dma_semaphore, #tpu.memory_space<semaphore_mem>>) src(%dma_wait3A_1288 : memref<32768xf32, #tpu.memory_space<hbm>>) dst(%arg6 : memref<32768xf32, #tpu.memory_space<vmem>>)
    %broadcast_in_dim3A_1289 = arith.constant -3.000000e+38 : f32
    %broadcast_in_dim3A_1290 = vector.broadcast %broadcast_in_dim3A_1289 : f32 to vector<16xf32>
    %scan3A_1291 = arith.constant 0 : i32
    %scan3A_1292 = arith.constant 32 : i32
    %scan3A_1293 = arith.addi %scan3A_1291, %scan3A_1292 : i32
    %scan3A_1294 = arith.constant 1 : i32
    %scan3A_1295 = scf.for %scan3A_1329 = %scan3A_1291 to %scan3A_1293 step %scan3A_1294 iter_args(%scan3A_1330 = %broadcast_in_dim3A_1290) -> (vector<16xf32>)  : i32 {
      %mul3A_1331 = arith.constant 4 : i32
      %mul3A_1332 = arith.muli %scan3A_1329, %mul3A_1331 : i32
      %add3A_1333 = arith.constant 0 : i32
      %add3A_1334 = arith.addi %mul3A_1332, %add3A_1333 : i32
      %mul3A_1335 = arith.constant 256 : i32
      %mul3A_1336 = arith.muli %add3A_1334, %mul3A_1335 : i32
      %add3A_1337 = vector.broadcast %mul3A_1336 : i32 to vector<16xi32>
      %add3A_1338 = arith.addi %masked_sort3A_893, %add3A_1337 : vector<16xi32>
      %gather3A_1339 = tpu.vector_load_idx %arg6[%add3A_1338] : memref<32768xf32, #tpu.memory_space<vmem>>[vector<16xi32>], vector<16xf32>,
      %ge3A_1340 = arith.cmpf oge, %gather3A_1339, %gather3A_903 : vector<16xf32>
      %reduce_or3A = arith.constant 1.000000e+00 : f32
      %reduce_or3A_1341 = arith.constant 0.000000e+00 : f32
      %reduce_or3A_1342 = vector.broadcast %reduce_or3A : f32 to vector<16xf32>
      %reduce_or3A_1343 = vector.broadcast %reduce_or3A_1341 : f32 to vector<16xf32>
      %reduce_or3A_1344 = arith.select %ge3A_1340, %reduce_or3A_1342, %reduce_or3A_1343 : vector<16xi1>, vector<16xf32>
      %reduce_or3A_1345 = arith.constant true
      %reduce_or3A_1346 = vector.broadcast %reduce_or3A_1345 : i1 to vector<16xi1>
      %reduce_or3A_1347 = tpu.scan <max>, %reduce_or3A_1344 masked %reduce_or3A_1346 : vector<16xf32>, vector<16xi1> -> vector<16xf32>
      %reduce_or3A_1348 = vector.extract %reduce_or3A_1347[15] : f32 from vector<16xf32>
      %reduce_or3A_1349 = arith.constant 0.000000e+00 : f32
      %reduce_or3A_1350 = arith.cmpf ogt, %reduce_or3A_1348, %reduce_or3A_1349 : f32
      %convert_element_type3A = arith.extui %reduce_or3A_1350 : i1 to i32
      %cond3A = arith.constant 0 : i32
      %cond3A_1351 = arith.cmpi ne, %convert_element_type3A, %cond3A : i32
      %cond3A_1352 = scf.if %cond3A_1351 -> (vector<16xf32>) {
        %jit3A = arith.constant -3.000000e+38 : f32
        %broadcast_in_dim3A_1428 = vector.broadcast %jit3A : f32 to vector<16xf32>
        %select_n3A_1429 = arith.select %ge3A_1340, %gather3A_1339, %broadcast_in_dim3A_1428 : vector<16xi1>, vector<16xf32>
        %sort3A = arith.constant dense<true> : vector<16xi1>
        %sort3A_1430, %sort3A_1431, %sort3A_1432 = tpu.sort %select_n3A_1429, %select_n3A_1429 masked %sort3A : (vector<16xf32>, vector<16xf32>, vector<16xi1>) -> (vector<16xi1>, vector<16xf32>, vector<16xf32>)
        %rev3A_1433 = arith.constant 15 : i32
        %rev3A_1434 = vector.broadcast %rev3A_1433 : i32 to vector<16xi32>
        %rev3A_1435 = tpu.iota {dimensions = array<i32: 0>} : vector<16xi32>
        %rev3A_1436 = arith.subi %rev3A_1434, %rev3A_1435 : vector<16xi32>
        %rev3A_1437 = tpu.dynamic_gather %sort3A_1431[%rev3A_1436] in [0] : vector<16xf32>, vector<16xi32> -> vector<16xf32>
        %max3A = arith.maximumf %scan3A_1330, %rev3A_1437 : vector<16xf32>
        %sort3A_1438 = arith.constant dense<true> : vector<16xi1>
        %sort3A_1439, %sort3A_1440, %sort3A_1441 = tpu.sort %max3A, %max3A masked %sort3A_1438 : (vector<16xf32>, vector<16xf32>, vector<16xi1>) -> (vector<16xi1>, vector<16xf32>, vector<16xf32>)
        scf.yield %sort3A_1440 : vector<16xf32>
      } else {
        scf.yield %scan3A_1330 : vector<16xf32>
      }
      %mul3A_1353 = arith.constant 4 : i32
      %mul3A_1354 = arith.muli %scan3A_1329, %mul3A_1353 : i32
      %add3A_1355 = arith.constant 1 : i32
      %add3A_1356 = arith.addi %mul3A_1354, %add3A_1355 : i32
      %mul3A_1357 = arith.constant 256 : i32
      %mul3A_1358 = arith.muli %add3A_1356, %mul3A_1357 : i32
      %add3A_1359 = vector.broadcast %mul3A_1358 : i32 to vector<16xi32>
      %add3A_1360 = arith.addi %masked_sort3A_893, %add3A_1359 : vector<16xi32>
      %gather3A_1361 = tpu.vector_load_idx %arg6[%add3A_1360] : memref<32768xf32, #tpu.memory_space<vmem>>[vector<16xi32>], vector<16xf32>,
      %ge3A_1362 = arith.cmpf oge, %gather3A_1361, %gather3A_903 : vector<16xf32>
      %reduce_or3A_1363 = arith.constant 1.000000e+00 : f32
      %reduce_or3A_1364 = arith.constant 0.000000e+00 : f32
      %reduce_or3A_1365 = vector.broadcast %reduce_or3A_1363 : f32 to vector<16xf32>
      %reduce_or3A_1366 = vector.broadcast %reduce_or3A_1364 : f32 to vector<16xf32>
      %reduce_or3A_1367 = arith.select %ge3A_1362, %reduce_or3A_1365, %reduce_or3A_1366 : vector<16xi1>, vector<16xf32>
      %reduce_or3A_1368 = arith.constant true
      %reduce_or3A_1369 = vector.broadcast %reduce_or3A_1368 : i1 to vector<16xi1>
      %reduce_or3A_1370 = tpu.scan <max>, %reduce_or3A_1367 masked %reduce_or3A_1369 : vector<16xf32>, vector<16xi1> -> vector<16xf32>
      %reduce_or3A_1371 = vector.extract %reduce_or3A_1370[15] : f32 from vector<16xf32>
      %reduce_or3A_1372 = arith.constant 0.000000e+00 : f32
      %reduce_or3A_1373 = arith.cmpf ogt, %reduce_or3A_1371, %reduce_or3A_1372 : f32
      %convert_element_type3A_1374 = arith.extui %reduce_or3A_1373 : i1 to i32
      %cond3A_1375 = arith.constant 0 : i32
      %cond3A_1376 = arith.cmpi ne, %convert_element_type3A_1374, %cond3A_1375 : i32
      %cond3A_1377 = scf.if %cond3A_1376 -> (vector<16xf32>) {
        %jit3A = arith.constant -3.000000e+38 : f32
        %broadcast_in_dim3A_1428 = vector.broadcast %jit3A : f32 to vector<16xf32>
        %select_n3A_1429 = arith.select %ge3A_1362, %gather3A_1361, %broadcast_in_dim3A_1428 : vector<16xi1>, vector<16xf32>
        %sort3A = arith.constant dense<true> : vector<16xi1>
        %sort3A_1430, %sort3A_1431, %sort3A_1432 = tpu.sort %select_n3A_1429, %select_n3A_1429 masked %sort3A : (vector<16xf32>, vector<16xf32>, vector<16xi1>) -> (vector<16xi1>, vector<16xf32>, vector<16xf32>)
        %rev3A_1433 = arith.constant 15 : i32
        %rev3A_1434 = vector.broadcast %rev3A_1433 : i32 to vector<16xi32>
        %rev3A_1435 = tpu.iota {dimensions = array<i32: 0>} : vector<16xi32>
        %rev3A_1436 = arith.subi %rev3A_1434, %rev3A_1435 : vector<16xi32>
        %rev3A_1437 = tpu.dynamic_gather %sort3A_1431[%rev3A_1436] in [0] : vector<16xf32>, vector<16xi32> -> vector<16xf32>
        %max3A = arith.maximumf %cond3A_1352, %rev3A_1437 : vector<16xf32>
        %sort3A_1438 = arith.constant dense<true> : vector<16xi1>
        %sort3A_1439, %sort3A_1440, %sort3A_1441 = tpu.sort %max3A, %max3A masked %sort3A_1438 : (vector<16xf32>, vector<16xf32>, vector<16xi1>) -> (vector<16xi1>, vector<16xf32>, vector<16xf32>)
        scf.yield %sort3A_1440 : vector<16xf32>
      } else {
        scf.yield %cond3A_1352 : vector<16xf32>
      }
      %mul3A_1378 = arith.constant 4 : i32
      %mul3A_1379 = arith.muli %scan3A_1329, %mul3A_1378 : i32
      %add3A_1380 = arith.constant 2 : i32
      %add3A_1381 = arith.addi %mul3A_1379, %add3A_1380 : i32
      %mul3A_1382 = arith.constant 256 : i32
      %mul3A_1383 = arith.muli %add3A_1381, %mul3A_1382 : i32
      %add3A_1384 = vector.broadcast %mul3A_1383 : i32 to vector<16xi32>
      %add3A_1385 = arith.addi %masked_sort3A_893, %add3A_1384 : vector<16xi32>
      %gather3A_1386 = tpu.vector_load_idx %arg6[%add3A_1385] : memref<32768xf32, #tpu.memory_space<vmem>>[vector<16xi32>], vector<16xf32>,
      %ge3A_1387 = arith.cmpf oge, %gather3A_1386, %gather3A_903 : vector<16xf32>
      %reduce_or3A_1388 = arith.constant 1.000000e+00 : f32
      %reduce_or3A_1389 = arith.constant 0.000000e+00 : f32
      %reduce_or3A_1390 = vector.broadcast %reduce_or3A_1388 : f32 to vector<16xf32>
      %reduce_or3A_1391 = vector.broadcast %reduce_or3A_1389 : f32 to vector<16xf32>
      %reduce_or3A_1392 = arith.select %ge3A_1387, %reduce_or3A_1390, %reduce_or3A_1391 : vector<16xi1>, vector<16xf32>
      %reduce_or3A_1393 = arith.constant true
      %reduce_or3A_1394 = vector.broadcast %reduce_or3A_1393 : i1 to vector<16xi1>
      %reduce_or3A_1395 = tpu.scan <max>, %reduce_or3A_1392 masked %reduce_or3A_1394 : vector<16xf32>, vector<16xi1> -> vector<16xf32>
      %reduce_or3A_1396 = vector.extract %reduce_or3A_1395[15] : f32 from vector<16xf32>
      %reduce_or3A_1397 = arith.constant 0.000000e+00 : f32
      %reduce_or3A_1398 = arith.cmpf ogt, %reduce_or3A_1396, %reduce_or3A_1397 : f32
      %convert_element_type3A_1399 = arith.extui %reduce_or3A_1398 : i1 to i32
      %cond3A_1400 = arith.constant 0 : i32
      %cond3A_1401 = arith.cmpi ne, %convert_element_type3A_1399, %cond3A_1400 : i32
      %cond3A_1402 = scf.if %cond3A_1401 -> (vector<16xf32>) {
        %jit3A = arith.constant -3.000000e+38 : f32
        %broadcast_in_dim3A_1428 = vector.broadcast %jit3A : f32 to vector<16xf32>
        %select_n3A_1429 = arith.select %ge3A_1387, %gather3A_1386, %broadcast_in_dim3A_1428 : vector<16xi1>, vector<16xf32>
        %sort3A = arith.constant dense<true> : vector<16xi1>
        %sort3A_1430, %sort3A_1431, %sort3A_1432 = tpu.sort %select_n3A_1429, %select_n3A_1429 masked %sort3A : (vector<16xf32>, vector<16xf32>, vector<16xi1>) -> (vector<16xi1>, vector<16xf32>, vector<16xf32>)
        %rev3A_1433 = arith.constant 15 : i32
        %rev3A_1434 = vector.broadcast %rev3A_1433 : i32 to vector<16xi32>
        %rev3A_1435 = tpu.iota {dimensions = array<i32: 0>} : vector<16xi32>
        %rev3A_1436 = arith.subi %rev3A_1434, %rev3A_1435 : vector<16xi32>
        %rev3A_1437 = tpu.dynamic_gather %sort3A_1431[%rev3A_1436] in [0] : vector<16xf32>, vector<16xi32> -> vector<16xf32>
        %max3A = arith.maximumf %cond3A_1377, %rev3A_1437 : vector<16xf32>
        %sort3A_1438 = arith.constant dense<true> : vector<16xi1>
        %sort3A_1439, %sort3A_1440, %sort3A_1441 = tpu.sort %max3A, %max3A masked %sort3A_1438 : (vector<16xf32>, vector<16xf32>, vector<16xi1>) -> (vector<16xi1>, vector<16xf32>, vector<16xf32>)
        scf.yield %sort3A_1440 : vector<16xf32>
      } else {
        scf.yield %cond3A_1377 : vector<16xf32>
      }
      %mul3A_1403 = arith.constant 4 : i32
      %mul3A_1404 = arith.muli %scan3A_1329, %mul3A_1403 : i32
      %add3A_1405 = arith.constant 3 : i32
      %add3A_1406 = arith.addi %mul3A_1404, %add3A_1405 : i32
      %mul3A_1407 = arith.constant 256 : i32
      %mul3A_1408 = arith.muli %add3A_1406, %mul3A_1407 : i32
      %add3A_1409 = vector.broadcast %mul3A_1408 : i32 to vector<16xi32>
      %add3A_1410 = arith.addi %masked_sort3A_893, %add3A_1409 : vector<16xi32>
      %gather3A_1411 = tpu.vector_load_idx %arg6[%add3A_1410] : memref<32768xf32, #tpu.memory_space<vmem>>[vector<16xi32>], vector<16xf32>,
      %ge3A_1412 = arith.cmpf oge, %gather3A_1411, %gather3A_903 : vector<16xf32>
      %reduce_or3A_1413 = arith.constant 1.000000e+00 : f32
      %reduce_or3A_1414 = arith.constant 0.000000e+00 : f32
      %reduce_or3A_1415 = vector.broadcast %reduce_or3A_1413 : f32 to vector<16xf32>
      %reduce_or3A_1416 = vector.broadcast %reduce_or3A_1414 : f32 to vector<16xf32>
      %reduce_or3A_1417 = arith.select %ge3A_1412, %reduce_or3A_1415, %reduce_or3A_1416 : vector<16xi1>, vector<16xf32>
      %reduce_or3A_1418 = arith.constant true
      %reduce_or3A_1419 = vector.broadcast %reduce_or3A_1418 : i1 to vector<16xi1>
      %reduce_or3A_1420 = tpu.scan <max>, %reduce_or3A_1417 masked %reduce_or3A_1419 : vector<16xf32>, vector<16xi1> -> vector<16xf32>
      %reduce_or3A_1421 = vector.extract %reduce_or3A_1420[15] : f32 from vector<16xf32>
      %reduce_or3A_1422 = arith.constant 0.000000e+00 : f32
      %reduce_or3A_1423 = arith.cmpf ogt, %reduce_or3A_1421, %reduce_or3A_1422 : f32
      %convert_element_type3A_1424 = arith.extui %reduce_or3A_1423 : i1 to i32
      %cond3A_1425 = arith.constant 0 : i32
      %cond3A_1426 = arith.cmpi ne, %convert_element_type3A_1424, %cond3A_1425 : i32
      %cond3A_1427 = scf.if %cond3A_1426 -> (vector<16xf32>) {
        %jit3A = arith.constant -3.000000e+38 : f32
        %broadcast_in_dim3A_1428 = vector.broadcast %jit3A : f32 to vector<16xf32>
        %select_n3A_1429 = arith.select %ge3A_1412, %gather3A_1411, %broadcast_in_dim3A_1428 : vector<16xi1>, vector<16xf32>
        %sort3A = arith.constant dense<true> : vector<16xi1>
        %sort3A_1430, %sort3A_1431, %sort3A_1432 = tpu.sort %select_n3A_1429, %select_n3A_1429 masked %sort3A : (vector<16xf32>, vector<16xf32>, vector<16xi1>) -> (vector<16xi1>, vector<16xf32>, vector<16xf32>)
        %rev3A_1433 = arith.constant 15 : i32
        %rev3A_1434 = vector.broadcast %rev3A_1433 : i32 to vector<16xi32>
        %rev3A_1435 = tpu.iota {dimensions = array<i32: 0>} : vector<16xi32>
        %rev3A_1436 = arith.subi %rev3A_1434, %rev3A_1435 : vector<16xi32>
        %rev3A_1437 = tpu.dynamic_gather %sort3A_1431[%rev3A_1436] in [0] : vector<16xf32>, vector<16xi32> -> vector<16xf32>
        %max3A = arith.maximumf %cond3A_1402, %rev3A_1437 : vector<16xf32>
        %sort3A_1438 = arith.constant dense<true> : vector<16xi1>
        %sort3A_1439, %sort3A_1440, %sort3A_1441 = tpu.sort %max3A, %max3A masked %sort3A_1438 : (vector<16xf32>, vector<16xf32>, vector<16xi1>) -> (vector<16xi1>, vector<16xf32>, vector<16xf32>)
        scf.yield %sort3A_1440 : vector<16xf32>
      } else {
        scf.yield %cond3A_1402 : vector<16xf32>
      }
      scf.yield %cond3A_1427 : vector<16xf32>
    }
    %scan3A_1296 = arith.constant 32 : i32
    %rev3A_1297 = arith.constant 15 : i32
    %rev3A_1298 = vector.broadcast %rev3A_1297 : i32 to vector<16xi32>
    %rev3A_1299 = tpu.iota {dimensions = array<i32: 0>} : vector<16xi32>
    %rev3A_1300 = arith.subi %rev3A_1298, %rev3A_1299 : vector<16xi32>
    %rev3A_1301 = tpu.dynamic_gather %scan3A_1295[%rev3A_1300] in [0] : vector<16xf32>, vector<16xi32> -> vector<16xf32>
    %swap3A_1302 = arith.constant 2 : i32
    %swap3A_1303 = arith.index_cast %swap3A_1302 : i32 to index
    %swap3A_1304 = arith.constant 0 : index
    %swap3A_1305 = tpu.vector_load %arg8[%swap3A_1303, %swap3A_1304] {strides = array<i32>} : memref<4x16xf32, #tpu.memory_space<vmem>>, vector<16xf32>,
    tpu.vector_store %arg8[%swap3A_1303, %swap3A_1304], %rev3A_1301 {strides = array<i32>} : memref<4x16xf32, #tpu.memory_space<vmem>>, vector<16xf32>,
    %dma_wait3A_1306 = arith.constant 0 : i32
    %dma_wait3A_1307 = tpu.memref_slice %arg2[%add3A_1276, %dma_wait3A_1306] : memref<128x32768xf32, #tpu.memory_space<hbm>> -> memref<1x32768xf32, #tpu.memory_space<hbm>>
    %dma_wait3A_1308 = tpu.memref_squeeze %dma_wait3A_1307 : memref<1x32768xf32, #tpu.memory_space<hbm>> -> memref<32768xf32, #tpu.memory_space<hbm>>
    %dma_wait3A_1309 = arith.constant 0 : i32
    %dma_wait3A_1310 = tpu.memref_slice %arg2[%add3A_1276, %dma_wait3A_1309] : memref<128x32768xf32, #tpu.memory_space<hbm>> -> memref<1x32768xf32, #tpu.memory_space<hbm>>
    %dma_wait3A_1311 = tpu.memref_squeeze %dma_wait3A_1310 : memref<1x32768xf32, #tpu.memory_space<hbm>> -> memref<32768xf32, #tpu.memory_space<hbm>>
    tpu.wait_dma2 semaphore(%arg10 : memref<!tpu.dma_semaphore, #tpu.memory_space<semaphore_mem>>) src(%dma_wait3A_1311 : memref<32768xf32, #tpu.memory_space<hbm>>) dst(%arg7 : memref<32768xf32, #tpu.memory_space<vmem>>)
    %broadcast_in_dim3A_1312 = arith.constant -3.000000e+38 : f32
    %broadcast_in_dim3A_1313 = vector.broadcast %broadcast_in_dim3A_1312 : f32 to vector<16xf32>
    %scan3A_1314 = arith.constant 0 : i32
    %scan3A_1315 = arith.constant 32 : i32
    %scan3A_1316 = arith.addi %scan3A_1314, %scan3A_1315 : i32
    %scan3A_1317 = arith.constant 1 : i32
    %scan3A_1318 = scf.for %scan3A_1329 = %scan3A_1314 to %scan3A_1316 step %scan3A_1317 iter_args(%scan3A_1330 = %broadcast_in_dim3A_1313) -> (vector<16xf32>)  : i32 {
      %mul3A_1331 = arith.constant 4 : i32
      %mul3A_1332 = arith.muli %scan3A_1329, %mul3A_1331 : i32
      %add3A_1333 = arith.constant 0 : i32
      %add3A_1334 = arith.addi %mul3A_1332, %add3A_1333 : i32
      %mul3A_1335 = arith.constant 256 : i32
      %mul3A_1336 = arith.muli %add3A_1334, %mul3A_1335 : i32
      %add3A_1337 = vector.broadcast %mul3A_1336 : i32 to vector<16xi32>
      %add3A_1338 = arith.addi %masked_sort3A_1195, %add3A_1337 : vector<16xi32>
      %gather3A_1339 = tpu.vector_load_idx %arg7[%add3A_1338] : memref<32768xf32, #tpu.memory_space<vmem>>[vector<16xi32>], vector<16xf32>,
      %ge3A_1340 = arith.cmpf oge, %gather3A_1339, %gather3A_1205 : vector<16xf32>
      %reduce_or3A = arith.constant 1.000000e+00 : f32
      %reduce_or3A_1341 = arith.constant 0.000000e+00 : f32
      %reduce_or3A_1342 = vector.broadcast %reduce_or3A : f32 to vector<16xf32>
      %reduce_or3A_1343 = vector.broadcast %reduce_or3A_1341 : f32 to vector<16xf32>
      %reduce_or3A_1344 = arith.select %ge3A_1340, %reduce_or3A_1342, %reduce_or3A_1343 : vector<16xi1>, vector<16xf32>
      %reduce_or3A_1345 = arith.constant true
      %reduce_or3A_1346 = vector.broadcast %reduce_or3A_1345 : i1 to vector<16xi1>
      %reduce_or3A_1347 = tpu.scan <max>, %reduce_or3A_1344 masked %reduce_or3A_1346 : vector<16xf32>, vector<16xi1> -> vector<16xf32>
      %reduce_or3A_1348 = vector.extract %reduce_or3A_1347[15] : f32 from vector<16xf32>
      %reduce_or3A_1349 = arith.constant 0.000000e+00 : f32
      %reduce_or3A_1350 = arith.cmpf ogt, %reduce_or3A_1348, %reduce_or3A_1349 : f32
      %convert_element_type3A = arith.extui %reduce_or3A_1350 : i1 to i32
      %cond3A = arith.constant 0 : i32
      %cond3A_1351 = arith.cmpi ne, %convert_element_type3A, %cond3A : i32
      %cond3A_1352 = scf.if %cond3A_1351 -> (vector<16xf32>) {
        %jit3A = arith.constant -3.000000e+38 : f32
        %broadcast_in_dim3A_1428 = vector.broadcast %jit3A : f32 to vector<16xf32>
        %select_n3A_1429 = arith.select %ge3A_1340, %gather3A_1339, %broadcast_in_dim3A_1428 : vector<16xi1>, vector<16xf32>
        %sort3A = arith.constant dense<true> : vector<16xi1>
        %sort3A_1430, %sort3A_1431, %sort3A_1432 = tpu.sort %select_n3A_1429, %select_n3A_1429 masked %sort3A : (vector<16xf32>, vector<16xf32>, vector<16xi1>) -> (vector<16xi1>, vector<16xf32>, vector<16xf32>)
        %rev3A_1433 = arith.constant 15 : i32
        %rev3A_1434 = vector.broadcast %rev3A_1433 : i32 to vector<16xi32>
        %rev3A_1435 = tpu.iota {dimensions = array<i32: 0>} : vector<16xi32>
        %rev3A_1436 = arith.subi %rev3A_1434, %rev3A_1435 : vector<16xi32>
        %rev3A_1437 = tpu.dynamic_gather %sort3A_1431[%rev3A_1436] in [0] : vector<16xf32>, vector<16xi32> -> vector<16xf32>
        %max3A = arith.maximumf %scan3A_1330, %rev3A_1437 : vector<16xf32>
        %sort3A_1438 = arith.constant dense<true> : vector<16xi1>
        %sort3A_1439, %sort3A_1440, %sort3A_1441 = tpu.sort %max3A, %max3A masked %sort3A_1438 : (vector<16xf32>, vector<16xf32>, vector<16xi1>) -> (vector<16xi1>, vector<16xf32>, vector<16xf32>)
        scf.yield %sort3A_1440 : vector<16xf32>
      } else {
        scf.yield %scan3A_1330 : vector<16xf32>
      }
      %mul3A_1353 = arith.constant 4 : i32
      %mul3A_1354 = arith.muli %scan3A_1329, %mul3A_1353 : i32
      %add3A_1355 = arith.constant 1 : i32
      %add3A_1356 = arith.addi %mul3A_1354, %add3A_1355 : i32
      %mul3A_1357 = arith.constant 256 : i32
      %mul3A_1358 = arith.muli %add3A_1356, %mul3A_1357 : i32
      %add3A_1359 = vector.broadcast %mul3A_1358 : i32 to vector<16xi32>
      %add3A_1360 = arith.addi %masked_sort3A_1195, %add3A_1359 : vector<16xi32>
      %gather3A_1361 = tpu.vector_load_idx %arg7[%add3A_1360] : memref<32768xf32, #tpu.memory_space<vmem>>[vector<16xi32>], vector<16xf32>,
      %ge3A_1362 = arith.cmpf oge, %gather3A_1361, %gather3A_1205 : vector<16xf32>
      %reduce_or3A_1363 = arith.constant 1.000000e+00 : f32
      %reduce_or3A_1364 = arith.constant 0.000000e+00 : f32
      %reduce_or3A_1365 = vector.broadcast %reduce_or3A_1363 : f32 to vector<16xf32>
      %reduce_or3A_1366 = vector.broadcast %reduce_or3A_1364 : f32 to vector<16xf32>
      %reduce_or3A_1367 = arith.select %ge3A_1362, %reduce_or3A_1365, %reduce_or3A_1366 : vector<16xi1>, vector<16xf32>
      %reduce_or3A_1368 = arith.constant true
      %reduce_or3A_1369 = vector.broadcast %reduce_or3A_1368 : i1 to vector<16xi1>
      %reduce_or3A_1370 = tpu.scan <max>, %reduce_or3A_1367 masked %reduce_or3A_1369 : vector<16xf32>, vector<16xi1> -> vector<16xf32>
      %reduce_or3A_1371 = vector.extract %reduce_or3A_1370[15] : f32 from vector<16xf32>
      %reduce_or3A_1372 = arith.constant 0.000000e+00 : f32
      %reduce_or3A_1373 = arith.cmpf ogt, %reduce_or3A_1371, %reduce_or3A_1372 : f32
      %convert_element_type3A_1374 = arith.extui %reduce_or3A_1373 : i1 to i32
      %cond3A_1375 = arith.constant 0 : i32
      %cond3A_1376 = arith.cmpi ne, %convert_element_type3A_1374, %cond3A_1375 : i32
      %cond3A_1377 = scf.if %cond3A_1376 -> (vector<16xf32>) {
        %jit3A = arith.constant -3.000000e+38 : f32
        %broadcast_in_dim3A_1428 = vector.broadcast %jit3A : f32 to vector<16xf32>
        %select_n3A_1429 = arith.select %ge3A_1362, %gather3A_1361, %broadcast_in_dim3A_1428 : vector<16xi1>, vector<16xf32>
        %sort3A = arith.constant dense<true> : vector<16xi1>
        %sort3A_1430, %sort3A_1431, %sort3A_1432 = tpu.sort %select_n3A_1429, %select_n3A_1429 masked %sort3A : (vector<16xf32>, vector<16xf32>, vector<16xi1>) -> (vector<16xi1>, vector<16xf32>, vector<16xf32>)
        %rev3A_1433 = arith.constant 15 : i32
        %rev3A_1434 = vector.broadcast %rev3A_1433 : i32 to vector<16xi32>
        %rev3A_1435 = tpu.iota {dimensions = array<i32: 0>} : vector<16xi32>
        %rev3A_1436 = arith.subi %rev3A_1434, %rev3A_1435 : vector<16xi32>
        %rev3A_1437 = tpu.dynamic_gather %sort3A_1431[%rev3A_1436] in [0] : vector<16xf32>, vector<16xi32> -> vector<16xf32>
        %max3A = arith.maximumf %cond3A_1352, %rev3A_1437 : vector<16xf32>
        %sort3A_1438 = arith.constant dense<true> : vector<16xi1>
        %sort3A_1439, %sort3A_1440, %sort3A_1441 = tpu.sort %max3A, %max3A masked %sort3A_1438 : (vector<16xf32>, vector<16xf32>, vector<16xi1>) -> (vector<16xi1>, vector<16xf32>, vector<16xf32>)
        scf.yield %sort3A_1440 : vector<16xf32>
      } else {
        scf.yield %cond3A_1352 : vector<16xf32>
      }
      %mul3A_1378 = arith.constant 4 : i32
      %mul3A_1379 = arith.muli %scan3A_1329, %mul3A_1378 : i32
      %add3A_1380 = arith.constant 2 : i32
      %add3A_1381 = arith.addi %mul3A_1379, %add3A_1380 : i32
      %mul3A_1382 = arith.constant 256 : i32
      %mul3A_1383 = arith.muli %add3A_1381, %mul3A_1382 : i32
      %add3A_1384 = vector.broadcast %mul3A_1383 : i32 to vector<16xi32>
      %add3A_1385 = arith.addi %masked_sort3A_1195, %add3A_1384 : vector<16xi32>
      %gather3A_1386 = tpu.vector_load_idx %arg7[%add3A_1385] : memref<32768xf32, #tpu.memory_space<vmem>>[vector<16xi32>], vector<16xf32>,
      %ge3A_1387 = arith.cmpf oge, %gather3A_1386, %gather3A_1205 : vector<16xf32>
      %reduce_or3A_1388 = arith.constant 1.000000e+00 : f32
      %reduce_or3A_1389 = arith.constant 0.000000e+00 : f32
      %reduce_or3A_1390 = vector.broadcast %reduce_or3A_1388 : f32 to vector<16xf32>
      %reduce_or3A_1391 = vector.broadcast %reduce_or3A_1389 : f32 to vector<16xf32>
      %reduce_or3A_1392 = arith.select %ge3A_1387, %reduce_or3A_1390, %reduce_or3A_1391 : vector<16xi1>, vector<16xf32>
      %reduce_or3A_1393 = arith.constant true
      %reduce_or3A_1394 = vector.broadcast %reduce_or3A_1393 : i1 to vector<16xi1>
      %reduce_or3A_1395 = tpu.scan <max>, %reduce_or3A_1392 masked %reduce_or3A_1394 : vector<16xf32>, vector<16xi1> -> vector<16xf32>
      %reduce_or3A_1396 = vector.extract %reduce_or3A_1395[15] : f32 from vector<16xf32>
      %reduce_or3A_1397 = arith.constant 0.000000e+00 : f32
      %reduce_or3A_1398 = arith.cmpf ogt, %reduce_or3A_1396, %reduce_or3A_1397 : f32
      %convert_element_type3A_1399 = arith.extui %reduce_or3A_1398 : i1 to i32
      %cond3A_1400 = arith.constant 0 : i32
      %cond3A_1401 = arith.cmpi ne, %convert_element_type3A_1399, %cond3A_1400 : i32
      %cond3A_1402 = scf.if %cond3A_1401 -> (vector<16xf32>) {
        %jit3A = arith.constant -3.000000e+38 : f32
        %broadcast_in_dim3A_1428 = vector.broadcast %jit3A : f32 to vector<16xf32>
        %select_n3A_1429 = arith.select %ge3A_1387, %gather3A_1386, %broadcast_in_dim3A_1428 : vector<16xi1>, vector<16xf32>
        %sort3A = arith.constant dense<true> : vector<16xi1>
        %sort3A_1430, %sort3A_1431, %sort3A_1432 = tpu.sort %select_n3A_1429, %select_n3A_1429 masked %sort3A : (vector<16xf32>, vector<16xf32>, vector<16xi1>) -> (vector<16xi1>, vector<16xf32>, vector<16xf32>)
        %rev3A_1433 = arith.constant 15 : i32
        %rev3A_1434 = vector.broadcast %rev3A_1433 : i32 to vector<16xi32>
        %rev3A_1435 = tpu.iota {dimensions = array<i32: 0>} : vector<16xi32>
        %rev3A_1436 = arith.subi %rev3A_1434, %rev3A_1435 : vector<16xi32>
        %rev3A_1437 = tpu.dynamic_gather %sort3A_1431[%rev3A_1436] in [0] : vector<16xf32>, vector<16xi32> -> vector<16xf32>
        %max3A = arith.maximumf %cond3A_1377, %rev3A_1437 : vector<16xf32>
        %sort3A_1438 = arith.constant dense<true> : vector<16xi1>
        %sort3A_1439, %sort3A_1440, %sort3A_1441 = tpu.sort %max3A, %max3A masked %sort3A_1438 : (vector<16xf32>, vector<16xf32>, vector<16xi1>) -> (vector<16xi1>, vector<16xf32>, vector<16xf32>)
        scf.yield %sort3A_1440 : vector<16xf32>
      } else {
        scf.yield %cond3A_1377 : vector<16xf32>
      }
      %mul3A_1403 = arith.constant 4 : i32
      %mul3A_1404 = arith.muli %scan3A_1329, %mul3A_1403 : i32
      %add3A_1405 = arith.constant 3 : i32
      %add3A_1406 = arith.addi %mul3A_1404, %add3A_1405 : i32
      %mul3A_1407 = arith.constant 256 : i32
      %mul3A_1408 = arith.muli %add3A_1406, %mul3A_1407 : i32
      %add3A_1409 = vector.broadcast %mul3A_1408 : i32 to vector<16xi32>
      %add3A_1410 = arith.addi %masked_sort3A_1195, %add3A_1409 : vector<16xi32>
      %gather3A_1411 = tpu.vector_load_idx %arg7[%add3A_1410] : memref<32768xf32, #tpu.memory_space<vmem>>[vector<16xi32>], vector<16xf32>,
      %ge3A_1412 = arith.cmpf oge, %gather3A_1411, %gather3A_1205 : vector<16xf32>
      %reduce_or3A_1413 = arith.constant 1.000000e+00 : f32
      %reduce_or3A_1414 = arith.constant 0.000000e+00 : f32
      %reduce_or3A_1415 = vector.broadcast %reduce_or3A_1413 : f32 to vector<16xf32>
      %reduce_or3A_1416 = vector.broadcast %reduce_or3A_1414 : f32 to vector<16xf32>
      %reduce_or3A_1417 = arith.select %ge3A_1412, %reduce_or3A_1415, %reduce_or3A_1416 : vector<16xi1>, vector<16xf32>
      %reduce_or3A_1418 = arith.constant true
      %reduce_or3A_1419 = vector.broadcast %reduce_or3A_1418 : i1 to vector<16xi1>
      %reduce_or3A_1420 = tpu.scan <max>, %reduce_or3A_1417 masked %reduce_or3A_1419 : vector<16xf32>, vector<16xi1> -> vector<16xf32>
      %reduce_or3A_1421 = vector.extract %reduce_or3A_1420[15] : f32 from vector<16xf32>
      %reduce_or3A_1422 = arith.constant 0.000000e+00 : f32
      %reduce_or3A_1423 = arith.cmpf ogt, %reduce_or3A_1421, %reduce_or3A_1422 : f32
      %convert_element_type3A_1424 = arith.extui %reduce_or3A_1423 : i1 to i32
      %cond3A_1425 = arith.constant 0 : i32
      %cond3A_1426 = arith.cmpi ne, %convert_element_type3A_1424, %cond3A_1425 : i32
      %cond3A_1427 = scf.if %cond3A_1426 -> (vector<16xf32>) {
        %jit3A = arith.constant -3.000000e+38 : f32
        %broadcast_in_dim3A_1428 = vector.broadcast %jit3A : f32 to vector<16xf32>
        %select_n3A_1429 = arith.select %ge3A_1412, %gather3A_1411, %broadcast_in_dim3A_1428 : vector<16xi1>, vector<16xf32>
        %sort3A = arith.constant dense<true> : vector<16xi1>
        %sort3A_1430, %sort3A_1431, %sort3A_1432 = tpu.sort %select_n3A_1429, %select_n3A_1429 masked %sort3A : (vector<16xf32>, vector<16xf32>, vector<16xi1>) -> (vector<16xi1>, vector<16xf32>, vector<16xf32>)
        %rev3A_1433 = arith.constant 15 : i32
        %rev3A_1434 = vector.broadcast %rev3A_1433 : i32 to vector<16xi32>
        %rev3A_1435 = tpu.iota {dimensions = array<i32: 0>} : vector<16xi32>
        %rev3A_1436 = arith.subi %rev3A_1434, %rev3A_1435 : vector<16xi32>
        %rev3A_1437 = tpu.dynamic_gather %sort3A_1431[%rev3A_1436] in [0] : vector<16xf32>, vector<16xi32> -> vector<16xf32>
        %max3A = arith.maximumf %cond3A_1402, %rev3A_1437 : vector<16xf32>
        %sort3A_1438 = arith.constant dense<true> : vector<16xi1>
        %sort3A_1439, %sort3A_1440, %sort3A_1441 = tpu.sort %max3A, %max3A masked %sort3A_1438 : (vector<16xf32>, vector<16xf32>, vector<16xi1>) -> (vector<16xi1>, vector<16xf32>, vector<16xf32>)
        scf.yield %sort3A_1440 : vector<16xf32>
      } else {
        scf.yield %cond3A_1402 : vector<16xf32>
      }
      scf.yield %cond3A_1427 : vector<16xf32>
    }
    %scan3A_1319 = arith.constant 32 : i32
    %rev3A_1320 = arith.constant 15 : i32
    %rev3A_1321 = vector.broadcast %rev3A_1320 : i32 to vector<16xi32>
    %rev3A_1322 = tpu.iota {dimensions = array<i32: 0>} : vector<16xi32>
    %rev3A_1323 = arith.subi %rev3A_1321, %rev3A_1322 : vector<16xi32>
    %rev3A_1324 = tpu.dynamic_gather %scan3A_1318[%rev3A_1323] in [0] : vector<16xf32>, vector<16xi32> -> vector<16xf32>
    %swap3A_1325 = arith.constant 3 : i32
    %swap3A_1326 = arith.index_cast %swap3A_1325 : i32 to index
    %swap3A_1327 = arith.constant 0 : index
    %swap3A_1328 = tpu.vector_load %arg8[%swap3A_1326, %swap3A_1327] {strides = array<i32>} : memref<4x16xf32, #tpu.memory_space<vmem>>, vector<16xf32>,
    tpu.vector_store %arg8[%swap3A_1326, %swap3A_1327], %rev3A_1324 {strides = array<i32>} : memref<4x16xf32, #tpu.memory_space<vmem>>, vector<16xf32>,
    "tpu.region"() ({
      %run_scoped3A = tpu.sem_alloc : memref<!tpu.dma_semaphore, #tpu.memory_space<semaphore_mem>>
      %dma_start3A_1329 = arith.constant 0 : i32
      %dma_start3A_1330 = tpu.memref_slice %arg4[%mul3A_2, %dma_start3A_1329] : memref<128x16xf32, #tpu.memory_space<hbm>> -> memref<4x16xf32, #tpu.memory_space<hbm>>
      %dma_start3A_1331 = arith.constant 0 : i32
      %dma_start3A_1332 = tpu.memref_slice %arg4[%mul3A_2, %dma_start3A_1331] : memref<128x16xf32, #tpu.memory_space<hbm>> -> memref<4x16xf32, #tpu.memory_space<hbm>>
      tpu.enqueue_dma source(%arg8 : memref<4x16xf32, #tpu.memory_space<vmem>>) target(%dma_start3A_1332 : memref<4x16xf32, #tpu.memory_space<hbm>>) target_semaphore(%run_scoped3A : memref<!tpu.dma_semaphore, #tpu.memory_space<semaphore_mem>>)
      %dma_wait3A_1333 = arith.constant 0 : i32
      %dma_wait3A_1334 = tpu.memref_slice %arg4[%mul3A_2, %dma_wait3A_1333] : memref<128x16xf32, #tpu.memory_space<hbm>> -> memref<4x16xf32, #tpu.memory_space<hbm>>
      %dma_wait3A_1335 = arith.constant 0 : i32
      %dma_wait3A_1336 = tpu.memref_slice %arg4[%mul3A_2, %dma_wait3A_1335] : memref<128x16xf32, #tpu.memory_space<hbm>> -> memref<4x16xf32, #tpu.memory_space<hbm>>
      tpu.wait_dma2 semaphore(%run_scoped3A : memref<!tpu.dma_semaphore, #tpu.memory_space<semaphore_mem>>) src(%arg8 : memref<4x16xf32, #tpu.memory_space<vmem>>) dst(%dma_wait3A_1336 : memref<4x16xf32, #tpu.memory_space<hbm>>)
      tpu.yield
    }) : () -> ()
    return
  }
}

module attributes {stable_mosaic.version = 14 : i64} {
  func.func @_epilogue_kernel(%arg0: memref<128x1xf32, #tpu.memory_space<vmem>>, %arg1: memref<128x1xf32, #tpu.memory_space<vmem>>, %arg2: memref<1x128xf32, #tpu.memory_space<vmem>>, %arg3: memref<128x1xf32, #tpu.memory_space<vmem>>, %arg4: memref<128x1xi32, #tpu.memory_space<vmem>>, %arg5: memref<1x128xi32, #tpu.memory_space<vmem>>, %arg6: memref<128x16xf32, #tpu.memory_space<vmem>>, %arg7: memref<1x1xf32, #tpu.memory_space<vmem>>) attributes {dimension_semantics = [], scalar_prefetch = 0 : i64, scratch_operands = 0 : i64, tpu.core_type = #tpu.core_type<tc>} {
    %get3A = arith.constant 0 : index
    %get3A_0 = arith.constant 0 : index
    %get3A_1 = vector.load %arg0[%get3A, %get3A_0] : memref<128x1xf32, #tpu.memory_space<vmem>>, vector<128x1xf32>
    %get3A_2 = arith.constant 0 : index
    %get3A_3 = arith.constant 0 : index
    %get3A_4 = vector.load %arg1[%get3A_2, %get3A_3] : memref<128x1xf32, #tpu.memory_space<vmem>>, vector<128x1xf32>
    %get3A_5 = arith.constant 0 : index
    %get3A_6 = arith.constant 0 : index
    %get3A_7 = vector.load %arg2[%get3A_5, %get3A_6] : memref<1x128xf32, #tpu.memory_space<vmem>>, vector<1x128xf32>
    %get3A_8 = arith.constant 0 : index
    %get3A_9 = arith.constant 0 : index
    %get3A_10 = vector.load %arg3[%get3A_8, %get3A_9] : memref<128x1xf32, #tpu.memory_space<vmem>>, vector<128x1xf32>
    %get3A_11 = arith.constant 0 : index
    %get3A_12 = arith.constant 0 : index
    %get3A_13 = vector.load %arg4[%get3A_11, %get3A_12] : memref<128x1xi32, #tpu.memory_space<vmem>>, vector<128x1xi32>
    %get3A_14 = arith.constant 0 : index
    %get3A_15 = arith.constant 0 : index
    %get3A_16 = vector.load %arg5[%get3A_14, %get3A_15] : memref<1x128xi32, #tpu.memory_space<vmem>>, vector<1x128xi32>
    %get3A_17 = arith.constant 0 : index
    %get3A_18 = arith.constant 0 : index
    %get3A_19 = vector.load %arg6[%get3A_17, %get3A_18] : memref<128x16xf32, #tpu.memory_space<vmem>>, vector<128x16xf32>
    %eq3A = vector.broadcast %get3A_13 : vector<128x1xi32> to vector<128x128xi32>
    %eq3A_20 = vector.broadcast %get3A_16 : vector<1x128xi32> to vector<128x128xi32>
    %eq3A_21 = arith.cmpi eq, %eq3A, %eq3A_20 : vector<128x128xi32>
    %convert_element_type3A = arith.extui %eq3A_21 : vector<128x128xi1> to vector<128x128xi32>
    %convert_element_type3A_22 = arith.sitofp %convert_element_type3A : vector<128x128xi32> to vector<128x128xf32>
    %reduce_sum3A = arith.constant dense<0.000000e+00> : vector<128xf32>
    %reduce_sum3A_23 = vector.multi_reduction <add>, %convert_element_type3A_22, %reduce_sum3A [1] : vector<128x128xf32> to vector<128xf32>
    %broadcast_in_dim3A = vector.shape_cast %reduce_sum3A_23 : vector<128xf32> to vector<128x1xf32>
    %div3A = arith.constant 1.280000e+02 : f32
    %div3A_24 = vector.broadcast %div3A : f32 to vector<128x1xf32>
    %div3A_25 = arith.divf %broadcast_in_dim3A, %div3A_24 : vector<128x1xf32>
    %reduce_sum3A_26 = arith.constant dense<0.000000e+00> : vector<128xf32>
    %reduce_sum3A_27 = vector.multi_reduction <add>, %convert_element_type3A_22, %reduce_sum3A_26 [0] : vector<128x128xf32> to vector<128xf32>
    %broadcast_in_dim3A_28 = vector.shape_cast %reduce_sum3A_27 : vector<128xf32> to vector<1x128xf32>
    %div3A_29 = arith.constant 1.280000e+02 : f32
    %div3A_30 = vector.broadcast %div3A_29 : f32 to vector<1x128xf32>
    %div3A_31 = arith.divf %broadcast_in_dim3A_28, %div3A_30 : vector<1x128xf32>
    %reduce_sum3A_32 = vector.shape_cast %convert_element_type3A_22 : vector<128x128xf32> to vector<1x128x128xf32>
    %reduce_sum3A_33 = arith.constant dense<0.000000e+00> : vector<1xf32>
    %reduce_sum3A_34 = vector.multi_reduction <add>, %reduce_sum3A_32, %reduce_sum3A_33 [1, 2] : vector<1x128x128xf32> to vector<1xf32>
    %reduce_sum3A_35 = vector.shape_cast %reduce_sum3A_34 : vector<1xf32> to vector<1x1x1xf32>
    %reduce_sum3A_36 = vector.extract %reduce_sum3A_35[0, 0, 0] : f32 from vector<1x1x1xf32>
    %div3A_37 = arith.constant 1.638400e+04 : f32
    %div3A_38 = arith.divf %reduce_sum3A_36, %div3A_37 : f32
    %sub3A = vector.broadcast %div3A_38 : f32 to vector<128x1xf32>
    %sub3A_39 = arith.subf %sub3A, %div3A_25 : vector<128x1xf32>
    %sub3A_40 = vector.broadcast %div3A_38 : f32 to vector<1x128xf32>
    %sub3A_41 = arith.subf %sub3A_40, %div3A_31 : vector<1x128xf32>
    %ge3A = arith.constant 0.000000e+00 : f32
    %ge3A_42 = vector.broadcast %ge3A : f32 to vector<128x1xf32>
    %ge3A_43 = arith.cmpf oge, %sub3A_39, %ge3A_42 : vector<128x1xf32>
    %ge3A_44 = arith.constant 0.000000e+00 : f32
    %ge3A_45 = vector.broadcast %ge3A_44 : f32 to vector<1x128xf32>
    %ge3A_46 = arith.cmpf oge, %sub3A_41, %ge3A_45 : vector<1x128xf32>
    %convert_element_type3A_47 = arith.extui %ge3A_46 : vector<1x128xi1> to vector<1x128xi32>
    %convert_element_type3A_48 = arith.sitofp %convert_element_type3A_47 : vector<1x128xi32> to vector<1x128xf32>
    %reduce_sum3A_49 = vector.shape_cast %convert_element_type3A_48 : vector<1x128xf32> to vector<1x1x128xf32>
    %reduce_sum3A_50 = arith.constant dense<0.000000e+00> : vector<1xf32>
    %reduce_sum3A_51 = vector.multi_reduction <add>, %reduce_sum3A_49, %reduce_sum3A_50 [1, 2] : vector<1x1x128xf32> to vector<1xf32>
    %reduce_sum3A_52 = vector.shape_cast %reduce_sum3A_51 : vector<1xf32> to vector<1x1x1xf32>
    %reduce_sum3A_53 = vector.extract %reduce_sum3A_52[0, 0, 0] : f32 from vector<1x1x1xf32>
    %div3A_54 = arith.constant 1.000000e+00 : f32
    %div3A_55 = vector.broadcast %div3A_54 : f32 to vector<128x1xf32>
    %div3A_56 = arith.divf %div3A_55, %get3A_4 : vector<128x1xf32>
    %div3A_57 = arith.constant 1.000000e+00 : f32
    %div3A_58 = vector.broadcast %div3A_57 : f32 to vector<1x128xf32>
    %div3A_59 = arith.divf %div3A_58, %get3A_7 : vector<1x128xf32>
    %lt3A = vector.broadcast %sub3A_41 : vector<1x128xf32> to vector<128x128xf32>
    %lt3A_60 = vector.broadcast %sub3A_39 : vector<128x1xf32> to vector<128x128xf32>
    %lt3A_61 = arith.cmpf olt, %lt3A, %lt3A_60 : vector<128x128xf32>
    %and3A = vector.broadcast %ge3A_46 : vector<1x128xi1> to vector<128x128xi1>
    %and3A_62 = arith.andi %and3A, %lt3A_61 : vector<128x128xi1>
    %jit3A = arith.constant 1.000000e+00 : f32
    %jit3A_63 = arith.constant 0.000000e+00 : f32
    %broadcast_in_dim3A_64 = vector.broadcast %jit3A : f32 to vector<128x128xf32>
    %broadcast_in_dim3A_65 = vector.broadcast %jit3A_63 : f32 to vector<128x128xf32>
    %select_n3A = arith.select %and3A_62, %broadcast_in_dim3A_64, %broadcast_in_dim3A_65 : vector<128x128xi1>, vector<128x128xf32>
    %reduce_sum3A_66 = arith.constant dense<0.000000e+00> : vector<128xf32>
    %reduce_sum3A_67 = vector.multi_reduction <add>, %select_n3A, %reduce_sum3A_66 [1] : vector<128x128xf32> to vector<128xf32>
    %broadcast_in_dim3A_68 = vector.shape_cast %reduce_sum3A_67 : vector<128xf32> to vector<128x1xf32>
    %le3A = vector.broadcast %sub3A_41 : vector<1x128xf32> to vector<128x128xf32>
    %le3A_69 = vector.broadcast %sub3A_39 : vector<128x1xf32> to vector<128x128xf32>
    %le3A_70 = arith.cmpf ole, %le3A, %le3A_69 : vector<128x128xf32>
    %and3A_71 = vector.broadcast %ge3A_46 : vector<1x128xi1> to vector<128x128xi1>
    %and3A_72 = arith.andi %and3A_71, %le3A_70 : vector<128x128xi1>
    %jit3A_73 = arith.constant 1.000000e+00 : f32
    %jit3A_74 = arith.constant 0.000000e+00 : f32
    %broadcast_in_dim3A_75 = vector.broadcast %jit3A_73 : f32 to vector<128x128xf32>
    %broadcast_in_dim3A_76 = vector.broadcast %jit3A_74 : f32 to vector<128x128xf32>
    %select_n3A_77 = arith.select %and3A_72, %broadcast_in_dim3A_75, %broadcast_in_dim3A_76 : vector<128x128xi1>, vector<128x128xf32>
    %reduce_sum3A_78 = arith.constant dense<0.000000e+00> : vector<128xf32>
    %reduce_sum3A_79 = vector.multi_reduction <add>, %select_n3A_77, %reduce_sum3A_78 [1] : vector<128x128xf32> to vector<128xf32>
    %broadcast_in_dim3A_80 = vector.shape_cast %reduce_sum3A_79 : vector<128xf32> to vector<128x1xf32>
    %add3A = arith.constant 1.000000e+00 : f32
    %add3A_81 = vector.broadcast %add3A : f32 to vector<128x1xf32>
    %add3A_82 = arith.addf %broadcast_in_dim3A_68, %add3A_81 : vector<128x1xf32>
    %add3A_83 = arith.addf %add3A_82, %broadcast_in_dim3A_80 : vector<128x1xf32>
    %mul3A = arith.constant 5.000000e-01 : f32
    %mul3A_84 = vector.broadcast %mul3A : f32 to vector<128x1xf32>
    %mul3A_85 = arith.mulf %add3A_83, %mul3A_84 : vector<128x1xf32>
    %max3A = arith.constant 1.000000e+00 : f32
    %max3A_86 = arith.maximumf %reduce_sum3A_53, %max3A : f32
    %div3A_87 = vector.broadcast %max3A_86 : f32 to vector<128x1xf32>
    %div3A_88 = arith.divf %mul3A_85, %div3A_87 : vector<128x1xf32>
    %jit3A_89 = arith.constant 0.000000e+00 : f32
    %broadcast_in_dim3A_90 = vector.broadcast %jit3A_89 : f32 to vector<128x1xf32>
    %select_n3A_91 = arith.select %ge3A_43, %div3A_88, %broadcast_in_dim3A_90 : vector<128x1xi1>, vector<128x1xf32>
    %lt3A_92 = vector.broadcast %div3A_59 : vector<1x128xf32> to vector<128x128xf32>
    %lt3A_93 = vector.broadcast %div3A_56 : vector<128x1xf32> to vector<128x128xf32>
    %lt3A_94 = arith.cmpf olt, %lt3A_92, %lt3A_93 : vector<128x128xf32>
    %and3A_95 = vector.broadcast %ge3A_46 : vector<1x128xi1> to vector<128x128xi1>
    %and3A_96 = arith.andi %and3A_95, %lt3A_94 : vector<128x128xi1>
    %jit3A_97 = arith.constant 1.000000e+00 : f32
    %jit3A_98 = arith.constant 0.000000e+00 : f32
    %broadcast_in_dim3A_99 = vector.broadcast %jit3A_97 : f32 to vector<128x128xf32>
    %broadcast_in_dim3A_100 = vector.broadcast %jit3A_98 : f32 to vector<128x128xf32>
    %select_n3A_101 = arith.select %and3A_96, %broadcast_in_dim3A_99, %broadcast_in_dim3A_100 : vector<128x128xi1>, vector<128x128xf32>
    %reduce_sum3A_102 = arith.constant dense<0.000000e+00> : vector<128xf32>
    %reduce_sum3A_103 = vector.multi_reduction <add>, %select_n3A_101, %reduce_sum3A_102 [1] : vector<128x128xf32> to vector<128xf32>
    %broadcast_in_dim3A_104 = vector.shape_cast %reduce_sum3A_103 : vector<128xf32> to vector<128x1xf32>
    %le3A_105 = vector.broadcast %div3A_59 : vector<1x128xf32> to vector<128x128xf32>
    %le3A_106 = vector.broadcast %div3A_56 : vector<128x1xf32> to vector<128x128xf32>
    %le3A_107 = arith.cmpf ole, %le3A_105, %le3A_106 : vector<128x128xf32>
    %and3A_108 = vector.broadcast %ge3A_46 : vector<1x128xi1> to vector<128x128xi1>
    %and3A_109 = arith.andi %and3A_108, %le3A_107 : vector<128x128xi1>
    %jit3A_110 = arith.constant 1.000000e+00 : f32
    %jit3A_111 = arith.constant 0.000000e+00 : f32
    %broadcast_in_dim3A_112 = vector.broadcast %jit3A_110 : f32 to vector<128x128xf32>
    %broadcast_in_dim3A_113 = vector.broadcast %jit3A_111 : f32 to vector<128x128xf32>
    %select_n3A_114 = arith.select %and3A_109, %broadcast_in_dim3A_112, %broadcast_in_dim3A_113 : vector<128x128xi1>, vector<128x128xf32>
    %reduce_sum3A_115 = arith.constant dense<0.000000e+00> : vector<128xf32>
    %reduce_sum3A_116 = vector.multi_reduction <add>, %select_n3A_114, %reduce_sum3A_115 [1] : vector<128x128xf32> to vector<128xf32>
    %broadcast_in_dim3A_117 = vector.shape_cast %reduce_sum3A_116 : vector<128xf32> to vector<128x1xf32>
    %add3A_118 = arith.constant 1.000000e+00 : f32
    %add3A_119 = vector.broadcast %add3A_118 : f32 to vector<128x1xf32>
    %add3A_120 = arith.addf %broadcast_in_dim3A_104, %add3A_119 : vector<128x1xf32>
    %add3A_121 = arith.addf %add3A_120, %broadcast_in_dim3A_117 : vector<128x1xf32>
    %mul3A_122 = arith.constant 5.000000e-01 : f32
    %mul3A_123 = vector.broadcast %mul3A_122 : f32 to vector<128x1xf32>
    %mul3A_124 = arith.mulf %add3A_121, %mul3A_123 : vector<128x1xf32>
    %max3A_125 = arith.constant 1.000000e+00 : f32
    %max3A_126 = arith.maximumf %reduce_sum3A_53, %max3A_125 : f32
    %div3A_127 = vector.broadcast %max3A_126 : f32 to vector<128x1xf32>
    %div3A_128 = arith.divf %mul3A_124, %div3A_127 : vector<128x1xf32>
    %jit3A_129 = arith.constant 0.000000e+00 : f32
    %broadcast_in_dim3A_130 = vector.broadcast %jit3A_129 : f32 to vector<128x1xf32>
    %select_n3A_131 = arith.select %ge3A_43, %div3A_128, %broadcast_in_dim3A_130 : vector<128x1xi1>, vector<128x1xf32>
    %log3A = math.log %get3A_4 : vector<128x1xf32>
    %div3A_132 = arith.divf %get3A_10, %get3A_4 : vector<128x1xf32>
    %sub3A_133 = arith.subf %log3A, %div3A_132 : vector<128x1xf32>
    %iota3A = tpu.iota {dimensions = array<i32: 1>} : vector<128x16xi32>
    %lt3A_134 = arith.constant 10 : i32
    %lt3A_135 = vector.broadcast %lt3A_134 : i32 to vector<128x16xi32>
    %lt3A_136 = arith.cmpi slt, %iota3A, %lt3A_135 : vector<128x16xi32>
    %slice3A = vector.extract_strided_slice %get3A_19 {offsets = [0, 0], sizes = [128, 1], strides = [1, 1]} : vector<128x16xf32> to vector<128x1xf32>
    %sub3A_137 = vector.broadcast %slice3A : vector<128x1xf32> to vector<128x16xf32>
    %sub3A_138 = arith.subf %get3A_19, %sub3A_137 : vector<128x16xf32>
    %exp3A = math.exp %sub3A_138 : vector<128x16xf32>
    %jit3A_139 = arith.constant 0.000000e+00 : f32
    %broadcast_in_dim3A_140 = vector.broadcast %jit3A_139 : f32 to vector<128x16xf32>
    %select_n3A_141 = arith.select %lt3A_136, %exp3A, %broadcast_in_dim3A_140 : vector<128x16xi1>, vector<128x16xf32>
    %reduce_sum3A_142 = arith.constant dense<0.000000e+00> : vector<128xf32>
    %reduce_sum3A_143 = vector.multi_reduction <add>, %select_n3A_141, %reduce_sum3A_142 [1] : vector<128x16xf32> to vector<128xf32>
    %broadcast_in_dim3A_144 = vector.shape_cast %reduce_sum3A_143 : vector<128xf32> to vector<128x1xf32>
    %div3A_145 = vector.broadcast %broadcast_in_dim3A_144 : vector<128x1xf32> to vector<128x16xf32>
    %div3A_146 = arith.divf %select_n3A_141, %div3A_145 : vector<128x16xf32>
    %add3A_147 = arith.constant 9.99999993E-9 : f32
    %add3A_148 = vector.broadcast %add3A_147 : f32 to vector<128x16xf32>
    %add3A_149 = arith.addf %div3A_146, %add3A_148 : vector<128x16xf32>
    %log3A_150 = math.log %add3A_149 : vector<128x16xf32>
    %mul3A_151 = arith.mulf %div3A_146, %log3A_150 : vector<128x16xf32>
    %jit3A_152 = arith.constant 0.000000e+00 : f32
    %broadcast_in_dim3A_153 = vector.broadcast %jit3A_152 : f32 to vector<128x16xf32>
    %select_n3A_154 = arith.select %lt3A_136, %mul3A_151, %broadcast_in_dim3A_153 : vector<128x16xi1>, vector<128x16xf32>
    %reduce_sum3A_155 = arith.constant dense<0.000000e+00> : vector<128xf32>
    %reduce_sum3A_156 = vector.multi_reduction <add>, %select_n3A_154, %reduce_sum3A_155 [1] : vector<128x16xf32> to vector<128xf32>
    %broadcast_in_dim3A_157 = vector.shape_cast %reduce_sum3A_156 : vector<128xf32> to vector<128x1xf32>
    %neg3A = arith.constant 0.000000e+00 : f32
    %neg3A_158 = vector.broadcast %neg3A : f32 to vector<128x1xf32>
    %neg3A_159 = arith.subf %neg3A_158, %broadcast_in_dim3A_157 : vector<128x1xf32>
    %sub3A_160 = vector.broadcast %get3A_1 : vector<128x1xf32> to vector<128x16xf32>
    %sub3A_161 = arith.subf %get3A_19, %sub3A_160 : vector<128x16xf32>
    %exp3A_162 = math.exp %sub3A_161 : vector<128x16xf32>
    %jit3A_163 = arith.constant 0.000000e+00 : f32
    %broadcast_in_dim3A_164 = vector.broadcast %jit3A_163 : f32 to vector<128x16xf32>
    %select_n3A_165 = arith.select %lt3A_136, %exp3A_162, %broadcast_in_dim3A_164 : vector<128x16xi1>, vector<128x16xf32>
    %reduce_sum3A_166 = arith.constant dense<0.000000e+00> : vector<128xf32>
    %reduce_sum3A_167 = vector.multi_reduction <add>, %select_n3A_165, %reduce_sum3A_166 [1] : vector<128x16xf32> to vector<128xf32>
    %broadcast_in_dim3A_168 = vector.shape_cast %reduce_sum3A_167 : vector<128xf32> to vector<128x1xf32>
    %sub3A_169 = arith.subf %get3A_4, %broadcast_in_dim3A_168 : vector<128x1xf32>
    %sub3A_170 = vector.broadcast %get3A_1 : vector<128x1xf32> to vector<128x16xf32>
    %sub3A_171 = arith.subf %get3A_19, %sub3A_170 : vector<128x16xf32>
    %mul3A_172 = arith.mulf %sub3A_171, %select_n3A_165 : vector<128x16xf32>
    %jit3A_173 = arith.constant 0.000000e+00 : f32
    %broadcast_in_dim3A_174 = vector.broadcast %jit3A_173 : f32 to vector<128x16xf32>
    %select_n3A_175 = arith.select %lt3A_136, %mul3A_172, %broadcast_in_dim3A_174 : vector<128x16xi1>, vector<128x16xf32>
    %reduce_sum3A_176 = arith.constant dense<0.000000e+00> : vector<128xf32>
    %reduce_sum3A_177 = vector.multi_reduction <add>, %select_n3A_175, %reduce_sum3A_176 [1] : vector<128x16xf32> to vector<128xf32>
    %broadcast_in_dim3A_178 = vector.shape_cast %reduce_sum3A_177 : vector<128xf32> to vector<128x1xf32>
    %sub3A_179 = arith.subf %get3A_10, %broadcast_in_dim3A_178 : vector<128x1xf32>
    %log3A_180 = math.log %sub3A_169 : vector<128x1xf32>
    %div3A_181 = arith.divf %sub3A_179, %sub3A_169 : vector<128x1xf32>
    %sub3A_182 = arith.subf %log3A_180, %div3A_181 : vector<128x1xf32>
    %slice3A_183 = vector.extract_strided_slice %get3A_19 {offsets = [0, 1], sizes = [128, 1], strides = [1, 1]} : vector<128x16xf32> to vector<128x1xf32>
    %sub3A_184 = arith.subf %slice3A_183, %get3A_1 : vector<128x1xf32>
    %exp3A_185 = math.exp %sub3A_184 : vector<128x1xf32>
    %sub3A_186 = arith.constant 1.000000e+00 : f32
    %sub3A_187 = vector.broadcast %sub3A_186 : f32 to vector<128x1xf32>
    %sub3A_188 = arith.subf %sub3A_187, %exp3A_185 : vector<128x1xf32>
    %div3A_189 = arith.divf %sub3A_188, %get3A_4 : vector<128x1xf32>
    %gt3A = arith.constant 0.00999999977 : f32
    %gt3A_190 = vector.broadcast %gt3A : f32 to vector<128x1xf32>
    %gt3A_191 = arith.cmpf ogt, %div3A_189, %gt3A_190 : vector<128x1xf32>
    %mul3A_192 = arith.mulf %select_n3A_91, %select_n3A_131 : vector<128x1xf32>
    %jit3A_193 = arith.constant -5.000000e-01 : f32
    %broadcast_in_dim3A_194 = vector.broadcast %jit3A_193 : f32 to vector<128x1xf32>
    %select_n3A_195 = arith.select %ge3A_43, %mul3A_192, %broadcast_in_dim3A_194 : vector<128x1xi1>, vector<128x1xf32>
    %select_n3A_196 = arith.select %ge3A_43, %neg3A_159, %sub3A_182 : vector<128x1xi1>, vector<128x1xf32>
    %select_n3A_197 = arith.select %gt3A_191, %sub3A_133, %select_n3A_196 : vector<128x1xi1>, vector<128x1xf32>
    %mul3A_198 = arith.mulf %select_n3A_195, %select_n3A_197 : vector<128x1xf32>
    %reduce_sum3A_199 = vector.shape_cast %mul3A_198 : vector<128x1xf32> to vector<1x128x1xf32>
    %reduce_sum3A_200 = arith.constant dense<0.000000e+00> : vector<1xf32>
    %reduce_sum3A_201 = vector.multi_reduction <add>, %reduce_sum3A_199, %reduce_sum3A_200 [1, 2] : vector<1x128x1xf32> to vector<1xf32>
    %reduce_sum3A_202 = vector.shape_cast %reduce_sum3A_201 : vector<1xf32> to vector<1x1x1xf32>
    %reduce_sum3A_203 = vector.extract %reduce_sum3A_202[0, 0, 0] : f32 from vector<1x1x1xf32>
    %div3A_204 = arith.constant 1.280000e+02 : f32
    %div3A_205 = arith.divf %reduce_sum3A_203, %div3A_204 : f32
    %reshape3A = vector.broadcast %div3A_205 : f32 to vector<1x1xf32>
    %swap3A = arith.constant 0 : index
    %swap3A_206 = arith.constant 0 : index
    %swap3A_207 = vector.load %arg7[%swap3A, %swap3A_206] : memref<1x1xf32, #tpu.memory_space<vmem>>, vector<1x1xf32>
    tpu.vector_store %arg7[%swap3A, %swap3A_206], %reshape3A {strides = array<i32>} : memref<1x1xf32, #tpu.memory_space<vmem>>, vector<1x1xf32>,
    return
  }
}

module attributes {stable_mosaic.version = 14 : i64} {
  func.func @_tc_stats_kernel(%arg0: i32, %arg1: memref<8x32768xf32, #tpu.memory_space<vmem>>, %arg2: memref<8x1xf32, #tpu.memory_space<vmem>>, %arg3: memref<8x1xf32, #tpu.memory_space<vmem>>, %arg4: memref<8x1xf32, #tpu.memory_space<vmem>>, %arg5: memref<8x1xi32, #tpu.memory_space<vmem>>, %arg6: memref<8x256xf32, #tpu.memory_space<vmem>>) attributes {dimension_semantics = [#tpu.dimension_semantics<arbitrary>], iteration_bounds = array<i64: 16>, scalar_prefetch = 0 : i64, scratch_operands = 0 : i64, tpu.core_type = #tpu.core_type<tc>, window_params = [{transform_indices = @transform_0, window_bounds = array<i64: 8, 32768>}, {transform_indices = @transform_1, window_bounds = array<i64: 8, 1>}, {transform_indices = @transform_2, window_bounds = array<i64: 8, 1>}, {transform_indices = @transform_3, window_bounds = array<i64: 8, 1>}, {transform_indices = @transform_4, window_bounds = array<i64: 8, 1>}, {transform_indices = @transform_5, window_bounds = array<i64: 8, 256>}]} {
    %get3A = arith.constant 0 : index
    %get3A_0 = arith.constant 0 : index
    %get3A_1 = vector.load %arg1[%get3A, %get3A_0] : memref<8x32768xf32, #tpu.memory_space<vmem>>, vector<8x32768xf32>
    %slice3A = vector.extract_strided_slice %get3A_1 {offsets = [0, 0], sizes = [8, 256], strides = [1, 1]} : vector<8x32768xf32> to vector<8x256xf32>
    %broadcast_in_dim3A = arith.constant 0 : i32
    %broadcast_in_dim3A_2 = vector.broadcast %broadcast_in_dim3A : i32 to vector<8x256xi32>
    %slice3A_3 = vector.extract_strided_slice %get3A_1 {offsets = [0, 256], sizes = [8, 256], strides = [1, 1]} : vector<8x32768xf32> to vector<8x256xf32>
    %gt3A = arith.cmpf ogt, %slice3A_3, %slice3A : vector<8x256xf32>
    %jit3A = arith.constant 1 : i32
    %broadcast_in_dim3A_4 = vector.broadcast %jit3A : i32 to vector<8x256xi32>
    %select_n3A = arith.select %gt3A, %broadcast_in_dim3A_4, %broadcast_in_dim3A_2 : vector<8x256xi1>, vector<8x256xi32>
    %max3A = arith.maximumf %slice3A, %slice3A_3 : vector<8x256xf32>
    %slice3A_5 = vector.extract_strided_slice %get3A_1 {offsets = [0, 512], sizes = [8, 256], strides = [1, 1]} : vector<8x32768xf32> to vector<8x256xf32>
    %gt3A_6 = arith.cmpf ogt, %slice3A_5, %max3A : vector<8x256xf32>
    %jit3A_7 = arith.constant 2 : i32
    %broadcast_in_dim3A_8 = vector.broadcast %jit3A_7 : i32 to vector<8x256xi32>
    %select_n3A_9 = arith.select %gt3A_6, %broadcast_in_dim3A_8, %select_n3A : vector<8x256xi1>, vector<8x256xi32>
    %max3A_10 = arith.maximumf %max3A, %slice3A_5 : vector<8x256xf32>
    %slice3A_11 = vector.extract_strided_slice %get3A_1 {offsets = [0, 768], sizes = [8, 256], strides = [1, 1]} : vector<8x32768xf32> to vector<8x256xf32>
    %gt3A_12 = arith.cmpf ogt, %slice3A_11, %max3A_10 : vector<8x256xf32>
    %jit3A_13 = arith.constant 3 : i32
    %broadcast_in_dim3A_14 = vector.broadcast %jit3A_13 : i32 to vector<8x256xi32>
    %select_n3A_15 = arith.select %gt3A_12, %broadcast_in_dim3A_14, %select_n3A_9 : vector<8x256xi1>, vector<8x256xi32>
    %max3A_16 = arith.maximumf %max3A_10, %slice3A_11 : vector<8x256xf32>
    %slice3A_17 = vector.extract_strided_slice %get3A_1 {offsets = [0, 1024], sizes = [8, 256], strides = [1, 1]} : vector<8x32768xf32> to vector<8x256xf32>
    %gt3A_18 = arith.cmpf ogt, %slice3A_17, %max3A_16 : vector<8x256xf32>
    %jit3A_19 = arith.constant 4 : i32
    %broadcast_in_dim3A_20 = vector.broadcast %jit3A_19 : i32 to vector<8x256xi32>
    %select_n3A_21 = arith.select %gt3A_18, %broadcast_in_dim3A_20, %select_n3A_15 : vector<8x256xi1>, vector<8x256xi32>
    %max3A_22 = arith.maximumf %max3A_16, %slice3A_17 : vector<8x256xf32>
    %slice3A_23 = vector.extract_strided_slice %get3A_1 {offsets = [0, 1280], sizes = [8, 256], strides = [1, 1]} : vector<8x32768xf32> to vector<8x256xf32>
    %gt3A_24 = arith.cmpf ogt, %slice3A_23, %max3A_22 : vector<8x256xf32>
    %jit3A_25 = arith.constant 5 : i32
    %broadcast_in_dim3A_26 = vector.broadcast %jit3A_25 : i32 to vector<8x256xi32>
    %select_n3A_27 = arith.select %gt3A_24, %broadcast_in_dim3A_26, %select_n3A_21 : vector<8x256xi1>, vector<8x256xi32>
    %max3A_28 = arith.maximumf %max3A_22, %slice3A_23 : vector<8x256xf32>
    %slice3A_29 = vector.extract_strided_slice %get3A_1 {offsets = [0, 1536], sizes = [8, 256], strides = [1, 1]} : vector<8x32768xf32> to vector<8x256xf32>
    %gt3A_30 = arith.cmpf ogt, %slice3A_29, %max3A_28 : vector<8x256xf32>
    %jit3A_31 = arith.constant 6 : i32
    %broadcast_in_dim3A_32 = vector.broadcast %jit3A_31 : i32 to vector<8x256xi32>
    %select_n3A_33 = arith.select %gt3A_30, %broadcast_in_dim3A_32, %select_n3A_27 : vector<8x256xi1>, vector<8x256xi32>
    %max3A_34 = arith.maximumf %max3A_28, %slice3A_29 : vector<8x256xf32>
    %slice3A_35 = vector.extract_strided_slice %get3A_1 {offsets = [0, 1792], sizes = [8, 256], strides = [1, 1]} : vector<8x32768xf32> to vector<8x256xf32>
    %gt3A_36 = arith.cmpf ogt, %slice3A_35, %max3A_34 : vector<8x256xf32>
    %jit3A_37 = arith.constant 7 : i32
    %broadcast_in_dim3A_38 = vector.broadcast %jit3A_37 : i32 to vector<8x256xi32>
    %select_n3A_39 = arith.select %gt3A_36, %broadcast_in_dim3A_38, %select_n3A_33 : vector<8x256xi1>, vector<8x256xi32>
    %max3A_40 = arith.maximumf %max3A_34, %slice3A_35 : vector<8x256xf32>
    %slice3A_41 = vector.extract_strided_slice %get3A_1 {offsets = [0, 2048], sizes = [8, 256], strides = [1, 1]} : vector<8x32768xf32> to vector<8x256xf32>
    %gt3A_42 = arith.cmpf ogt, %slice3A_41, %max3A_40 : vector<8x256xf32>
    %jit3A_43 = arith.constant 8 : i32
    %broadcast_in_dim3A_44 = vector.broadcast %jit3A_43 : i32 to vector<8x256xi32>
    %select_n3A_45 = arith.select %gt3A_42, %broadcast_in_dim3A_44, %select_n3A_39 : vector<8x256xi1>, vector<8x256xi32>
    %max3A_46 = arith.maximumf %max3A_40, %slice3A_41 : vector<8x256xf32>
    %slice3A_47 = vector.extract_strided_slice %get3A_1 {offsets = [0, 2304], sizes = [8, 256], strides = [1, 1]} : vector<8x32768xf32> to vector<8x256xf32>
    %gt3A_48 = arith.cmpf ogt, %slice3A_47, %max3A_46 : vector<8x256xf32>
    %jit3A_49 = arith.constant 9 : i32
    %broadcast_in_dim3A_50 = vector.broadcast %jit3A_49 : i32 to vector<8x256xi32>
    %select_n3A_51 = arith.select %gt3A_48, %broadcast_in_dim3A_50, %select_n3A_45 : vector<8x256xi1>, vector<8x256xi32>
    %max3A_52 = arith.maximumf %max3A_46, %slice3A_47 : vector<8x256xf32>
    %slice3A_53 = vector.extract_strided_slice %get3A_1 {offsets = [0, 2560], sizes = [8, 256], strides = [1, 1]} : vector<8x32768xf32> to vector<8x256xf32>
    %gt3A_54 = arith.cmpf ogt, %slice3A_53, %max3A_52 : vector<8x256xf32>
    %jit3A_55 = arith.constant 10 : i32
    %broadcast_in_dim3A_56 = vector.broadcast %jit3A_55 : i32 to vector<8x256xi32>
    %select_n3A_57 = arith.select %gt3A_54, %broadcast_in_dim3A_56, %select_n3A_51 : vector<8x256xi1>, vector<8x256xi32>
    %max3A_58 = arith.maximumf %max3A_52, %slice3A_53 : vector<8x256xf32>
    %slice3A_59 = vector.extract_strided_slice %get3A_1 {offsets = [0, 2816], sizes = [8, 256], strides = [1, 1]} : vector<8x32768xf32> to vector<8x256xf32>
    %gt3A_60 = arith.cmpf ogt, %slice3A_59, %max3A_58 : vector<8x256xf32>
    %jit3A_61 = arith.constant 11 : i32
    %broadcast_in_dim3A_62 = vector.broadcast %jit3A_61 : i32 to vector<8x256xi32>
    %select_n3A_63 = arith.select %gt3A_60, %broadcast_in_dim3A_62, %select_n3A_57 : vector<8x256xi1>, vector<8x256xi32>
    %max3A_64 = arith.maximumf %max3A_58, %slice3A_59 : vector<8x256xf32>
    %slice3A_65 = vector.extract_strided_slice %get3A_1 {offsets = [0, 3072], sizes = [8, 256], strides = [1, 1]} : vector<8x32768xf32> to vector<8x256xf32>
    %gt3A_66 = arith.cmpf ogt, %slice3A_65, %max3A_64 : vector<8x256xf32>
    %jit3A_67 = arith.constant 12 : i32
    %broadcast_in_dim3A_68 = vector.broadcast %jit3A_67 : i32 to vector<8x256xi32>
    %select_n3A_69 = arith.select %gt3A_66, %broadcast_in_dim3A_68, %select_n3A_63 : vector<8x256xi1>, vector<8x256xi32>
    %max3A_70 = arith.maximumf %max3A_64, %slice3A_65 : vector<8x256xf32>
    %slice3A_71 = vector.extract_strided_slice %get3A_1 {offsets = [0, 3328], sizes = [8, 256], strides = [1, 1]} : vector<8x32768xf32> to vector<8x256xf32>
    %gt3A_72 = arith.cmpf ogt, %slice3A_71, %max3A_70 : vector<8x256xf32>
    %jit3A_73 = arith.constant 13 : i32
    %broadcast_in_dim3A_74 = vector.broadcast %jit3A_73 : i32 to vector<8x256xi32>
    %select_n3A_75 = arith.select %gt3A_72, %broadcast_in_dim3A_74, %select_n3A_69 : vector<8x256xi1>, vector<8x256xi32>
    %max3A_76 = arith.maximumf %max3A_70, %slice3A_71 : vector<8x256xf32>
    %slice3A_77 = vector.extract_strided_slice %get3A_1 {offsets = [0, 3584], sizes = [8, 256], strides = [1, 1]} : vector<8x32768xf32> to vector<8x256xf32>
    %gt3A_78 = arith.cmpf ogt, %slice3A_77, %max3A_76 : vector<8x256xf32>
    %jit3A_79 = arith.constant 14 : i32
    %broadcast_in_dim3A_80 = vector.broadcast %jit3A_79 : i32 to vector<8x256xi32>
    %select_n3A_81 = arith.select %gt3A_78, %broadcast_in_dim3A_80, %select_n3A_75 : vector<8x256xi1>, vector<8x256xi32>
    %max3A_82 = arith.maximumf %max3A_76, %slice3A_77 : vector<8x256xf32>
    %slice3A_83 = vector.extract_strided_slice %get3A_1 {offsets = [0, 3840], sizes = [8, 256], strides = [1, 1]} : vector<8x32768xf32> to vector<8x256xf32>
    %gt3A_84 = arith.cmpf ogt, %slice3A_83, %max3A_82 : vector<8x256xf32>
    %jit3A_85 = arith.constant 15 : i32
    %broadcast_in_dim3A_86 = vector.broadcast %jit3A_85 : i32 to vector<8x256xi32>
    %select_n3A_87 = arith.select %gt3A_84, %broadcast_in_dim3A_86, %select_n3A_81 : vector<8x256xi1>, vector<8x256xi32>
    %max3A_88 = arith.maximumf %max3A_82, %slice3A_83 : vector<8x256xf32>
    %slice3A_89 = vector.extract_strided_slice %get3A_1 {offsets = [0, 4096], sizes = [8, 256], strides = [1, 1]} : vector<8x32768xf32> to vector<8x256xf32>
    %gt3A_90 = arith.cmpf ogt, %slice3A_89, %max3A_88 : vector<8x256xf32>
    %jit3A_91 = arith.constant 16 : i32
    %broadcast_in_dim3A_92 = vector.broadcast %jit3A_91 : i32 to vector<8x256xi32>
    %select_n3A_93 = arith.select %gt3A_90, %broadcast_in_dim3A_92, %select_n3A_87 : vector<8x256xi1>, vector<8x256xi32>
    %max3A_94 = arith.maximumf %max3A_88, %slice3A_89 : vector<8x256xf32>
    %slice3A_95 = vector.extract_strided_slice %get3A_1 {offsets = [0, 4352], sizes = [8, 256], strides = [1, 1]} : vector<8x32768xf32> to vector<8x256xf32>
    %gt3A_96 = arith.cmpf ogt, %slice3A_95, %max3A_94 : vector<8x256xf32>
    %jit3A_97 = arith.constant 17 : i32
    %broadcast_in_dim3A_98 = vector.broadcast %jit3A_97 : i32 to vector<8x256xi32>
    %select_n3A_99 = arith.select %gt3A_96, %broadcast_in_dim3A_98, %select_n3A_93 : vector<8x256xi1>, vector<8x256xi32>
    %max3A_100 = arith.maximumf %max3A_94, %slice3A_95 : vector<8x256xf32>
    %slice3A_101 = vector.extract_strided_slice %get3A_1 {offsets = [0, 4608], sizes = [8, 256], strides = [1, 1]} : vector<8x32768xf32> to vector<8x256xf32>
    %gt3A_102 = arith.cmpf ogt, %slice3A_101, %max3A_100 : vector<8x256xf32>
    %jit3A_103 = arith.constant 18 : i32
    %broadcast_in_dim3A_104 = vector.broadcast %jit3A_103 : i32 to vector<8x256xi32>
    %select_n3A_105 = arith.select %gt3A_102, %broadcast_in_dim3A_104, %select_n3A_99 : vector<8x256xi1>, vector<8x256xi32>
    %max3A_106 = arith.maximumf %max3A_100, %slice3A_101 : vector<8x256xf32>
    %slice3A_107 = vector.extract_strided_slice %get3A_1 {offsets = [0, 4864], sizes = [8, 256], strides = [1, 1]} : vector<8x32768xf32> to vector<8x256xf32>
    %gt3A_108 = arith.cmpf ogt, %slice3A_107, %max3A_106 : vector<8x256xf32>
    %jit3A_109 = arith.constant 19 : i32
    %broadcast_in_dim3A_110 = vector.broadcast %jit3A_109 : i32 to vector<8x256xi32>
    %select_n3A_111 = arith.select %gt3A_108, %broadcast_in_dim3A_110, %select_n3A_105 : vector<8x256xi1>, vector<8x256xi32>
    %max3A_112 = arith.maximumf %max3A_106, %slice3A_107 : vector<8x256xf32>
    %slice3A_113 = vector.extract_strided_slice %get3A_1 {offsets = [0, 5120], sizes = [8, 256], strides = [1, 1]} : vector<8x32768xf32> to vector<8x256xf32>
    %gt3A_114 = arith.cmpf ogt, %slice3A_113, %max3A_112 : vector<8x256xf32>
    %jit3A_115 = arith.constant 20 : i32
    %broadcast_in_dim3A_116 = vector.broadcast %jit3A_115 : i32 to vector<8x256xi32>
    %select_n3A_117 = arith.select %gt3A_114, %broadcast_in_dim3A_116, %select_n3A_111 : vector<8x256xi1>, vector<8x256xi32>
    %max3A_118 = arith.maximumf %max3A_112, %slice3A_113 : vector<8x256xf32>
    %slice3A_119 = vector.extract_strided_slice %get3A_1 {offsets = [0, 5376], sizes = [8, 256], strides = [1, 1]} : vector<8x32768xf32> to vector<8x256xf32>
    %gt3A_120 = arith.cmpf ogt, %slice3A_119, %max3A_118 : vector<8x256xf32>
    %jit3A_121 = arith.constant 21 : i32
    %broadcast_in_dim3A_122 = vector.broadcast %jit3A_121 : i32 to vector<8x256xi32>
    %select_n3A_123 = arith.select %gt3A_120, %broadcast_in_dim3A_122, %select_n3A_117 : vector<8x256xi1>, vector<8x256xi32>
    %max3A_124 = arith.maximumf %max3A_118, %slice3A_119 : vector<8x256xf32>
    %slice3A_125 = vector.extract_strided_slice %get3A_1 {offsets = [0, 5632], sizes = [8, 256], strides = [1, 1]} : vector<8x32768xf32> to vector<8x256xf32>
    %gt3A_126 = arith.cmpf ogt, %slice3A_125, %max3A_124 : vector<8x256xf32>
    %jit3A_127 = arith.constant 22 : i32
    %broadcast_in_dim3A_128 = vector.broadcast %jit3A_127 : i32 to vector<8x256xi32>
    %select_n3A_129 = arith.select %gt3A_126, %broadcast_in_dim3A_128, %select_n3A_123 : vector<8x256xi1>, vector<8x256xi32>
    %max3A_130 = arith.maximumf %max3A_124, %slice3A_125 : vector<8x256xf32>
    %slice3A_131 = vector.extract_strided_slice %get3A_1 {offsets = [0, 5888], sizes = [8, 256], strides = [1, 1]} : vector<8x32768xf32> to vector<8x256xf32>
    %gt3A_132 = arith.cmpf ogt, %slice3A_131, %max3A_130 : vector<8x256xf32>
    %jit3A_133 = arith.constant 23 : i32
    %broadcast_in_dim3A_134 = vector.broadcast %jit3A_133 : i32 to vector<8x256xi32>
    %select_n3A_135 = arith.select %gt3A_132, %broadcast_in_dim3A_134, %select_n3A_129 : vector<8x256xi1>, vector<8x256xi32>
    %max3A_136 = arith.maximumf %max3A_130, %slice3A_131 : vector<8x256xf32>
    %slice3A_137 = vector.extract_strided_slice %get3A_1 {offsets = [0, 6144], sizes = [8, 256], strides = [1, 1]} : vector<8x32768xf32> to vector<8x256xf32>
    %gt3A_138 = arith.cmpf ogt, %slice3A_137, %max3A_136 : vector<8x256xf32>
    %jit3A_139 = arith.constant 24 : i32
    %broadcast_in_dim3A_140 = vector.broadcast %jit3A_139 : i32 to vector<8x256xi32>
    %select_n3A_141 = arith.select %gt3A_138, %broadcast_in_dim3A_140, %select_n3A_135 : vector<8x256xi1>, vector<8x256xi32>
    %max3A_142 = arith.maximumf %max3A_136, %slice3A_137 : vector<8x256xf32>
    %slice3A_143 = vector.extract_strided_slice %get3A_1 {offsets = [0, 6400], sizes = [8, 256], strides = [1, 1]} : vector<8x32768xf32> to vector<8x256xf32>
    %gt3A_144 = arith.cmpf ogt, %slice3A_143, %max3A_142 : vector<8x256xf32>
    %jit3A_145 = arith.constant 25 : i32
    %broadcast_in_dim3A_146 = vector.broadcast %jit3A_145 : i32 to vector<8x256xi32>
    %select_n3A_147 = arith.select %gt3A_144, %broadcast_in_dim3A_146, %select_n3A_141 : vector<8x256xi1>, vector<8x256xi32>
    %max3A_148 = arith.maximumf %max3A_142, %slice3A_143 : vector<8x256xf32>
    %slice3A_149 = vector.extract_strided_slice %get3A_1 {offsets = [0, 6656], sizes = [8, 256], strides = [1, 1]} : vector<8x32768xf32> to vector<8x256xf32>
    %gt3A_150 = arith.cmpf ogt, %slice3A_149, %max3A_148 : vector<8x256xf32>
    %jit3A_151 = arith.constant 26 : i32
    %broadcast_in_dim3A_152 = vector.broadcast %jit3A_151 : i32 to vector<8x256xi32>
    %select_n3A_153 = arith.select %gt3A_150, %broadcast_in_dim3A_152, %select_n3A_147 : vector<8x256xi1>, vector<8x256xi32>
    %max3A_154 = arith.maximumf %max3A_148, %slice3A_149 : vector<8x256xf32>
    %slice3A_155 = vector.extract_strided_slice %get3A_1 {offsets = [0, 6912], sizes = [8, 256], strides = [1, 1]} : vector<8x32768xf32> to vector<8x256xf32>
    %gt3A_156 = arith.cmpf ogt, %slice3A_155, %max3A_154 : vector<8x256xf32>
    %jit3A_157 = arith.constant 27 : i32
    %broadcast_in_dim3A_158 = vector.broadcast %jit3A_157 : i32 to vector<8x256xi32>
    %select_n3A_159 = arith.select %gt3A_156, %broadcast_in_dim3A_158, %select_n3A_153 : vector<8x256xi1>, vector<8x256xi32>
    %max3A_160 = arith.maximumf %max3A_154, %slice3A_155 : vector<8x256xf32>
    %slice3A_161 = vector.extract_strided_slice %get3A_1 {offsets = [0, 7168], sizes = [8, 256], strides = [1, 1]} : vector<8x32768xf32> to vector<8x256xf32>
    %gt3A_162 = arith.cmpf ogt, %slice3A_161, %max3A_160 : vector<8x256xf32>
    %jit3A_163 = arith.constant 28 : i32
    %broadcast_in_dim3A_164 = vector.broadcast %jit3A_163 : i32 to vector<8x256xi32>
    %select_n3A_165 = arith.select %gt3A_162, %broadcast_in_dim3A_164, %select_n3A_159 : vector<8x256xi1>, vector<8x256xi32>
    %max3A_166 = arith.maximumf %max3A_160, %slice3A_161 : vector<8x256xf32>
    %slice3A_167 = vector.extract_strided_slice %get3A_1 {offsets = [0, 7424], sizes = [8, 256], strides = [1, 1]} : vector<8x32768xf32> to vector<8x256xf32>
    %gt3A_168 = arith.cmpf ogt, %slice3A_167, %max3A_166 : vector<8x256xf32>
    %jit3A_169 = arith.constant 29 : i32
    %broadcast_in_dim3A_170 = vector.broadcast %jit3A_169 : i32 to vector<8x256xi32>
    %select_n3A_171 = arith.select %gt3A_168, %broadcast_in_dim3A_170, %select_n3A_165 : vector<8x256xi1>, vector<8x256xi32>
    %max3A_172 = arith.maximumf %max3A_166, %slice3A_167 : vector<8x256xf32>
    %slice3A_173 = vector.extract_strided_slice %get3A_1 {offsets = [0, 7680], sizes = [8, 256], strides = [1, 1]} : vector<8x32768xf32> to vector<8x256xf32>
    %gt3A_174 = arith.cmpf ogt, %slice3A_173, %max3A_172 : vector<8x256xf32>
    %jit3A_175 = arith.constant 30 : i32
    %broadcast_in_dim3A_176 = vector.broadcast %jit3A_175 : i32 to vector<8x256xi32>
    %select_n3A_177 = arith.select %gt3A_174, %broadcast_in_dim3A_176, %select_n3A_171 : vector<8x256xi1>, vector<8x256xi32>
    %max3A_178 = arith.maximumf %max3A_172, %slice3A_173 : vector<8x256xf32>
    %slice3A_179 = vector.extract_strided_slice %get3A_1 {offsets = [0, 7936], sizes = [8, 256], strides = [1, 1]} : vector<8x32768xf32> to vector<8x256xf32>
    %gt3A_180 = arith.cmpf ogt, %slice3A_179, %max3A_178 : vector<8x256xf32>
    %jit3A_181 = arith.constant 31 : i32
    %broadcast_in_dim3A_182 = vector.broadcast %jit3A_181 : i32 to vector<8x256xi32>
    %select_n3A_183 = arith.select %gt3A_180, %broadcast_in_dim3A_182, %select_n3A_177 : vector<8x256xi1>, vector<8x256xi32>
    %max3A_184 = arith.maximumf %max3A_178, %slice3A_179 : vector<8x256xf32>
    %slice3A_185 = vector.extract_strided_slice %get3A_1 {offsets = [0, 8192], sizes = [8, 256], strides = [1, 1]} : vector<8x32768xf32> to vector<8x256xf32>
    %gt3A_186 = arith.cmpf ogt, %slice3A_185, %max3A_184 : vector<8x256xf32>
    %jit3A_187 = arith.constant 32 : i32
    %broadcast_in_dim3A_188 = vector.broadcast %jit3A_187 : i32 to vector<8x256xi32>
    %select_n3A_189 = arith.select %gt3A_186, %broadcast_in_dim3A_188, %select_n3A_183 : vector<8x256xi1>, vector<8x256xi32>
    %max3A_190 = arith.maximumf %max3A_184, %slice3A_185 : vector<8x256xf32>
    %slice3A_191 = vector.extract_strided_slice %get3A_1 {offsets = [0, 8448], sizes = [8, 256], strides = [1, 1]} : vector<8x32768xf32> to vector<8x256xf32>
    %gt3A_192 = arith.cmpf ogt, %slice3A_191, %max3A_190 : vector<8x256xf32>
    %jit3A_193 = arith.constant 33 : i32
    %broadcast_in_dim3A_194 = vector.broadcast %jit3A_193 : i32 to vector<8x256xi32>
    %select_n3A_195 = arith.select %gt3A_192, %broadcast_in_dim3A_194, %select_n3A_189 : vector<8x256xi1>, vector<8x256xi32>
    %max3A_196 = arith.maximumf %max3A_190, %slice3A_191 : vector<8x256xf32>
    %slice3A_197 = vector.extract_strided_slice %get3A_1 {offsets = [0, 8704], sizes = [8, 256], strides = [1, 1]} : vector<8x32768xf32> to vector<8x256xf32>
    %gt3A_198 = arith.cmpf ogt, %slice3A_197, %max3A_196 : vector<8x256xf32>
    %jit3A_199 = arith.constant 34 : i32
    %broadcast_in_dim3A_200 = vector.broadcast %jit3A_199 : i32 to vector<8x256xi32>
    %select_n3A_201 = arith.select %gt3A_198, %broadcast_in_dim3A_200, %select_n3A_195 : vector<8x256xi1>, vector<8x256xi32>
    %max3A_202 = arith.maximumf %max3A_196, %slice3A_197 : vector<8x256xf32>
    %slice3A_203 = vector.extract_strided_slice %get3A_1 {offsets = [0, 8960], sizes = [8, 256], strides = [1, 1]} : vector<8x32768xf32> to vector<8x256xf32>
    %gt3A_204 = arith.cmpf ogt, %slice3A_203, %max3A_202 : vector<8x256xf32>
    %jit3A_205 = arith.constant 35 : i32
    %broadcast_in_dim3A_206 = vector.broadcast %jit3A_205 : i32 to vector<8x256xi32>
    %select_n3A_207 = arith.select %gt3A_204, %broadcast_in_dim3A_206, %select_n3A_201 : vector<8x256xi1>, vector<8x256xi32>
    %max3A_208 = arith.maximumf %max3A_202, %slice3A_203 : vector<8x256xf32>
    %slice3A_209 = vector.extract_strided_slice %get3A_1 {offsets = [0, 9216], sizes = [8, 256], strides = [1, 1]} : vector<8x32768xf32> to vector<8x256xf32>
    %gt3A_210 = arith.cmpf ogt, %slice3A_209, %max3A_208 : vector<8x256xf32>
    %jit3A_211 = arith.constant 36 : i32
    %broadcast_in_dim3A_212 = vector.broadcast %jit3A_211 : i32 to vector<8x256xi32>
    %select_n3A_213 = arith.select %gt3A_210, %broadcast_in_dim3A_212, %select_n3A_207 : vector<8x256xi1>, vector<8x256xi32>
    %max3A_214 = arith.maximumf %max3A_208, %slice3A_209 : vector<8x256xf32>
    %slice3A_215 = vector.extract_strided_slice %get3A_1 {offsets = [0, 9472], sizes = [8, 256], strides = [1, 1]} : vector<8x32768xf32> to vector<8x256xf32>
    %gt3A_216 = arith.cmpf ogt, %slice3A_215, %max3A_214 : vector<8x256xf32>
    %jit3A_217 = arith.constant 37 : i32
    %broadcast_in_dim3A_218 = vector.broadcast %jit3A_217 : i32 to vector<8x256xi32>
    %select_n3A_219 = arith.select %gt3A_216, %broadcast_in_dim3A_218, %select_n3A_213 : vector<8x256xi1>, vector<8x256xi32>
    %max3A_220 = arith.maximumf %max3A_214, %slice3A_215 : vector<8x256xf32>
    %slice3A_221 = vector.extract_strided_slice %get3A_1 {offsets = [0, 9728], sizes = [8, 256], strides = [1, 1]} : vector<8x32768xf32> to vector<8x256xf32>
    %gt3A_222 = arith.cmpf ogt, %slice3A_221, %max3A_220 : vector<8x256xf32>
    %jit3A_223 = arith.constant 38 : i32
    %broadcast_in_dim3A_224 = vector.broadcast %jit3A_223 : i32 to vector<8x256xi32>
    %select_n3A_225 = arith.select %gt3A_222, %broadcast_in_dim3A_224, %select_n3A_219 : vector<8x256xi1>, vector<8x256xi32>
    %max3A_226 = arith.maximumf %max3A_220, %slice3A_221 : vector<8x256xf32>
    %slice3A_227 = vector.extract_strided_slice %get3A_1 {offsets = [0, 9984], sizes = [8, 256], strides = [1, 1]} : vector<8x32768xf32> to vector<8x256xf32>
    %gt3A_228 = arith.cmpf ogt, %slice3A_227, %max3A_226 : vector<8x256xf32>
    %jit3A_229 = arith.constant 39 : i32
    %broadcast_in_dim3A_230 = vector.broadcast %jit3A_229 : i32 to vector<8x256xi32>
    %select_n3A_231 = arith.select %gt3A_228, %broadcast_in_dim3A_230, %select_n3A_225 : vector<8x256xi1>, vector<8x256xi32>
    %max3A_232 = arith.maximumf %max3A_226, %slice3A_227 : vector<8x256xf32>
    %slice3A_233 = vector.extract_strided_slice %get3A_1 {offsets = [0, 10240], sizes = [8, 256], strides = [1, 1]} : vector<8x32768xf32> to vector<8x256xf32>
    %gt3A_234 = arith.cmpf ogt, %slice3A_233, %max3A_232 : vector<8x256xf32>
    %jit3A_235 = arith.constant 40 : i32
    %broadcast_in_dim3A_236 = vector.broadcast %jit3A_235 : i32 to vector<8x256xi32>
    %select_n3A_237 = arith.select %gt3A_234, %broadcast_in_dim3A_236, %select_n3A_231 : vector<8x256xi1>, vector<8x256xi32>
    %max3A_238 = arith.maximumf %max3A_232, %slice3A_233 : vector<8x256xf32>
    %slice3A_239 = vector.extract_strided_slice %get3A_1 {offsets = [0, 10496], sizes = [8, 256], strides = [1, 1]} : vector<8x32768xf32> to vector<8x256xf32>
    %gt3A_240 = arith.cmpf ogt, %slice3A_239, %max3A_238 : vector<8x256xf32>
    %jit3A_241 = arith.constant 41 : i32
    %broadcast_in_dim3A_242 = vector.broadcast %jit3A_241 : i32 to vector<8x256xi32>
    %select_n3A_243 = arith.select %gt3A_240, %broadcast_in_dim3A_242, %select_n3A_237 : vector<8x256xi1>, vector<8x256xi32>
    %max3A_244 = arith.maximumf %max3A_238, %slice3A_239 : vector<8x256xf32>
    %slice3A_245 = vector.extract_strided_slice %get3A_1 {offsets = [0, 10752], sizes = [8, 256], strides = [1, 1]} : vector<8x32768xf32> to vector<8x256xf32>
    %gt3A_246 = arith.cmpf ogt, %slice3A_245, %max3A_244 : vector<8x256xf32>
    %jit3A_247 = arith.constant 42 : i32
    %broadcast_in_dim3A_248 = vector.broadcast %jit3A_247 : i32 to vector<8x256xi32>
    %select_n3A_249 = arith.select %gt3A_246, %broadcast_in_dim3A_248, %select_n3A_243 : vector<8x256xi1>, vector<8x256xi32>
    %max3A_250 = arith.maximumf %max3A_244, %slice3A_245 : vector<8x256xf32>
    %slice3A_251 = vector.extract_strided_slice %get3A_1 {offsets = [0, 11008], sizes = [8, 256], strides = [1, 1]} : vector<8x32768xf32> to vector<8x256xf32>
    %gt3A_252 = arith.cmpf ogt, %slice3A_251, %max3A_250 : vector<8x256xf32>
    %jit3A_253 = arith.constant 43 : i32
    %broadcast_in_dim3A_254 = vector.broadcast %jit3A_253 : i32 to vector<8x256xi32>
    %select_n3A_255 = arith.select %gt3A_252, %broadcast_in_dim3A_254, %select_n3A_249 : vector<8x256xi1>, vector<8x256xi32>
    %max3A_256 = arith.maximumf %max3A_250, %slice3A_251 : vector<8x256xf32>
    %slice3A_257 = vector.extract_strided_slice %get3A_1 {offsets = [0, 11264], sizes = [8, 256], strides = [1, 1]} : vector<8x32768xf32> to vector<8x256xf32>
    %gt3A_258 = arith.cmpf ogt, %slice3A_257, %max3A_256 : vector<8x256xf32>
    %jit3A_259 = arith.constant 44 : i32
    %broadcast_in_dim3A_260 = vector.broadcast %jit3A_259 : i32 to vector<8x256xi32>
    %select_n3A_261 = arith.select %gt3A_258, %broadcast_in_dim3A_260, %select_n3A_255 : vector<8x256xi1>, vector<8x256xi32>
    %max3A_262 = arith.maximumf %max3A_256, %slice3A_257 : vector<8x256xf32>
    %slice3A_263 = vector.extract_strided_slice %get3A_1 {offsets = [0, 11520], sizes = [8, 256], strides = [1, 1]} : vector<8x32768xf32> to vector<8x256xf32>
    %gt3A_264 = arith.cmpf ogt, %slice3A_263, %max3A_262 : vector<8x256xf32>
    %jit3A_265 = arith.constant 45 : i32
    %broadcast_in_dim3A_266 = vector.broadcast %jit3A_265 : i32 to vector<8x256xi32>
    %select_n3A_267 = arith.select %gt3A_264, %broadcast_in_dim3A_266, %select_n3A_261 : vector<8x256xi1>, vector<8x256xi32>
    %max3A_268 = arith.maximumf %max3A_262, %slice3A_263 : vector<8x256xf32>
    %slice3A_269 = vector.extract_strided_slice %get3A_1 {offsets = [0, 11776], sizes = [8, 256], strides = [1, 1]} : vector<8x32768xf32> to vector<8x256xf32>
    %gt3A_270 = arith.cmpf ogt, %slice3A_269, %max3A_268 : vector<8x256xf32>
    %jit3A_271 = arith.constant 46 : i32
    %broadcast_in_dim3A_272 = vector.broadcast %jit3A_271 : i32 to vector<8x256xi32>
    %select_n3A_273 = arith.select %gt3A_270, %broadcast_in_dim3A_272, %select_n3A_267 : vector<8x256xi1>, vector<8x256xi32>
    %max3A_274 = arith.maximumf %max3A_268, %slice3A_269 : vector<8x256xf32>
    %slice3A_275 = vector.extract_strided_slice %get3A_1 {offsets = [0, 12032], sizes = [8, 256], strides = [1, 1]} : vector<8x32768xf32> to vector<8x256xf32>
    %gt3A_276 = arith.cmpf ogt, %slice3A_275, %max3A_274 : vector<8x256xf32>
    %jit3A_277 = arith.constant 47 : i32
    %broadcast_in_dim3A_278 = vector.broadcast %jit3A_277 : i32 to vector<8x256xi32>
    %select_n3A_279 = arith.select %gt3A_276, %broadcast_in_dim3A_278, %select_n3A_273 : vector<8x256xi1>, vector<8x256xi32>
    %max3A_280 = arith.maximumf %max3A_274, %slice3A_275 : vector<8x256xf32>
    %slice3A_281 = vector.extract_strided_slice %get3A_1 {offsets = [0, 12288], sizes = [8, 256], strides = [1, 1]} : vector<8x32768xf32> to vector<8x256xf32>
    %gt3A_282 = arith.cmpf ogt, %slice3A_281, %max3A_280 : vector<8x256xf32>
    %jit3A_283 = arith.constant 48 : i32
    %broadcast_in_dim3A_284 = vector.broadcast %jit3A_283 : i32 to vector<8x256xi32>
    %select_n3A_285 = arith.select %gt3A_282, %broadcast_in_dim3A_284, %select_n3A_279 : vector<8x256xi1>, vector<8x256xi32>
    %max3A_286 = arith.maximumf %max3A_280, %slice3A_281 : vector<8x256xf32>
    %slice3A_287 = vector.extract_strided_slice %get3A_1 {offsets = [0, 12544], sizes = [8, 256], strides = [1, 1]} : vector<8x32768xf32> to vector<8x256xf32>
    %gt3A_288 = arith.cmpf ogt, %slice3A_287, %max3A_286 : vector<8x256xf32>
    %jit3A_289 = arith.constant 49 : i32
    %broadcast_in_dim3A_290 = vector.broadcast %jit3A_289 : i32 to vector<8x256xi32>
    %select_n3A_291 = arith.select %gt3A_288, %broadcast_in_dim3A_290, %select_n3A_285 : vector<8x256xi1>, vector<8x256xi32>
    %max3A_292 = arith.maximumf %max3A_286, %slice3A_287 : vector<8x256xf32>
    %slice3A_293 = vector.extract_strided_slice %get3A_1 {offsets = [0, 12800], sizes = [8, 256], strides = [1, 1]} : vector<8x32768xf32> to vector<8x256xf32>
    %gt3A_294 = arith.cmpf ogt, %slice3A_293, %max3A_292 : vector<8x256xf32>
    %jit3A_295 = arith.constant 50 : i32
    %broadcast_in_dim3A_296 = vector.broadcast %jit3A_295 : i32 to vector<8x256xi32>
    %select_n3A_297 = arith.select %gt3A_294, %broadcast_in_dim3A_296, %select_n3A_291 : vector<8x256xi1>, vector<8x256xi32>
    %max3A_298 = arith.maximumf %max3A_292, %slice3A_293 : vector<8x256xf32>
    %slice3A_299 = vector.extract_strided_slice %get3A_1 {offsets = [0, 13056], sizes = [8, 256], strides = [1, 1]} : vector<8x32768xf32> to vector<8x256xf32>
    %gt3A_300 = arith.cmpf ogt, %slice3A_299, %max3A_298 : vector<8x256xf32>
    %jit3A_301 = arith.constant 51 : i32
    %broadcast_in_dim3A_302 = vector.broadcast %jit3A_301 : i32 to vector<8x256xi32>
    %select_n3A_303 = arith.select %gt3A_300, %broadcast_in_dim3A_302, %select_n3A_297 : vector<8x256xi1>, vector<8x256xi32>
    %max3A_304 = arith.maximumf %max3A_298, %slice3A_299 : vector<8x256xf32>
    %slice3A_305 = vector.extract_strided_slice %get3A_1 {offsets = [0, 13312], sizes = [8, 256], strides = [1, 1]} : vector<8x32768xf32> to vector<8x256xf32>
    %gt3A_306 = arith.cmpf ogt, %slice3A_305, %max3A_304 : vector<8x256xf32>
    %jit3A_307 = arith.constant 52 : i32
    %broadcast_in_dim3A_308 = vector.broadcast %jit3A_307 : i32 to vector<8x256xi32>
    %select_n3A_309 = arith.select %gt3A_306, %broadcast_in_dim3A_308, %select_n3A_303 : vector<8x256xi1>, vector<8x256xi32>
    %max3A_310 = arith.maximumf %max3A_304, %slice3A_305 : vector<8x256xf32>
    %slice3A_311 = vector.extract_strided_slice %get3A_1 {offsets = [0, 13568], sizes = [8, 256], strides = [1, 1]} : vector<8x32768xf32> to vector<8x256xf32>
    %gt3A_312 = arith.cmpf ogt, %slice3A_311, %max3A_310 : vector<8x256xf32>
    %jit3A_313 = arith.constant 53 : i32
    %broadcast_in_dim3A_314 = vector.broadcast %jit3A_313 : i32 to vector<8x256xi32>
    %select_n3A_315 = arith.select %gt3A_312, %broadcast_in_dim3A_314, %select_n3A_309 : vector<8x256xi1>, vector<8x256xi32>
    %max3A_316 = arith.maximumf %max3A_310, %slice3A_311 : vector<8x256xf32>
    %slice3A_317 = vector.extract_strided_slice %get3A_1 {offsets = [0, 13824], sizes = [8, 256], strides = [1, 1]} : vector<8x32768xf32> to vector<8x256xf32>
    %gt3A_318 = arith.cmpf ogt, %slice3A_317, %max3A_316 : vector<8x256xf32>
    %jit3A_319 = arith.constant 54 : i32
    %broadcast_in_dim3A_320 = vector.broadcast %jit3A_319 : i32 to vector<8x256xi32>
    %select_n3A_321 = arith.select %gt3A_318, %broadcast_in_dim3A_320, %select_n3A_315 : vector<8x256xi1>, vector<8x256xi32>
    %max3A_322 = arith.maximumf %max3A_316, %slice3A_317 : vector<8x256xf32>
    %slice3A_323 = vector.extract_strided_slice %get3A_1 {offsets = [0, 14080], sizes = [8, 256], strides = [1, 1]} : vector<8x32768xf32> to vector<8x256xf32>
    %gt3A_324 = arith.cmpf ogt, %slice3A_323, %max3A_322 : vector<8x256xf32>
    %jit3A_325 = arith.constant 55 : i32
    %broadcast_in_dim3A_326 = vector.broadcast %jit3A_325 : i32 to vector<8x256xi32>
    %select_n3A_327 = arith.select %gt3A_324, %broadcast_in_dim3A_326, %select_n3A_321 : vector<8x256xi1>, vector<8x256xi32>
    %max3A_328 = arith.maximumf %max3A_322, %slice3A_323 : vector<8x256xf32>
    %slice3A_329 = vector.extract_strided_slice %get3A_1 {offsets = [0, 14336], sizes = [8, 256], strides = [1, 1]} : vector<8x32768xf32> to vector<8x256xf32>
    %gt3A_330 = arith.cmpf ogt, %slice3A_329, %max3A_328 : vector<8x256xf32>
    %jit3A_331 = arith.constant 56 : i32
    %broadcast_in_dim3A_332 = vector.broadcast %jit3A_331 : i32 to vector<8x256xi32>
    %select_n3A_333 = arith.select %gt3A_330, %broadcast_in_dim3A_332, %select_n3A_327 : vector<8x256xi1>, vector<8x256xi32>
    %max3A_334 = arith.maximumf %max3A_328, %slice3A_329 : vector<8x256xf32>
    %slice3A_335 = vector.extract_strided_slice %get3A_1 {offsets = [0, 14592], sizes = [8, 256], strides = [1, 1]} : vector<8x32768xf32> to vector<8x256xf32>
    %gt3A_336 = arith.cmpf ogt, %slice3A_335, %max3A_334 : vector<8x256xf32>
    %jit3A_337 = arith.constant 57 : i32
    %broadcast_in_dim3A_338 = vector.broadcast %jit3A_337 : i32 to vector<8x256xi32>
    %select_n3A_339 = arith.select %gt3A_336, %broadcast_in_dim3A_338, %select_n3A_333 : vector<8x256xi1>, vector<8x256xi32>
    %max3A_340 = arith.maximumf %max3A_334, %slice3A_335 : vector<8x256xf32>
    %slice3A_341 = vector.extract_strided_slice %get3A_1 {offsets = [0, 14848], sizes = [8, 256], strides = [1, 1]} : vector<8x32768xf32> to vector<8x256xf32>
    %gt3A_342 = arith.cmpf ogt, %slice3A_341, %max3A_340 : vector<8x256xf32>
    %jit3A_343 = arith.constant 58 : i32
    %broadcast_in_dim3A_344 = vector.broadcast %jit3A_343 : i32 to vector<8x256xi32>
    %select_n3A_345 = arith.select %gt3A_342, %broadcast_in_dim3A_344, %select_n3A_339 : vector<8x256xi1>, vector<8x256xi32>
    %max3A_346 = arith.maximumf %max3A_340, %slice3A_341 : vector<8x256xf32>
    %slice3A_347 = vector.extract_strided_slice %get3A_1 {offsets = [0, 15104], sizes = [8, 256], strides = [1, 1]} : vector<8x32768xf32> to vector<8x256xf32>
    %gt3A_348 = arith.cmpf ogt, %slice3A_347, %max3A_346 : vector<8x256xf32>
    %jit3A_349 = arith.constant 59 : i32
    %broadcast_in_dim3A_350 = vector.broadcast %jit3A_349 : i32 to vector<8x256xi32>
    %select_n3A_351 = arith.select %gt3A_348, %broadcast_in_dim3A_350, %select_n3A_345 : vector<8x256xi1>, vector<8x256xi32>
    %max3A_352 = arith.maximumf %max3A_346, %slice3A_347 : vector<8x256xf32>
    %slice3A_353 = vector.extract_strided_slice %get3A_1 {offsets = [0, 15360], sizes = [8, 256], strides = [1, 1]} : vector<8x32768xf32> to vector<8x256xf32>
    %gt3A_354 = arith.cmpf ogt, %slice3A_353, %max3A_352 : vector<8x256xf32>
    %jit3A_355 = arith.constant 60 : i32
    %broadcast_in_dim3A_356 = vector.broadcast %jit3A_355 : i32 to vector<8x256xi32>
    %select_n3A_357 = arith.select %gt3A_354, %broadcast_in_dim3A_356, %select_n3A_351 : vector<8x256xi1>, vector<8x256xi32>
    %max3A_358 = arith.maximumf %max3A_352, %slice3A_353 : vector<8x256xf32>
    %slice3A_359 = vector.extract_strided_slice %get3A_1 {offsets = [0, 15616], sizes = [8, 256], strides = [1, 1]} : vector<8x32768xf32> to vector<8x256xf32>
    %gt3A_360 = arith.cmpf ogt, %slice3A_359, %max3A_358 : vector<8x256xf32>
    %jit3A_361 = arith.constant 61 : i32
    %broadcast_in_dim3A_362 = vector.broadcast %jit3A_361 : i32 to vector<8x256xi32>
    %select_n3A_363 = arith.select %gt3A_360, %broadcast_in_dim3A_362, %select_n3A_357 : vector<8x256xi1>, vector<8x256xi32>
    %max3A_364 = arith.maximumf %max3A_358, %slice3A_359 : vector<8x256xf32>
    %slice3A_365 = vector.extract_strided_slice %get3A_1 {offsets = [0, 15872], sizes = [8, 256], strides = [1, 1]} : vector<8x32768xf32> to vector<8x256xf32>
    %gt3A_366 = arith.cmpf ogt, %slice3A_365, %max3A_364 : vector<8x256xf32>
    %jit3A_367 = arith.constant 62 : i32
    %broadcast_in_dim3A_368 = vector.broadcast %jit3A_367 : i32 to vector<8x256xi32>
    %select_n3A_369 = arith.select %gt3A_366, %broadcast_in_dim3A_368, %select_n3A_363 : vector<8x256xi1>, vector<8x256xi32>
    %max3A_370 = arith.maximumf %max3A_364, %slice3A_365 : vector<8x256xf32>
    %slice3A_371 = vector.extract_strided_slice %get3A_1 {offsets = [0, 16128], sizes = [8, 256], strides = [1, 1]} : vector<8x32768xf32> to vector<8x256xf32>
    %gt3A_372 = arith.cmpf ogt, %slice3A_371, %max3A_370 : vector<8x256xf32>
    %jit3A_373 = arith.constant 63 : i32
    %broadcast_in_dim3A_374 = vector.broadcast %jit3A_373 : i32 to vector<8x256xi32>
    %select_n3A_375 = arith.select %gt3A_372, %broadcast_in_dim3A_374, %select_n3A_369 : vector<8x256xi1>, vector<8x256xi32>
    %max3A_376 = arith.maximumf %max3A_370, %slice3A_371 : vector<8x256xf32>
    %slice3A_377 = vector.extract_strided_slice %get3A_1 {offsets = [0, 16384], sizes = [8, 256], strides = [1, 1]} : vector<8x32768xf32> to vector<8x256xf32>
    %gt3A_378 = arith.cmpf ogt, %slice3A_377, %max3A_376 : vector<8x256xf32>
    %jit3A_379 = arith.constant 64 : i32
    %broadcast_in_dim3A_380 = vector.broadcast %jit3A_379 : i32 to vector<8x256xi32>
    %select_n3A_381 = arith.select %gt3A_378, %broadcast_in_dim3A_380, %select_n3A_375 : vector<8x256xi1>, vector<8x256xi32>
    %max3A_382 = arith.maximumf %max3A_376, %slice3A_377 : vector<8x256xf32>
    %slice3A_383 = vector.extract_strided_slice %get3A_1 {offsets = [0, 16640], sizes = [8, 256], strides = [1, 1]} : vector<8x32768xf32> to vector<8x256xf32>
    %gt3A_384 = arith.cmpf ogt, %slice3A_383, %max3A_382 : vector<8x256xf32>
    %jit3A_385 = arith.constant 65 : i32
    %broadcast_in_dim3A_386 = vector.broadcast %jit3A_385 : i32 to vector<8x256xi32>
    %select_n3A_387 = arith.select %gt3A_384, %broadcast_in_dim3A_386, %select_n3A_381 : vector<8x256xi1>, vector<8x256xi32>
    %max3A_388 = arith.maximumf %max3A_382, %slice3A_383 : vector<8x256xf32>
    %slice3A_389 = vector.extract_strided_slice %get3A_1 {offsets = [0, 16896], sizes = [8, 256], strides = [1, 1]} : vector<8x32768xf32> to vector<8x256xf32>
    %gt3A_390 = arith.cmpf ogt, %slice3A_389, %max3A_388 : vector<8x256xf32>
    %jit3A_391 = arith.constant 66 : i32
    %broadcast_in_dim3A_392 = vector.broadcast %jit3A_391 : i32 to vector<8x256xi32>
    %select_n3A_393 = arith.select %gt3A_390, %broadcast_in_dim3A_392, %select_n3A_387 : vector<8x256xi1>, vector<8x256xi32>
    %max3A_394 = arith.maximumf %max3A_388, %slice3A_389 : vector<8x256xf32>
    %slice3A_395 = vector.extract_strided_slice %get3A_1 {offsets = [0, 17152], sizes = [8, 256], strides = [1, 1]} : vector<8x32768xf32> to vector<8x256xf32>
    %gt3A_396 = arith.cmpf ogt, %slice3A_395, %max3A_394 : vector<8x256xf32>
    %jit3A_397 = arith.constant 67 : i32
    %broadcast_in_dim3A_398 = vector.broadcast %jit3A_397 : i32 to vector<8x256xi32>
    %select_n3A_399 = arith.select %gt3A_396, %broadcast_in_dim3A_398, %select_n3A_393 : vector<8x256xi1>, vector<8x256xi32>
    %max3A_400 = arith.maximumf %max3A_394, %slice3A_395 : vector<8x256xf32>
    %slice3A_401 = vector.extract_strided_slice %get3A_1 {offsets = [0, 17408], sizes = [8, 256], strides = [1, 1]} : vector<8x32768xf32> to vector<8x256xf32>
    %gt3A_402 = arith.cmpf ogt, %slice3A_401, %max3A_400 : vector<8x256xf32>
    %jit3A_403 = arith.constant 68 : i32
    %broadcast_in_dim3A_404 = vector.broadcast %jit3A_403 : i32 to vector<8x256xi32>
    %select_n3A_405 = arith.select %gt3A_402, %broadcast_in_dim3A_404, %select_n3A_399 : vector<8x256xi1>, vector<8x256xi32>
    %max3A_406 = arith.maximumf %max3A_400, %slice3A_401 : vector<8x256xf32>
    %slice3A_407 = vector.extract_strided_slice %get3A_1 {offsets = [0, 17664], sizes = [8, 256], strides = [1, 1]} : vector<8x32768xf32> to vector<8x256xf32>
    %gt3A_408 = arith.cmpf ogt, %slice3A_407, %max3A_406 : vector<8x256xf32>
    %jit3A_409 = arith.constant 69 : i32
    %broadcast_in_dim3A_410 = vector.broadcast %jit3A_409 : i32 to vector<8x256xi32>
    %select_n3A_411 = arith.select %gt3A_408, %broadcast_in_dim3A_410, %select_n3A_405 : vector<8x256xi1>, vector<8x256xi32>
    %max3A_412 = arith.maximumf %max3A_406, %slice3A_407 : vector<8x256xf32>
    %slice3A_413 = vector.extract_strided_slice %get3A_1 {offsets = [0, 17920], sizes = [8, 256], strides = [1, 1]} : vector<8x32768xf32> to vector<8x256xf32>
    %gt3A_414 = arith.cmpf ogt, %slice3A_413, %max3A_412 : vector<8x256xf32>
    %jit3A_415 = arith.constant 70 : i32
    %broadcast_in_dim3A_416 = vector.broadcast %jit3A_415 : i32 to vector<8x256xi32>
    %select_n3A_417 = arith.select %gt3A_414, %broadcast_in_dim3A_416, %select_n3A_411 : vector<8x256xi1>, vector<8x256xi32>
    %max3A_418 = arith.maximumf %max3A_412, %slice3A_413 : vector<8x256xf32>
    %slice3A_419 = vector.extract_strided_slice %get3A_1 {offsets = [0, 18176], sizes = [8, 256], strides = [1, 1]} : vector<8x32768xf32> to vector<8x256xf32>
    %gt3A_420 = arith.cmpf ogt, %slice3A_419, %max3A_418 : vector<8x256xf32>
    %jit3A_421 = arith.constant 71 : i32
    %broadcast_in_dim3A_422 = vector.broadcast %jit3A_421 : i32 to vector<8x256xi32>
    %select_n3A_423 = arith.select %gt3A_420, %broadcast_in_dim3A_422, %select_n3A_417 : vector<8x256xi1>, vector<8x256xi32>
    %max3A_424 = arith.maximumf %max3A_418, %slice3A_419 : vector<8x256xf32>
    %slice3A_425 = vector.extract_strided_slice %get3A_1 {offsets = [0, 18432], sizes = [8, 256], strides = [1, 1]} : vector<8x32768xf32> to vector<8x256xf32>
    %gt3A_426 = arith.cmpf ogt, %slice3A_425, %max3A_424 : vector<8x256xf32>
    %jit3A_427 = arith.constant 72 : i32
    %broadcast_in_dim3A_428 = vector.broadcast %jit3A_427 : i32 to vector<8x256xi32>
    %select_n3A_429 = arith.select %gt3A_426, %broadcast_in_dim3A_428, %select_n3A_423 : vector<8x256xi1>, vector<8x256xi32>
    %max3A_430 = arith.maximumf %max3A_424, %slice3A_425 : vector<8x256xf32>
    %slice3A_431 = vector.extract_strided_slice %get3A_1 {offsets = [0, 18688], sizes = [8, 256], strides = [1, 1]} : vector<8x32768xf32> to vector<8x256xf32>
    %gt3A_432 = arith.cmpf ogt, %slice3A_431, %max3A_430 : vector<8x256xf32>
    %jit3A_433 = arith.constant 73 : i32
    %broadcast_in_dim3A_434 = vector.broadcast %jit3A_433 : i32 to vector<8x256xi32>
    %select_n3A_435 = arith.select %gt3A_432, %broadcast_in_dim3A_434, %select_n3A_429 : vector<8x256xi1>, vector<8x256xi32>
    %max3A_436 = arith.maximumf %max3A_430, %slice3A_431 : vector<8x256xf32>
    %slice3A_437 = vector.extract_strided_slice %get3A_1 {offsets = [0, 18944], sizes = [8, 256], strides = [1, 1]} : vector<8x32768xf32> to vector<8x256xf32>
    %gt3A_438 = arith.cmpf ogt, %slice3A_437, %max3A_436 : vector<8x256xf32>
    %jit3A_439 = arith.constant 74 : i32
    %broadcast_in_dim3A_440 = vector.broadcast %jit3A_439 : i32 to vector<8x256xi32>
    %select_n3A_441 = arith.select %gt3A_438, %broadcast_in_dim3A_440, %select_n3A_435 : vector<8x256xi1>, vector<8x256xi32>
    %max3A_442 = arith.maximumf %max3A_436, %slice3A_437 : vector<8x256xf32>
    %slice3A_443 = vector.extract_strided_slice %get3A_1 {offsets = [0, 19200], sizes = [8, 256], strides = [1, 1]} : vector<8x32768xf32> to vector<8x256xf32>
    %gt3A_444 = arith.cmpf ogt, %slice3A_443, %max3A_442 : vector<8x256xf32>
    %jit3A_445 = arith.constant 75 : i32
    %broadcast_in_dim3A_446 = vector.broadcast %jit3A_445 : i32 to vector<8x256xi32>
    %select_n3A_447 = arith.select %gt3A_444, %broadcast_in_dim3A_446, %select_n3A_441 : vector<8x256xi1>, vector<8x256xi32>
    %max3A_448 = arith.maximumf %max3A_442, %slice3A_443 : vector<8x256xf32>
    %slice3A_449 = vector.extract_strided_slice %get3A_1 {offsets = [0, 19456], sizes = [8, 256], strides = [1, 1]} : vector<8x32768xf32> to vector<8x256xf32>
    %gt3A_450 = arith.cmpf ogt, %slice3A_449, %max3A_448 : vector<8x256xf32>
    %jit3A_451 = arith.constant 76 : i32
    %broadcast_in_dim3A_452 = vector.broadcast %jit3A_451 : i32 to vector<8x256xi32>
    %select_n3A_453 = arith.select %gt3A_450, %broadcast_in_dim3A_452, %select_n3A_447 : vector<8x256xi1>, vector<8x256xi32>
    %max3A_454 = arith.maximumf %max3A_448, %slice3A_449 : vector<8x256xf32>
    %slice3A_455 = vector.extract_strided_slice %get3A_1 {offsets = [0, 19712], sizes = [8, 256], strides = [1, 1]} : vector<8x32768xf32> to vector<8x256xf32>
    %gt3A_456 = arith.cmpf ogt, %slice3A_455, %max3A_454 : vector<8x256xf32>
    %jit3A_457 = arith.constant 77 : i32
    %broadcast_in_dim3A_458 = vector.broadcast %jit3A_457 : i32 to vector<8x256xi32>
    %select_n3A_459 = arith.select %gt3A_456, %broadcast_in_dim3A_458, %select_n3A_453 : vector<8x256xi1>, vector<8x256xi32>
    %max3A_460 = arith.maximumf %max3A_454, %slice3A_455 : vector<8x256xf32>
    %slice3A_461 = vector.extract_strided_slice %get3A_1 {offsets = [0, 19968], sizes = [8, 256], strides = [1, 1]} : vector<8x32768xf32> to vector<8x256xf32>
    %gt3A_462 = arith.cmpf ogt, %slice3A_461, %max3A_460 : vector<8x256xf32>
    %jit3A_463 = arith.constant 78 : i32
    %broadcast_in_dim3A_464 = vector.broadcast %jit3A_463 : i32 to vector<8x256xi32>
    %select_n3A_465 = arith.select %gt3A_462, %broadcast_in_dim3A_464, %select_n3A_459 : vector<8x256xi1>, vector<8x256xi32>
    %max3A_466 = arith.maximumf %max3A_460, %slice3A_461 : vector<8x256xf32>
    %slice3A_467 = vector.extract_strided_slice %get3A_1 {offsets = [0, 20224], sizes = [8, 256], strides = [1, 1]} : vector<8x32768xf32> to vector<8x256xf32>
    %gt3A_468 = arith.cmpf ogt, %slice3A_467, %max3A_466 : vector<8x256xf32>
    %jit3A_469 = arith.constant 79 : i32
    %broadcast_in_dim3A_470 = vector.broadcast %jit3A_469 : i32 to vector<8x256xi32>
    %select_n3A_471 = arith.select %gt3A_468, %broadcast_in_dim3A_470, %select_n3A_465 : vector<8x256xi1>, vector<8x256xi32>
    %max3A_472 = arith.maximumf %max3A_466, %slice3A_467 : vector<8x256xf32>
    %slice3A_473 = vector.extract_strided_slice %get3A_1 {offsets = [0, 20480], sizes = [8, 256], strides = [1, 1]} : vector<8x32768xf32> to vector<8x256xf32>
    %gt3A_474 = arith.cmpf ogt, %slice3A_473, %max3A_472 : vector<8x256xf32>
    %jit3A_475 = arith.constant 80 : i32
    %broadcast_in_dim3A_476 = vector.broadcast %jit3A_475 : i32 to vector<8x256xi32>
    %select_n3A_477 = arith.select %gt3A_474, %broadcast_in_dim3A_476, %select_n3A_471 : vector<8x256xi1>, vector<8x256xi32>
    %max3A_478 = arith.maximumf %max3A_472, %slice3A_473 : vector<8x256xf32>
    %slice3A_479 = vector.extract_strided_slice %get3A_1 {offsets = [0, 20736], sizes = [8, 256], strides = [1, 1]} : vector<8x32768xf32> to vector<8x256xf32>
    %gt3A_480 = arith.cmpf ogt, %slice3A_479, %max3A_478 : vector<8x256xf32>
    %jit3A_481 = arith.constant 81 : i32
    %broadcast_in_dim3A_482 = vector.broadcast %jit3A_481 : i32 to vector<8x256xi32>
    %select_n3A_483 = arith.select %gt3A_480, %broadcast_in_dim3A_482, %select_n3A_477 : vector<8x256xi1>, vector<8x256xi32>
    %max3A_484 = arith.maximumf %max3A_478, %slice3A_479 : vector<8x256xf32>
    %slice3A_485 = vector.extract_strided_slice %get3A_1 {offsets = [0, 20992], sizes = [8, 256], strides = [1, 1]} : vector<8x32768xf32> to vector<8x256xf32>
    %gt3A_486 = arith.cmpf ogt, %slice3A_485, %max3A_484 : vector<8x256xf32>
    %jit3A_487 = arith.constant 82 : i32
    %broadcast_in_dim3A_488 = vector.broadcast %jit3A_487 : i32 to vector<8x256xi32>
    %select_n3A_489 = arith.select %gt3A_486, %broadcast_in_dim3A_488, %select_n3A_483 : vector<8x256xi1>, vector<8x256xi32>
    %max3A_490 = arith.maximumf %max3A_484, %slice3A_485 : vector<8x256xf32>
    %slice3A_491 = vector.extract_strided_slice %get3A_1 {offsets = [0, 21248], sizes = [8, 256], strides = [1, 1]} : vector<8x32768xf32> to vector<8x256xf32>
    %gt3A_492 = arith.cmpf ogt, %slice3A_491, %max3A_490 : vector<8x256xf32>
    %jit3A_493 = arith.constant 83 : i32
    %broadcast_in_dim3A_494 = vector.broadcast %jit3A_493 : i32 to vector<8x256xi32>
    %select_n3A_495 = arith.select %gt3A_492, %broadcast_in_dim3A_494, %select_n3A_489 : vector<8x256xi1>, vector<8x256xi32>
    %max3A_496 = arith.maximumf %max3A_490, %slice3A_491 : vector<8x256xf32>
    %slice3A_497 = vector.extract_strided_slice %get3A_1 {offsets = [0, 21504], sizes = [8, 256], strides = [1, 1]} : vector<8x32768xf32> to vector<8x256xf32>
    %gt3A_498 = arith.cmpf ogt, %slice3A_497, %max3A_496 : vector<8x256xf32>
    %jit3A_499 = arith.constant 84 : i32
    %broadcast_in_dim3A_500 = vector.broadcast %jit3A_499 : i32 to vector<8x256xi32>
    %select_n3A_501 = arith.select %gt3A_498, %broadcast_in_dim3A_500, %select_n3A_495 : vector<8x256xi1>, vector<8x256xi32>
    %max3A_502 = arith.maximumf %max3A_496, %slice3A_497 : vector<8x256xf32>
    %slice3A_503 = vector.extract_strided_slice %get3A_1 {offsets = [0, 21760], sizes = [8, 256], strides = [1, 1]} : vector<8x32768xf32> to vector<8x256xf32>
    %gt3A_504 = arith.cmpf ogt, %slice3A_503, %max3A_502 : vector<8x256xf32>
    %jit3A_505 = arith.constant 85 : i32
    %broadcast_in_dim3A_506 = vector.broadcast %jit3A_505 : i32 to vector<8x256xi32>
    %select_n3A_507 = arith.select %gt3A_504, %broadcast_in_dim3A_506, %select_n3A_501 : vector<8x256xi1>, vector<8x256xi32>
    %max3A_508 = arith.maximumf %max3A_502, %slice3A_503 : vector<8x256xf32>
    %slice3A_509 = vector.extract_strided_slice %get3A_1 {offsets = [0, 22016], sizes = [8, 256], strides = [1, 1]} : vector<8x32768xf32> to vector<8x256xf32>
    %gt3A_510 = arith.cmpf ogt, %slice3A_509, %max3A_508 : vector<8x256xf32>
    %jit3A_511 = arith.constant 86 : i32
    %broadcast_in_dim3A_512 = vector.broadcast %jit3A_511 : i32 to vector<8x256xi32>
    %select_n3A_513 = arith.select %gt3A_510, %broadcast_in_dim3A_512, %select_n3A_507 : vector<8x256xi1>, vector<8x256xi32>
    %max3A_514 = arith.maximumf %max3A_508, %slice3A_509 : vector<8x256xf32>
    %slice3A_515 = vector.extract_strided_slice %get3A_1 {offsets = [0, 22272], sizes = [8, 256], strides = [1, 1]} : vector<8x32768xf32> to vector<8x256xf32>
    %gt3A_516 = arith.cmpf ogt, %slice3A_515, %max3A_514 : vector<8x256xf32>
    %jit3A_517 = arith.constant 87 : i32
    %broadcast_in_dim3A_518 = vector.broadcast %jit3A_517 : i32 to vector<8x256xi32>
    %select_n3A_519 = arith.select %gt3A_516, %broadcast_in_dim3A_518, %select_n3A_513 : vector<8x256xi1>, vector<8x256xi32>
    %max3A_520 = arith.maximumf %max3A_514, %slice3A_515 : vector<8x256xf32>
    %slice3A_521 = vector.extract_strided_slice %get3A_1 {offsets = [0, 22528], sizes = [8, 256], strides = [1, 1]} : vector<8x32768xf32> to vector<8x256xf32>
    %gt3A_522 = arith.cmpf ogt, %slice3A_521, %max3A_520 : vector<8x256xf32>
    %jit3A_523 = arith.constant 88 : i32
    %broadcast_in_dim3A_524 = vector.broadcast %jit3A_523 : i32 to vector<8x256xi32>
    %select_n3A_525 = arith.select %gt3A_522, %broadcast_in_dim3A_524, %select_n3A_519 : vector<8x256xi1>, vector<8x256xi32>
    %max3A_526 = arith.maximumf %max3A_520, %slice3A_521 : vector<8x256xf32>
    %slice3A_527 = vector.extract_strided_slice %get3A_1 {offsets = [0, 22784], sizes = [8, 256], strides = [1, 1]} : vector<8x32768xf32> to vector<8x256xf32>
    %gt3A_528 = arith.cmpf ogt, %slice3A_527, %max3A_526 : vector<8x256xf32>
    %jit3A_529 = arith.constant 89 : i32
    %broadcast_in_dim3A_530 = vector.broadcast %jit3A_529 : i32 to vector<8x256xi32>
    %select_n3A_531 = arith.select %gt3A_528, %broadcast_in_dim3A_530, %select_n3A_525 : vector<8x256xi1>, vector<8x256xi32>
    %max3A_532 = arith.maximumf %max3A_526, %slice3A_527 : vector<8x256xf32>
    %slice3A_533 = vector.extract_strided_slice %get3A_1 {offsets = [0, 23040], sizes = [8, 256], strides = [1, 1]} : vector<8x32768xf32> to vector<8x256xf32>
    %gt3A_534 = arith.cmpf ogt, %slice3A_533, %max3A_532 : vector<8x256xf32>
    %jit3A_535 = arith.constant 90 : i32
    %broadcast_in_dim3A_536 = vector.broadcast %jit3A_535 : i32 to vector<8x256xi32>
    %select_n3A_537 = arith.select %gt3A_534, %broadcast_in_dim3A_536, %select_n3A_531 : vector<8x256xi1>, vector<8x256xi32>
    %max3A_538 = arith.maximumf %max3A_532, %slice3A_533 : vector<8x256xf32>
    %slice3A_539 = vector.extract_strided_slice %get3A_1 {offsets = [0, 23296], sizes = [8, 256], strides = [1, 1]} : vector<8x32768xf32> to vector<8x256xf32>
    %gt3A_540 = arith.cmpf ogt, %slice3A_539, %max3A_538 : vector<8x256xf32>
    %jit3A_541 = arith.constant 91 : i32
    %broadcast_in_dim3A_542 = vector.broadcast %jit3A_541 : i32 to vector<8x256xi32>
    %select_n3A_543 = arith.select %gt3A_540, %broadcast_in_dim3A_542, %select_n3A_537 : vector<8x256xi1>, vector<8x256xi32>
    %max3A_544 = arith.maximumf %max3A_538, %slice3A_539 : vector<8x256xf32>
    %slice3A_545 = vector.extract_strided_slice %get3A_1 {offsets = [0, 23552], sizes = [8, 256], strides = [1, 1]} : vector<8x32768xf32> to vector<8x256xf32>
    %gt3A_546 = arith.cmpf ogt, %slice3A_545, %max3A_544 : vector<8x256xf32>
    %jit3A_547 = arith.constant 92 : i32
    %broadcast_in_dim3A_548 = vector.broadcast %jit3A_547 : i32 to vector<8x256xi32>
    %select_n3A_549 = arith.select %gt3A_546, %broadcast_in_dim3A_548, %select_n3A_543 : vector<8x256xi1>, vector<8x256xi32>
    %max3A_550 = arith.maximumf %max3A_544, %slice3A_545 : vector<8x256xf32>
    %slice3A_551 = vector.extract_strided_slice %get3A_1 {offsets = [0, 23808], sizes = [8, 256], strides = [1, 1]} : vector<8x32768xf32> to vector<8x256xf32>
    %gt3A_552 = arith.cmpf ogt, %slice3A_551, %max3A_550 : vector<8x256xf32>
    %jit3A_553 = arith.constant 93 : i32
    %broadcast_in_dim3A_554 = vector.broadcast %jit3A_553 : i32 to vector<8x256xi32>
    %select_n3A_555 = arith.select %gt3A_552, %broadcast_in_dim3A_554, %select_n3A_549 : vector<8x256xi1>, vector<8x256xi32>
    %max3A_556 = arith.maximumf %max3A_550, %slice3A_551 : vector<8x256xf32>
    %slice3A_557 = vector.extract_strided_slice %get3A_1 {offsets = [0, 24064], sizes = [8, 256], strides = [1, 1]} : vector<8x32768xf32> to vector<8x256xf32>
    %gt3A_558 = arith.cmpf ogt, %slice3A_557, %max3A_556 : vector<8x256xf32>
    %jit3A_559 = arith.constant 94 : i32
    %broadcast_in_dim3A_560 = vector.broadcast %jit3A_559 : i32 to vector<8x256xi32>
    %select_n3A_561 = arith.select %gt3A_558, %broadcast_in_dim3A_560, %select_n3A_555 : vector<8x256xi1>, vector<8x256xi32>
    %max3A_562 = arith.maximumf %max3A_556, %slice3A_557 : vector<8x256xf32>
    %slice3A_563 = vector.extract_strided_slice %get3A_1 {offsets = [0, 24320], sizes = [8, 256], strides = [1, 1]} : vector<8x32768xf32> to vector<8x256xf32>
    %gt3A_564 = arith.cmpf ogt, %slice3A_563, %max3A_562 : vector<8x256xf32>
    %jit3A_565 = arith.constant 95 : i32
    %broadcast_in_dim3A_566 = vector.broadcast %jit3A_565 : i32 to vector<8x256xi32>
    %select_n3A_567 = arith.select %gt3A_564, %broadcast_in_dim3A_566, %select_n3A_561 : vector<8x256xi1>, vector<8x256xi32>
    %max3A_568 = arith.maximumf %max3A_562, %slice3A_563 : vector<8x256xf32>
    %slice3A_569 = vector.extract_strided_slice %get3A_1 {offsets = [0, 24576], sizes = [8, 256], strides = [1, 1]} : vector<8x32768xf32> to vector<8x256xf32>
    %gt3A_570 = arith.cmpf ogt, %slice3A_569, %max3A_568 : vector<8x256xf32>
    %jit3A_571 = arith.constant 96 : i32
    %broadcast_in_dim3A_572 = vector.broadcast %jit3A_571 : i32 to vector<8x256xi32>
    %select_n3A_573 = arith.select %gt3A_570, %broadcast_in_dim3A_572, %select_n3A_567 : vector<8x256xi1>, vector<8x256xi32>
    %max3A_574 = arith.maximumf %max3A_568, %slice3A_569 : vector<8x256xf32>
    %slice3A_575 = vector.extract_strided_slice %get3A_1 {offsets = [0, 24832], sizes = [8, 256], strides = [1, 1]} : vector<8x32768xf32> to vector<8x256xf32>
    %gt3A_576 = arith.cmpf ogt, %slice3A_575, %max3A_574 : vector<8x256xf32>
    %jit3A_577 = arith.constant 97 : i32
    %broadcast_in_dim3A_578 = vector.broadcast %jit3A_577 : i32 to vector<8x256xi32>
    %select_n3A_579 = arith.select %gt3A_576, %broadcast_in_dim3A_578, %select_n3A_573 : vector<8x256xi1>, vector<8x256xi32>
    %max3A_580 = arith.maximumf %max3A_574, %slice3A_575 : vector<8x256xf32>
    %slice3A_581 = vector.extract_strided_slice %get3A_1 {offsets = [0, 25088], sizes = [8, 256], strides = [1, 1]} : vector<8x32768xf32> to vector<8x256xf32>
    %gt3A_582 = arith.cmpf ogt, %slice3A_581, %max3A_580 : vector<8x256xf32>
    %jit3A_583 = arith.constant 98 : i32
    %broadcast_in_dim3A_584 = vector.broadcast %jit3A_583 : i32 to vector<8x256xi32>
    %select_n3A_585 = arith.select %gt3A_582, %broadcast_in_dim3A_584, %select_n3A_579 : vector<8x256xi1>, vector<8x256xi32>
    %max3A_586 = arith.maximumf %max3A_580, %slice3A_581 : vector<8x256xf32>
    %slice3A_587 = vector.extract_strided_slice %get3A_1 {offsets = [0, 25344], sizes = [8, 256], strides = [1, 1]} : vector<8x32768xf32> to vector<8x256xf32>
    %gt3A_588 = arith.cmpf ogt, %slice3A_587, %max3A_586 : vector<8x256xf32>
    %jit3A_589 = arith.constant 99 : i32
    %broadcast_in_dim3A_590 = vector.broadcast %jit3A_589 : i32 to vector<8x256xi32>
    %select_n3A_591 = arith.select %gt3A_588, %broadcast_in_dim3A_590, %select_n3A_585 : vector<8x256xi1>, vector<8x256xi32>
    %max3A_592 = arith.maximumf %max3A_586, %slice3A_587 : vector<8x256xf32>
    %slice3A_593 = vector.extract_strided_slice %get3A_1 {offsets = [0, 25600], sizes = [8, 256], strides = [1, 1]} : vector<8x32768xf32> to vector<8x256xf32>
    %gt3A_594 = arith.cmpf ogt, %slice3A_593, %max3A_592 : vector<8x256xf32>
    %jit3A_595 = arith.constant 100 : i32
    %broadcast_in_dim3A_596 = vector.broadcast %jit3A_595 : i32 to vector<8x256xi32>
    %select_n3A_597 = arith.select %gt3A_594, %broadcast_in_dim3A_596, %select_n3A_591 : vector<8x256xi1>, vector<8x256xi32>
    %max3A_598 = arith.maximumf %max3A_592, %slice3A_593 : vector<8x256xf32>
    %slice3A_599 = vector.extract_strided_slice %get3A_1 {offsets = [0, 25856], sizes = [8, 256], strides = [1, 1]} : vector<8x32768xf32> to vector<8x256xf32>
    %gt3A_600 = arith.cmpf ogt, %slice3A_599, %max3A_598 : vector<8x256xf32>
    %jit3A_601 = arith.constant 101 : i32
    %broadcast_in_dim3A_602 = vector.broadcast %jit3A_601 : i32 to vector<8x256xi32>
    %select_n3A_603 = arith.select %gt3A_600, %broadcast_in_dim3A_602, %select_n3A_597 : vector<8x256xi1>, vector<8x256xi32>
    %max3A_604 = arith.maximumf %max3A_598, %slice3A_599 : vector<8x256xf32>
    %slice3A_605 = vector.extract_strided_slice %get3A_1 {offsets = [0, 26112], sizes = [8, 256], strides = [1, 1]} : vector<8x32768xf32> to vector<8x256xf32>
    %gt3A_606 = arith.cmpf ogt, %slice3A_605, %max3A_604 : vector<8x256xf32>
    %jit3A_607 = arith.constant 102 : i32
    %broadcast_in_dim3A_608 = vector.broadcast %jit3A_607 : i32 to vector<8x256xi32>
    %select_n3A_609 = arith.select %gt3A_606, %broadcast_in_dim3A_608, %select_n3A_603 : vector<8x256xi1>, vector<8x256xi32>
    %max3A_610 = arith.maximumf %max3A_604, %slice3A_605 : vector<8x256xf32>
    %slice3A_611 = vector.extract_strided_slice %get3A_1 {offsets = [0, 26368], sizes = [8, 256], strides = [1, 1]} : vector<8x32768xf32> to vector<8x256xf32>
    %gt3A_612 = arith.cmpf ogt, %slice3A_611, %max3A_610 : vector<8x256xf32>
    %jit3A_613 = arith.constant 103 : i32
    %broadcast_in_dim3A_614 = vector.broadcast %jit3A_613 : i32 to vector<8x256xi32>
    %select_n3A_615 = arith.select %gt3A_612, %broadcast_in_dim3A_614, %select_n3A_609 : vector<8x256xi1>, vector<8x256xi32>
    %max3A_616 = arith.maximumf %max3A_610, %slice3A_611 : vector<8x256xf32>
    %slice3A_617 = vector.extract_strided_slice %get3A_1 {offsets = [0, 26624], sizes = [8, 256], strides = [1, 1]} : vector<8x32768xf32> to vector<8x256xf32>
    %gt3A_618 = arith.cmpf ogt, %slice3A_617, %max3A_616 : vector<8x256xf32>
    %jit3A_619 = arith.constant 104 : i32
    %broadcast_in_dim3A_620 = vector.broadcast %jit3A_619 : i32 to vector<8x256xi32>
    %select_n3A_621 = arith.select %gt3A_618, %broadcast_in_dim3A_620, %select_n3A_615 : vector<8x256xi1>, vector<8x256xi32>
    %max3A_622 = arith.maximumf %max3A_616, %slice3A_617 : vector<8x256xf32>
    %slice3A_623 = vector.extract_strided_slice %get3A_1 {offsets = [0, 26880], sizes = [8, 256], strides = [1, 1]} : vector<8x32768xf32> to vector<8x256xf32>
    %gt3A_624 = arith.cmpf ogt, %slice3A_623, %max3A_622 : vector<8x256xf32>
    %jit3A_625 = arith.constant 105 : i32
    %broadcast_in_dim3A_626 = vector.broadcast %jit3A_625 : i32 to vector<8x256xi32>
    %select_n3A_627 = arith.select %gt3A_624, %broadcast_in_dim3A_626, %select_n3A_621 : vector<8x256xi1>, vector<8x256xi32>
    %max3A_628 = arith.maximumf %max3A_622, %slice3A_623 : vector<8x256xf32>
    %slice3A_629 = vector.extract_strided_slice %get3A_1 {offsets = [0, 27136], sizes = [8, 256], strides = [1, 1]} : vector<8x32768xf32> to vector<8x256xf32>
    %gt3A_630 = arith.cmpf ogt, %slice3A_629, %max3A_628 : vector<8x256xf32>
    %jit3A_631 = arith.constant 106 : i32
    %broadcast_in_dim3A_632 = vector.broadcast %jit3A_631 : i32 to vector<8x256xi32>
    %select_n3A_633 = arith.select %gt3A_630, %broadcast_in_dim3A_632, %select_n3A_627 : vector<8x256xi1>, vector<8x256xi32>
    %max3A_634 = arith.maximumf %max3A_628, %slice3A_629 : vector<8x256xf32>
    %slice3A_635 = vector.extract_strided_slice %get3A_1 {offsets = [0, 27392], sizes = [8, 256], strides = [1, 1]} : vector<8x32768xf32> to vector<8x256xf32>
    %gt3A_636 = arith.cmpf ogt, %slice3A_635, %max3A_634 : vector<8x256xf32>
    %jit3A_637 = arith.constant 107 : i32
    %broadcast_in_dim3A_638 = vector.broadcast %jit3A_637 : i32 to vector<8x256xi32>
    %select_n3A_639 = arith.select %gt3A_636, %broadcast_in_dim3A_638, %select_n3A_633 : vector<8x256xi1>, vector<8x256xi32>
    %max3A_640 = arith.maximumf %max3A_634, %slice3A_635 : vector<8x256xf32>
    %slice3A_641 = vector.extract_strided_slice %get3A_1 {offsets = [0, 27648], sizes = [8, 256], strides = [1, 1]} : vector<8x32768xf32> to vector<8x256xf32>
    %gt3A_642 = arith.cmpf ogt, %slice3A_641, %max3A_640 : vector<8x256xf32>
    %jit3A_643 = arith.constant 108 : i32
    %broadcast_in_dim3A_644 = vector.broadcast %jit3A_643 : i32 to vector<8x256xi32>
    %select_n3A_645 = arith.select %gt3A_642, %broadcast_in_dim3A_644, %select_n3A_639 : vector<8x256xi1>, vector<8x256xi32>
    %max3A_646 = arith.maximumf %max3A_640, %slice3A_641 : vector<8x256xf32>
    %slice3A_647 = vector.extract_strided_slice %get3A_1 {offsets = [0, 27904], sizes = [8, 256], strides = [1, 1]} : vector<8x32768xf32> to vector<8x256xf32>
    %gt3A_648 = arith.cmpf ogt, %slice3A_647, %max3A_646 : vector<8x256xf32>
    %jit3A_649 = arith.constant 109 : i32
    %broadcast_in_dim3A_650 = vector.broadcast %jit3A_649 : i32 to vector<8x256xi32>
    %select_n3A_651 = arith.select %gt3A_648, %broadcast_in_dim3A_650, %select_n3A_645 : vector<8x256xi1>, vector<8x256xi32>
    %max3A_652 = arith.maximumf %max3A_646, %slice3A_647 : vector<8x256xf32>
    %slice3A_653 = vector.extract_strided_slice %get3A_1 {offsets = [0, 28160], sizes = [8, 256], strides = [1, 1]} : vector<8x32768xf32> to vector<8x256xf32>
    %gt3A_654 = arith.cmpf ogt, %slice3A_653, %max3A_652 : vector<8x256xf32>
    %jit3A_655 = arith.constant 110 : i32
    %broadcast_in_dim3A_656 = vector.broadcast %jit3A_655 : i32 to vector<8x256xi32>
    %select_n3A_657 = arith.select %gt3A_654, %broadcast_in_dim3A_656, %select_n3A_651 : vector<8x256xi1>, vector<8x256xi32>
    %max3A_658 = arith.maximumf %max3A_652, %slice3A_653 : vector<8x256xf32>
    %slice3A_659 = vector.extract_strided_slice %get3A_1 {offsets = [0, 28416], sizes = [8, 256], strides = [1, 1]} : vector<8x32768xf32> to vector<8x256xf32>
    %gt3A_660 = arith.cmpf ogt, %slice3A_659, %max3A_658 : vector<8x256xf32>
    %jit3A_661 = arith.constant 111 : i32
    %broadcast_in_dim3A_662 = vector.broadcast %jit3A_661 : i32 to vector<8x256xi32>
    %select_n3A_663 = arith.select %gt3A_660, %broadcast_in_dim3A_662, %select_n3A_657 : vector<8x256xi1>, vector<8x256xi32>
    %max3A_664 = arith.maximumf %max3A_658, %slice3A_659 : vector<8x256xf32>
    %slice3A_665 = vector.extract_strided_slice %get3A_1 {offsets = [0, 28672], sizes = [8, 256], strides = [1, 1]} : vector<8x32768xf32> to vector<8x256xf32>
    %gt3A_666 = arith.cmpf ogt, %slice3A_665, %max3A_664 : vector<8x256xf32>
    %jit3A_667 = arith.constant 112 : i32
    %broadcast_in_dim3A_668 = vector.broadcast %jit3A_667 : i32 to vector<8x256xi32>
    %select_n3A_669 = arith.select %gt3A_666, %broadcast_in_dim3A_668, %select_n3A_663 : vector<8x256xi1>, vector<8x256xi32>
    %max3A_670 = arith.maximumf %max3A_664, %slice3A_665 : vector<8x256xf32>
    %slice3A_671 = vector.extract_strided_slice %get3A_1 {offsets = [0, 28928], sizes = [8, 256], strides = [1, 1]} : vector<8x32768xf32> to vector<8x256xf32>
    %gt3A_672 = arith.cmpf ogt, %slice3A_671, %max3A_670 : vector<8x256xf32>
    %jit3A_673 = arith.constant 113 : i32
    %broadcast_in_dim3A_674 = vector.broadcast %jit3A_673 : i32 to vector<8x256xi32>
    %select_n3A_675 = arith.select %gt3A_672, %broadcast_in_dim3A_674, %select_n3A_669 : vector<8x256xi1>, vector<8x256xi32>
    %max3A_676 = arith.maximumf %max3A_670, %slice3A_671 : vector<8x256xf32>
    %slice3A_677 = vector.extract_strided_slice %get3A_1 {offsets = [0, 29184], sizes = [8, 256], strides = [1, 1]} : vector<8x32768xf32> to vector<8x256xf32>
    %gt3A_678 = arith.cmpf ogt, %slice3A_677, %max3A_676 : vector<8x256xf32>
    %jit3A_679 = arith.constant 114 : i32
    %broadcast_in_dim3A_680 = vector.broadcast %jit3A_679 : i32 to vector<8x256xi32>
    %select_n3A_681 = arith.select %gt3A_678, %broadcast_in_dim3A_680, %select_n3A_675 : vector<8x256xi1>, vector<8x256xi32>
    %max3A_682 = arith.maximumf %max3A_676, %slice3A_677 : vector<8x256xf32>
    %slice3A_683 = vector.extract_strided_slice %get3A_1 {offsets = [0, 29440], sizes = [8, 256], strides = [1, 1]} : vector<8x32768xf32> to vector<8x256xf32>
    %gt3A_684 = arith.cmpf ogt, %slice3A_683, %max3A_682 : vector<8x256xf32>
    %jit3A_685 = arith.constant 115 : i32
    %broadcast_in_dim3A_686 = vector.broadcast %jit3A_685 : i32 to vector<8x256xi32>
    %select_n3A_687 = arith.select %gt3A_684, %broadcast_in_dim3A_686, %select_n3A_681 : vector<8x256xi1>, vector<8x256xi32>
    %max3A_688 = arith.maximumf %max3A_682, %slice3A_683 : vector<8x256xf32>
    %slice3A_689 = vector.extract_strided_slice %get3A_1 {offsets = [0, 29696], sizes = [8, 256], strides = [1, 1]} : vector<8x32768xf32> to vector<8x256xf32>
    %gt3A_690 = arith.cmpf ogt, %slice3A_689, %max3A_688 : vector<8x256xf32>
    %jit3A_691 = arith.constant 116 : i32
    %broadcast_in_dim3A_692 = vector.broadcast %jit3A_691 : i32 to vector<8x256xi32>
    %select_n3A_693 = arith.select %gt3A_690, %broadcast_in_dim3A_692, %select_n3A_687 : vector<8x256xi1>, vector<8x256xi32>
    %max3A_694 = arith.maximumf %max3A_688, %slice3A_689 : vector<8x256xf32>
    %slice3A_695 = vector.extract_strided_slice %get3A_1 {offsets = [0, 29952], sizes = [8, 256], strides = [1, 1]} : vector<8x32768xf32> to vector<8x256xf32>
    %gt3A_696 = arith.cmpf ogt, %slice3A_695, %max3A_694 : vector<8x256xf32>
    %jit3A_697 = arith.constant 117 : i32
    %broadcast_in_dim3A_698 = vector.broadcast %jit3A_697 : i32 to vector<8x256xi32>
    %select_n3A_699 = arith.select %gt3A_696, %broadcast_in_dim3A_698, %select_n3A_693 : vector<8x256xi1>, vector<8x256xi32>
    %max3A_700 = arith.maximumf %max3A_694, %slice3A_695 : vector<8x256xf32>
    %slice3A_701 = vector.extract_strided_slice %get3A_1 {offsets = [0, 30208], sizes = [8, 256], strides = [1, 1]} : vector<8x32768xf32> to vector<8x256xf32>
    %gt3A_702 = arith.cmpf ogt, %slice3A_701, %max3A_700 : vector<8x256xf32>
    %jit3A_703 = arith.constant 118 : i32
    %broadcast_in_dim3A_704 = vector.broadcast %jit3A_703 : i32 to vector<8x256xi32>
    %select_n3A_705 = arith.select %gt3A_702, %broadcast_in_dim3A_704, %select_n3A_699 : vector<8x256xi1>, vector<8x256xi32>
    %max3A_706 = arith.maximumf %max3A_700, %slice3A_701 : vector<8x256xf32>
    %slice3A_707 = vector.extract_strided_slice %get3A_1 {offsets = [0, 30464], sizes = [8, 256], strides = [1, 1]} : vector<8x32768xf32> to vector<8x256xf32>
    %gt3A_708 = arith.cmpf ogt, %slice3A_707, %max3A_706 : vector<8x256xf32>
    %jit3A_709 = arith.constant 119 : i32
    %broadcast_in_dim3A_710 = vector.broadcast %jit3A_709 : i32 to vector<8x256xi32>
    %select_n3A_711 = arith.select %gt3A_708, %broadcast_in_dim3A_710, %select_n3A_705 : vector<8x256xi1>, vector<8x256xi32>
    %max3A_712 = arith.maximumf %max3A_706, %slice3A_707 : vector<8x256xf32>
    %slice3A_713 = vector.extract_strided_slice %get3A_1 {offsets = [0, 30720], sizes = [8, 256], strides = [1, 1]} : vector<8x32768xf32> to vector<8x256xf32>
    %gt3A_714 = arith.cmpf ogt, %slice3A_713, %max3A_712 : vector<8x256xf32>
    %jit3A_715 = arith.constant 120 : i32
    %broadcast_in_dim3A_716 = vector.broadcast %jit3A_715 : i32 to vector<8x256xi32>
    %select_n3A_717 = arith.select %gt3A_714, %broadcast_in_dim3A_716, %select_n3A_711 : vector<8x256xi1>, vector<8x256xi32>
    %max3A_718 = arith.maximumf %max3A_712, %slice3A_713 : vector<8x256xf32>
    %slice3A_719 = vector.extract_strided_slice %get3A_1 {offsets = [0, 30976], sizes = [8, 256], strides = [1, 1]} : vector<8x32768xf32> to vector<8x256xf32>
    %gt3A_720 = arith.cmpf ogt, %slice3A_719, %max3A_718 : vector<8x256xf32>
    %jit3A_721 = arith.constant 121 : i32
    %broadcast_in_dim3A_722 = vector.broadcast %jit3A_721 : i32 to vector<8x256xi32>
    %select_n3A_723 = arith.select %gt3A_720, %broadcast_in_dim3A_722, %select_n3A_717 : vector<8x256xi1>, vector<8x256xi32>
    %max3A_724 = arith.maximumf %max3A_718, %slice3A_719 : vector<8x256xf32>
    %slice3A_725 = vector.extract_strided_slice %get3A_1 {offsets = [0, 31232], sizes = [8, 256], strides = [1, 1]} : vector<8x32768xf32> to vector<8x256xf32>
    %gt3A_726 = arith.cmpf ogt, %slice3A_725, %max3A_724 : vector<8x256xf32>
    %jit3A_727 = arith.constant 122 : i32
    %broadcast_in_dim3A_728 = vector.broadcast %jit3A_727 : i32 to vector<8x256xi32>
    %select_n3A_729 = arith.select %gt3A_726, %broadcast_in_dim3A_728, %select_n3A_723 : vector<8x256xi1>, vector<8x256xi32>
    %max3A_730 = arith.maximumf %max3A_724, %slice3A_725 : vector<8x256xf32>
    %slice3A_731 = vector.extract_strided_slice %get3A_1 {offsets = [0, 31488], sizes = [8, 256], strides = [1, 1]} : vector<8x32768xf32> to vector<8x256xf32>
    %gt3A_732 = arith.cmpf ogt, %slice3A_731, %max3A_730 : vector<8x256xf32>
    %jit3A_733 = arith.constant 123 : i32
    %broadcast_in_dim3A_734 = vector.broadcast %jit3A_733 : i32 to vector<8x256xi32>
    %select_n3A_735 = arith.select %gt3A_732, %broadcast_in_dim3A_734, %select_n3A_729 : vector<8x256xi1>, vector<8x256xi32>
    %max3A_736 = arith.maximumf %max3A_730, %slice3A_731 : vector<8x256xf32>
    %slice3A_737 = vector.extract_strided_slice %get3A_1 {offsets = [0, 31744], sizes = [8, 256], strides = [1, 1]} : vector<8x32768xf32> to vector<8x256xf32>
    %gt3A_738 = arith.cmpf ogt, %slice3A_737, %max3A_736 : vector<8x256xf32>
    %jit3A_739 = arith.constant 124 : i32
    %broadcast_in_dim3A_740 = vector.broadcast %jit3A_739 : i32 to vector<8x256xi32>
    %select_n3A_741 = arith.select %gt3A_738, %broadcast_in_dim3A_740, %select_n3A_735 : vector<8x256xi1>, vector<8x256xi32>
    %max3A_742 = arith.maximumf %max3A_736, %slice3A_737 : vector<8x256xf32>
    %slice3A_743 = vector.extract_strided_slice %get3A_1 {offsets = [0, 32000], sizes = [8, 256], strides = [1, 1]} : vector<8x32768xf32> to vector<8x256xf32>
    %gt3A_744 = arith.cmpf ogt, %slice3A_743, %max3A_742 : vector<8x256xf32>
    %jit3A_745 = arith.constant 125 : i32
    %broadcast_in_dim3A_746 = vector.broadcast %jit3A_745 : i32 to vector<8x256xi32>
    %select_n3A_747 = arith.select %gt3A_744, %broadcast_in_dim3A_746, %select_n3A_741 : vector<8x256xi1>, vector<8x256xi32>
    %max3A_748 = arith.maximumf %max3A_742, %slice3A_743 : vector<8x256xf32>
    %slice3A_749 = vector.extract_strided_slice %get3A_1 {offsets = [0, 32256], sizes = [8, 256], strides = [1, 1]} : vector<8x32768xf32> to vector<8x256xf32>
    %gt3A_750 = arith.cmpf ogt, %slice3A_749, %max3A_748 : vector<8x256xf32>
    %jit3A_751 = arith.constant 126 : i32
    %broadcast_in_dim3A_752 = vector.broadcast %jit3A_751 : i32 to vector<8x256xi32>
    %select_n3A_753 = arith.select %gt3A_750, %broadcast_in_dim3A_752, %select_n3A_747 : vector<8x256xi1>, vector<8x256xi32>
    %max3A_754 = arith.maximumf %max3A_748, %slice3A_749 : vector<8x256xf32>
    %slice3A_755 = vector.extract_strided_slice %get3A_1 {offsets = [0, 32512], sizes = [8, 256], strides = [1, 1]} : vector<8x32768xf32> to vector<8x256xf32>
    %gt3A_756 = arith.cmpf ogt, %slice3A_755, %max3A_754 : vector<8x256xf32>
    %jit3A_757 = arith.constant 127 : i32
    %broadcast_in_dim3A_758 = vector.broadcast %jit3A_757 : i32 to vector<8x256xi32>
    %select_n3A_759 = arith.select %gt3A_756, %broadcast_in_dim3A_758, %select_n3A_753 : vector<8x256xi1>, vector<8x256xi32>
    %max3A_760 = arith.maximumf %max3A_754, %slice3A_755 : vector<8x256xf32>
    %reduce_max3A = arith.constant dense<0xFF800000> : vector<8xf32>
    %reduce_max3A_761 = vector.multi_reduction <maximumf>, %max3A_760, %reduce_max3A [1] : vector<8x256xf32> to vector<8xf32>
    %broadcast_in_dim3A_762 = vector.shape_cast %reduce_max3A_761 : vector<8xf32> to vector<8x1xf32>
    %broadcast_in_dim3A_763 = arith.constant 0.000000e+00 : f32
    %broadcast_in_dim3A_764 = vector.broadcast %broadcast_in_dim3A_763 : f32 to vector<8x256xf32>
    %broadcast_in_dim3A_765 = arith.constant 0.000000e+00 : f32
    %broadcast_in_dim3A_766 = vector.broadcast %broadcast_in_dim3A_765 : f32 to vector<8x256xf32>
    %slice3A_767 = vector.extract_strided_slice %get3A_1 {offsets = [0, 0], sizes = [8, 256], strides = [1, 1]} : vector<8x32768xf32> to vector<8x256xf32>
    %sub3A = vector.broadcast %broadcast_in_dim3A_762 : vector<8x1xf32> to vector<8x256xf32>
    %sub3A_768 = arith.subf %slice3A_767, %sub3A : vector<8x256xf32>
    %exp3A = math.exp %sub3A_768 : vector<8x256xf32>
    %add3A = arith.addf %broadcast_in_dim3A_764, %exp3A : vector<8x256xf32>
    %mul3A = arith.mulf %sub3A_768, %exp3A : vector<8x256xf32>
    %add3A_769 = arith.addf %broadcast_in_dim3A_766, %mul3A : vector<8x256xf32>
    %slice3A_770 = vector.extract_strided_slice %get3A_1 {offsets = [0, 256], sizes = [8, 256], strides = [1, 1]} : vector<8x32768xf32> to vector<8x256xf32>
    %sub3A_771 = vector.broadcast %broadcast_in_dim3A_762 : vector<8x1xf32> to vector<8x256xf32>
    %sub3A_772 = arith.subf %slice3A_770, %sub3A_771 : vector<8x256xf32>
    %exp3A_773 = math.exp %sub3A_772 : vector<8x256xf32>
    %add3A_774 = arith.addf %add3A, %exp3A_773 : vector<8x256xf32>
    %mul3A_775 = arith.mulf %sub3A_772, %exp3A_773 : vector<8x256xf32>
    %add3A_776 = arith.addf %add3A_769, %mul3A_775 : vector<8x256xf32>
    %slice3A_777 = vector.extract_strided_slice %get3A_1 {offsets = [0, 512], sizes = [8, 256], strides = [1, 1]} : vector<8x32768xf32> to vector<8x256xf32>
    %sub3A_778 = vector.broadcast %broadcast_in_dim3A_762 : vector<8x1xf32> to vector<8x256xf32>
    %sub3A_779 = arith.subf %slice3A_777, %sub3A_778 : vector<8x256xf32>
    %exp3A_780 = math.exp %sub3A_779 : vector<8x256xf32>
    %add3A_781 = arith.addf %add3A_774, %exp3A_780 : vector<8x256xf32>
    %mul3A_782 = arith.mulf %sub3A_779, %exp3A_780 : vector<8x256xf32>
    %add3A_783 = arith.addf %add3A_776, %mul3A_782 : vector<8x256xf32>
    %slice3A_784 = vector.extract_strided_slice %get3A_1 {offsets = [0, 768], sizes = [8, 256], strides = [1, 1]} : vector<8x32768xf32> to vector<8x256xf32>
    %sub3A_785 = vector.broadcast %broadcast_in_dim3A_762 : vector<8x1xf32> to vector<8x256xf32>
    %sub3A_786 = arith.subf %slice3A_784, %sub3A_785 : vector<8x256xf32>
    %exp3A_787 = math.exp %sub3A_786 : vector<8x256xf32>
    %add3A_788 = arith.addf %add3A_781, %exp3A_787 : vector<8x256xf32>
    %mul3A_789 = arith.mulf %sub3A_786, %exp3A_787 : vector<8x256xf32>
    %add3A_790 = arith.addf %add3A_783, %mul3A_789 : vector<8x256xf32>
    %slice3A_791 = vector.extract_strided_slice %get3A_1 {offsets = [0, 1024], sizes = [8, 256], strides = [1, 1]} : vector<8x32768xf32> to vector<8x256xf32>
    %sub3A_792 = vector.broadcast %broadcast_in_dim3A_762 : vector<8x1xf32> to vector<8x256xf32>
    %sub3A_793 = arith.subf %slice3A_791, %sub3A_792 : vector<8x256xf32>
    %exp3A_794 = math.exp %sub3A_793 : vector<8x256xf32>
    %add3A_795 = arith.addf %add3A_788, %exp3A_794 : vector<8x256xf32>
    %mul3A_796 = arith.mulf %sub3A_793, %exp3A_794 : vector<8x256xf32>
    %add3A_797 = arith.addf %add3A_790, %mul3A_796 : vector<8x256xf32>
    %slice3A_798 = vector.extract_strided_slice %get3A_1 {offsets = [0, 1280], sizes = [8, 256], strides = [1, 1]} : vector<8x32768xf32> to vector<8x256xf32>
    %sub3A_799 = vector.broadcast %broadcast_in_dim3A_762 : vector<8x1xf32> to vector<8x256xf32>
    %sub3A_800 = arith.subf %slice3A_798, %sub3A_799 : vector<8x256xf32>
    %exp3A_801 = math.exp %sub3A_800 : vector<8x256xf32>
    %add3A_802 = arith.addf %add3A_795, %exp3A_801 : vector<8x256xf32>
    %mul3A_803 = arith.mulf %sub3A_800, %exp3A_801 : vector<8x256xf32>
    %add3A_804 = arith.addf %add3A_797, %mul3A_803 : vector<8x256xf32>
    %slice3A_805 = vector.extract_strided_slice %get3A_1 {offsets = [0, 1536], sizes = [8, 256], strides = [1, 1]} : vector<8x32768xf32> to vector<8x256xf32>
    %sub3A_806 = vector.broadcast %broadcast_in_dim3A_762 : vector<8x1xf32> to vector<8x256xf32>
    %sub3A_807 = arith.subf %slice3A_805, %sub3A_806 : vector<8x256xf32>
    %exp3A_808 = math.exp %sub3A_807 : vector<8x256xf32>
    %add3A_809 = arith.addf %add3A_802, %exp3A_808 : vector<8x256xf32>
    %mul3A_810 = arith.mulf %sub3A_807, %exp3A_808 : vector<8x256xf32>
    %add3A_811 = arith.addf %add3A_804, %mul3A_810 : vector<8x256xf32>
    %slice3A_812 = vector.extract_strided_slice %get3A_1 {offsets = [0, 1792], sizes = [8, 256], strides = [1, 1]} : vector<8x32768xf32> to vector<8x256xf32>
    %sub3A_813 = vector.broadcast %broadcast_in_dim3A_762 : vector<8x1xf32> to vector<8x256xf32>
    %sub3A_814 = arith.subf %slice3A_812, %sub3A_813 : vector<8x256xf32>
    %exp3A_815 = math.exp %sub3A_814 : vector<8x256xf32>
    %add3A_816 = arith.addf %add3A_809, %exp3A_815 : vector<8x256xf32>
    %mul3A_817 = arith.mulf %sub3A_814, %exp3A_815 : vector<8x256xf32>
    %add3A_818 = arith.addf %add3A_811, %mul3A_817 : vector<8x256xf32>
    %slice3A_819 = vector.extract_strided_slice %get3A_1 {offsets = [0, 2048], sizes = [8, 256], strides = [1, 1]} : vector<8x32768xf32> to vector<8x256xf32>
    %sub3A_820 = vector.broadcast %broadcast_in_dim3A_762 : vector<8x1xf32> to vector<8x256xf32>
    %sub3A_821 = arith.subf %slice3A_819, %sub3A_820 : vector<8x256xf32>
    %exp3A_822 = math.exp %sub3A_821 : vector<8x256xf32>
    %add3A_823 = arith.addf %add3A_816, %exp3A_822 : vector<8x256xf32>
    %mul3A_824 = arith.mulf %sub3A_821, %exp3A_822 : vector<8x256xf32>
    %add3A_825 = arith.addf %add3A_818, %mul3A_824 : vector<8x256xf32>
    %slice3A_826 = vector.extract_strided_slice %get3A_1 {offsets = [0, 2304], sizes = [8, 256], strides = [1, 1]} : vector<8x32768xf32> to vector<8x256xf32>
    %sub3A_827 = vector.broadcast %broadcast_in_dim3A_762 : vector<8x1xf32> to vector<8x256xf32>
    %sub3A_828 = arith.subf %slice3A_826, %sub3A_827 : vector<8x256xf32>
    %exp3A_829 = math.exp %sub3A_828 : vector<8x256xf32>
    %add3A_830 = arith.addf %add3A_823, %exp3A_829 : vector<8x256xf32>
    %mul3A_831 = arith.mulf %sub3A_828, %exp3A_829 : vector<8x256xf32>
    %add3A_832 = arith.addf %add3A_825, %mul3A_831 : vector<8x256xf32>
    %slice3A_833 = vector.extract_strided_slice %get3A_1 {offsets = [0, 2560], sizes = [8, 256], strides = [1, 1]} : vector<8x32768xf32> to vector<8x256xf32>
    %sub3A_834 = vector.broadcast %broadcast_in_dim3A_762 : vector<8x1xf32> to vector<8x256xf32>
    %sub3A_835 = arith.subf %slice3A_833, %sub3A_834 : vector<8x256xf32>
    %exp3A_836 = math.exp %sub3A_835 : vector<8x256xf32>
    %add3A_837 = arith.addf %add3A_830, %exp3A_836 : vector<8x256xf32>
    %mul3A_838 = arith.mulf %sub3A_835, %exp3A_836 : vector<8x256xf32>
    %add3A_839 = arith.addf %add3A_832, %mul3A_838 : vector<8x256xf32>
    %slice3A_840 = vector.extract_strided_slice %get3A_1 {offsets = [0, 2816], sizes = [8, 256], strides = [1, 1]} : vector<8x32768xf32> to vector<8x256xf32>
    %sub3A_841 = vector.broadcast %broadcast_in_dim3A_762 : vector<8x1xf32> to vector<8x256xf32>
    %sub3A_842 = arith.subf %slice3A_840, %sub3A_841 : vector<8x256xf32>
    %exp3A_843 = math.exp %sub3A_842 : vector<8x256xf32>
    %add3A_844 = arith.addf %add3A_837, %exp3A_843 : vector<8x256xf32>
    %mul3A_845 = arith.mulf %sub3A_842, %exp3A_843 : vector<8x256xf32>
    %add3A_846 = arith.addf %add3A_839, %mul3A_845 : vector<8x256xf32>
    %slice3A_847 = vector.extract_strided_slice %get3A_1 {offsets = [0, 3072], sizes = [8, 256], strides = [1, 1]} : vector<8x32768xf32> to vector<8x256xf32>
    %sub3A_848 = vector.broadcast %broadcast_in_dim3A_762 : vector<8x1xf32> to vector<8x256xf32>
    %sub3A_849 = arith.subf %slice3A_847, %sub3A_848 : vector<8x256xf32>
    %exp3A_850 = math.exp %sub3A_849 : vector<8x256xf32>
    %add3A_851 = arith.addf %add3A_844, %exp3A_850 : vector<8x256xf32>
    %mul3A_852 = arith.mulf %sub3A_849, %exp3A_850 : vector<8x256xf32>
    %add3A_853 = arith.addf %add3A_846, %mul3A_852 : vector<8x256xf32>
    %slice3A_854 = vector.extract_strided_slice %get3A_1 {offsets = [0, 3328], sizes = [8, 256], strides = [1, 1]} : vector<8x32768xf32> to vector<8x256xf32>
    %sub3A_855 = vector.broadcast %broadcast_in_dim3A_762 : vector<8x1xf32> to vector<8x256xf32>
    %sub3A_856 = arith.subf %slice3A_854, %sub3A_855 : vector<8x256xf32>
    %exp3A_857 = math.exp %sub3A_856 : vector<8x256xf32>
    %add3A_858 = arith.addf %add3A_851, %exp3A_857 : vector<8x256xf32>
    %mul3A_859 = arith.mulf %sub3A_856, %exp3A_857 : vector<8x256xf32>
    %add3A_860 = arith.addf %add3A_853, %mul3A_859 : vector<8x256xf32>
    %slice3A_861 = vector.extract_strided_slice %get3A_1 {offsets = [0, 3584], sizes = [8, 256], strides = [1, 1]} : vector<8x32768xf32> to vector<8x256xf32>
    %sub3A_862 = vector.broadcast %broadcast_in_dim3A_762 : vector<8x1xf32> to vector<8x256xf32>
    %sub3A_863 = arith.subf %slice3A_861, %sub3A_862 : vector<8x256xf32>
    %exp3A_864 = math.exp %sub3A_863 : vector<8x256xf32>
    %add3A_865 = arith.addf %add3A_858, %exp3A_864 : vector<8x256xf32>
    %mul3A_866 = arith.mulf %sub3A_863, %exp3A_864 : vector<8x256xf32>
    %add3A_867 = arith.addf %add3A_860, %mul3A_866 : vector<8x256xf32>
    %slice3A_868 = vector.extract_strided_slice %get3A_1 {offsets = [0, 3840], sizes = [8, 256], strides = [1, 1]} : vector<8x32768xf32> to vector<8x256xf32>
    %sub3A_869 = vector.broadcast %broadcast_in_dim3A_762 : vector<8x1xf32> to vector<8x256xf32>
    %sub3A_870 = arith.subf %slice3A_868, %sub3A_869 : vector<8x256xf32>
    %exp3A_871 = math.exp %sub3A_870 : vector<8x256xf32>
    %add3A_872 = arith.addf %add3A_865, %exp3A_871 : vector<8x256xf32>
    %mul3A_873 = arith.mulf %sub3A_870, %exp3A_871 : vector<8x256xf32>
    %add3A_874 = arith.addf %add3A_867, %mul3A_873 : vector<8x256xf32>
    %slice3A_875 = vector.extract_strided_slice %get3A_1 {offsets = [0, 4096], sizes = [8, 256], strides = [1, 1]} : vector<8x32768xf32> to vector<8x256xf32>
    %sub3A_876 = vector.broadcast %broadcast_in_dim3A_762 : vector<8x1xf32> to vector<8x256xf32>
    %sub3A_877 = arith.subf %slice3A_875, %sub3A_876 : vector<8x256xf32>
    %exp3A_878 = math.exp %sub3A_877 : vector<8x256xf32>
    %add3A_879 = arith.addf %add3A_872, %exp3A_878 : vector<8x256xf32>
    %mul3A_880 = arith.mulf %sub3A_877, %exp3A_878 : vector<8x256xf32>
    %add3A_881 = arith.addf %add3A_874, %mul3A_880 : vector<8x256xf32>
    %slice3A_882 = vector.extract_strided_slice %get3A_1 {offsets = [0, 4352], sizes = [8, 256], strides = [1, 1]} : vector<8x32768xf32> to vector<8x256xf32>
    %sub3A_883 = vector.broadcast %broadcast_in_dim3A_762 : vector<8x1xf32> to vector<8x256xf32>
    %sub3A_884 = arith.subf %slice3A_882, %sub3A_883 : vector<8x256xf32>
    %exp3A_885 = math.exp %sub3A_884 : vector<8x256xf32>
    %add3A_886 = arith.addf %add3A_879, %exp3A_885 : vector<8x256xf32>
    %mul3A_887 = arith.mulf %sub3A_884, %exp3A_885 : vector<8x256xf32>
    %add3A_888 = arith.addf %add3A_881, %mul3A_887 : vector<8x256xf32>
    %slice3A_889 = vector.extract_strided_slice %get3A_1 {offsets = [0, 4608], sizes = [8, 256], strides = [1, 1]} : vector<8x32768xf32> to vector<8x256xf32>
    %sub3A_890 = vector.broadcast %broadcast_in_dim3A_762 : vector<8x1xf32> to vector<8x256xf32>
    %sub3A_891 = arith.subf %slice3A_889, %sub3A_890 : vector<8x256xf32>
    %exp3A_892 = math.exp %sub3A_891 : vector<8x256xf32>
    %add3A_893 = arith.addf %add3A_886, %exp3A_892 : vector<8x256xf32>
    %mul3A_894 = arith.mulf %sub3A_891, %exp3A_892 : vector<8x256xf32>
    %add3A_895 = arith.addf %add3A_888, %mul3A_894 : vector<8x256xf32>
    %slice3A_896 = vector.extract_strided_slice %get3A_1 {offsets = [0, 4864], sizes = [8, 256], strides = [1, 1]} : vector<8x32768xf32> to vector<8x256xf32>
    %sub3A_897 = vector.broadcast %broadcast_in_dim3A_762 : vector<8x1xf32> to vector<8x256xf32>
    %sub3A_898 = arith.subf %slice3A_896, %sub3A_897 : vector<8x256xf32>
    %exp3A_899 = math.exp %sub3A_898 : vector<8x256xf32>
    %add3A_900 = arith.addf %add3A_893, %exp3A_899 : vector<8x256xf32>
    %mul3A_901 = arith.mulf %sub3A_898, %exp3A_899 : vector<8x256xf32>
    %add3A_902 = arith.addf %add3A_895, %mul3A_901 : vector<8x256xf32>
    %slice3A_903 = vector.extract_strided_slice %get3A_1 {offsets = [0, 5120], sizes = [8, 256], strides = [1, 1]} : vector<8x32768xf32> to vector<8x256xf32>
    %sub3A_904 = vector.broadcast %broadcast_in_dim3A_762 : vector<8x1xf32> to vector<8x256xf32>
    %sub3A_905 = arith.subf %slice3A_903, %sub3A_904 : vector<8x256xf32>
    %exp3A_906 = math.exp %sub3A_905 : vector<8x256xf32>
    %add3A_907 = arith.addf %add3A_900, %exp3A_906 : vector<8x256xf32>
    %mul3A_908 = arith.mulf %sub3A_905, %exp3A_906 : vector<8x256xf32>
    %add3A_909 = arith.addf %add3A_902, %mul3A_908 : vector<8x256xf32>
    %slice3A_910 = vector.extract_strided_slice %get3A_1 {offsets = [0, 5376], sizes = [8, 256], strides = [1, 1]} : vector<8x32768xf32> to vector<8x256xf32>
    %sub3A_911 = vector.broadcast %broadcast_in_dim3A_762 : vector<8x1xf32> to vector<8x256xf32>
    %sub3A_912 = arith.subf %slice3A_910, %sub3A_911 : vector<8x256xf32>
    %exp3A_913 = math.exp %sub3A_912 : vector<8x256xf32>
    %add3A_914 = arith.addf %add3A_907, %exp3A_913 : vector<8x256xf32>
    %mul3A_915 = arith.mulf %sub3A_912, %exp3A_913 : vector<8x256xf32>
    %add3A_916 = arith.addf %add3A_909, %mul3A_915 : vector<8x256xf32>
    %slice3A_917 = vector.extract_strided_slice %get3A_1 {offsets = [0, 5632], sizes = [8, 256], strides = [1, 1]} : vector<8x32768xf32> to vector<8x256xf32>
    %sub3A_918 = vector.broadcast %broadcast_in_dim3A_762 : vector<8x1xf32> to vector<8x256xf32>
    %sub3A_919 = arith.subf %slice3A_917, %sub3A_918 : vector<8x256xf32>
    %exp3A_920 = math.exp %sub3A_919 : vector<8x256xf32>
    %add3A_921 = arith.addf %add3A_914, %exp3A_920 : vector<8x256xf32>
    %mul3A_922 = arith.mulf %sub3A_919, %exp3A_920 : vector<8x256xf32>
    %add3A_923 = arith.addf %add3A_916, %mul3A_922 : vector<8x256xf32>
    %slice3A_924 = vector.extract_strided_slice %get3A_1 {offsets = [0, 5888], sizes = [8, 256], strides = [1, 1]} : vector<8x32768xf32> to vector<8x256xf32>
    %sub3A_925 = vector.broadcast %broadcast_in_dim3A_762 : vector<8x1xf32> to vector<8x256xf32>
    %sub3A_926 = arith.subf %slice3A_924, %sub3A_925 : vector<8x256xf32>
    %exp3A_927 = math.exp %sub3A_926 : vector<8x256xf32>
    %add3A_928 = arith.addf %add3A_921, %exp3A_927 : vector<8x256xf32>
    %mul3A_929 = arith.mulf %sub3A_926, %exp3A_927 : vector<8x256xf32>
    %add3A_930 = arith.addf %add3A_923, %mul3A_929 : vector<8x256xf32>
    %slice3A_931 = vector.extract_strided_slice %get3A_1 {offsets = [0, 6144], sizes = [8, 256], strides = [1, 1]} : vector<8x32768xf32> to vector<8x256xf32>
    %sub3A_932 = vector.broadcast %broadcast_in_dim3A_762 : vector<8x1xf32> to vector<8x256xf32>
    %sub3A_933 = arith.subf %slice3A_931, %sub3A_932 : vector<8x256xf32>
    %exp3A_934 = math.exp %sub3A_933 : vector<8x256xf32>
    %add3A_935 = arith.addf %add3A_928, %exp3A_934 : vector<8x256xf32>
    %mul3A_936 = arith.mulf %sub3A_933, %exp3A_934 : vector<8x256xf32>
    %add3A_937 = arith.addf %add3A_930, %mul3A_936 : vector<8x256xf32>
    %slice3A_938 = vector.extract_strided_slice %get3A_1 {offsets = [0, 6400], sizes = [8, 256], strides = [1, 1]} : vector<8x32768xf32> to vector<8x256xf32>
    %sub3A_939 = vector.broadcast %broadcast_in_dim3A_762 : vector<8x1xf32> to vector<8x256xf32>
    %sub3A_940 = arith.subf %slice3A_938, %sub3A_939 : vector<8x256xf32>
    %exp3A_941 = math.exp %sub3A_940 : vector<8x256xf32>
    %add3A_942 = arith.addf %add3A_935, %exp3A_941 : vector<8x256xf32>
    %mul3A_943 = arith.mulf %sub3A_940, %exp3A_941 : vector<8x256xf32>
    %add3A_944 = arith.addf %add3A_937, %mul3A_943 : vector<8x256xf32>
    %slice3A_945 = vector.extract_strided_slice %get3A_1 {offsets = [0, 6656], sizes = [8, 256], strides = [1, 1]} : vector<8x32768xf32> to vector<8x256xf32>
    %sub3A_946 = vector.broadcast %broadcast_in_dim3A_762 : vector<8x1xf32> to vector<8x256xf32>
    %sub3A_947 = arith.subf %slice3A_945, %sub3A_946 : vector<8x256xf32>
    %exp3A_948 = math.exp %sub3A_947 : vector<8x256xf32>
    %add3A_949 = arith.addf %add3A_942, %exp3A_948 : vector<8x256xf32>
    %mul3A_950 = arith.mulf %sub3A_947, %exp3A_948 : vector<8x256xf32>
    %add3A_951 = arith.addf %add3A_944, %mul3A_950 : vector<8x256xf32>
    %slice3A_952 = vector.extract_strided_slice %get3A_1 {offsets = [0, 6912], sizes = [8, 256], strides = [1, 1]} : vector<8x32768xf32> to vector<8x256xf32>
    %sub3A_953 = vector.broadcast %broadcast_in_dim3A_762 : vector<8x1xf32> to vector<8x256xf32>
    %sub3A_954 = arith.subf %slice3A_952, %sub3A_953 : vector<8x256xf32>
    %exp3A_955 = math.exp %sub3A_954 : vector<8x256xf32>
    %add3A_956 = arith.addf %add3A_949, %exp3A_955 : vector<8x256xf32>
    %mul3A_957 = arith.mulf %sub3A_954, %exp3A_955 : vector<8x256xf32>
    %add3A_958 = arith.addf %add3A_951, %mul3A_957 : vector<8x256xf32>
    %slice3A_959 = vector.extract_strided_slice %get3A_1 {offsets = [0, 7168], sizes = [8, 256], strides = [1, 1]} : vector<8x32768xf32> to vector<8x256xf32>
    %sub3A_960 = vector.broadcast %broadcast_in_dim3A_762 : vector<8x1xf32> to vector<8x256xf32>
    %sub3A_961 = arith.subf %slice3A_959, %sub3A_960 : vector<8x256xf32>
    %exp3A_962 = math.exp %sub3A_961 : vector<8x256xf32>
    %add3A_963 = arith.addf %add3A_956, %exp3A_962 : vector<8x256xf32>
    %mul3A_964 = arith.mulf %sub3A_961, %exp3A_962 : vector<8x256xf32>
    %add3A_965 = arith.addf %add3A_958, %mul3A_964 : vector<8x256xf32>
    %slice3A_966 = vector.extract_strided_slice %get3A_1 {offsets = [0, 7424], sizes = [8, 256], strides = [1, 1]} : vector<8x32768xf32> to vector<8x256xf32>
    %sub3A_967 = vector.broadcast %broadcast_in_dim3A_762 : vector<8x1xf32> to vector<8x256xf32>
    %sub3A_968 = arith.subf %slice3A_966, %sub3A_967 : vector<8x256xf32>
    %exp3A_969 = math.exp %sub3A_968 : vector<8x256xf32>
    %add3A_970 = arith.addf %add3A_963, %exp3A_969 : vector<8x256xf32>
    %mul3A_971 = arith.mulf %sub3A_968, %exp3A_969 : vector<8x256xf32>
    %add3A_972 = arith.addf %add3A_965, %mul3A_971 : vector<8x256xf32>
    %slice3A_973 = vector.extract_strided_slice %get3A_1 {offsets = [0, 7680], sizes = [8, 256], strides = [1, 1]} : vector<8x32768xf32> to vector<8x256xf32>
    %sub3A_974 = vector.broadcast %broadcast_in_dim3A_762 : vector<8x1xf32> to vector<8x256xf32>
    %sub3A_975 = arith.subf %slice3A_973, %sub3A_974 : vector<8x256xf32>
    %exp3A_976 = math.exp %sub3A_975 : vector<8x256xf32>
    %add3A_977 = arith.addf %add3A_970, %exp3A_976 : vector<8x256xf32>
    %mul3A_978 = arith.mulf %sub3A_975, %exp3A_976 : vector<8x256xf32>
    %add3A_979 = arith.addf %add3A_972, %mul3A_978 : vector<8x256xf32>
    %slice3A_980 = vector.extract_strided_slice %get3A_1 {offsets = [0, 7936], sizes = [8, 256], strides = [1, 1]} : vector<8x32768xf32> to vector<8x256xf32>
    %sub3A_981 = vector.broadcast %broadcast_in_dim3A_762 : vector<8x1xf32> to vector<8x256xf32>
    %sub3A_982 = arith.subf %slice3A_980, %sub3A_981 : vector<8x256xf32>
    %exp3A_983 = math.exp %sub3A_982 : vector<8x256xf32>
    %add3A_984 = arith.addf %add3A_977, %exp3A_983 : vector<8x256xf32>
    %mul3A_985 = arith.mulf %sub3A_982, %exp3A_983 : vector<8x256xf32>
    %add3A_986 = arith.addf %add3A_979, %mul3A_985 : vector<8x256xf32>
    %slice3A_987 = vector.extract_strided_slice %get3A_1 {offsets = [0, 8192], sizes = [8, 256], strides = [1, 1]} : vector<8x32768xf32> to vector<8x256xf32>
    %sub3A_988 = vector.broadcast %broadcast_in_dim3A_762 : vector<8x1xf32> to vector<8x256xf32>
    %sub3A_989 = arith.subf %slice3A_987, %sub3A_988 : vector<8x256xf32>
    %exp3A_990 = math.exp %sub3A_989 : vector<8x256xf32>
    %add3A_991 = arith.addf %add3A_984, %exp3A_990 : vector<8x256xf32>
    %mul3A_992 = arith.mulf %sub3A_989, %exp3A_990 : vector<8x256xf32>
    %add3A_993 = arith.addf %add3A_986, %mul3A_992 : vector<8x256xf32>
    %slice3A_994 = vector.extract_strided_slice %get3A_1 {offsets = [0, 8448], sizes = [8, 256], strides = [1, 1]} : vector<8x32768xf32> to vector<8x256xf32>
    %sub3A_995 = vector.broadcast %broadcast_in_dim3A_762 : vector<8x1xf32> to vector<8x256xf32>
    %sub3A_996 = arith.subf %slice3A_994, %sub3A_995 : vector<8x256xf32>
    %exp3A_997 = math.exp %sub3A_996 : vector<8x256xf32>
    %add3A_998 = arith.addf %add3A_991, %exp3A_997 : vector<8x256xf32>
    %mul3A_999 = arith.mulf %sub3A_996, %exp3A_997 : vector<8x256xf32>
    %add3A_1000 = arith.addf %add3A_993, %mul3A_999 : vector<8x256xf32>
    %slice3A_1001 = vector.extract_strided_slice %get3A_1 {offsets = [0, 8704], sizes = [8, 256], strides = [1, 1]} : vector<8x32768xf32> to vector<8x256xf32>
    %sub3A_1002 = vector.broadcast %broadcast_in_dim3A_762 : vector<8x1xf32> to vector<8x256xf32>
    %sub3A_1003 = arith.subf %slice3A_1001, %sub3A_1002 : vector<8x256xf32>
    %exp3A_1004 = math.exp %sub3A_1003 : vector<8x256xf32>
    %add3A_1005 = arith.addf %add3A_998, %exp3A_1004 : vector<8x256xf32>
    %mul3A_1006 = arith.mulf %sub3A_1003, %exp3A_1004 : vector<8x256xf32>
    %add3A_1007 = arith.addf %add3A_1000, %mul3A_1006 : vector<8x256xf32>
    %slice3A_1008 = vector.extract_strided_slice %get3A_1 {offsets = [0, 8960], sizes = [8, 256], strides = [1, 1]} : vector<8x32768xf32> to vector<8x256xf32>
    %sub3A_1009 = vector.broadcast %broadcast_in_dim3A_762 : vector<8x1xf32> to vector<8x256xf32>
    %sub3A_1010 = arith.subf %slice3A_1008, %sub3A_1009 : vector<8x256xf32>
    %exp3A_1011 = math.exp %sub3A_1010 : vector<8x256xf32>
    %add3A_1012 = arith.addf %add3A_1005, %exp3A_1011 : vector<8x256xf32>
    %mul3A_1013 = arith.mulf %sub3A_1010, %exp3A_1011 : vector<8x256xf32>
    %add3A_1014 = arith.addf %add3A_1007, %mul3A_1013 : vector<8x256xf32>
    %slice3A_1015 = vector.extract_strided_slice %get3A_1 {offsets = [0, 9216], sizes = [8, 256], strides = [1, 1]} : vector<8x32768xf32> to vector<8x256xf32>
    %sub3A_1016 = vector.broadcast %broadcast_in_dim3A_762 : vector<8x1xf32> to vector<8x256xf32>
    %sub3A_1017 = arith.subf %slice3A_1015, %sub3A_1016 : vector<8x256xf32>
    %exp3A_1018 = math.exp %sub3A_1017 : vector<8x256xf32>
    %add3A_1019 = arith.addf %add3A_1012, %exp3A_1018 : vector<8x256xf32>
    %mul3A_1020 = arith.mulf %sub3A_1017, %exp3A_1018 : vector<8x256xf32>
    %add3A_1021 = arith.addf %add3A_1014, %mul3A_1020 : vector<8x256xf32>
    %slice3A_1022 = vector.extract_strided_slice %get3A_1 {offsets = [0, 9472], sizes = [8, 256], strides = [1, 1]} : vector<8x32768xf32> to vector<8x256xf32>
    %sub3A_1023 = vector.broadcast %broadcast_in_dim3A_762 : vector<8x1xf32> to vector<8x256xf32>
    %sub3A_1024 = arith.subf %slice3A_1022, %sub3A_1023 : vector<8x256xf32>
    %exp3A_1025 = math.exp %sub3A_1024 : vector<8x256xf32>
    %add3A_1026 = arith.addf %add3A_1019, %exp3A_1025 : vector<8x256xf32>
    %mul3A_1027 = arith.mulf %sub3A_1024, %exp3A_1025 : vector<8x256xf32>
    %add3A_1028 = arith.addf %add3A_1021, %mul3A_1027 : vector<8x256xf32>
    %slice3A_1029 = vector.extract_strided_slice %get3A_1 {offsets = [0, 9728], sizes = [8, 256], strides = [1, 1]} : vector<8x32768xf32> to vector<8x256xf32>
    %sub3A_1030 = vector.broadcast %broadcast_in_dim3A_762 : vector<8x1xf32> to vector<8x256xf32>
    %sub3A_1031 = arith.subf %slice3A_1029, %sub3A_1030 : vector<8x256xf32>
    %exp3A_1032 = math.exp %sub3A_1031 : vector<8x256xf32>
    %add3A_1033 = arith.addf %add3A_1026, %exp3A_1032 : vector<8x256xf32>
    %mul3A_1034 = arith.mulf %sub3A_1031, %exp3A_1032 : vector<8x256xf32>
    %add3A_1035 = arith.addf %add3A_1028, %mul3A_1034 : vector<8x256xf32>
    %slice3A_1036 = vector.extract_strided_slice %get3A_1 {offsets = [0, 9984], sizes = [8, 256], strides = [1, 1]} : vector<8x32768xf32> to vector<8x256xf32>
    %sub3A_1037 = vector.broadcast %broadcast_in_dim3A_762 : vector<8x1xf32> to vector<8x256xf32>
    %sub3A_1038 = arith.subf %slice3A_1036, %sub3A_1037 : vector<8x256xf32>
    %exp3A_1039 = math.exp %sub3A_1038 : vector<8x256xf32>
    %add3A_1040 = arith.addf %add3A_1033, %exp3A_1039 : vector<8x256xf32>
    %mul3A_1041 = arith.mulf %sub3A_1038, %exp3A_1039 : vector<8x256xf32>
    %add3A_1042 = arith.addf %add3A_1035, %mul3A_1041 : vector<8x256xf32>
    %slice3A_1043 = vector.extract_strided_slice %get3A_1 {offsets = [0, 10240], sizes = [8, 256], strides = [1, 1]} : vector<8x32768xf32> to vector<8x256xf32>
    %sub3A_1044 = vector.broadcast %broadcast_in_dim3A_762 : vector<8x1xf32> to vector<8x256xf32>
    %sub3A_1045 = arith.subf %slice3A_1043, %sub3A_1044 : vector<8x256xf32>
    %exp3A_1046 = math.exp %sub3A_1045 : vector<8x256xf32>
    %add3A_1047 = arith.addf %add3A_1040, %exp3A_1046 : vector<8x256xf32>
    %mul3A_1048 = arith.mulf %sub3A_1045, %exp3A_1046 : vector<8x256xf32>
    %add3A_1049 = arith.addf %add3A_1042, %mul3A_1048 : vector<8x256xf32>
    %slice3A_1050 = vector.extract_strided_slice %get3A_1 {offsets = [0, 10496], sizes = [8, 256], strides = [1, 1]} : vector<8x32768xf32> to vector<8x256xf32>
    %sub3A_1051 = vector.broadcast %broadcast_in_dim3A_762 : vector<8x1xf32> to vector<8x256xf32>
    %sub3A_1052 = arith.subf %slice3A_1050, %sub3A_1051 : vector<8x256xf32>
    %exp3A_1053 = math.exp %sub3A_1052 : vector<8x256xf32>
    %add3A_1054 = arith.addf %add3A_1047, %exp3A_1053 : vector<8x256xf32>
    %mul3A_1055 = arith.mulf %sub3A_1052, %exp3A_1053 : vector<8x256xf32>
    %add3A_1056 = arith.addf %add3A_1049, %mul3A_1055 : vector<8x256xf32>
    %slice3A_1057 = vector.extract_strided_slice %get3A_1 {offsets = [0, 10752], sizes = [8, 256], strides = [1, 1]} : vector<8x32768xf32> to vector<8x256xf32>
    %sub3A_1058 = vector.broadcast %broadcast_in_dim3A_762 : vector<8x1xf32> to vector<8x256xf32>
    %sub3A_1059 = arith.subf %slice3A_1057, %sub3A_1058 : vector<8x256xf32>
    %exp3A_1060 = math.exp %sub3A_1059 : vector<8x256xf32>
    %add3A_1061 = arith.addf %add3A_1054, %exp3A_1060 : vector<8x256xf32>
    %mul3A_1062 = arith.mulf %sub3A_1059, %exp3A_1060 : vector<8x256xf32>
    %add3A_1063 = arith.addf %add3A_1056, %mul3A_1062 : vector<8x256xf32>
    %slice3A_1064 = vector.extract_strided_slice %get3A_1 {offsets = [0, 11008], sizes = [8, 256], strides = [1, 1]} : vector<8x32768xf32> to vector<8x256xf32>
    %sub3A_1065 = vector.broadcast %broadcast_in_dim3A_762 : vector<8x1xf32> to vector<8x256xf32>
    %sub3A_1066 = arith.subf %slice3A_1064, %sub3A_1065 : vector<8x256xf32>
    %exp3A_1067 = math.exp %sub3A_1066 : vector<8x256xf32>
    %add3A_1068 = arith.addf %add3A_1061, %exp3A_1067 : vector<8x256xf32>
    %mul3A_1069 = arith.mulf %sub3A_1066, %exp3A_1067 : vector<8x256xf32>
    %add3A_1070 = arith.addf %add3A_1063, %mul3A_1069 : vector<8x256xf32>
    %slice3A_1071 = vector.extract_strided_slice %get3A_1 {offsets = [0, 11264], sizes = [8, 256], strides = [1, 1]} : vector<8x32768xf32> to vector<8x256xf32>
    %sub3A_1072 = vector.broadcast %broadcast_in_dim3A_762 : vector<8x1xf32> to vector<8x256xf32>
    %sub3A_1073 = arith.subf %slice3A_1071, %sub3A_1072 : vector<8x256xf32>
    %exp3A_1074 = math.exp %sub3A_1073 : vector<8x256xf32>
    %add3A_1075 = arith.addf %add3A_1068, %exp3A_1074 : vector<8x256xf32>
    %mul3A_1076 = arith.mulf %sub3A_1073, %exp3A_1074 : vector<8x256xf32>
    %add3A_1077 = arith.addf %add3A_1070, %mul3A_1076 : vector<8x256xf32>
    %slice3A_1078 = vector.extract_strided_slice %get3A_1 {offsets = [0, 11520], sizes = [8, 256], strides = [1, 1]} : vector<8x32768xf32> to vector<8x256xf32>
    %sub3A_1079 = vector.broadcast %broadcast_in_dim3A_762 : vector<8x1xf32> to vector<8x256xf32>
    %sub3A_1080 = arith.subf %slice3A_1078, %sub3A_1079 : vector<8x256xf32>
    %exp3A_1081 = math.exp %sub3A_1080 : vector<8x256xf32>
    %add3A_1082 = arith.addf %add3A_1075, %exp3A_1081 : vector<8x256xf32>
    %mul3A_1083 = arith.mulf %sub3A_1080, %exp3A_1081 : vector<8x256xf32>
    %add3A_1084 = arith.addf %add3A_1077, %mul3A_1083 : vector<8x256xf32>
    %slice3A_1085 = vector.extract_strided_slice %get3A_1 {offsets = [0, 11776], sizes = [8, 256], strides = [1, 1]} : vector<8x32768xf32> to vector<8x256xf32>
    %sub3A_1086 = vector.broadcast %broadcast_in_dim3A_762 : vector<8x1xf32> to vector<8x256xf32>
    %sub3A_1087 = arith.subf %slice3A_1085, %sub3A_1086 : vector<8x256xf32>
    %exp3A_1088 = math.exp %sub3A_1087 : vector<8x256xf32>
    %add3A_1089 = arith.addf %add3A_1082, %exp3A_1088 : vector<8x256xf32>
    %mul3A_1090 = arith.mulf %sub3A_1087, %exp3A_1088 : vector<8x256xf32>
    %add3A_1091 = arith.addf %add3A_1084, %mul3A_1090 : vector<8x256xf32>
    %slice3A_1092 = vector.extract_strided_slice %get3A_1 {offsets = [0, 12032], sizes = [8, 256], strides = [1, 1]} : vector<8x32768xf32> to vector<8x256xf32>
    %sub3A_1093 = vector.broadcast %broadcast_in_dim3A_762 : vector<8x1xf32> to vector<8x256xf32>
    %sub3A_1094 = arith.subf %slice3A_1092, %sub3A_1093 : vector<8x256xf32>
    %exp3A_1095 = math.exp %sub3A_1094 : vector<8x256xf32>
    %add3A_1096 = arith.addf %add3A_1089, %exp3A_1095 : vector<8x256xf32>
    %mul3A_1097 = arith.mulf %sub3A_1094, %exp3A_1095 : vector<8x256xf32>
    %add3A_1098 = arith.addf %add3A_1091, %mul3A_1097 : vector<8x256xf32>
    %slice3A_1099 = vector.extract_strided_slice %get3A_1 {offsets = [0, 12288], sizes = [8, 256], strides = [1, 1]} : vector<8x32768xf32> to vector<8x256xf32>
    %sub3A_1100 = vector.broadcast %broadcast_in_dim3A_762 : vector<8x1xf32> to vector<8x256xf32>
    %sub3A_1101 = arith.subf %slice3A_1099, %sub3A_1100 : vector<8x256xf32>
    %exp3A_1102 = math.exp %sub3A_1101 : vector<8x256xf32>
    %add3A_1103 = arith.addf %add3A_1096, %exp3A_1102 : vector<8x256xf32>
    %mul3A_1104 = arith.mulf %sub3A_1101, %exp3A_1102 : vector<8x256xf32>
    %add3A_1105 = arith.addf %add3A_1098, %mul3A_1104 : vector<8x256xf32>
    %slice3A_1106 = vector.extract_strided_slice %get3A_1 {offsets = [0, 12544], sizes = [8, 256], strides = [1, 1]} : vector<8x32768xf32> to vector<8x256xf32>
    %sub3A_1107 = vector.broadcast %broadcast_in_dim3A_762 : vector<8x1xf32> to vector<8x256xf32>
    %sub3A_1108 = arith.subf %slice3A_1106, %sub3A_1107 : vector<8x256xf32>
    %exp3A_1109 = math.exp %sub3A_1108 : vector<8x256xf32>
    %add3A_1110 = arith.addf %add3A_1103, %exp3A_1109 : vector<8x256xf32>
    %mul3A_1111 = arith.mulf %sub3A_1108, %exp3A_1109 : vector<8x256xf32>
    %add3A_1112 = arith.addf %add3A_1105, %mul3A_1111 : vector<8x256xf32>
    %slice3A_1113 = vector.extract_strided_slice %get3A_1 {offsets = [0, 12800], sizes = [8, 256], strides = [1, 1]} : vector<8x32768xf32> to vector<8x256xf32>
    %sub3A_1114 = vector.broadcast %broadcast_in_dim3A_762 : vector<8x1xf32> to vector<8x256xf32>
    %sub3A_1115 = arith.subf %slice3A_1113, %sub3A_1114 : vector<8x256xf32>
    %exp3A_1116 = math.exp %sub3A_1115 : vector<8x256xf32>
    %add3A_1117 = arith.addf %add3A_1110, %exp3A_1116 : vector<8x256xf32>
    %mul3A_1118 = arith.mulf %sub3A_1115, %exp3A_1116 : vector<8x256xf32>
    %add3A_1119 = arith.addf %add3A_1112, %mul3A_1118 : vector<8x256xf32>
    %slice3A_1120 = vector.extract_strided_slice %get3A_1 {offsets = [0, 13056], sizes = [8, 256], strides = [1, 1]} : vector<8x32768xf32> to vector<8x256xf32>
    %sub3A_1121 = vector.broadcast %broadcast_in_dim3A_762 : vector<8x1xf32> to vector<8x256xf32>
    %sub3A_1122 = arith.subf %slice3A_1120, %sub3A_1121 : vector<8x256xf32>
    %exp3A_1123 = math.exp %sub3A_1122 : vector<8x256xf32>
    %add3A_1124 = arith.addf %add3A_1117, %exp3A_1123 : vector<8x256xf32>
    %mul3A_1125 = arith.mulf %sub3A_1122, %exp3A_1123 : vector<8x256xf32>
    %add3A_1126 = arith.addf %add3A_1119, %mul3A_1125 : vector<8x256xf32>
    %slice3A_1127 = vector.extract_strided_slice %get3A_1 {offsets = [0, 13312], sizes = [8, 256], strides = [1, 1]} : vector<8x32768xf32> to vector<8x256xf32>
    %sub3A_1128 = vector.broadcast %broadcast_in_dim3A_762 : vector<8x1xf32> to vector<8x256xf32>
    %sub3A_1129 = arith.subf %slice3A_1127, %sub3A_1128 : vector<8x256xf32>
    %exp3A_1130 = math.exp %sub3A_1129 : vector<8x256xf32>
    %add3A_1131 = arith.addf %add3A_1124, %exp3A_1130 : vector<8x256xf32>
    %mul3A_1132 = arith.mulf %sub3A_1129, %exp3A_1130 : vector<8x256xf32>
    %add3A_1133 = arith.addf %add3A_1126, %mul3A_1132 : vector<8x256xf32>
    %slice3A_1134 = vector.extract_strided_slice %get3A_1 {offsets = [0, 13568], sizes = [8, 256], strides = [1, 1]} : vector<8x32768xf32> to vector<8x256xf32>
    %sub3A_1135 = vector.broadcast %broadcast_in_dim3A_762 : vector<8x1xf32> to vector<8x256xf32>
    %sub3A_1136 = arith.subf %slice3A_1134, %sub3A_1135 : vector<8x256xf32>
    %exp3A_1137 = math.exp %sub3A_1136 : vector<8x256xf32>
    %add3A_1138 = arith.addf %add3A_1131, %exp3A_1137 : vector<8x256xf32>
    %mul3A_1139 = arith.mulf %sub3A_1136, %exp3A_1137 : vector<8x256xf32>
    %add3A_1140 = arith.addf %add3A_1133, %mul3A_1139 : vector<8x256xf32>
    %slice3A_1141 = vector.extract_strided_slice %get3A_1 {offsets = [0, 13824], sizes = [8, 256], strides = [1, 1]} : vector<8x32768xf32> to vector<8x256xf32>
    %sub3A_1142 = vector.broadcast %broadcast_in_dim3A_762 : vector<8x1xf32> to vector<8x256xf32>
    %sub3A_1143 = arith.subf %slice3A_1141, %sub3A_1142 : vector<8x256xf32>
    %exp3A_1144 = math.exp %sub3A_1143 : vector<8x256xf32>
    %add3A_1145 = arith.addf %add3A_1138, %exp3A_1144 : vector<8x256xf32>
    %mul3A_1146 = arith.mulf %sub3A_1143, %exp3A_1144 : vector<8x256xf32>
    %add3A_1147 = arith.addf %add3A_1140, %mul3A_1146 : vector<8x256xf32>
    %slice3A_1148 = vector.extract_strided_slice %get3A_1 {offsets = [0, 14080], sizes = [8, 256], strides = [1, 1]} : vector<8x32768xf32> to vector<8x256xf32>
    %sub3A_1149 = vector.broadcast %broadcast_in_dim3A_762 : vector<8x1xf32> to vector<8x256xf32>
    %sub3A_1150 = arith.subf %slice3A_1148, %sub3A_1149 : vector<8x256xf32>
    %exp3A_1151 = math.exp %sub3A_1150 : vector<8x256xf32>
    %add3A_1152 = arith.addf %add3A_1145, %exp3A_1151 : vector<8x256xf32>
    %mul3A_1153 = arith.mulf %sub3A_1150, %exp3A_1151 : vector<8x256xf32>
    %add3A_1154 = arith.addf %add3A_1147, %mul3A_1153 : vector<8x256xf32>
    %slice3A_1155 = vector.extract_strided_slice %get3A_1 {offsets = [0, 14336], sizes = [8, 256], strides = [1, 1]} : vector<8x32768xf32> to vector<8x256xf32>
    %sub3A_1156 = vector.broadcast %broadcast_in_dim3A_762 : vector<8x1xf32> to vector<8x256xf32>
    %sub3A_1157 = arith.subf %slice3A_1155, %sub3A_1156 : vector<8x256xf32>
    %exp3A_1158 = math.exp %sub3A_1157 : vector<8x256xf32>
    %add3A_1159 = arith.addf %add3A_1152, %exp3A_1158 : vector<8x256xf32>
    %mul3A_1160 = arith.mulf %sub3A_1157, %exp3A_1158 : vector<8x256xf32>
    %add3A_1161 = arith.addf %add3A_1154, %mul3A_1160 : vector<8x256xf32>
    %slice3A_1162 = vector.extract_strided_slice %get3A_1 {offsets = [0, 14592], sizes = [8, 256], strides = [1, 1]} : vector<8x32768xf32> to vector<8x256xf32>
    %sub3A_1163 = vector.broadcast %broadcast_in_dim3A_762 : vector<8x1xf32> to vector<8x256xf32>
    %sub3A_1164 = arith.subf %slice3A_1162, %sub3A_1163 : vector<8x256xf32>
    %exp3A_1165 = math.exp %sub3A_1164 : vector<8x256xf32>
    %add3A_1166 = arith.addf %add3A_1159, %exp3A_1165 : vector<8x256xf32>
    %mul3A_1167 = arith.mulf %sub3A_1164, %exp3A_1165 : vector<8x256xf32>
    %add3A_1168 = arith.addf %add3A_1161, %mul3A_1167 : vector<8x256xf32>
    %slice3A_1169 = vector.extract_strided_slice %get3A_1 {offsets = [0, 14848], sizes = [8, 256], strides = [1, 1]} : vector<8x32768xf32> to vector<8x256xf32>
    %sub3A_1170 = vector.broadcast %broadcast_in_dim3A_762 : vector<8x1xf32> to vector<8x256xf32>
    %sub3A_1171 = arith.subf %slice3A_1169, %sub3A_1170 : vector<8x256xf32>
    %exp3A_1172 = math.exp %sub3A_1171 : vector<8x256xf32>
    %add3A_1173 = arith.addf %add3A_1166, %exp3A_1172 : vector<8x256xf32>
    %mul3A_1174 = arith.mulf %sub3A_1171, %exp3A_1172 : vector<8x256xf32>
    %add3A_1175 = arith.addf %add3A_1168, %mul3A_1174 : vector<8x256xf32>
    %slice3A_1176 = vector.extract_strided_slice %get3A_1 {offsets = [0, 15104], sizes = [8, 256], strides = [1, 1]} : vector<8x32768xf32> to vector<8x256xf32>
    %sub3A_1177 = vector.broadcast %broadcast_in_dim3A_762 : vector<8x1xf32> to vector<8x256xf32>
    %sub3A_1178 = arith.subf %slice3A_1176, %sub3A_1177 : vector<8x256xf32>
    %exp3A_1179 = math.exp %sub3A_1178 : vector<8x256xf32>
    %add3A_1180 = arith.addf %add3A_1173, %exp3A_1179 : vector<8x256xf32>
    %mul3A_1181 = arith.mulf %sub3A_1178, %exp3A_1179 : vector<8x256xf32>
    %add3A_1182 = arith.addf %add3A_1175, %mul3A_1181 : vector<8x256xf32>
    %slice3A_1183 = vector.extract_strided_slice %get3A_1 {offsets = [0, 15360], sizes = [8, 256], strides = [1, 1]} : vector<8x32768xf32> to vector<8x256xf32>
    %sub3A_1184 = vector.broadcast %broadcast_in_dim3A_762 : vector<8x1xf32> to vector<8x256xf32>
    %sub3A_1185 = arith.subf %slice3A_1183, %sub3A_1184 : vector<8x256xf32>
    %exp3A_1186 = math.exp %sub3A_1185 : vector<8x256xf32>
    %add3A_1187 = arith.addf %add3A_1180, %exp3A_1186 : vector<8x256xf32>
    %mul3A_1188 = arith.mulf %sub3A_1185, %exp3A_1186 : vector<8x256xf32>
    %add3A_1189 = arith.addf %add3A_1182, %mul3A_1188 : vector<8x256xf32>
    %slice3A_1190 = vector.extract_strided_slice %get3A_1 {offsets = [0, 15616], sizes = [8, 256], strides = [1, 1]} : vector<8x32768xf32> to vector<8x256xf32>
    %sub3A_1191 = vector.broadcast %broadcast_in_dim3A_762 : vector<8x1xf32> to vector<8x256xf32>
    %sub3A_1192 = arith.subf %slice3A_1190, %sub3A_1191 : vector<8x256xf32>
    %exp3A_1193 = math.exp %sub3A_1192 : vector<8x256xf32>
    %add3A_1194 = arith.addf %add3A_1187, %exp3A_1193 : vector<8x256xf32>
    %mul3A_1195 = arith.mulf %sub3A_1192, %exp3A_1193 : vector<8x256xf32>
    %add3A_1196 = arith.addf %add3A_1189, %mul3A_1195 : vector<8x256xf32>
    %slice3A_1197 = vector.extract_strided_slice %get3A_1 {offsets = [0, 15872], sizes = [8, 256], strides = [1, 1]} : vector<8x32768xf32> to vector<8x256xf32>
    %sub3A_1198 = vector.broadcast %broadcast_in_dim3A_762 : vector<8x1xf32> to vector<8x256xf32>
    %sub3A_1199 = arith.subf %slice3A_1197, %sub3A_1198 : vector<8x256xf32>
    %exp3A_1200 = math.exp %sub3A_1199 : vector<8x256xf32>
    %add3A_1201 = arith.addf %add3A_1194, %exp3A_1200 : vector<8x256xf32>
    %mul3A_1202 = arith.mulf %sub3A_1199, %exp3A_1200 : vector<8x256xf32>
    %add3A_1203 = arith.addf %add3A_1196, %mul3A_1202 : vector<8x256xf32>
    %slice3A_1204 = vector.extract_strided_slice %get3A_1 {offsets = [0, 16128], sizes = [8, 256], strides = [1, 1]} : vector<8x32768xf32> to vector<8x256xf32>
    %sub3A_1205 = vector.broadcast %broadcast_in_dim3A_762 : vector<8x1xf32> to vector<8x256xf32>
    %sub3A_1206 = arith.subf %slice3A_1204, %sub3A_1205 : vector<8x256xf32>
    %exp3A_1207 = math.exp %sub3A_1206 : vector<8x256xf32>
    %add3A_1208 = arith.addf %add3A_1201, %exp3A_1207 : vector<8x256xf32>
    %mul3A_1209 = arith.mulf %sub3A_1206, %exp3A_1207 : vector<8x256xf32>
    %add3A_1210 = arith.addf %add3A_1203, %mul3A_1209 : vector<8x256xf32>
    %slice3A_1211 = vector.extract_strided_slice %get3A_1 {offsets = [0, 16384], sizes = [8, 256], strides = [1, 1]} : vector<8x32768xf32> to vector<8x256xf32>
    %sub3A_1212 = vector.broadcast %broadcast_in_dim3A_762 : vector<8x1xf32> to vector<8x256xf32>
    %sub3A_1213 = arith.subf %slice3A_1211, %sub3A_1212 : vector<8x256xf32>
    %exp3A_1214 = math.exp %sub3A_1213 : vector<8x256xf32>
    %add3A_1215 = arith.addf %add3A_1208, %exp3A_1214 : vector<8x256xf32>
    %mul3A_1216 = arith.mulf %sub3A_1213, %exp3A_1214 : vector<8x256xf32>
    %add3A_1217 = arith.addf %add3A_1210, %mul3A_1216 : vector<8x256xf32>
    %slice3A_1218 = vector.extract_strided_slice %get3A_1 {offsets = [0, 16640], sizes = [8, 256], strides = [1, 1]} : vector<8x32768xf32> to vector<8x256xf32>
    %sub3A_1219 = vector.broadcast %broadcast_in_dim3A_762 : vector<8x1xf32> to vector<8x256xf32>
    %sub3A_1220 = arith.subf %slice3A_1218, %sub3A_1219 : vector<8x256xf32>
    %exp3A_1221 = math.exp %sub3A_1220 : vector<8x256xf32>
    %add3A_1222 = arith.addf %add3A_1215, %exp3A_1221 : vector<8x256xf32>
    %mul3A_1223 = arith.mulf %sub3A_1220, %exp3A_1221 : vector<8x256xf32>
    %add3A_1224 = arith.addf %add3A_1217, %mul3A_1223 : vector<8x256xf32>
    %slice3A_1225 = vector.extract_strided_slice %get3A_1 {offsets = [0, 16896], sizes = [8, 256], strides = [1, 1]} : vector<8x32768xf32> to vector<8x256xf32>
    %sub3A_1226 = vector.broadcast %broadcast_in_dim3A_762 : vector<8x1xf32> to vector<8x256xf32>
    %sub3A_1227 = arith.subf %slice3A_1225, %sub3A_1226 : vector<8x256xf32>
    %exp3A_1228 = math.exp %sub3A_1227 : vector<8x256xf32>
    %add3A_1229 = arith.addf %add3A_1222, %exp3A_1228 : vector<8x256xf32>
    %mul3A_1230 = arith.mulf %sub3A_1227, %exp3A_1228 : vector<8x256xf32>
    %add3A_1231 = arith.addf %add3A_1224, %mul3A_1230 : vector<8x256xf32>
    %slice3A_1232 = vector.extract_strided_slice %get3A_1 {offsets = [0, 17152], sizes = [8, 256], strides = [1, 1]} : vector<8x32768xf32> to vector<8x256xf32>
    %sub3A_1233 = vector.broadcast %broadcast_in_dim3A_762 : vector<8x1xf32> to vector<8x256xf32>
    %sub3A_1234 = arith.subf %slice3A_1232, %sub3A_1233 : vector<8x256xf32>
    %exp3A_1235 = math.exp %sub3A_1234 : vector<8x256xf32>
    %add3A_1236 = arith.addf %add3A_1229, %exp3A_1235 : vector<8x256xf32>
    %mul3A_1237 = arith.mulf %sub3A_1234, %exp3A_1235 : vector<8x256xf32>
    %add3A_1238 = arith.addf %add3A_1231, %mul3A_1237 : vector<8x256xf32>
    %slice3A_1239 = vector.extract_strided_slice %get3A_1 {offsets = [0, 17408], sizes = [8, 256], strides = [1, 1]} : vector<8x32768xf32> to vector<8x256xf32>
    %sub3A_1240 = vector.broadcast %broadcast_in_dim3A_762 : vector<8x1xf32> to vector<8x256xf32>
    %sub3A_1241 = arith.subf %slice3A_1239, %sub3A_1240 : vector<8x256xf32>
    %exp3A_1242 = math.exp %sub3A_1241 : vector<8x256xf32>
    %add3A_1243 = arith.addf %add3A_1236, %exp3A_1242 : vector<8x256xf32>
    %mul3A_1244 = arith.mulf %sub3A_1241, %exp3A_1242 : vector<8x256xf32>
    %add3A_1245 = arith.addf %add3A_1238, %mul3A_1244 : vector<8x256xf32>
    %slice3A_1246 = vector.extract_strided_slice %get3A_1 {offsets = [0, 17664], sizes = [8, 256], strides = [1, 1]} : vector<8x32768xf32> to vector<8x256xf32>
    %sub3A_1247 = vector.broadcast %broadcast_in_dim3A_762 : vector<8x1xf32> to vector<8x256xf32>
    %sub3A_1248 = arith.subf %slice3A_1246, %sub3A_1247 : vector<8x256xf32>
    %exp3A_1249 = math.exp %sub3A_1248 : vector<8x256xf32>
    %add3A_1250 = arith.addf %add3A_1243, %exp3A_1249 : vector<8x256xf32>
    %mul3A_1251 = arith.mulf %sub3A_1248, %exp3A_1249 : vector<8x256xf32>
    %add3A_1252 = arith.addf %add3A_1245, %mul3A_1251 : vector<8x256xf32>
    %slice3A_1253 = vector.extract_strided_slice %get3A_1 {offsets = [0, 17920], sizes = [8, 256], strides = [1, 1]} : vector<8x32768xf32> to vector<8x256xf32>
    %sub3A_1254 = vector.broadcast %broadcast_in_dim3A_762 : vector<8x1xf32> to vector<8x256xf32>
    %sub3A_1255 = arith.subf %slice3A_1253, %sub3A_1254 : vector<8x256xf32>
    %exp3A_1256 = math.exp %sub3A_1255 : vector<8x256xf32>
    %add3A_1257 = arith.addf %add3A_1250, %exp3A_1256 : vector<8x256xf32>
    %mul3A_1258 = arith.mulf %sub3A_1255, %exp3A_1256 : vector<8x256xf32>
    %add3A_1259 = arith.addf %add3A_1252, %mul3A_1258 : vector<8x256xf32>
    %slice3A_1260 = vector.extract_strided_slice %get3A_1 {offsets = [0, 18176], sizes = [8, 256], strides = [1, 1]} : vector<8x32768xf32> to vector<8x256xf32>
    %sub3A_1261 = vector.broadcast %broadcast_in_dim3A_762 : vector<8x1xf32> to vector<8x256xf32>
    %sub3A_1262 = arith.subf %slice3A_1260, %sub3A_1261 : vector<8x256xf32>
    %exp3A_1263 = math.exp %sub3A_1262 : vector<8x256xf32>
    %add3A_1264 = arith.addf %add3A_1257, %exp3A_1263 : vector<8x256xf32>
    %mul3A_1265 = arith.mulf %sub3A_1262, %exp3A_1263 : vector<8x256xf32>
    %add3A_1266 = arith.addf %add3A_1259, %mul3A_1265 : vector<8x256xf32>
    %slice3A_1267 = vector.extract_strided_slice %get3A_1 {offsets = [0, 18432], sizes = [8, 256], strides = [1, 1]} : vector<8x32768xf32> to vector<8x256xf32>
    %sub3A_1268 = vector.broadcast %broadcast_in_dim3A_762 : vector<8x1xf32> to vector<8x256xf32>
    %sub3A_1269 = arith.subf %slice3A_1267, %sub3A_1268 : vector<8x256xf32>
    %exp3A_1270 = math.exp %sub3A_1269 : vector<8x256xf32>
    %add3A_1271 = arith.addf %add3A_1264, %exp3A_1270 : vector<8x256xf32>
    %mul3A_1272 = arith.mulf %sub3A_1269, %exp3A_1270 : vector<8x256xf32>
    %add3A_1273 = arith.addf %add3A_1266, %mul3A_1272 : vector<8x256xf32>
    %slice3A_1274 = vector.extract_strided_slice %get3A_1 {offsets = [0, 18688], sizes = [8, 256], strides = [1, 1]} : vector<8x32768xf32> to vector<8x256xf32>
    %sub3A_1275 = vector.broadcast %broadcast_in_dim3A_762 : vector<8x1xf32> to vector<8x256xf32>
    %sub3A_1276 = arith.subf %slice3A_1274, %sub3A_1275 : vector<8x256xf32>
    %exp3A_1277 = math.exp %sub3A_1276 : vector<8x256xf32>
    %add3A_1278 = arith.addf %add3A_1271, %exp3A_1277 : vector<8x256xf32>
    %mul3A_1279 = arith.mulf %sub3A_1276, %exp3A_1277 : vector<8x256xf32>
    %add3A_1280 = arith.addf %add3A_1273, %mul3A_1279 : vector<8x256xf32>
    %slice3A_1281 = vector.extract_strided_slice %get3A_1 {offsets = [0, 18944], sizes = [8, 256], strides = [1, 1]} : vector<8x32768xf32> to vector<8x256xf32>
    %sub3A_1282 = vector.broadcast %broadcast_in_dim3A_762 : vector<8x1xf32> to vector<8x256xf32>
    %sub3A_1283 = arith.subf %slice3A_1281, %sub3A_1282 : vector<8x256xf32>
    %exp3A_1284 = math.exp %sub3A_1283 : vector<8x256xf32>
    %add3A_1285 = arith.addf %add3A_1278, %exp3A_1284 : vector<8x256xf32>
    %mul3A_1286 = arith.mulf %sub3A_1283, %exp3A_1284 : vector<8x256xf32>
    %add3A_1287 = arith.addf %add3A_1280, %mul3A_1286 : vector<8x256xf32>
    %slice3A_1288 = vector.extract_strided_slice %get3A_1 {offsets = [0, 19200], sizes = [8, 256], strides = [1, 1]} : vector<8x32768xf32> to vector<8x256xf32>
    %sub3A_1289 = vector.broadcast %broadcast_in_dim3A_762 : vector<8x1xf32> to vector<8x256xf32>
    %sub3A_1290 = arith.subf %slice3A_1288, %sub3A_1289 : vector<8x256xf32>
    %exp3A_1291 = math.exp %sub3A_1290 : vector<8x256xf32>
    %add3A_1292 = arith.addf %add3A_1285, %exp3A_1291 : vector<8x256xf32>
    %mul3A_1293 = arith.mulf %sub3A_1290, %exp3A_1291 : vector<8x256xf32>
    %add3A_1294 = arith.addf %add3A_1287, %mul3A_1293 : vector<8x256xf32>
    %slice3A_1295 = vector.extract_strided_slice %get3A_1 {offsets = [0, 19456], sizes = [8, 256], strides = [1, 1]} : vector<8x32768xf32> to vector<8x256xf32>
    %sub3A_1296 = vector.broadcast %broadcast_in_dim3A_762 : vector<8x1xf32> to vector<8x256xf32>
    %sub3A_1297 = arith.subf %slice3A_1295, %sub3A_1296 : vector<8x256xf32>
    %exp3A_1298 = math.exp %sub3A_1297 : vector<8x256xf32>
    %add3A_1299 = arith.addf %add3A_1292, %exp3A_1298 : vector<8x256xf32>
    %mul3A_1300 = arith.mulf %sub3A_1297, %exp3A_1298 : vector<8x256xf32>
    %add3A_1301 = arith.addf %add3A_1294, %mul3A_1300 : vector<8x256xf32>
    %slice3A_1302 = vector.extract_strided_slice %get3A_1 {offsets = [0, 19712], sizes = [8, 256], strides = [1, 1]} : vector<8x32768xf32> to vector<8x256xf32>
    %sub3A_1303 = vector.broadcast %broadcast_in_dim3A_762 : vector<8x1xf32> to vector<8x256xf32>
    %sub3A_1304 = arith.subf %slice3A_1302, %sub3A_1303 : vector<8x256xf32>
    %exp3A_1305 = math.exp %sub3A_1304 : vector<8x256xf32>
    %add3A_1306 = arith.addf %add3A_1299, %exp3A_1305 : vector<8x256xf32>
    %mul3A_1307 = arith.mulf %sub3A_1304, %exp3A_1305 : vector<8x256xf32>
    %add3A_1308 = arith.addf %add3A_1301, %mul3A_1307 : vector<8x256xf32>
    %slice3A_1309 = vector.extract_strided_slice %get3A_1 {offsets = [0, 19968], sizes = [8, 256], strides = [1, 1]} : vector<8x32768xf32> to vector<8x256xf32>
    %sub3A_1310 = vector.broadcast %broadcast_in_dim3A_762 : vector<8x1xf32> to vector<8x256xf32>
    %sub3A_1311 = arith.subf %slice3A_1309, %sub3A_1310 : vector<8x256xf32>
    %exp3A_1312 = math.exp %sub3A_1311 : vector<8x256xf32>
    %add3A_1313 = arith.addf %add3A_1306, %exp3A_1312 : vector<8x256xf32>
    %mul3A_1314 = arith.mulf %sub3A_1311, %exp3A_1312 : vector<8x256xf32>
    %add3A_1315 = arith.addf %add3A_1308, %mul3A_1314 : vector<8x256xf32>
    %slice3A_1316 = vector.extract_strided_slice %get3A_1 {offsets = [0, 20224], sizes = [8, 256], strides = [1, 1]} : vector<8x32768xf32> to vector<8x256xf32>
    %sub3A_1317 = vector.broadcast %broadcast_in_dim3A_762 : vector<8x1xf32> to vector<8x256xf32>
    %sub3A_1318 = arith.subf %slice3A_1316, %sub3A_1317 : vector<8x256xf32>
    %exp3A_1319 = math.exp %sub3A_1318 : vector<8x256xf32>
    %add3A_1320 = arith.addf %add3A_1313, %exp3A_1319 : vector<8x256xf32>
    %mul3A_1321 = arith.mulf %sub3A_1318, %exp3A_1319 : vector<8x256xf32>
    %add3A_1322 = arith.addf %add3A_1315, %mul3A_1321 : vector<8x256xf32>
    %slice3A_1323 = vector.extract_strided_slice %get3A_1 {offsets = [0, 20480], sizes = [8, 256], strides = [1, 1]} : vector<8x32768xf32> to vector<8x256xf32>
    %sub3A_1324 = vector.broadcast %broadcast_in_dim3A_762 : vector<8x1xf32> to vector<8x256xf32>
    %sub3A_1325 = arith.subf %slice3A_1323, %sub3A_1324 : vector<8x256xf32>
    %exp3A_1326 = math.exp %sub3A_1325 : vector<8x256xf32>
    %add3A_1327 = arith.addf %add3A_1320, %exp3A_1326 : vector<8x256xf32>
    %mul3A_1328 = arith.mulf %sub3A_1325, %exp3A_1326 : vector<8x256xf32>
    %add3A_1329 = arith.addf %add3A_1322, %mul3A_1328 : vector<8x256xf32>
    %slice3A_1330 = vector.extract_strided_slice %get3A_1 {offsets = [0, 20736], sizes = [8, 256], strides = [1, 1]} : vector<8x32768xf32> to vector<8x256xf32>
    %sub3A_1331 = vector.broadcast %broadcast_in_dim3A_762 : vector<8x1xf32> to vector<8x256xf32>
    %sub3A_1332 = arith.subf %slice3A_1330, %sub3A_1331 : vector<8x256xf32>
    %exp3A_1333 = math.exp %sub3A_1332 : vector<8x256xf32>
    %add3A_1334 = arith.addf %add3A_1327, %exp3A_1333 : vector<8x256xf32>
    %mul3A_1335 = arith.mulf %sub3A_1332, %exp3A_1333 : vector<8x256xf32>
    %add3A_1336 = arith.addf %add3A_1329, %mul3A_1335 : vector<8x256xf32>
    %slice3A_1337 = vector.extract_strided_slice %get3A_1 {offsets = [0, 20992], sizes = [8, 256], strides = [1, 1]} : vector<8x32768xf32> to vector<8x256xf32>
    %sub3A_1338 = vector.broadcast %broadcast_in_dim3A_762 : vector<8x1xf32> to vector<8x256xf32>
    %sub3A_1339 = arith.subf %slice3A_1337, %sub3A_1338 : vector<8x256xf32>
    %exp3A_1340 = math.exp %sub3A_1339 : vector<8x256xf32>
    %add3A_1341 = arith.addf %add3A_1334, %exp3A_1340 : vector<8x256xf32>
    %mul3A_1342 = arith.mulf %sub3A_1339, %exp3A_1340 : vector<8x256xf32>
    %add3A_1343 = arith.addf %add3A_1336, %mul3A_1342 : vector<8x256xf32>
    %slice3A_1344 = vector.extract_strided_slice %get3A_1 {offsets = [0, 21248], sizes = [8, 256], strides = [1, 1]} : vector<8x32768xf32> to vector<8x256xf32>
    %sub3A_1345 = vector.broadcast %broadcast_in_dim3A_762 : vector<8x1xf32> to vector<8x256xf32>
    %sub3A_1346 = arith.subf %slice3A_1344, %sub3A_1345 : vector<8x256xf32>
    %exp3A_1347 = math.exp %sub3A_1346 : vector<8x256xf32>
    %add3A_1348 = arith.addf %add3A_1341, %exp3A_1347 : vector<8x256xf32>
    %mul3A_1349 = arith.mulf %sub3A_1346, %exp3A_1347 : vector<8x256xf32>
    %add3A_1350 = arith.addf %add3A_1343, %mul3A_1349 : vector<8x256xf32>
    %slice3A_1351 = vector.extract_strided_slice %get3A_1 {offsets = [0, 21504], sizes = [8, 256], strides = [1, 1]} : vector<8x32768xf32> to vector<8x256xf32>
    %sub3A_1352 = vector.broadcast %broadcast_in_dim3A_762 : vector<8x1xf32> to vector<8x256xf32>
    %sub3A_1353 = arith.subf %slice3A_1351, %sub3A_1352 : vector<8x256xf32>
    %exp3A_1354 = math.exp %sub3A_1353 : vector<8x256xf32>
    %add3A_1355 = arith.addf %add3A_1348, %exp3A_1354 : vector<8x256xf32>
    %mul3A_1356 = arith.mulf %sub3A_1353, %exp3A_1354 : vector<8x256xf32>
    %add3A_1357 = arith.addf %add3A_1350, %mul3A_1356 : vector<8x256xf32>
    %slice3A_1358 = vector.extract_strided_slice %get3A_1 {offsets = [0, 21760], sizes = [8, 256], strides = [1, 1]} : vector<8x32768xf32> to vector<8x256xf32>
    %sub3A_1359 = vector.broadcast %broadcast_in_dim3A_762 : vector<8x1xf32> to vector<8x256xf32>
    %sub3A_1360 = arith.subf %slice3A_1358, %sub3A_1359 : vector<8x256xf32>
    %exp3A_1361 = math.exp %sub3A_1360 : vector<8x256xf32>
    %add3A_1362 = arith.addf %add3A_1355, %exp3A_1361 : vector<8x256xf32>
    %mul3A_1363 = arith.mulf %sub3A_1360, %exp3A_1361 : vector<8x256xf32>
    %add3A_1364 = arith.addf %add3A_1357, %mul3A_1363 : vector<8x256xf32>
    %slice3A_1365 = vector.extract_strided_slice %get3A_1 {offsets = [0, 22016], sizes = [8, 256], strides = [1, 1]} : vector<8x32768xf32> to vector<8x256xf32>
    %sub3A_1366 = vector.broadcast %broadcast_in_dim3A_762 : vector<8x1xf32> to vector<8x256xf32>
    %sub3A_1367 = arith.subf %slice3A_1365, %sub3A_1366 : vector<8x256xf32>
    %exp3A_1368 = math.exp %sub3A_1367 : vector<8x256xf32>
    %add3A_1369 = arith.addf %add3A_1362, %exp3A_1368 : vector<8x256xf32>
    %mul3A_1370 = arith.mulf %sub3A_1367, %exp3A_1368 : vector<8x256xf32>
    %add3A_1371 = arith.addf %add3A_1364, %mul3A_1370 : vector<8x256xf32>
    %slice3A_1372 = vector.extract_strided_slice %get3A_1 {offsets = [0, 22272], sizes = [8, 256], strides = [1, 1]} : vector<8x32768xf32> to vector<8x256xf32>
    %sub3A_1373 = vector.broadcast %broadcast_in_dim3A_762 : vector<8x1xf32> to vector<8x256xf32>
    %sub3A_1374 = arith.subf %slice3A_1372, %sub3A_1373 : vector<8x256xf32>
    %exp3A_1375 = math.exp %sub3A_1374 : vector<8x256xf32>
    %add3A_1376 = arith.addf %add3A_1369, %exp3A_1375 : vector<8x256xf32>
    %mul3A_1377 = arith.mulf %sub3A_1374, %exp3A_1375 : vector<8x256xf32>
    %add3A_1378 = arith.addf %add3A_1371, %mul3A_1377 : vector<8x256xf32>
    %slice3A_1379 = vector.extract_strided_slice %get3A_1 {offsets = [0, 22528], sizes = [8, 256], strides = [1, 1]} : vector<8x32768xf32> to vector<8x256xf32>
    %sub3A_1380 = vector.broadcast %broadcast_in_dim3A_762 : vector<8x1xf32> to vector<8x256xf32>
    %sub3A_1381 = arith.subf %slice3A_1379, %sub3A_1380 : vector<8x256xf32>
    %exp3A_1382 = math.exp %sub3A_1381 : vector<8x256xf32>
    %add3A_1383 = arith.addf %add3A_1376, %exp3A_1382 : vector<8x256xf32>
    %mul3A_1384 = arith.mulf %sub3A_1381, %exp3A_1382 : vector<8x256xf32>
    %add3A_1385 = arith.addf %add3A_1378, %mul3A_1384 : vector<8x256xf32>
    %slice3A_1386 = vector.extract_strided_slice %get3A_1 {offsets = [0, 22784], sizes = [8, 256], strides = [1, 1]} : vector<8x32768xf32> to vector<8x256xf32>
    %sub3A_1387 = vector.broadcast %broadcast_in_dim3A_762 : vector<8x1xf32> to vector<8x256xf32>
    %sub3A_1388 = arith.subf %slice3A_1386, %sub3A_1387 : vector<8x256xf32>
    %exp3A_1389 = math.exp %sub3A_1388 : vector<8x256xf32>
    %add3A_1390 = arith.addf %add3A_1383, %exp3A_1389 : vector<8x256xf32>
    %mul3A_1391 = arith.mulf %sub3A_1388, %exp3A_1389 : vector<8x256xf32>
    %add3A_1392 = arith.addf %add3A_1385, %mul3A_1391 : vector<8x256xf32>
    %slice3A_1393 = vector.extract_strided_slice %get3A_1 {offsets = [0, 23040], sizes = [8, 256], strides = [1, 1]} : vector<8x32768xf32> to vector<8x256xf32>
    %sub3A_1394 = vector.broadcast %broadcast_in_dim3A_762 : vector<8x1xf32> to vector<8x256xf32>
    %sub3A_1395 = arith.subf %slice3A_1393, %sub3A_1394 : vector<8x256xf32>
    %exp3A_1396 = math.exp %sub3A_1395 : vector<8x256xf32>
    %add3A_1397 = arith.addf %add3A_1390, %exp3A_1396 : vector<8x256xf32>
    %mul3A_1398 = arith.mulf %sub3A_1395, %exp3A_1396 : vector<8x256xf32>
    %add3A_1399 = arith.addf %add3A_1392, %mul3A_1398 : vector<8x256xf32>
    %slice3A_1400 = vector.extract_strided_slice %get3A_1 {offsets = [0, 23296], sizes = [8, 256], strides = [1, 1]} : vector<8x32768xf32> to vector<8x256xf32>
    %sub3A_1401 = vector.broadcast %broadcast_in_dim3A_762 : vector<8x1xf32> to vector<8x256xf32>
    %sub3A_1402 = arith.subf %slice3A_1400, %sub3A_1401 : vector<8x256xf32>
    %exp3A_1403 = math.exp %sub3A_1402 : vector<8x256xf32>
    %add3A_1404 = arith.addf %add3A_1397, %exp3A_1403 : vector<8x256xf32>
    %mul3A_1405 = arith.mulf %sub3A_1402, %exp3A_1403 : vector<8x256xf32>
    %add3A_1406 = arith.addf %add3A_1399, %mul3A_1405 : vector<8x256xf32>
    %slice3A_1407 = vector.extract_strided_slice %get3A_1 {offsets = [0, 23552], sizes = [8, 256], strides = [1, 1]} : vector<8x32768xf32> to vector<8x256xf32>
    %sub3A_1408 = vector.broadcast %broadcast_in_dim3A_762 : vector<8x1xf32> to vector<8x256xf32>
    %sub3A_1409 = arith.subf %slice3A_1407, %sub3A_1408 : vector<8x256xf32>
    %exp3A_1410 = math.exp %sub3A_1409 : vector<8x256xf32>
    %add3A_1411 = arith.addf %add3A_1404, %exp3A_1410 : vector<8x256xf32>
    %mul3A_1412 = arith.mulf %sub3A_1409, %exp3A_1410 : vector<8x256xf32>
    %add3A_1413 = arith.addf %add3A_1406, %mul3A_1412 : vector<8x256xf32>
    %slice3A_1414 = vector.extract_strided_slice %get3A_1 {offsets = [0, 23808], sizes = [8, 256], strides = [1, 1]} : vector<8x32768xf32> to vector<8x256xf32>
    %sub3A_1415 = vector.broadcast %broadcast_in_dim3A_762 : vector<8x1xf32> to vector<8x256xf32>
    %sub3A_1416 = arith.subf %slice3A_1414, %sub3A_1415 : vector<8x256xf32>
    %exp3A_1417 = math.exp %sub3A_1416 : vector<8x256xf32>
    %add3A_1418 = arith.addf %add3A_1411, %exp3A_1417 : vector<8x256xf32>
    %mul3A_1419 = arith.mulf %sub3A_1416, %exp3A_1417 : vector<8x256xf32>
    %add3A_1420 = arith.addf %add3A_1413, %mul3A_1419 : vector<8x256xf32>
    %slice3A_1421 = vector.extract_strided_slice %get3A_1 {offsets = [0, 24064], sizes = [8, 256], strides = [1, 1]} : vector<8x32768xf32> to vector<8x256xf32>
    %sub3A_1422 = vector.broadcast %broadcast_in_dim3A_762 : vector<8x1xf32> to vector<8x256xf32>
    %sub3A_1423 = arith.subf %slice3A_1421, %sub3A_1422 : vector<8x256xf32>
    %exp3A_1424 = math.exp %sub3A_1423 : vector<8x256xf32>
    %add3A_1425 = arith.addf %add3A_1418, %exp3A_1424 : vector<8x256xf32>
    %mul3A_1426 = arith.mulf %sub3A_1423, %exp3A_1424 : vector<8x256xf32>
    %add3A_1427 = arith.addf %add3A_1420, %mul3A_1426 : vector<8x256xf32>
    %slice3A_1428 = vector.extract_strided_slice %get3A_1 {offsets = [0, 24320], sizes = [8, 256], strides = [1, 1]} : vector<8x32768xf32> to vector<8x256xf32>
    %sub3A_1429 = vector.broadcast %broadcast_in_dim3A_762 : vector<8x1xf32> to vector<8x256xf32>
    %sub3A_1430 = arith.subf %slice3A_1428, %sub3A_1429 : vector<8x256xf32>
    %exp3A_1431 = math.exp %sub3A_1430 : vector<8x256xf32>
    %add3A_1432 = arith.addf %add3A_1425, %exp3A_1431 : vector<8x256xf32>
    %mul3A_1433 = arith.mulf %sub3A_1430, %exp3A_1431 : vector<8x256xf32>
    %add3A_1434 = arith.addf %add3A_1427, %mul3A_1433 : vector<8x256xf32>
    %slice3A_1435 = vector.extract_strided_slice %get3A_1 {offsets = [0, 24576], sizes = [8, 256], strides = [1, 1]} : vector<8x32768xf32> to vector<8x256xf32>
    %sub3A_1436 = vector.broadcast %broadcast_in_dim3A_762 : vector<8x1xf32> to vector<8x256xf32>
    %sub3A_1437 = arith.subf %slice3A_1435, %sub3A_1436 : vector<8x256xf32>
    %exp3A_1438 = math.exp %sub3A_1437 : vector<8x256xf32>
    %add3A_1439 = arith.addf %add3A_1432, %exp3A_1438 : vector<8x256xf32>
    %mul3A_1440 = arith.mulf %sub3A_1437, %exp3A_1438 : vector<8x256xf32>
    %add3A_1441 = arith.addf %add3A_1434, %mul3A_1440 : vector<8x256xf32>
    %slice3A_1442 = vector.extract_strided_slice %get3A_1 {offsets = [0, 24832], sizes = [8, 256], strides = [1, 1]} : vector<8x32768xf32> to vector<8x256xf32>
    %sub3A_1443 = vector.broadcast %broadcast_in_dim3A_762 : vector<8x1xf32> to vector<8x256xf32>
    %sub3A_1444 = arith.subf %slice3A_1442, %sub3A_1443 : vector<8x256xf32>
    %exp3A_1445 = math.exp %sub3A_1444 : vector<8x256xf32>
    %add3A_1446 = arith.addf %add3A_1439, %exp3A_1445 : vector<8x256xf32>
    %mul3A_1447 = arith.mulf %sub3A_1444, %exp3A_1445 : vector<8x256xf32>
    %add3A_1448 = arith.addf %add3A_1441, %mul3A_1447 : vector<8x256xf32>
    %slice3A_1449 = vector.extract_strided_slice %get3A_1 {offsets = [0, 25088], sizes = [8, 256], strides = [1, 1]} : vector<8x32768xf32> to vector<8x256xf32>
    %sub3A_1450 = vector.broadcast %broadcast_in_dim3A_762 : vector<8x1xf32> to vector<8x256xf32>
    %sub3A_1451 = arith.subf %slice3A_1449, %sub3A_1450 : vector<8x256xf32>
    %exp3A_1452 = math.exp %sub3A_1451 : vector<8x256xf32>
    %add3A_1453 = arith.addf %add3A_1446, %exp3A_1452 : vector<8x256xf32>
    %mul3A_1454 = arith.mulf %sub3A_1451, %exp3A_1452 : vector<8x256xf32>
    %add3A_1455 = arith.addf %add3A_1448, %mul3A_1454 : vector<8x256xf32>
    %slice3A_1456 = vector.extract_strided_slice %get3A_1 {offsets = [0, 25344], sizes = [8, 256], strides = [1, 1]} : vector<8x32768xf32> to vector<8x256xf32>
    %sub3A_1457 = vector.broadcast %broadcast_in_dim3A_762 : vector<8x1xf32> to vector<8x256xf32>
    %sub3A_1458 = arith.subf %slice3A_1456, %sub3A_1457 : vector<8x256xf32>
    %exp3A_1459 = math.exp %sub3A_1458 : vector<8x256xf32>
    %add3A_1460 = arith.addf %add3A_1453, %exp3A_1459 : vector<8x256xf32>
    %mul3A_1461 = arith.mulf %sub3A_1458, %exp3A_1459 : vector<8x256xf32>
    %add3A_1462 = arith.addf %add3A_1455, %mul3A_1461 : vector<8x256xf32>
    %slice3A_1463 = vector.extract_strided_slice %get3A_1 {offsets = [0, 25600], sizes = [8, 256], strides = [1, 1]} : vector<8x32768xf32> to vector<8x256xf32>
    %sub3A_1464 = vector.broadcast %broadcast_in_dim3A_762 : vector<8x1xf32> to vector<8x256xf32>
    %sub3A_1465 = arith.subf %slice3A_1463, %sub3A_1464 : vector<8x256xf32>
    %exp3A_1466 = math.exp %sub3A_1465 : vector<8x256xf32>
    %add3A_1467 = arith.addf %add3A_1460, %exp3A_1466 : vector<8x256xf32>
    %mul3A_1468 = arith.mulf %sub3A_1465, %exp3A_1466 : vector<8x256xf32>
    %add3A_1469 = arith.addf %add3A_1462, %mul3A_1468 : vector<8x256xf32>
    %slice3A_1470 = vector.extract_strided_slice %get3A_1 {offsets = [0, 25856], sizes = [8, 256], strides = [1, 1]} : vector<8x32768xf32> to vector<8x256xf32>
    %sub3A_1471 = vector.broadcast %broadcast_in_dim3A_762 : vector<8x1xf32> to vector<8x256xf32>
    %sub3A_1472 = arith.subf %slice3A_1470, %sub3A_1471 : vector<8x256xf32>
    %exp3A_1473 = math.exp %sub3A_1472 : vector<8x256xf32>
    %add3A_1474 = arith.addf %add3A_1467, %exp3A_1473 : vector<8x256xf32>
    %mul3A_1475 = arith.mulf %sub3A_1472, %exp3A_1473 : vector<8x256xf32>
    %add3A_1476 = arith.addf %add3A_1469, %mul3A_1475 : vector<8x256xf32>
    %slice3A_1477 = vector.extract_strided_slice %get3A_1 {offsets = [0, 26112], sizes = [8, 256], strides = [1, 1]} : vector<8x32768xf32> to vector<8x256xf32>
    %sub3A_1478 = vector.broadcast %broadcast_in_dim3A_762 : vector<8x1xf32> to vector<8x256xf32>
    %sub3A_1479 = arith.subf %slice3A_1477, %sub3A_1478 : vector<8x256xf32>
    %exp3A_1480 = math.exp %sub3A_1479 : vector<8x256xf32>
    %add3A_1481 = arith.addf %add3A_1474, %exp3A_1480 : vector<8x256xf32>
    %mul3A_1482 = arith.mulf %sub3A_1479, %exp3A_1480 : vector<8x256xf32>
    %add3A_1483 = arith.addf %add3A_1476, %mul3A_1482 : vector<8x256xf32>
    %slice3A_1484 = vector.extract_strided_slice %get3A_1 {offsets = [0, 26368], sizes = [8, 256], strides = [1, 1]} : vector<8x32768xf32> to vector<8x256xf32>
    %sub3A_1485 = vector.broadcast %broadcast_in_dim3A_762 : vector<8x1xf32> to vector<8x256xf32>
    %sub3A_1486 = arith.subf %slice3A_1484, %sub3A_1485 : vector<8x256xf32>
    %exp3A_1487 = math.exp %sub3A_1486 : vector<8x256xf32>
    %add3A_1488 = arith.addf %add3A_1481, %exp3A_1487 : vector<8x256xf32>
    %mul3A_1489 = arith.mulf %sub3A_1486, %exp3A_1487 : vector<8x256xf32>
    %add3A_1490 = arith.addf %add3A_1483, %mul3A_1489 : vector<8x256xf32>
    %slice3A_1491 = vector.extract_strided_slice %get3A_1 {offsets = [0, 26624], sizes = [8, 256], strides = [1, 1]} : vector<8x32768xf32> to vector<8x256xf32>
    %sub3A_1492 = vector.broadcast %broadcast_in_dim3A_762 : vector<8x1xf32> to vector<8x256xf32>
    %sub3A_1493 = arith.subf %slice3A_1491, %sub3A_1492 : vector<8x256xf32>
    %exp3A_1494 = math.exp %sub3A_1493 : vector<8x256xf32>
    %add3A_1495 = arith.addf %add3A_1488, %exp3A_1494 : vector<8x256xf32>
    %mul3A_1496 = arith.mulf %sub3A_1493, %exp3A_1494 : vector<8x256xf32>
    %add3A_1497 = arith.addf %add3A_1490, %mul3A_1496 : vector<8x256xf32>
    %slice3A_1498 = vector.extract_strided_slice %get3A_1 {offsets = [0, 26880], sizes = [8, 256], strides = [1, 1]} : vector<8x32768xf32> to vector<8x256xf32>
    %sub3A_1499 = vector.broadcast %broadcast_in_dim3A_762 : vector<8x1xf32> to vector<8x256xf32>
    %sub3A_1500 = arith.subf %slice3A_1498, %sub3A_1499 : vector<8x256xf32>
    %exp3A_1501 = math.exp %sub3A_1500 : vector<8x256xf32>
    %add3A_1502 = arith.addf %add3A_1495, %exp3A_1501 : vector<8x256xf32>
    %mul3A_1503 = arith.mulf %sub3A_1500, %exp3A_1501 : vector<8x256xf32>
    %add3A_1504 = arith.addf %add3A_1497, %mul3A_1503 : vector<8x256xf32>
    %slice3A_1505 = vector.extract_strided_slice %get3A_1 {offsets = [0, 27136], sizes = [8, 256], strides = [1, 1]} : vector<8x32768xf32> to vector<8x256xf32>
    %sub3A_1506 = vector.broadcast %broadcast_in_dim3A_762 : vector<8x1xf32> to vector<8x256xf32>
    %sub3A_1507 = arith.subf %slice3A_1505, %sub3A_1506 : vector<8x256xf32>
    %exp3A_1508 = math.exp %sub3A_1507 : vector<8x256xf32>
    %add3A_1509 = arith.addf %add3A_1502, %exp3A_1508 : vector<8x256xf32>
    %mul3A_1510 = arith.mulf %sub3A_1507, %exp3A_1508 : vector<8x256xf32>
    %add3A_1511 = arith.addf %add3A_1504, %mul3A_1510 : vector<8x256xf32>
    %slice3A_1512 = vector.extract_strided_slice %get3A_1 {offsets = [0, 27392], sizes = [8, 256], strides = [1, 1]} : vector<8x32768xf32> to vector<8x256xf32>
    %sub3A_1513 = vector.broadcast %broadcast_in_dim3A_762 : vector<8x1xf32> to vector<8x256xf32>
    %sub3A_1514 = arith.subf %slice3A_1512, %sub3A_1513 : vector<8x256xf32>
    %exp3A_1515 = math.exp %sub3A_1514 : vector<8x256xf32>
    %add3A_1516 = arith.addf %add3A_1509, %exp3A_1515 : vector<8x256xf32>
    %mul3A_1517 = arith.mulf %sub3A_1514, %exp3A_1515 : vector<8x256xf32>
    %add3A_1518 = arith.addf %add3A_1511, %mul3A_1517 : vector<8x256xf32>
    %slice3A_1519 = vector.extract_strided_slice %get3A_1 {offsets = [0, 27648], sizes = [8, 256], strides = [1, 1]} : vector<8x32768xf32> to vector<8x256xf32>
    %sub3A_1520 = vector.broadcast %broadcast_in_dim3A_762 : vector<8x1xf32> to vector<8x256xf32>
    %sub3A_1521 = arith.subf %slice3A_1519, %sub3A_1520 : vector<8x256xf32>
    %exp3A_1522 = math.exp %sub3A_1521 : vector<8x256xf32>
    %add3A_1523 = arith.addf %add3A_1516, %exp3A_1522 : vector<8x256xf32>
    %mul3A_1524 = arith.mulf %sub3A_1521, %exp3A_1522 : vector<8x256xf32>
    %add3A_1525 = arith.addf %add3A_1518, %mul3A_1524 : vector<8x256xf32>
    %slice3A_1526 = vector.extract_strided_slice %get3A_1 {offsets = [0, 27904], sizes = [8, 256], strides = [1, 1]} : vector<8x32768xf32> to vector<8x256xf32>
    %sub3A_1527 = vector.broadcast %broadcast_in_dim3A_762 : vector<8x1xf32> to vector<8x256xf32>
    %sub3A_1528 = arith.subf %slice3A_1526, %sub3A_1527 : vector<8x256xf32>
    %exp3A_1529 = math.exp %sub3A_1528 : vector<8x256xf32>
    %add3A_1530 = arith.addf %add3A_1523, %exp3A_1529 : vector<8x256xf32>
    %mul3A_1531 = arith.mulf %sub3A_1528, %exp3A_1529 : vector<8x256xf32>
    %add3A_1532 = arith.addf %add3A_1525, %mul3A_1531 : vector<8x256xf32>
    %slice3A_1533 = vector.extract_strided_slice %get3A_1 {offsets = [0, 28160], sizes = [8, 256], strides = [1, 1]} : vector<8x32768xf32> to vector<8x256xf32>
    %sub3A_1534 = vector.broadcast %broadcast_in_dim3A_762 : vector<8x1xf32> to vector<8x256xf32>
    %sub3A_1535 = arith.subf %slice3A_1533, %sub3A_1534 : vector<8x256xf32>
    %exp3A_1536 = math.exp %sub3A_1535 : vector<8x256xf32>
    %add3A_1537 = arith.addf %add3A_1530, %exp3A_1536 : vector<8x256xf32>
    %mul3A_1538 = arith.mulf %sub3A_1535, %exp3A_1536 : vector<8x256xf32>
    %add3A_1539 = arith.addf %add3A_1532, %mul3A_1538 : vector<8x256xf32>
    %slice3A_1540 = vector.extract_strided_slice %get3A_1 {offsets = [0, 28416], sizes = [8, 256], strides = [1, 1]} : vector<8x32768xf32> to vector<8x256xf32>
    %sub3A_1541 = vector.broadcast %broadcast_in_dim3A_762 : vector<8x1xf32> to vector<8x256xf32>
    %sub3A_1542 = arith.subf %slice3A_1540, %sub3A_1541 : vector<8x256xf32>
    %exp3A_1543 = math.exp %sub3A_1542 : vector<8x256xf32>
    %add3A_1544 = arith.addf %add3A_1537, %exp3A_1543 : vector<8x256xf32>
    %mul3A_1545 = arith.mulf %sub3A_1542, %exp3A_1543 : vector<8x256xf32>
    %add3A_1546 = arith.addf %add3A_1539, %mul3A_1545 : vector<8x256xf32>
    %slice3A_1547 = vector.extract_strided_slice %get3A_1 {offsets = [0, 28672], sizes = [8, 256], strides = [1, 1]} : vector<8x32768xf32> to vector<8x256xf32>
    %sub3A_1548 = vector.broadcast %broadcast_in_dim3A_762 : vector<8x1xf32> to vector<8x256xf32>
    %sub3A_1549 = arith.subf %slice3A_1547, %sub3A_1548 : vector<8x256xf32>
    %exp3A_1550 = math.exp %sub3A_1549 : vector<8x256xf32>
    %add3A_1551 = arith.addf %add3A_1544, %exp3A_1550 : vector<8x256xf32>
    %mul3A_1552 = arith.mulf %sub3A_1549, %exp3A_1550 : vector<8x256xf32>
    %add3A_1553 = arith.addf %add3A_1546, %mul3A_1552 : vector<8x256xf32>
    %slice3A_1554 = vector.extract_strided_slice %get3A_1 {offsets = [0, 28928], sizes = [8, 256], strides = [1, 1]} : vector<8x32768xf32> to vector<8x256xf32>
    %sub3A_1555 = vector.broadcast %broadcast_in_dim3A_762 : vector<8x1xf32> to vector<8x256xf32>
    %sub3A_1556 = arith.subf %slice3A_1554, %sub3A_1555 : vector<8x256xf32>
    %exp3A_1557 = math.exp %sub3A_1556 : vector<8x256xf32>
    %add3A_1558 = arith.addf %add3A_1551, %exp3A_1557 : vector<8x256xf32>
    %mul3A_1559 = arith.mulf %sub3A_1556, %exp3A_1557 : vector<8x256xf32>
    %add3A_1560 = arith.addf %add3A_1553, %mul3A_1559 : vector<8x256xf32>
    %slice3A_1561 = vector.extract_strided_slice %get3A_1 {offsets = [0, 29184], sizes = [8, 256], strides = [1, 1]} : vector<8x32768xf32> to vector<8x256xf32>
    %sub3A_1562 = vector.broadcast %broadcast_in_dim3A_762 : vector<8x1xf32> to vector<8x256xf32>
    %sub3A_1563 = arith.subf %slice3A_1561, %sub3A_1562 : vector<8x256xf32>
    %exp3A_1564 = math.exp %sub3A_1563 : vector<8x256xf32>
    %add3A_1565 = arith.addf %add3A_1558, %exp3A_1564 : vector<8x256xf32>
    %mul3A_1566 = arith.mulf %sub3A_1563, %exp3A_1564 : vector<8x256xf32>
    %add3A_1567 = arith.addf %add3A_1560, %mul3A_1566 : vector<8x256xf32>
    %slice3A_1568 = vector.extract_strided_slice %get3A_1 {offsets = [0, 29440], sizes = [8, 256], strides = [1, 1]} : vector<8x32768xf32> to vector<8x256xf32>
    %sub3A_1569 = vector.broadcast %broadcast_in_dim3A_762 : vector<8x1xf32> to vector<8x256xf32>
    %sub3A_1570 = arith.subf %slice3A_1568, %sub3A_1569 : vector<8x256xf32>
    %exp3A_1571 = math.exp %sub3A_1570 : vector<8x256xf32>
    %add3A_1572 = arith.addf %add3A_1565, %exp3A_1571 : vector<8x256xf32>
    %mul3A_1573 = arith.mulf %sub3A_1570, %exp3A_1571 : vector<8x256xf32>
    %add3A_1574 = arith.addf %add3A_1567, %mul3A_1573 : vector<8x256xf32>
    %slice3A_1575 = vector.extract_strided_slice %get3A_1 {offsets = [0, 29696], sizes = [8, 256], strides = [1, 1]} : vector<8x32768xf32> to vector<8x256xf32>
    %sub3A_1576 = vector.broadcast %broadcast_in_dim3A_762 : vector<8x1xf32> to vector<8x256xf32>
    %sub3A_1577 = arith.subf %slice3A_1575, %sub3A_1576 : vector<8x256xf32>
    %exp3A_1578 = math.exp %sub3A_1577 : vector<8x256xf32>
    %add3A_1579 = arith.addf %add3A_1572, %exp3A_1578 : vector<8x256xf32>
    %mul3A_1580 = arith.mulf %sub3A_1577, %exp3A_1578 : vector<8x256xf32>
    %add3A_1581 = arith.addf %add3A_1574, %mul3A_1580 : vector<8x256xf32>
    %slice3A_1582 = vector.extract_strided_slice %get3A_1 {offsets = [0, 29952], sizes = [8, 256], strides = [1, 1]} : vector<8x32768xf32> to vector<8x256xf32>
    %sub3A_1583 = vector.broadcast %broadcast_in_dim3A_762 : vector<8x1xf32> to vector<8x256xf32>
    %sub3A_1584 = arith.subf %slice3A_1582, %sub3A_1583 : vector<8x256xf32>
    %exp3A_1585 = math.exp %sub3A_1584 : vector<8x256xf32>
    %add3A_1586 = arith.addf %add3A_1579, %exp3A_1585 : vector<8x256xf32>
    %mul3A_1587 = arith.mulf %sub3A_1584, %exp3A_1585 : vector<8x256xf32>
    %add3A_1588 = arith.addf %add3A_1581, %mul3A_1587 : vector<8x256xf32>
    %slice3A_1589 = vector.extract_strided_slice %get3A_1 {offsets = [0, 30208], sizes = [8, 256], strides = [1, 1]} : vector<8x32768xf32> to vector<8x256xf32>
    %sub3A_1590 = vector.broadcast %broadcast_in_dim3A_762 : vector<8x1xf32> to vector<8x256xf32>
    %sub3A_1591 = arith.subf %slice3A_1589, %sub3A_1590 : vector<8x256xf32>
    %exp3A_1592 = math.exp %sub3A_1591 : vector<8x256xf32>
    %add3A_1593 = arith.addf %add3A_1586, %exp3A_1592 : vector<8x256xf32>
    %mul3A_1594 = arith.mulf %sub3A_1591, %exp3A_1592 : vector<8x256xf32>
    %add3A_1595 = arith.addf %add3A_1588, %mul3A_1594 : vector<8x256xf32>
    %slice3A_1596 = vector.extract_strided_slice %get3A_1 {offsets = [0, 30464], sizes = [8, 256], strides = [1, 1]} : vector<8x32768xf32> to vector<8x256xf32>
    %sub3A_1597 = vector.broadcast %broadcast_in_dim3A_762 : vector<8x1xf32> to vector<8x256xf32>
    %sub3A_1598 = arith.subf %slice3A_1596, %sub3A_1597 : vector<8x256xf32>
    %exp3A_1599 = math.exp %sub3A_1598 : vector<8x256xf32>
    %add3A_1600 = arith.addf %add3A_1593, %exp3A_1599 : vector<8x256xf32>
    %mul3A_1601 = arith.mulf %sub3A_1598, %exp3A_1599 : vector<8x256xf32>
    %add3A_1602 = arith.addf %add3A_1595, %mul3A_1601 : vector<8x256xf32>
    %slice3A_1603 = vector.extract_strided_slice %get3A_1 {offsets = [0, 30720], sizes = [8, 256], strides = [1, 1]} : vector<8x32768xf32> to vector<8x256xf32>
    %sub3A_1604 = vector.broadcast %broadcast_in_dim3A_762 : vector<8x1xf32> to vector<8x256xf32>
    %sub3A_1605 = arith.subf %slice3A_1603, %sub3A_1604 : vector<8x256xf32>
    %exp3A_1606 = math.exp %sub3A_1605 : vector<8x256xf32>
    %add3A_1607 = arith.addf %add3A_1600, %exp3A_1606 : vector<8x256xf32>
    %mul3A_1608 = arith.mulf %sub3A_1605, %exp3A_1606 : vector<8x256xf32>
    %add3A_1609 = arith.addf %add3A_1602, %mul3A_1608 : vector<8x256xf32>
    %slice3A_1610 = vector.extract_strided_slice %get3A_1 {offsets = [0, 30976], sizes = [8, 256], strides = [1, 1]} : vector<8x32768xf32> to vector<8x256xf32>
    %sub3A_1611 = vector.broadcast %broadcast_in_dim3A_762 : vector<8x1xf32> to vector<8x256xf32>
    %sub3A_1612 = arith.subf %slice3A_1610, %sub3A_1611 : vector<8x256xf32>
    %exp3A_1613 = math.exp %sub3A_1612 : vector<8x256xf32>
    %add3A_1614 = arith.addf %add3A_1607, %exp3A_1613 : vector<8x256xf32>
    %mul3A_1615 = arith.mulf %sub3A_1612, %exp3A_1613 : vector<8x256xf32>
    %add3A_1616 = arith.addf %add3A_1609, %mul3A_1615 : vector<8x256xf32>
    %slice3A_1617 = vector.extract_strided_slice %get3A_1 {offsets = [0, 31232], sizes = [8, 256], strides = [1, 1]} : vector<8x32768xf32> to vector<8x256xf32>
    %sub3A_1618 = vector.broadcast %broadcast_in_dim3A_762 : vector<8x1xf32> to vector<8x256xf32>
    %sub3A_1619 = arith.subf %slice3A_1617, %sub3A_1618 : vector<8x256xf32>
    %exp3A_1620 = math.exp %sub3A_1619 : vector<8x256xf32>
    %add3A_1621 = arith.addf %add3A_1614, %exp3A_1620 : vector<8x256xf32>
    %mul3A_1622 = arith.mulf %sub3A_1619, %exp3A_1620 : vector<8x256xf32>
    %add3A_1623 = arith.addf %add3A_1616, %mul3A_1622 : vector<8x256xf32>
    %slice3A_1624 = vector.extract_strided_slice %get3A_1 {offsets = [0, 31488], sizes = [8, 256], strides = [1, 1]} : vector<8x32768xf32> to vector<8x256xf32>
    %sub3A_1625 = vector.broadcast %broadcast_in_dim3A_762 : vector<8x1xf32> to vector<8x256xf32>
    %sub3A_1626 = arith.subf %slice3A_1624, %sub3A_1625 : vector<8x256xf32>
    %exp3A_1627 = math.exp %sub3A_1626 : vector<8x256xf32>
    %add3A_1628 = arith.addf %add3A_1621, %exp3A_1627 : vector<8x256xf32>
    %mul3A_1629 = arith.mulf %sub3A_1626, %exp3A_1627 : vector<8x256xf32>
    %add3A_1630 = arith.addf %add3A_1623, %mul3A_1629 : vector<8x256xf32>
    %slice3A_1631 = vector.extract_strided_slice %get3A_1 {offsets = [0, 31744], sizes = [8, 256], strides = [1, 1]} : vector<8x32768xf32> to vector<8x256xf32>
    %sub3A_1632 = vector.broadcast %broadcast_in_dim3A_762 : vector<8x1xf32> to vector<8x256xf32>
    %sub3A_1633 = arith.subf %slice3A_1631, %sub3A_1632 : vector<8x256xf32>
    %exp3A_1634 = math.exp %sub3A_1633 : vector<8x256xf32>
    %add3A_1635 = arith.addf %add3A_1628, %exp3A_1634 : vector<8x256xf32>
    %mul3A_1636 = arith.mulf %sub3A_1633, %exp3A_1634 : vector<8x256xf32>
    %add3A_1637 = arith.addf %add3A_1630, %mul3A_1636 : vector<8x256xf32>
    %slice3A_1638 = vector.extract_strided_slice %get3A_1 {offsets = [0, 32000], sizes = [8, 256], strides = [1, 1]} : vector<8x32768xf32> to vector<8x256xf32>
    %sub3A_1639 = vector.broadcast %broadcast_in_dim3A_762 : vector<8x1xf32> to vector<8x256xf32>
    %sub3A_1640 = arith.subf %slice3A_1638, %sub3A_1639 : vector<8x256xf32>
    %exp3A_1641 = math.exp %sub3A_1640 : vector<8x256xf32>
    %add3A_1642 = arith.addf %add3A_1635, %exp3A_1641 : vector<8x256xf32>
    %mul3A_1643 = arith.mulf %sub3A_1640, %exp3A_1641 : vector<8x256xf32>
    %add3A_1644 = arith.addf %add3A_1637, %mul3A_1643 : vector<8x256xf32>
    %slice3A_1645 = vector.extract_strided_slice %get3A_1 {offsets = [0, 32256], sizes = [8, 256], strides = [1, 1]} : vector<8x32768xf32> to vector<8x256xf32>
    %sub3A_1646 = vector.broadcast %broadcast_in_dim3A_762 : vector<8x1xf32> to vector<8x256xf32>
    %sub3A_1647 = arith.subf %slice3A_1645, %sub3A_1646 : vector<8x256xf32>
    %exp3A_1648 = math.exp %sub3A_1647 : vector<8x256xf32>
    %add3A_1649 = arith.addf %add3A_1642, %exp3A_1648 : vector<8x256xf32>
    %mul3A_1650 = arith.mulf %sub3A_1647, %exp3A_1648 : vector<8x256xf32>
    %add3A_1651 = arith.addf %add3A_1644, %mul3A_1650 : vector<8x256xf32>
    %slice3A_1652 = vector.extract_strided_slice %get3A_1 {offsets = [0, 32512], sizes = [8, 256], strides = [1, 1]} : vector<8x32768xf32> to vector<8x256xf32>
    %sub3A_1653 = vector.broadcast %broadcast_in_dim3A_762 : vector<8x1xf32> to vector<8x256xf32>
    %sub3A_1654 = arith.subf %slice3A_1652, %sub3A_1653 : vector<8x256xf32>
    %exp3A_1655 = math.exp %sub3A_1654 : vector<8x256xf32>
    %add3A_1656 = arith.addf %add3A_1649, %exp3A_1655 : vector<8x256xf32>
    %mul3A_1657 = arith.mulf %sub3A_1654, %exp3A_1655 : vector<8x256xf32>
    %add3A_1658 = arith.addf %add3A_1651, %mul3A_1657 : vector<8x256xf32>
    %reduce_sum3A = arith.constant dense<0.000000e+00> : vector<8xf32>
    %reduce_sum3A_1659 = vector.multi_reduction <add>, %add3A_1656, %reduce_sum3A [1] : vector<8x256xf32> to vector<8xf32>
    %broadcast_in_dim3A_1660 = vector.shape_cast %reduce_sum3A_1659 : vector<8xf32> to vector<8x1xf32>
    %reduce_sum3A_1661 = arith.constant dense<0.000000e+00> : vector<8xf32>
    %reduce_sum3A_1662 = vector.multi_reduction <add>, %add3A_1658, %reduce_sum3A_1661 [1] : vector<8x256xf32> to vector<8xf32>
    %broadcast_in_dim3A_1663 = vector.shape_cast %reduce_sum3A_1662 : vector<8xf32> to vector<8x1xf32>
    %iota3A = tpu.iota {dimensions = array<i32: 1>} : vector<8x256xi32>
    %eq3A = vector.broadcast %broadcast_in_dim3A_762 : vector<8x1xf32> to vector<8x256xf32>
    %eq3A_1664 = arith.cmpf oeq, %max3A_760, %eq3A : vector<8x256xf32>
    %mul3A_1665 = arith.constant 256 : i32
    %mul3A_1666 = vector.broadcast %mul3A_1665 : i32 to vector<8x256xi32>
    %mul3A_1667 = arith.muli %select_n3A_759, %mul3A_1666 : vector<8x256xi32>
    %add3A_1668 = arith.addi %mul3A_1667, %iota3A : vector<8x256xi32>
    %jit3A_1669 = arith.constant 32768 : i32
    %broadcast_in_dim3A_1670 = vector.broadcast %jit3A_1669 : i32 to vector<8x256xi32>
    %select_n3A_1671 = arith.select %eq3A_1664, %add3A_1668, %broadcast_in_dim3A_1670 : vector<8x256xi1>, vector<8x256xi32>
    %reduce_min3A = arith.constant dense<2147483647> : vector<8xi32>
    %reduce_min3A_1672 = vector.multi_reduction <minsi>, %select_n3A_1671, %reduce_min3A [1] : vector<8x256xi32> to vector<8xi32>
    %broadcast_in_dim3A_1673 = vector.shape_cast %reduce_min3A_1672 : vector<8xi32> to vector<8x1xi32>
    %swap3A = arith.constant 0 : index
    %swap3A_1674 = arith.constant 0 : index
    %swap3A_1675 = vector.load %arg2[%swap3A, %swap3A_1674] : memref<8x1xf32, #tpu.memory_space<vmem>>, vector<8x1xf32>
    tpu.vector_store %arg2[%swap3A, %swap3A_1674], %broadcast_in_dim3A_762 {strides = array<i32>} : memref<8x1xf32, #tpu.memory_space<vmem>>, vector<8x1xf32>,
    %swap3A_1676 = arith.constant 0 : index
    %swap3A_1677 = arith.constant 0 : index
    %swap3A_1678 = vector.load %arg3[%swap3A_1676, %swap3A_1677] : memref<8x1xf32, #tpu.memory_space<vmem>>, vector<8x1xf32>
    tpu.vector_store %arg3[%swap3A_1676, %swap3A_1677], %broadcast_in_dim3A_1660 {strides = array<i32>} : memref<8x1xf32, #tpu.memory_space<vmem>>, vector<8x1xf32>,
    %swap3A_1679 = arith.constant 0 : index
    %swap3A_1680 = arith.constant 0 : index
    %swap3A_1681 = vector.load %arg4[%swap3A_1679, %swap3A_1680] : memref<8x1xf32, #tpu.memory_space<vmem>>, vector<8x1xf32>
    tpu.vector_store %arg4[%swap3A_1679, %swap3A_1680], %broadcast_in_dim3A_1663 {strides = array<i32>} : memref<8x1xf32, #tpu.memory_space<vmem>>, vector<8x1xf32>,
    %swap3A_1682 = arith.constant 0 : index
    %swap3A_1683 = arith.constant 0 : index
    %swap3A_1684 = vector.load %arg5[%swap3A_1682, %swap3A_1683] : memref<8x1xi32, #tpu.memory_space<vmem>>, vector<8x1xi32>
    tpu.vector_store %arg5[%swap3A_1682, %swap3A_1683], %broadcast_in_dim3A_1673 {strides = array<i32>} : memref<8x1xi32, #tpu.memory_space<vmem>>, vector<8x1xi32>,
    %swap3A_1685 = arith.constant 0 : index
    %swap3A_1686 = arith.constant 0 : index
    %swap3A_1687 = vector.load %arg6[%swap3A_1685, %swap3A_1686] : memref<8x256xf32, #tpu.memory_space<vmem>>, vector<8x256xf32>
    tpu.vector_store %arg6[%swap3A_1685, %swap3A_1686], %max3A_760 {strides = array<i32>} : memref<8x256xf32, #tpu.memory_space<vmem>>, vector<8x256xf32>,
    return
  }
  func.func @transform_0(%arg0: i32) -> (i32, i32) {
    %c0_i32 = arith.constant 0 : i32
    %c0_i32_0 = arith.constant 0 : i32
    return %arg0, %c0_i32 : i32, i32
  }
  func.func @transform_1(%arg0: i32) -> (i32, i32) {
    %c0_i32 = arith.constant 0 : i32
    %c0_i32_0 = arith.constant 0 : i32
    return %arg0, %c0_i32 : i32, i32
  }
  func.func @transform_2(%arg0: i32) -> (i32, i32) {
    %c0_i32 = arith.constant 0 : i32
    %c0_i32_0 = arith.constant 0 : i32
    return %arg0, %c0_i32 : i32, i32
  }
  func.func @transform_3(%arg0: i32) -> (i32, i32) {
    %c0_i32 = arith.constant 0 : i32
    %c0_i32_0 = arith.constant 0 : i32
    return %arg0, %c0_i32 : i32, i32
  }
  func.func @transform_4(%arg0: i32) -> (i32, i32) {
    %c0_i32 = arith.constant 0 : i32
    %c0_i32_0 = arith.constant 0 : i32
    return %arg0, %c0_i32 : i32, i32
  }
  func.func @transform_5(%arg0: i32) -> (i32, i32) {
    %c0_i32 = arith.constant 0 : i32
    %c0_i32_0 = arith.constant 0 : i32
    return %arg0, %c0_i32 : i32, i32
  }
}

</mosaic_0001>

<sc_bundles>
// kernel: kernel.5.cloned.1.call-start
scs
__scs_entry_jumppad:
0x0: {  	(pc) =	sbr.rel $0x88, $3  }
0x1: {  	(tag) =	ssettag $0x0;
	lr =	simm.s32 $0x1  }
0x2: {  	[smem:$0x3FA0] =	sst lr;
	_ =	strace $0xD0000000  }
0x3: {  	_ = 	snop  }
0x4: {  	_ = 	snop  }
0x5: {  	_ = 	snop  }
0x6: {  	_ = 	snop  }
0x7: {  	_ = 	snop  }
__scs_overlays_trampoline_lowered:
0x8: {  	[smem:$0x3FAF] =	sst s0  }
0x9: {  	[smem:$0x3FB0] =	sst s1  }
0xa: {  	[smem:$0x3FB1] =	sst s2  }
0xb: {  	[smem:$0x3FB2] =	sst s3  }
0xc: {  	[smem:$0x3FB3] =	sst s4  }
0xd: {  	[smem:$0x3FB4] =	sst s5  }
0xe: {  	[smem:$0x3FB5] =	sst s6  }
0xf: {  	[smem:$0x3FB6] =	sst s7  }
0x10: {  	[smem:$0x3FB7] =	sst s8  }
0x11: {  	[smem:$0x3FB8] =	sst s9;
	s0 =	simm.s32 @!p0 $0x0  }
0x12: {  	s1 =	sld [smem:$0x3F9E];
	s0 =	simm.s32 @p0 $0x1  }
0x13: {  	[smem:$0x3FB9] =	sst s0;
	s0 =	simm.s32 @!p1 $0x0  }
0x14: {  	s2 =	sld [smem:$0x3F9D];
	s0 =	simm.s32 @p1 $0x1  }
0x15: {  	[smem:$0x3FBA] =	sst s0;
	s0 =	simm.s32 @!p2 $0x0  }
0x16: {  	s3 =	sld [smem:$0x3FDB];
	s0 =	simm.s32 @p2 $0x1  }
0x17: {  	s4 =	simm.s32 $0x1BF5;
	[smem:$0x3FBC] =	sst s0  }
0x18: {  	s0 =	sld [smem:$0x3F9F];
	_ =	swait.ge [sflag:s4], $0x0  }
0x19: {  	s7 =	sld [smem:$0x3FA0]  }
0x1a: {  	s8 =	sadd.s32 $0xFFFFE003, lr  }
0x1b: {  	s9 =	sadd.s32 $0xFFFFFEF7, lr;
	s5 =	simm.s32 $0xFFFFFFFF;
	p2 =	slt.u32 s8, $0xFFFFF086  }
0x1c: {  	p1 =	slt.u32 s9, $0xF7A;
	s5 =	simm.s32 @!p2 $0x0  }
0x1d: {  	s5 =	simm.s32 @p1 $0x1;
	p0 =	seq.s32 s7, s2  }
0x1e: {  	s7 =	smul.u32 @!p0 $0xF7A, s2;
	p2 =	seq.s32 @!p0 s5, $0x0  }
0x1f: {  	s9 =	smul.u32 $0xF7A, s1;
	s8 =	simm.s32 @!p0 $0x1BF5;
	p2 =	por !p2, p0  }
0x20: {  	[sflag:s8] =	ssyncset.s32 @!p0 $0xFFFFF086;
	s6 =	sadd.s32 @!p0 s3, s7;
	s7 =	simm.s32 @!p0 $0x108  }
0x21: {  	s3 =	sadd.s32 s3, s9;
	s6 =	sadd.s32 @!p0 $0x88, s6;
	s7 =	simm.s32 @p2 $0x1082  }
0x22: {  	[simem:s7], [sflag:s8] =	dma.local @!p0 [hbm:s6], $0xF7A  }
0x23: {  	s9 =	sor.u32 $0xD0000000, s2;
	s6 =	simm.s32 $0x108;
	_ =	swait.ge @!p0 [sflag:s8], $0x0  }
0x24: {  	s3 =	sadd.s32 $0x88, s3;
	s6 =	simm.s32 @!p1 $0x1082;
	[sflag:s4] =	ssyncset.s32 $0xFFFFF086  }
0x25: {  	[simem:s6], [sflag:s4] =	dma.local [hbm:s3], $0xF7A  }
0x26: {  	[smem:$0x3FA0] =	sst s1;
	(tag) =	ssettag s2;
	_ =	strace s9  }
0x27: {  	s1 =	sld [smem:$0x3FB0]  }
0x28: {  	s2 =	sld [smem:$0x3FB1]  }
0x29: {  	s4 =	sld [smem:$0x3FB3]  }
0x2a: {  	p0 =	seq.s32 s5, $0x0;
	s5 =	sld [smem:$0x3FB4]  }
0x2b: {  	s6 =	sld [smem:$0x3FB5]  }
0x2c: {  	s7 =	sld [smem:$0x3FB6]  }
0x2d: {  	s3 =	simm.s32 $0x108;
	s8 =	sld [smem:$0x3FB7]  }
0x2e: {  	s3 =	simm.s32 @!p0 $0x1082;
	s9 =	sld [smem:$0x3FB8]  }
0x2f: {  	lr =	sadd.s32 s0, s3;
	s0 =	sld [smem:$0x3FAF]  }
0x30: {  	s3 =	sld [smem:$0x3FB2]  }
0x31: {  	[smem:$0x3FBB] =	sst s10  }
0x32: {  	s10 =	sld [smem:$0x3FB9];
	_ =	sdelay $0x3  }
0x33: {  	p0 =	seq.s32 s10, $0x1;
	s10 =	sld [smem:$0x3FBB];
	_ =	sdelay $0x3  }
0x34: {  	[smem:$0x3FBB] =	sst s10  }
0x35: {  	s10 =	sld [smem:$0x3FBA];
	_ =	sdelay $0x3  }
0x36: {  	p1 =	seq.s32 s10, $0x1;
	s10 =	sld [smem:$0x3FBB];
	_ =	sdelay $0x3  }
0x37: {  	[smem:$0x3FBB] =	sst s10  }
0x38: {  	s10 =	sld [smem:$0x3FBC]  }
0x39: {  	_ = 	snop;
	(pc) =	sbr.ind lr, $3  }
0x3a: {  	_ = 	snop  }
0x3b: {  	_ = 	snop  }
0x3c: {  	p2 =	seq.s32 s10, $0x1;
	s10 =	sld [smem:$0x3FBB]  }
0x3d: {  	_ =	shalt  }
0x3e: {  	_ =	shalt  }
0x3f: {  	_ =	shalt  }
0x40: {  	_ =	shalt  }
0x41: {  	_ =	shalt  }
0x42: {  	_ =	shalt  }
0x43: {  	_ =	shalt  }
0x44: {  	_ =	shalt  }
0x45: {  	_ =	shalt  }
0x46: {  	_ =	shalt  }
0x47: {  	_ =	shalt  }
0x48: {  	_ =	shalt  }
0x49: {  	_ =	shalt  }
0x4a: {  	_ =	shalt  }
0x4b: {  	_ =	shalt  }
0x4c: {  	_ =	shalt  }
0x4d: {  	_ =	shalt  }
0x4e: {  	_ =	shalt  }
0x4f: {  	_ =	shalt  }
0x50: {  	_ =	shalt  }
0x51: {  	_ =	shalt  }
0x52: {  	_ =	shalt  }
0x53: {  	_ =	shalt  }
0x54: {  	_ =	shalt  }
0x55: {  	_ =	shalt  }
0x56: {  	_ =	shalt  }
0x57: {  	_ =	shalt  }
0x58: {  	_ =	shalt  }
0x59: {  	_ =	shalt  }
0x5a: {  	_ =	shalt  }
0x5b: {  	_ =	shalt  }
0x5c: {  	_ =	shalt  }
0x5d: {  	_ =	shalt  }
0x5e: {  	_ =	shalt  }
0x5f: {  	_ =	shalt  }
0x60: {  	_ =	shalt  }
0x61: {  	_ =	shalt  }
0x62: {  	_ =	shalt  }
0x63: {  	_ =	shalt  }
0x64: {  	_ =	shalt  }
0x65: {  	_ =	shalt  }
0x66: {  	_ =	shalt  }
0x67: {  	_ =	shalt  }
0x68: {  	_ =	shalt  }
0x69: {  	_ =	shalt  }
0x6a: {  	_ =	shalt  }
0x6b: {  	_ =	shalt  }
0x6c: {  	_ =	shalt  }
0x6d: {  	_ =	shalt  }
0x6e: {  	_ =	shalt  }
0x6f: {  	_ =	shalt  }
0x70: {  	_ =	shalt  }
0x71: {  	_ =	shalt  }
0x72: {  	_ =	shalt  }
0x73: {  	_ =	shalt  }
0x74: {  	_ =	shalt  }
0x75: {  	_ =	shalt  }
0x76: {  	_ =	shalt  }
0x77: {  	_ =	shalt  }
0x78: {  	_ =	shalt  }
0x79: {  	_ =	shalt  }
0x7a: {  	_ =	shalt  }
0x7b: {  	_ =	shalt  }
0x7c: {  	_ =	shalt  }
0x7d: {  	_ =	shalt  }
0x7e: {  	_ =	shalt  }
0x7f: {  	_ =	shalt  }
0x80: {  	_ =	shalt  }
0x81: {  	_ =	shalt  }
0x82: {  	_ =	shalt  }
0x83: {  	_ =	shalt  }
0x84: {  	_ =	shalt  }
0x85: {  	_ =	shalt  }
0x86: {  	_ =	shalt  }
0x87: {  	_ =	shalt  }
.Lfunc_end0:
.L_simem_size_0:
called_computation_lowered:
.L_overlay_start_0:
0x88: {  	s2 =	sld [smem:$0x3FD9]  }
0x89: {  	s3 =	sld [smem:$0x3FFE];
	_ =	sdelay $0x1  }
0x8a: {  	s1 =	srdreg.scid  }
0x8b: {  	s0 =	sand.u32 $0x1, s1  }
0x8c: {  	s17 =	sshll.u32 s0, $0xA;
	s2 =	sadd.s32 s3, s2  }
0x8d: {  	s2 =	sadd.s32 s2, s17  }
0x8e: {  	[smem:$0x3FC7] =	sst s2  }
0x8f: {  	_ = 	snop  }
0x90: {  	s2 =	sld [smem:$0x3FC9];
	(tm) =	ssettm $0x1  }
0x91: {  	s18 =	sld [smem:$0x3FFB];
	_ =	sdelay $0x3  }
0x92: {  	_ =	strace s18  }
0x93: {  	s3 =	sld [smem:$0x3FFC];
	_ =	sdelay $0x3  }
0x94: {  	_ =	strace s3  }
0x95: {  	s3 =	sld [smem:$0x3FFD];
	_ =	sdelay $0x3  }
0x96: {  	_ =	strace s3  }
0x97: {  	_ =	strace $0x8FFFFFFF  }
0x98: {  	s19 =	sld [smem:$0x3FDB];
	_ =	sdelay $0x1  }
0x99: {  	s4 =	simm.s32 $_scs_section_size  }
0x9a: {  	s5 =	simm.s32 $_size__tile_overlayer_lowered;
	s6 =	simm.s32 $_tile_overlayer_lowered  }
0x9b: {  	s22 =	simm.s32 $0x1BFF;
	s21 =	sshll.u32 s6, $0x1;
	s3 =	sadd.s32 s4, s19  }
0x9c: {  	s7 =	simm.s32 $0x0;
	s20 =	sshll.u32 s5, $0x1;
	s5 =	sadd.s32 s21, s3  }
0x9d: {  	[timem:s7], [sflag:s22] =	dma.local [hbm:s5], s20  }
0x9e: {  	_ =	swait.ge [sflag:s22], s20  }
0x9f: {  	s4 =	ssub.s32 $0x0, s20;
	[sflag:s22] =	ssyncset.done $0x0  }
0xa0: {  	[sflag:s22] =	ssyncadd.s32 s4;
	_ =	sdelay $0x1  }
0xa1: {  	s23 =	simm.s32 $0x1B8B  }
0xa2: {  	_ =	swait.ge [sflag:s23], $0x1  }
0xa3: {  	[sflag:s23] =	ssyncset.done $0x0  }
0xa4: {  	s25 =	simm.s32 $0x1B8E;
	s24 =	sld [smem:$0x3FFE];
	[sflag:s23] =	ssyncadd.s32 $0xFFFFFFFF  }
0xa5: {  	s26 =	simm.s32 $execute0_lowered;
	[smem:$0x3FD2] =	sst s25  }
0xa6: {  	s5 =	sshll.u32 s26, $0x1;
	_ =	strace $0x80000046;
	[dreg:$0x1] =	wrdreg $0xFFFFFFFF  }
0xa7: {  	s28 =	simm.s32 $_size_execute0_lowered;
	s3 =	sadd.s32 s3, s5;
	[dreg:$0x0] =	wrdreg $0x0  }
0xa8: {  	s5 =	sshll.u32 s28, $0x1;
	[dreg:$0x2] =	wrdreg s3  }
0xa9: {  	[dreg:$0x3] =	wrdreg s5  }
0xaa: {  	[dreg:$0x4] =	wrdreg $0xC0  }
0xab: {  	_ =	task [dreg:s7], $0x5FFFF  }
0xac: {  	[dreg:$0x1] =	wrdreg $0xFFFFFFFF  }
0xad: {  	[dreg:$0x0] =	wrdreg $0x60  }
0xae: {  	[dreg:$0x2] =	wrdreg s2  }
0xaf: {  	[dreg:$0x3] =	wrdreg s24  }
0xb0: {  	[dreg:$0x4] =	wrdreg $0x9  }
0xb1: {  	_ =	task.clear_ibuf [dreg:s7], $0x5FFFF;
	_ =	strace $0x90000046  }
0xb2: {  	s29 =	simm.s32 $0x9;
	_ =	strace $0x80000048  }
0xb3: {  	_ =	swait.ge [sflag:s29], $0x1  }
0xb4: {  	[sflag:s29] =	ssyncadd.s32 $0xFFFFFFFF  }
0xb5: {  	_ =	strace $0x90000048  }
0xb6: {  	_ =	sfence  }
0xb7: {  	s30 =	sld [smem:$0x0];
	_ =	sdelay $0x2  }
0xb8: {  	s31 =	sshll.u32 s1, $0xD;
	s1 =	sshrl.u32 s1, $0x2  }
0xb9: {  	s3 =	sand.u32 $0x4000, s31;
	s1 =	sadd.s32 s1, s30  }
0xba: {  	s0 =	sor.u32 s3, s0;
	s1 =	sshll.u32 s1, $0x11  }
0xbb: {  	s0 =	sor.u32 s1, s0  }
0xbc: {  	s0 =	sadd.s32 $0x8F2B, s0  }
0xbd: {  	[sflag:s0] =	ssyncadd.remote.s32 $0x1  }
0xbe: {  	_ =	sfence.sel $0xFFFF  }
0xbf: {  	[dreg:$0x0] =	wrdreg $0xFFFFFFFF;
	(pc) =	sbr.abs _section_cstart, $3  }
0xc0: {  	[dreg:$0x1] =	wrdreg $0xFFFFFFFF  }
0xc1: {  	_ =	task.clear_ibuf [dreg:s7], $0x2FFFF;
	_ =	strace $0x9FFFFFFF  }
0xc2: {  	(tm) =	ssettm $0x7FFFFFFF  }
0xc3: {  	_ =	shalt  }
tec
execute0_lowered:
.L_overlay_start_1:
0x0: {  	(tag) =	ssettag $0x1  }
0x1: {  	s3 =	rddreg [dreg:$0x0]  }
0x2: {  	s4 =	rddreg [dreg:$0x1]  }
0x3: {  	s2 =	srdreg.scid;
	s0 =	rddreg [dreg:$0x2]  }
0x4: {  	s1 =	stileid.u32;
	s10 =	simm.s32 $0x200;
	s11 =	simm.s32 $0x400  }
0x5: {  	s12 =	simm.s32 $0x3;
	s13 =	simm.s32 $0x80;
	s14 =	simm.s32 $0x8400  }
0x6: {  	s15 =	simm.s32 $0x1;
	s16 =	simm.s32 $0x2;
	s17 =	simm.s32 $0x10400  }
0x7: {  	s18 =	simm.s32 $0x0;
	s5 =	sand.u32 $0x1, s2;
	s2 =	simm.s32 $0x0  }
0x8: {  	s7 =	sshll.u32 s1, $0xB;
	s8 =	sshll.u32 s1, $0xA;
	s9 =	sshll.u32 s1, $0x12  }
0x9: {  	s6 =	sshll.u32 s5, $0x9;
	[smem:$0x7FF] =	sst s2;
	s5 =	ssub.s32 $0x2, s5  }
0xa: {  	v0 =	vlaneseq.u32;
	v1 =	vimm.s32 $0x0;
	v17 =	vimm.f32 $0.0e+00;
	s7 =	sor.u32 s6, s7;
	_ =	strace $0x80000047;
	s8 =	sor.u32 s6, s8  }
0xb: {  	v2 =	vor.u32 $0x10, v0;
	v3 =	vor.u32 $0x20, v0;
	v4 =	vor.u32 $0x30, v0;
	s6 =	sor.u32 s6, s9;
	s31 =	sshrl.u32 s5, $0x1;
	s7 =	sshrl.u32 s7, $0x3  }
0xc: {  	v5 =	vor.u32 $0x40, v0;
	v6 =	vor.u32 $0x50, v0;
	v7 =	vor.u32 $0x60, v0;
	s8 =	sshrl.u32 s8, $0x3;
	s6 =	sshrl.u32 s6, $0x3;
	s9 =	ssub.s32 s5, s31  }
0xd: {  	v8 =	vor.u32 $0x70, v0;
	v9 =	vor.u32 $0x80, v0;
	v10 =	vor.u32 $0x90, v0;
	s7 =	sadd.s32 s7, s4;
	s8 =	sadd.s32 s8, s4;
	s3 =	sadd.s32 s3, s6  }
0xe: {  	v11 =	vor.u32 $0xA0, v0;
	v12 =	vor.u32 $0xB0, v0;
	v13 =	vor.u32 $0xC0, v0;
	s9 =	smax.u32 s9, $0x1;
	s4 =	sadd.s32 $0x200, s7;
	s5 =	sadd.s32 $0x10, s3  }
0xf: {  	v14 =	vor.u32 $0xD0, v0;
	v15 =	vor.u32 $0xE0, v0;
	v16 =	vor.u32 $0xF0, v0;
	s6 =	sadd.s32 $0x20, s3;
	s7 =	sadd.s32 $0x30, s3;
	s8 =	sadd.s32 $0x1200, s8  }
.LBB2_1:
0x10: {  	[tilespmem:s2], [sflag:$0x3] =	stream.strided.gather [hbm4b:s4+s10], $0x400, s11, s10, $0x38;
	[tilespmem:$0x10600] =	vst v63  }
0x11: {  	_ =	swait.ge [sflag:s12], $0x400  }
0x12: {  	[sflag:s12] =	ssyncset.done $0x0  }
0x13: {  	[sflag:s12] =	ssyncadd.s32 $0xFFFFFC00  }
0x14: {  	v18 =	vld [tilespmem:$0x0];
	_ =	sdelay $0x4  }
0x15: {  	(xrf1) =	vsort.dscd.msk.f32 $0xffff, v18, v0;
	_ =	sdelay $0xc  }
0x16: {  	v18 =	vld [tilespmem:$0x10]  }
0x17: {  	v19, v20, _ =	vpop (xrf1)  }
0x18: {  	vm0 =	vle.f32 v19, $-3.000000010e+38  }
0x19: {  	v19 =	vsel vm0, $0xFF61B1E6, v19;
	v20 =	vsel vm0, $0x0, v20  }
0x1a: {  	(xrf1) =	vsort.ascd.msk.f32 $0xffff, v19, v20  }
0x1b: {  	(xrf1) =	vsort.dscd.msk.f32 $0xffff, v18, v2;
	_ =	sdelay $0xc  }
0x1c: {  	v20 =	vld [tilespmem:$0x20];
	v18, v19, _ =	vpop (xrf1)  }
0x1d: {  	v21, v22, _ =	vpop (xrf1)  }
0x1e: {  	vm9 =	vge.f32 v18, v21  }
0x1f: {  	v18 =	vsel vm9, v18, v21;
	v19 =	vsel vm9, v19, v22  }
0x20: {  	(xrf1) =	vsort.ascd.msk.f32 $0xffff, v18, v19  }
0x21: {  	(xrf1) =	vsort.dscd.msk.f32 $0xffff, v20, v3;
	_ =	sdelay $0xc  }
0x22: {  	v20 =	vld [tilespmem:$0x30];
	v18, v19, _ =	vpop (xrf1)  }
0x23: {  	v21, v22, _ =	vpop (xrf1)  }
0x24: {  	vm10 =	vge.f32 v18, v21  }
0x25: {  	v18 =	vsel vm10, v18, v21;
	v19 =	vsel vm10, v19, v22  }
0x26: {  	(xrf1) =	vsort.ascd.msk.f32 $0xffff, v18, v19  }
0x27: {  	(xrf1) =	vsort.dscd.msk.f32 $0xffff, v20, v4;
	_ =	sdelay $0xc  }
0x28: {  	v20 =	vld [tilespmem:$0x40];
	v18, v19, _ =	vpop (xrf1)  }
0x29: {  	v21, v22, _ =	vpop (xrf1)  }
0x2a: {  	vm11 =	vge.f32 v18, v21  }
0x2b: {  	v18 =	vsel vm11, v18, v21;
	v19 =	vsel vm11, v19, v22  }
0x2c: {  	(xrf1) =	vsort.ascd.msk.f32 $0xffff, v18, v19  }
0x2d: {  	(xrf1) =	vsort.dscd.msk.f32 $0xffff, v20, v5;
	_ =	sdelay $0xc  }
0x2e: {  	v20 =	vld [tilespmem:$0x50];
	v18, v19, _ =	vpop (xrf1)  }
0x2f: {  	v21, v22, _ =	vpop (xrf1)  }
0x30: {  	vm12 =	vge.f32 v18, v21  }
0x31: {  	v18 =	vsel vm12, v18, v21;
	v19 =	vsel vm12, v19, v22  }
0x32: {  	(xrf1) =	vsort.ascd.msk.f32 $0xffff, v18, v19  }
0x33: {  	(xrf1) =	vsort.dscd.msk.f32 $0xffff, v20, v6;
	_ =	sdelay $0xc  }
0x34: {  	v20 =	vld [tilespmem:$0x60];
	v18, v19, _ =	vpop (xrf1)  }
0x35: {  	v21, v22, _ =	vpop (xrf1)  }
0x36: {  	vm13 =	vge.f32 v18, v21  }
0x37: {  	v18 =	vsel vm13, v18, v21;
	v19 =	vsel vm13, v19, v22  }
0x38: {  	(xrf1) =	vsort.ascd.msk.f32 $0xffff, v18, v19  }
0x39: {  	(xrf1) =	vsort.dscd.msk.f32 $0xffff, v20, v7;
	_ =	sdelay $0xc  }
0x3a: {  	v20 =	vld [tilespmem:$0x70];
	v18, v19, _ =	vpop (xrf1)  }
0x3b: {  	v21, v22, _ =	vpop (xrf1)  }
0x3c: {  	vm14 =	vge.f32 v18, v21  }
0x3d: {  	v18 =	vsel vm14, v18, v21;
	v19 =	vsel vm14, v19, v22  }
0x3e: {  	(xrf1) =	vsort.ascd.msk.f32 $0xffff, v18, v19  }
0x3f: {  	(xrf1) =	vsort.dscd.msk.f32 $0xffff, v20, v8;
	_ =	sdelay $0xc  }
0x40: {  	v20 =	vld [tilespmem:$0x200];
	v18, v19, _ =	vpop (xrf1)  }
0x41: {  	v21, v22, _ =	vpop (xrf1)  }
0x42: {  	vm15 =	vge.f32 v18, v21  }
0x43: {  	v18 =	vsel vm15, v18, v21;
	v19 =	vsel vm15, v19, v22  }
0x44: {  	(xrf1) =	vsort.ascd.msk.f32 $0xffff, v18, v19  }
0x45: {  	(xrf1) =	vsort.dscd.msk.f32 $0xffff, v20, v9;
	_ =	sdelay $0xc  }
0x46: {  	v20 =	vld [tilespmem:$0x210];
	v18, v19, _ =	vpop (xrf1)  }
0x47: {  	v21, v22, _ =	vpop (xrf1)  }
0x48: {  	vm4 =	vge.f32 v18, v21  }
0x49: {  	v18 =	vsel vm4, v18, v21;
	v19 =	vsel vm4, v19, v22  }
0x4a: {  	(xrf1) =	vsort.ascd.msk.f32 $0xffff, v18, v19  }
0x4b: {  	(xrf1) =	vsort.dscd.msk.f32 $0xffff, v20, v10;
	_ =	sdelay $0xc  }
0x4c: {  	v20 =	vld [tilespmem:$0x220];
	v18, v19, _ =	vpop (xrf1)  }
0x4d: {  	v21, v22, _ =	vpop (xrf1)  }
0x4e: {  	vm5 =	vge.f32 v18, v21  }
0x4f: {  	v18 =	vsel vm5, v18, v21;
	v19 =	vsel vm5, v19, v22  }
0x50: {  	(xrf1) =	vsort.ascd.msk.f32 $0xffff, v18, v19  }
0x51: {  	(xrf1) =	vsort.dscd.msk.f32 $0xffff, v20, v11;
	_ =	sdelay $0xc  }
0x52: {  	v20 =	vld [tilespmem:$0x230];
	v18, v19, _ =	vpop (xrf1)  }
0x53: {  	v21, v22, _ =	vpop (xrf1)  }
0x54: {  	vm6 =	vge.f32 v18, v21  }
0x55: {  	v18 =	vsel vm6, v18, v21;
	v19 =	vsel vm6, v19, v22  }
0x56: {  	(xrf1) =	vsort.ascd.msk.f32 $0xffff, v18, v19  }
0x57: {  	(xrf1) =	vsort.dscd.msk.f32 $0xffff, v20, v12;
	_ =	sdelay $0xc  }
0x58: {  	v20 =	vld [tilespmem:$0x240];
	v18, v19, _ =	vpop (xrf1)  }
0x59: {  	v21, v22, _ =	vpop (xrf1)  }
0x5a: {  	vm7 =	vge.f32 v18, v21  }
0x5b: {  	v18 =	vsel vm7, v18, v21;
	v19 =	vsel vm7, v19, v22  }
0x5c: {  	(xrf1) =	vsort.ascd.msk.f32 $0xffff, v18, v19  }
0x5d: {  	(xrf1) =	vsort.dscd.msk.f32 $0xffff, v20, v13;
	_ =	sdelay $0xc  }
0x5e: {  	v20 =	vld [tilespmem:$0x250];
	v18, v19, _ =	vpop (xrf1)  }
0x5f: {  	v21, v22, _ =	vpop (xrf1)  }
0x60: {  	vm8 =	vge.f32 v18, v21  }
0x61: {  	v18 =	vsel vm8, v18, v21;
	v19 =	vsel vm8, v19, v22  }
0x62: {  	(xrf1) =	vsort.ascd.msk.f32 $0xffff, v18, v19  }
0x63: {  	(xrf1) =	vsort.dscd.msk.f32 $0xffff, v20, v14;
	_ =	sdelay $0xc  }
0x64: {  	v20 =	vld [tilespmem:$0x260];
	v18, v19, _ =	vpop (xrf1)  }
0x65: {  	v21, v22, _ =	vpop (xrf1)  }
0x66: {  	vm9 =	vge.f32 v18, v21  }
0x67: {  	v18 =	vsel vm9, v18, v21;
	v19 =	vsel vm9, v19, v22  }
0x68: {  	(xrf1) =	vsort.ascd.msk.f32 $0xffff, v18, v19  }
0x69: {  	(xrf1) =	vsort.dscd.msk.f32 $0xffff, v20, v15;
	_ =	sdelay $0xc  }
0x6a: {  	v20 =	vld [tilespmem:$0x270];
	v18, v19, _ =	vpop (xrf1)  }
0x6b: {  	v21, v22, _ =	vpop (xrf1)  }
0x6c: {  	vm10 =	vge.f32 v18, v21  }
0x6d: {  	v18 =	vsel vm10, v18, v21;
	v19 =	vsel vm10, v19, v22  }
0x6e: {  	(xrf1) =	vsort.ascd.msk.f32 $0xffff, v18, v19  }
0x6f: {  	(xrf1) =	vsort.dscd.msk.f32 $0xffff, v20, v16;
	_ =	sdelay $0xc  }
0x70: {  	v20 =	vld [tilespmem:$0x80];
	v18, v19, _ =	vpop (xrf1)  }
0x71: {  	v21, v22, _ =	vpop (xrf1)  }
0x72: {  	vm11 =	vge.f32 v18, v21  }
0x73: {  	v18 =	vsel vm11, v18, v21;
	v19 =	vsel vm11, v19, v22  }
0x74: {  	(xrf1) =	vsort.ascd.msk.f32 $0xffff, v18, v19  }
0x75: {  	(xrf1) =	vsort.dscd.msk.f32 $0xffff, v20, v0;
	_ =	sdelay $0xc  }
0x76: {  	v18 =	vld [tilespmem:$0x90];
	v19, v21, _ =	vpop (xrf1)  }
0x77: {  	v20, v22, _ =	vpop (xrf1)  }
0x78: {  	vm12 =	vle.f32 v20, $-3.000000010e+38  }
0x79: {  	v20 =	vsel vm12, $0xFF61B1E6, v20;
	v22 =	vsel vm12, $0x0, v22  }
0x7a: {  	(xrf1) =	vsort.ascd.msk.f32 $0xffff, v20, v22  }
0x7b: {  	(xrf1) =	vsort.dscd.msk.f32 $0xffff, v18, v2;
	_ =	sdelay $0xc  }
0x7c: {  	v22 =	vld [tilespmem:$0xA0];
	v18, v20, _ =	vpop (xrf1)  }
0x7d: {  	v23, v24, _ =	vpop (xrf1)  }
0x7e: {  	vm13 =	vge.f32 v18, v23  }
0x7f: {  	v18 =	vsel vm13, v18, v23;
	v20 =	vsel vm13, v20, v24  }
0x80: {  	(xrf1) =	vsort.ascd.msk.f32 $0xffff, v18, v20  }
0x81: {  	(xrf1) =	vsort.dscd.msk.f32 $0xffff, v22, v3;
	_ =	sdelay $0xc  }
0x82: {  	v22 =	vld [tilespmem:$0xB0];
	v18, v20, _ =	vpop (xrf1)  }
0x83: {  	v23, v24, _ =	vpop (xrf1)  }
0x84: {  	vm14 =	vge.f32 v18, v23  }
0x85: {  	v18 =	vsel vm14, v18, v23;
	v20 =	vsel vm14, v20, v24  }
0x86: {  	(xrf1) =	vsort.ascd.msk.f32 $0xffff, v18, v20  }
0x87: {  	(xrf1) =	vsort.dscd.msk.f32 $0xffff, v22, v4;
	_ =	sdelay $0xc  }
0x88: {  	v22 =	vld [tilespmem:$0xC0];
	v18, v20, _ =	vpop (xrf1)  }
0x89: {  	v23, v24, _ =	vpop (xrf1)  }
0x8a: {  	vm15 =	vge.f32 v18, v23  }
0x8b: {  	v18 =	vsel vm15, v18, v23;
	v20 =	vsel vm15, v20, v24  }
0x8c: {  	(xrf1) =	vsort.ascd.msk.f32 $0xffff, v18, v20  }
0x8d: {  	(xrf1) =	vsort.dscd.msk.f32 $0xffff, v22, v5;
	_ =	sdelay $0xc  }
0x8e: {  	v22 =	vld [tilespmem:$0xD0];
	v18, v20, _ =	vpop (xrf1)  }
0x8f: {  	v23, v24, _ =	vpop (xrf1)  }
0x90: {  	vm4 =	vge.f32 v18, v23  }
0x91: {  	v18 =	vsel vm4, v18, v23;
	v20 =	vsel vm4, v20, v24  }
0x92: {  	(xrf1) =	vsort.ascd.msk.f32 $0xffff, v18, v20  }
0x93: {  	(xrf1) =	vsort.dscd.msk.f32 $0xffff, v22, v6;
	_ =	sdelay $0xc  }
0x94: {  	v22 =	vld [tilespmem:$0xE0];
	v18, v20, _ =	vpop (xrf1)  }
0x95: {  	v23, v24, _ =	vpop (xrf1)  }
0x96: {  	vm5 =	vge.f32 v18, v23  }
0x97: {  	v18 =	vsel vm5, v18, v23;
	v20 =	vsel vm5, v20, v24  }
0x98: {  	(xrf1) =	vsort.ascd.msk.f32 $0xffff, v18, v20  }
0x99: {  	(xrf1) =	vsort.dscd.msk.f32 $0xffff, v22, v7;
	_ =	sdelay $0xc  }
0x9a: {  	v22 =	vld [tilespmem:$0xF0];
	v18, v20, _ =	vpop (xrf1)  }
0x9b: {  	v23, v24, _ =	vpop (xrf1)  }
0x9c: {  	vm6 =	vge.f32 v18, v23  }
0x9d: {  	v18 =	vsel vm6, v18, v23;
	v20 =	vsel vm6, v20, v24  }
0x9e: {  	(xrf1) =	vsort.ascd.msk.f32 $0xffff, v18, v20  }
0x9f: {  	(xrf1) =	vsort.dscd.msk.f32 $0xffff, v22, v8;
	_ =	sdelay $0xc  }
0xa0: {  	v22 =	vld [tilespmem:$0x280];
	v18, v20, _ =	vpop (xrf1)  }
0xa1: {  	v23, v24, _ =	vpop (xrf1)  }
0xa2: {  	vm7 =	vge.f32 v18, v23  }
0xa3: {  	v18 =	vsel vm7, v18, v23;
	v20 =	vsel vm7, v20, v24  }
0xa4: {  	(xrf1) =	vsort.ascd.msk.f32 $0xffff, v18, v20  }
0xa5: {  	(xrf1) =	vsort.dscd.msk.f32 $0xffff, v22, v9;
	_ =	sdelay $0xc  }
0xa6: {  	v22 =	vld [tilespmem:$0x290];
	v18, v20, _ =	vpop (xrf1)  }
0xa7: {  	v23, v24, _ =	vpop (xrf1)  }
0xa8: {  	vm8 =	vge.f32 v18, v23  }
0xa9: {  	v18 =	vsel vm8, v18, v23;
	v20 =	vsel vm8, v20, v24  }
0xaa: {  	(xrf1) =	vsort.ascd.msk.f32 $0xffff, v18, v20  }
0xab: {  	(xrf1) =	vsort.dscd.msk.f32 $0xffff, v22, v10;
	_ =	sdelay $0xc  }
0xac: {  	v22 =	vld [tilespmem:$0x2A0];
	v18, v20, _ =	vpop (xrf1)  }
0xad: {  	v23, v24, _ =	vpop (xrf1)  }
0xae: {  	vm9 =	vge.f32 v18, v23  }
0xaf: {  	v18 =	vsel vm9, v18, v23;
	v20 =	vsel vm9, v20, v24  }
0xb0: {  	(xrf1) =	vsort.ascd.msk.f32 $0xffff, v18, v20  }
0xb1: {  	(xrf1) =	vsort.dscd.msk.f32 $0xffff, v22, v11;
	_ =	sdelay $0xc  }
0xb2: {  	v22 =	vld [tilespmem:$0x2B0];
	v18, v20, _ =	vpop (xrf1)  }
0xb3: {  	v23, v24, _ =	vpop (xrf1)  }
0xb4: {  	vm10 =	vge.f32 v18, v23  }
0xb5: {  	v18 =	vsel vm10, v18, v23;
	v20 =	vsel vm10, v20, v24  }
0xb6: {  	(xrf1) =	vsort.ascd.msk.f32 $0xffff, v18, v20  }
0xb7: {  	(xrf1) =	vsort.dscd.msk.f32 $0xffff, v22, v12;
	_ =	sdelay $0xc  }
0xb8: {  	v22 =	vld [tilespmem:$0x2C0];
	v18, v20, _ =	vpop (xrf1)  }
0xb9: {  	v23, v24, _ =	vpop (xrf1)  }
0xba: {  	vm11 =	vge.f32 v18, v23  }
0xbb: {  	v18 =	vsel vm11, v18, v23;
	v20 =	vsel vm11, v20, v24  }
0xbc: {  	(xrf1) =	vsort.ascd.msk.f32 $0xffff, v18, v20  }
0xbd: {  	(xrf1) =	vsort.dscd.msk.f32 $0xffff, v22, v13;
	_ =	sdelay $0xc  }
0xbe: {  	v22 =	vld [tilespmem:$0x2D0];
	v18, v20, _ =	vpop (xrf1)  }
0xbf: {  	v23, v24, _ =	vpop (xrf1)  }
0xc0: {  	vm12 =	vge.f32 v18, v23  }
0xc1: {  	v18 =	vsel vm12, v18, v23;
	v20 =	vsel vm12, v20, v24  }
0xc2: {  	(xrf1) =	vsort.ascd.msk.f32 $0xffff, v18, v20  }
0xc3: {  	(xrf1) =	vsort.dscd.msk.f32 $0xffff, v22, v14;
	_ =	sdelay $0xc  }
0xc4: {  	v22 =	vld [tilespmem:$0x2E0];
	v18, v20, _ =	vpop (xrf1)  }
0xc5: {  	v23, v24, _ =	vpop (xrf1)  }
0xc6: {  	vm13 =	vge.f32 v18, v23  }
0xc7: {  	v18 =	vsel vm13, v18, v23;
	v20 =	vsel vm13, v20, v24  }
0xc8: {  	(xrf1) =	vsort.ascd.msk.f32 $0xffff, v18, v20  }
0xc9: {  	(xrf1) =	vsort.dscd.msk.f32 $0xffff, v22, v15;
	_ =	sdelay $0xc  }
0xca: {  	v22 =	vld [tilespmem:$0x2F0];
	v18, v20, _ =	vpop (xrf1)  }
0xcb: {  	v23, v24, _ =	vpop (xrf1)  }
0xcc: {  	vm14 =	vge.f32 v18, v23  }
0xcd: {  	v18 =	vsel vm14, v18, v23;
	v20 =	vsel vm14, v20, v24  }
0xce: {  	(xrf1) =	vsort.ascd.msk.f32 $0xffff, v18, v20  }
0xcf: {  	(xrf1) =	vsort.dscd.msk.f32 $0xffff, v22, v16;
	_ =	sdelay $0xc  }
0xd0: {  	v22 =	vld [tilespmem:$0x100];
	v18, v20, _ =	vpop (xrf1)  }
0xd1: {  	v23, v24, _ =	vpop (xrf1)  }
0xd2: {  	vm15 =	vge.f32 v18, v23  }
0xd3: {  	v18 =	vsel vm15, v18, v23;
	v20 =	vsel vm15, v20, v24  }
0xd4: {  	(xrf1) =	vsort.ascd.msk.f32 $0xffff, v18, v20  }
0xd5: {  	(xrf1) =	vsort.dscd.msk.f32 $0xffff, v22, v0;
	_ =	sdelay $0xc  }
0xd6: {  	v18 =	vld [tilespmem:$0x110];
	v23, v22, _ =	vpop (xrf1)  }
0xd7: {  	v20, v24, _ =	vpop (xrf1)  }
0xd8: {  	vm4 =	vle.f32 v20, $-3.000000010e+38  }
0xd9: {  	v20 =	vsel vm4, $0xFF61B1E6, v20;
	v24 =	vsel vm4, $0x0, v24  }
0xda: {  	(xrf1) =	vsort.ascd.msk.f32 $0xffff, v20, v24  }
0xdb: {  	(xrf1) =	vsort.dscd.msk.f32 $0xffff, v18, v2;
	_ =	sdelay $0xc  }
0xdc: {  	v24 =	vld [tilespmem:$0x120];
	v18, v20, _ =	vpop (xrf1)  }
0xdd: {  	v25, v26, _ =	vpop (xrf1)  }
0xde: {  	vm5 =	vge.f32 v18, v25  }
0xdf: {  	v18 =	vsel vm5, v18, v25;
	v20 =	vsel vm5, v20, v26  }
0xe0: {  	(xrf1) =	vsort.ascd.msk.f32 $0xffff, v18, v20  }
0xe1: {  	(xrf1) =	vsort.dscd.msk.f32 $0xffff, v24, v3;
	_ =	sdelay $0xc  }
0xe2: {  	v24 =	vld [tilespmem:$0x130];
	v18, v20, _ =	vpop (xrf1)  }
0xe3: {  	v25, v26, _ =	vpop (xrf1)  }
0xe4: {  	vm6 =	vge.f32 v18, v25  }
0xe5: {  	v18 =	vsel vm6, v18, v25;
	v20 =	vsel vm6, v20, v26  }
0xe6: {  	(xrf1) =	vsort.ascd.msk.f32 $0xffff, v18, v20  }
0xe7: {  	(xrf1) =	vsort.dscd.msk.f32 $0xffff, v24, v4;
	_ =	sdelay $0xc  }
0xe8: {  	v24 =	vld [tilespmem:$0x140];
	v18, v20, _ =	vpop (xrf1)  }
0xe9: {  	v25, v26, _ =	vpop (xrf1)  }
0xea: {  	vm7 =	vge.f32 v18, v25  }
0xeb: {  	v18 =	vsel vm7, v18, v25;
	v20 =	vsel vm7, v20, v26  }
0xec: {  	(xrf1) =	vsort.ascd.msk.f32 $0xffff, v18, v20  }
0xed: {  	(xrf1) =	vsort.dscd.msk.f32 $0xffff, v24, v5;
	_ =	sdelay $0xc  }
0xee: {  	v24 =	vld [tilespmem:$0x150];
	v18, v20, _ =	vpop (xrf1)  }
0xef: {  	v25, v26, _ =	vpop (xrf1)  }
0xf0: {  	vm8 =	vge.f32 v18, v25  }
0xf1: {  	v18 =	vsel vm8, v18, v25;
	v20 =	vsel vm8, v20, v26  }
0xf2: {  	(xrf1) =	vsort.ascd.msk.f32 $0xffff, v18, v20  }
0xf3: {  	(xrf1) =	vsort.dscd.msk.f32 $0xffff, v24, v6;
	_ =	sdelay $0xc  }
0xf4: {  	v24 =	vld [tilespmem:$0x160];
	v18, v20, _ =	vpop (xrf1)  }
0xf5: {  	v25, v26, _ =	vpop (xrf1)  }
0xf6: {  	vm9 =	vge.f32 v18, v25  }
0xf7: {  	v18 =	vsel vm9, v18, v25;
	v20 =	vsel vm9, v20, v26  }
0xf8: {  	(xrf1) =	vsort.ascd.msk.f32 $0xffff, v18, v20  }
0xf9: {  	(xrf1) =	vsort.dscd.msk.f32 $0xffff, v24, v7;
	_ =	sdelay $0xc  }
0xfa: {  	v24 =	vld [tilespmem:$0x170];
	v18, v20, _ =	vpop (xrf1)  }
0xfb: {  	v25, v26, _ =	vpop (xrf1)  }
0xfc: {  	vm10 =	vge.f32 v18, v25  }
0xfd: {  	v18 =	vsel vm10, v18, v25;
	v20 =	vsel vm10, v20, v26  }
0xfe: {  	(xrf1) =	vsort.ascd.msk.f32 $0xffff, v18, v20  }
0xff: {  	(xrf1) =	vsort.dscd.msk.f32 $0xffff, v24, v8;
	_ =	sdelay $0xc  }
0x100: {  	v24 =	vld [tilespmem:$0x300];
	v18, v20, _ =	vpop (xrf1)  }
0x101: {  	v25, v26, _ =	vpop (xrf1)  }
0x102: {  	vm11 =	vge.f32 v18, v25  }
0x103: {  	v18 =	vsel vm11, v18, v25;
	v20 =	vsel vm11, v20, v26  }
0x104: {  	(xrf1) =	vsort.ascd.msk.f32 $0xffff, v18, v20  }
0x105: {  	(xrf1) =	vsort.dscd.msk.f32 $0xffff, v24, v9;
	_ =	sdelay $0xc  }
0x106: {  	v24 =	vld [tilespmem:$0x310];
	v18, v20, _ =	vpop (xrf1)  }
0x107: {  	v25, v26, _ =	vpop (xrf1)  }
0x108: {  	vm12 =	vge.f32 v18, v25  }
0x109: {  	v18 =	vsel vm12, v18, v25;
	v20 =	vsel vm12, v20, v26  }
0x10a: {  	(xrf1) =	vsort.ascd.msk.f32 $0xffff, v18, v20  }
0x10b: {  	(xrf1) =	vsort.dscd.msk.f32 $0xffff, v24, v10;
	_ =	sdelay $0xc  }
0x10c: {  	v24 =	vld [tilespmem:$0x320];
	v18, v20, _ =	vpop (xrf1)  }
0x10d: {  	v25, v26, _ =	vpop (xrf1)  }
0x10e: {  	vm13 =	vge.f32 v18, v25  }
0x10f: {  	v18 =	vsel vm13, v18, v25;
	v20 =	vsel vm13, v20, v26  }
0x110: {  	(xrf1) =	vsort.ascd.msk.f32 $0xffff, v18, v20  }
0x111: {  	(xrf1) =	vsort.dscd.msk.f32 $0xffff, v24, v11;
	_ =	sdelay $0xc  }
0x112: {  	v24 =	vld [tilespmem:$0x330];
	v18, v20, _ =	vpop (xrf1)  }
0x113: {  	v25, v26, _ =	vpop (xrf1)  }
0x114: {  	vm14 =	vge.f32 v18, v25  }
0x115: {  	v18 =	vsel vm14, v18, v25;
	v20 =	vsel vm14, v20, v26  }
0x116: {  	(xrf1) =	vsort.ascd.msk.f32 $0xffff, v18, v20  }
0x117: {  	(xrf1) =	vsort.dscd.msk.f32 $0xffff, v24, v12;
	_ =	sdelay $0xc  }
0x118: {  	v24 =	vld [tilespmem:$0x340];
	v18, v20, _ =	vpop (xrf1)  }
0x119: {  	v25, v26, _ =	vpop (xrf1)  }
0x11a: {  	vm15 =	vge.f32 v18, v25  }
0x11b: {  	v18 =	vsel vm15, v18, v25;
	v20 =	vsel vm15, v20, v26  }
0x11c: {  	(xrf1) =	vsort.ascd.msk.f32 $0xffff, v18, v20  }
0x11d: {  	(xrf1) =	vsort.dscd.msk.f32 $0xffff, v24, v13;
	_ =	sdelay $0xc  }
0x11e: {  	v24 =	vld [tilespmem:$0x350];
	v18, v20, _ =	vpop (xrf1)  }
0x11f: {  	v25, v26, _ =	vpop (xrf1)  }
0x120: {  	vm4 =	vge.f32 v18, v25  }
0x121: {  	v18 =	vsel vm4, v18, v25;
	v20 =	vsel vm4, v20, v26  }
0x122: {  	(xrf1) =	vsort.ascd.msk.f32 $0xffff, v18, v20  }
0x123: {  	(xrf1) =	vsort.dscd.msk.f32 $0xffff, v24, v14;
	_ =	sdelay $0xc  }
0x124: {  	v24 =	vld [tilespmem:$0x360];
	v18, v20, _ =	vpop (xrf1)  }
0x125: {  	v25, v26, _ =	vpop (xrf1)  }
0x126: {  	vm5 =	vge.f32 v18, v25  }
0x127: {  	v18 =	vsel vm5, v18, v25;
	v20 =	vsel vm5, v20, v26  }
0x128: {  	(xrf1) =	vsort.ascd.msk.f32 $0xffff, v18, v20  }
0x129: {  	(xrf1) =	vsort.dscd.msk.f32 $0xffff, v24, v15;
	_ =	sdelay $0xc  }
0x12a: {  	v24 =	vld [tilespmem:$0x370];
	v18, v20, _ =	vpop (xrf1)  }
0x12b: {  	v25, v26, _ =	vpop (xrf1)  }
0x12c: {  	vm6 =	vge.f32 v18, v25  }
0x12d: {  	v18 =	vsel vm6, v18, v25;
	v20 =	vsel vm6, v20, v26  }
0x12e: {  	(xrf1) =	vsort.ascd.msk.f32 $0xffff, v18, v20  }
0x12f: {  	(xrf1) =	vsort.dscd.msk.f32 $0xffff, v24, v16;
	_ =	sdelay $0xc  }
0x130: {  	v24 =	vld [tilespmem:$0x180];
	v18, v20, _ =	vpop (xrf1)  }
0x131: {  	v25, v26, _ =	vpop (xrf1)  }
0x132: {  	vm7 =	vge.f32 v18, v25  }
0x133: {  	v18 =	vsel vm7, v18, v25;
	v20 =	vsel vm7, v20, v26  }
0x134: {  	(xrf1) =	vsort.ascd.msk.f32 $0xffff, v18, v20  }
0x135: {  	(xrf1) =	vsort.dscd.msk.f32 $0xffff, v24, v0;
	_ =	sdelay $0xc  }
0x136: {  	v18 =	vld [tilespmem:$0x190];
	v26, v20, _ =	vpop (xrf1)  }
0x137: {  	v24, v25, _ =	vpop (xrf1)  }
0x138: {  	vm8 =	vle.f32 v24, $-3.000000010e+38  }
0x139: {  	v24 =	vsel vm8, $0xFF61B1E6, v24;
	v25 =	vsel vm8, $0x0, v25  }
0x13a: {  	(xrf1) =	vsort.ascd.msk.f32 $0xffff, v24, v25  }
0x13b: {  	(xrf1) =	vsort.dscd.msk.f32 $0xffff, v18, v2;
	_ =	sdelay $0xc  }
0x13c: {  	v25 =	vld [tilespmem:$0x1A0];
	v18, v24, _ =	vpop (xrf1)  }
0x13d: {  	v27, v28, _ =	vpop (xrf1)  }
0x13e: {  	vm9 =	vge.f32 v18, v27  }
0x13f: {  	v18 =	vsel vm9, v18, v27;
	v24 =	vsel vm9, v24, v28  }
0x140: {  	(xrf1) =	vsort.ascd.msk.f32 $0xffff, v18, v24  }
0x141: {  	(xrf1) =	vsort.dscd.msk.f32 $0xffff, v25, v3;
	_ =	sdelay $0xc  }
0x142: {  	v25 =	vld [tilespmem:$0x1B0];
	v18, v24, _ =	vpop (xrf1)  }
0x143: {  	v27, v28, _ =	vpop (xrf1)  }
0x144: {  	vm10 =	vge.f32 v18, v27  }
0x145: {  	v18 =	vsel vm10, v18, v27;
	v24 =	vsel vm10, v24, v28  }
0x146: {  	(xrf1) =	vsort.ascd.msk.f32 $0xffff, v18, v24  }
0x147: {  	(xrf1) =	vsort.dscd.msk.f32 $0xffff, v25, v4;
	_ =	sdelay $0xc  }
0x148: {  	v25 =	vld [tilespmem:$0x1C0];
	v18, v24, _ =	vpop (xrf1)  }
0x149: {  	v27, v28, _ =	vpop (xrf1)  }
0x14a: {  	vm11 =	vge.f32 v18, v27  }
0x14b: {  	v18 =	vsel vm11, v18, v27;
	v24 =	vsel vm11, v24, v28  }
0x14c: {  	(xrf1) =	vsort.ascd.msk.f32 $0xffff, v18, v24  }
0x14d: {  	(xrf1) =	vsort.dscd.msk.f32 $0xffff, v25, v5;
	_ =	sdelay $0xc  }
0x14e: {  	v25 =	vld [tilespmem:$0x1D0];
	v18, v24, _ =	vpop (xrf1)  }
0x14f: {  	v27, v28, _ =	vpop (xrf1)  }
0x150: {  	vm12 =	vge.f32 v18, v27  }
0x151: {  	v18 =	vsel vm12, v18, v27;
	v24 =	vsel vm12, v24, v28  }
0x152: {  	(xrf1) =	vsort.ascd.msk.f32 $0xffff, v18, v24  }
0x153: {  	(xrf1) =	vsort.dscd.msk.f32 $0xffff, v25, v6;
	_ =	sdelay $0xc  }
0x154: {  	v25 =	vld [tilespmem:$0x1E0];
	v18, v24, _ =	vpop (xrf1)  }
0x155: {  	v27, v28, _ =	vpop (xrf1)  }
0x156: {  	vm13 =	vge.f32 v18, v27  }
0x157: {  	v18 =	vsel vm13, v18, v27;
	v24 =	vsel vm13, v24, v28  }
0x158: {  	(xrf1) =	vsort.ascd.msk.f32 $0xffff, v18, v24  }
0x159: {  	(xrf1) =	vsort.dscd.msk.f32 $0xffff, v25, v7;
	_ =	sdelay $0xc  }
0x15a: {  	v25 =	vld [tilespmem:$0x1F0];
	v18, v24, _ =	vpop (xrf1)  }
0x15b: {  	v27, v28, _ =	vpop (xrf1)  }
0x15c: {  	vm14 =	vge.f32 v18, v27  }
0x15d: {  	v18 =	vsel vm14, v18, v27;
	v24 =	vsel vm14, v24, v28  }
0x15e: {  	(xrf1) =	vsort.ascd.msk.f32 $0xffff, v18, v24  }
0x15f: {  	(xrf1) =	vsort.dscd.msk.f32 $0xffff, v25, v8;
	_ =	sdelay $0xc  }
0x160: {  	v25 =	vld [tilespmem:$0x380];
	v18, v24, _ =	vpop (xrf1)  }
0x161: {  	v27, v28, _ =	vpop (xrf1)  }
0x162: {  	vm15 =	vge.f32 v18, v27  }
0x163: {  	v18 =	vsel vm15, v18, v27;
	v24 =	vsel vm15, v24, v28  }
0x164: {  	(xrf1) =	vsort.ascd.msk.f32 $0xffff, v18, v24  }
0x165: {  	(xrf1) =	vsort.dscd.msk.f32 $0xffff, v25, v9;
	_ =	sdelay $0xc  }
0x166: {  	v25 =	vld [tilespmem:$0x390];
	v18, v24, _ =	vpop (xrf1)  }
0x167: {  	v27, v28, _ =	vpop (xrf1)  }
0x168: {  	vm4 =	vge.f32 v18, v27  }
0x169: {  	v18 =	vsel vm4, v18, v27;
	v24 =	vsel vm4, v24, v28  }
0x16a: {  	(xrf1) =	vsort.ascd.msk.f32 $0xffff, v18, v24  }
0x16b: {  	(xrf1) =	vsort.dscd.msk.f32 $0xffff, v25, v10;
	_ =	sdelay $0xc  }
0x16c: {  	v25 =	vld [tilespmem:$0x3A0];
	v18, v24, _ =	vpop (xrf1)  }
0x16d: {  	v27, v28, _ =	vpop (xrf1)  }
0x16e: {  	vm5 =	vge.f32 v18, v27  }
0x16f: {  	v18 =	vsel vm5, v18, v27;
	v24 =	vsel vm5, v24, v28  }
0x170: {  	(xrf1) =	vsort.ascd.msk.f32 $0xffff, v18, v24  }
0x171: {  	(xrf1) =	vsort.dscd.msk.f32 $0xffff, v25, v11;
	_ =	sdelay $0xc  }
0x172: {  	v25 =	vld [tilespmem:$0x3B0];
	v18, v24, _ =	vpop (xrf1)  }
0x173: {  	v27, v28, _ =	vpop (xrf1)  }
0x174: {  	vm6 =	vge.f32 v18, v27  }
0x175: {  	v18 =	vsel vm6, v18, v27;
	v24 =	vsel vm6, v24, v28  }
0x176: {  	(xrf1) =	vsort.ascd.msk.f32 $0xffff, v18, v24  }
0x177: {  	(xrf1) =	vsort.dscd.msk.f32 $0xffff, v25, v12;
	_ =	sdelay $0xc  }
0x178: {  	v25 =	vld [tilespmem:$0x3C0];
	v18, v24, _ =	vpop (xrf1)  }
0x179: {  	v27, v28, _ =	vpop (xrf1)  }
0x17a: {  	vm7 =	vge.f32 v18, v27  }
0x17b: {  	v18 =	vsel vm7, v18, v27;
	v24 =	vsel vm7, v24, v28  }
0x17c: {  	(xrf1) =	vsort.ascd.msk.f32 $0xffff, v18, v24  }
0x17d: {  	(xrf1) =	vsort.dscd.msk.f32 $0xffff, v25, v13;
	_ =	sdelay $0xc  }
0x17e: {  	v25 =	vld [tilespmem:$0x3D0];
	v18, v24, _ =	vpop (xrf1)  }
0x17f: {  	v27, v28, _ =	vpop (xrf1)  }
0x180: {  	vm8 =	vge.f32 v18, v27  }
0x181: {  	v18 =	vsel vm8, v18, v27;
	v24 =	vsel vm8, v24, v28  }
0x182: {  	(xrf1) =	vsort.ascd.msk.f32 $0xffff, v18, v24  }
0x183: {  	(xrf1) =	vsort.dscd.msk.f32 $0xffff, v25, v14;
	_ =	sdelay $0xc  }
0x184: {  	v25 =	vld [tilespmem:$0x3E0];
	v18, v24, _ =	vpop (xrf1)  }
0x185: {  	v27, v28, _ =	vpop (xrf1)  }
0x186: {  	vm9 =	vge.f32 v18, v27  }
0x187: {  	v18 =	vsel vm9, v18, v27;
	v24 =	vsel vm9, v24, v28  }
0x188: {  	(xrf1) =	vsort.ascd.msk.f32 $0xffff, v18, v24  }
0x189: {  	(xrf1) =	vsort.dscd.msk.f32 $0xffff, v25, v15;
	_ =	sdelay $0xc  }
0x18a: {  	v25 =	vld [tilespmem:$0x3F0];
	v18, v24, _ =	vpop (xrf1)  }
0x18b: {  	v27, v28, _ =	vpop (xrf1)  }
0x18c: {  	vm10 =	vge.f32 v18, v27  }
0x18d: {  	v18 =	vsel vm10, v18, v27;
	v24 =	vsel vm10, v24, v28  }
0x18e: {  	(xrf1) =	vsort.ascd.msk.f32 $0xffff, v18, v24  }
0x18f: {  	(xrf1) =	vsort.dscd.msk.f32 $0xffff, v25, v16;
	_ =	sdelay $0xc  }
0x190: {  	v18, v24, _ =	vpop (xrf1)  }
0x191: {  	v25, v27, _ =	vpop (xrf1)  }
0x192: {  	vm11 =	vge.f32 v18, v25  }
0x193: {  	v18 =	vsel vm11, v18, v25;
	v24 =	vsel vm11, v24, v27  }
0x194: {  	(xrf1) =	vsort.ascd.msk.f32 $0xffff, v18, v24;
	_ =	sdelay $0xb  }
0x195: {  	[tilespmem:s11], [sflag:$0x1] =	stream.strided.gather [hbm4b:s3+s13], $0x8000, s11, s13, $0x38;
	[tilespmem:$0x10600] =	vst v63  }
0x196: {  	v24 =	vadd.s32 s2, v21  }
0x197: {  	[tilespmem:s14], [sflag:$0x2] =	stream.strided.gather [hbm4b:s5+s13], $0x8000, s11, s13, $0x38;
	v30, v18, _ =	vpop (xrf1);
	[tilespmem:$0x10600] =	vst v63  }
0x198: {  	_ =	swait.ge [sflag:s15], $0x8000  }
0x199: {  	[sflag:s15] =	ssyncset.done $0x0  }
0x19a: {  	[sflag:s15] =	ssyncadd.s32 $0xFFFF8000  }
0x19b: {  	v24 =	vld.idx.msk [tilespmem:v24+s11+$0x0], $0xffff;
	_ =	sdelay $0x2  }
0x19c: {  	v25 =	vperm.xlane v19, v1;
	_ =	sdelay $0x1  }
0x19d: {  	vm12 =	vge.f32 v24, v25  }
0x19e: {  	v19 =	vsel vm12, $0x3F800000, v17  }
0x19f: {  	(xrf0) =	vmax.scan.msk.f32 $0xffff, v19;
	_ =	sdelay $0x1  }
0x1a0: {  	s19 =	simm.s32 $0x100  }
0x1a1: {  	v19 =	vadd.s32 s19, v21;
	_ =	sdelay $0x2  }
0x1a2: {  	v27, _, _ =	vpop (xrf0)  }
0x1a3: {  	(v2sf) =	vpush v27, $0xF  }
0x1a4: {  	v19 =	vld.idx.msk [tilespmem:v19+s11+$0x0], $0xffff;
	_ =	sdelay $0x4  }
0x1a5: {  	vm13 =	vge.f32 v19, v25  }
0x1a6: {  	v27 =	vsel vm13, $0x3F800000, v17  }
0x1a7: {  	(xrf0) =	vmax.scan.msk.f32 $0xffff, v27;
	_ =	sdelay $0x5  }
0x1a8: {  	s29 =	simm.s32 $0x200;
	v27, _, _ =	vpop (xrf0)  }
0x1a9: {  	s28 =	spop (v2sf);
	(v2sf) =	vpush v27, $0xF;
	v27 =	vadd.s32 s29, v21  }
0x1aa: {  	p1 =	sgt.f32 s28, $0.0e+00;
	_ =	sdelay $0x1  }
0x1ab: {  	vm0 =	vge.f32 @p1 v24, v25  }
0x1ac: {  	v24 =	vnsel @p1 vm0, $0xFF61B1E6, v24  }
0x1ad: {  	(xrf1) =	vsort.ascd.msk.f32 @p1 $0xffff, v24, v24;
	v28 =	vld.idx.msk [tilespmem:v27+s11+$0x0], $0xffff;
	_ =	sdelay $0x4  }
0x1ae: {  	vm14 =	vge.f32 v28, v25  }
0x1af: {  	v27 =	vsel vm14, $0x3F800000, v17  }
0x1b0: {  	(xrf0) =	vmax.scan.msk.f32 $0xffff, v27  }
0x1b1: {  	s30 =	simm.s32 $0x300  }
0x1b2: {  	v29 =	vlaneseq.u32 @p1;
	v24 =	vadd.s32 s30, v21  }
0x1b3: {  	v29 =	vmul.u32 @p1 $0xFFFFFFFF, v29;
	_ =	sdelay $0x1  }
0x1b4: {  	s31 =	spop (v2sf)  }
0x1b5: {  	p2 =	sgt.f32 s31, $0.0e+00;
	v32, _, _ =	vpop (xrf0)  }
0x1b6: {  	v27 =	vld.idx.msk [tilespmem:v24+s11+$0x0], $0xffff;
	v24 =	vadd.s32 @p1 $0xF, v29;
	v29, _, _ =	vpop @p1 (xrf1);
	(v2sf) =	vpush v32, $0xF  }
0x1b7: {  	vm0 =	vge.f32 @p2 v19, v25;
	v24 =	vperm.xlane @p1 v29, v24  }
0x1b8: {  	v19 =	vnsel @p2 vm0, $0xFF61B1E6, v19;
	v29 =	vimm.f32 $-3.000000010e+38  }
0x1b9: {  	(xrf1) =	vsort.ascd.msk.f32 @p2 $0xffff, v19, v19;
	v31 =	vmax.f32 @p1 v29, v24  }
0x1ba: {  	(xrf1) =	vsort.ascd.msk.f32 @p1 $0xffff, v31, v31;
	_ =	sdelay $0x3  }
0x1bb: {  	vm15 =	vge.f32 v27, v25  }
0x1bc: {  	v19 =	vperm.xlane v30, v1;
	v31 =	vsel vm15, $0x3F800000, v17  }
0x1bd: {  	s19 =	simm.s32 $0x400;
	v24 =	vperm.xlane v23, v1;
	v23 =	vperm.xlane v26, v1;
	(xrf0) =	vmax.scan.msk.f32 $0xffff, v31  }
.LBB2_2:
0x1be: {  	_ =	sdelay $0x2  }
0x1bf: {  	v26 =	vadd.s32 s19, v21;
	v30 =	vlaneseq.u32 @p2;
	s20 =	smov.u32 s19;
	s19 =	sadd.s32 $0x400, s19  }
0x1c0: {  	p0 =	sne.s32 s19, $0x8000;
	v30 =	vmul.u32 @p2 $0xFFFFFFFF, v30;
	s21 =	spop (v2sf)  }
0x1c1: {  	p3 =	sgt.f32 s21, $0.0e+00;
	v31, _, _ =	vpop (xrf0)  }
0x1c2: {  	v30 =	vadd.s32 @p2 $0xF, v30;
	v32, _, _ =	vpop @p2 (xrf1);
	(v2sf) =	vpush v31, $0xF  }
0x1c3: {  	v30 =	vperm.xlane @p2 v32, v30;
	vm0 =	vge.f32 @p3 v28, v25;
	v31, _, _ =	vpop @p1 (xrf1)  }
0x1c4: {  	v26 =	vld.idx.msk [tilespmem:v26+s11+$0x0], $0xffff;
	v29 =	vpsel p1, v31, v29;
	v28 =	vnsel @p3 vm0, $0xFF61B1E6, v28  }
0x1c5: {  	v30 =	vmax.f32 @p2 v29, v30;
	(xrf1) =	vsort.ascd.msk.f32 @p3 $0xffff, v28, v28  }
0x1c6: {  	(xrf1) =	vsort.ascd.msk.f32 @p2 $0xffff, v30, v30;
	_ =	sdelay $0x3  }
0x1c7: {  	vm0 =	vge.f32 v26, v25  }
0x1c8: {  	v28 =	vsel vm0, $0x3F800000, v17  }
0x1c9: {  	(xrf0) =	vmax.scan.msk.f32 $0xffff, v28;
	_ =	sdelay $0x2  }
0x1ca: {  	s21 =	sadd.s32 $0x100, s20  }
0x1cb: {  	v30 =	vlaneseq.u32 @p3;
	v28 =	vadd.s32 s21, v21  }
0x1cc: {  	v30 =	vmul.u32 @p3 $0xFFFFFFFF, v30;
	s21 =	spop (v2sf)  }
0x1cd: {  	v31, _, _ =	vpop (xrf0);
	p4 =	sgt.f32 s21, $0.0e+00  }
0x1ce: {  	v30 =	vadd.s32 @p3 $0xF, v30;
	(v2sf) =	vpush v31, $0xF;
	v31, _, _ =	vpop @p3 (xrf1)  }
0x1cf: {  	v30 =	vperm.xlane @p3 v31, v30;
	vm0 =	vge.f32 @p4 v27, v25;
	v31, _, _ =	vpop @p2 (xrf1)  }
0x1d0: {  	v32 =	vld.idx.msk [tilespmem:v28+s11+$0x0], $0xffff;
	v29 =	vpsel p2, v31, v29;
	v27 =	vnsel @p4 vm0, $0xFF61B1E6, v27  }
0x1d1: {  	v28 =	vmax.f32 @p3 v29, v30;
	(xrf1) =	vsort.ascd.msk.f32 @p4 $0xffff, v27, v27  }
0x1d2: {  	(xrf1) =	vsort.ascd.msk.f32 @p3 $0xffff, v28, v28;
	_ =	sdelay $0x3  }
0x1d3: {  	vm0 =	vge.f32 v32, v25  }
0x1d4: {  	v27 =	vsel vm0, $0x3F800000, v17  }
0x1d5: {  	(xrf0) =	vmax.scan.msk.f32 $0xffff, v27;
	_ =	sdelay $0x2  }
0x1d6: {  	s21 =	sadd.s32 $0x200, s20  }
0x1d7: {  	v28 =	vlaneseq.u32 @p4;
	v27 =	vadd.s32 s21, v21  }
0x1d8: {  	v28 =	vmul.u32 @p4 $0xFFFFFFFF, v28;
	s21 =	spop (v2sf)  }
0x1d9: {  	p1 =	sgt.f32 s21, $0.0e+00;
	v30, _, _ =	vpop (xrf0)  }
0x1da: {  	v28 =	vadd.s32 @p4 $0xF, v28;
	(v2sf) =	vpush v30, $0xF;
	v30, _, _ =	vpop @p4 (xrf1)  }
0x1db: {  	vm0 =	vge.f32 @p1 v26, v25;
	v30 =	vperm.xlane @p4 v30, v28;
	v31, _, _ =	vpop @p3 (xrf1)  }
0x1dc: {  	v26 =	vnsel @p1 vm0, $0xFF61B1E6, v26;
	v28 =	vld.idx.msk [tilespmem:v27+s11+$0x0], $0xffff;
	v29 =	vpsel p3, v31, v29  }
0x1dd: {  	(xrf1) =	vsort.ascd.msk.f32 @p1 $0xffff, v26, v26;
	v26 =	vmax.f32 @p4 v29, v30  }
0x1de: {  	(xrf1) =	vsort.ascd.msk.f32 @p4 $0xffff, v26, v26;
	_ =	sdelay $0x3  }
0x1df: {  	vm0 =	vge.f32 v28, v25  }
0x1e0: {  	v26 =	vsel vm0, $0x3F800000, v17  }
0x1e1: {  	(xrf0) =	vmax.scan.msk.f32 $0xffff, v26;
	_ =	sdelay $0x2  }
0x1e2: {  	s20 =	sadd.s32 $0x300, s20  }
0x1e3: {  	v27 =	vadd.s32 s20, v21;
	v26 =	vlaneseq.u32 @p1  }
0x1e4: {  	v26 =	vmul.u32 @p1 $0xFFFFFFFF, v26;
	s20 =	spop (v2sf)  }
0x1e5: {  	p2 =	sgt.f32 s20, $0.0e+00;
	v30, _, _ =	vpop (xrf0)  }
0x1e6: {  	v26 =	vadd.s32 @p1 $0xF, v26;
	v31, _, _ =	vpop @p1 (xrf1);
	(v2sf) =	vpush v30, $0xF  }
0x1e7: {  	v26 =	vperm.xlane @p1 v31, v26;
	vm0 =	vge.f32 @p2 v32, v25;
	v30, _, _ =	vpop @p4 (xrf1)  }
0x1e8: {  	v31 =	vnsel @p2 vm0, $0xFF61B1E6, v32;
	v27 =	vld.idx.msk [tilespmem:v27+s11+$0x0], $0xffff;
	v29 =	vpsel p4, v30, v29  }
0x1e9: {  	v26 =	vmax.f32 @p1 v29, v26;
	(xrf1) =	vsort.ascd.msk.f32 @p2 $0xffff, v31, v31  }
0x1ea: {  	(xrf1) =	vsort.ascd.msk.f32 @p1 $0xffff, v26, v26;
	_ =	sdelay $0x1  }
.Ltmp0:
0x1eb: {  	(pc) =	sbr.rel @p0 .LBB2_2-.Ltmp0, $4  }
0x1ec: {  	_ = 	snop  }
0x1ed: {  	vm0 =	vge.f32 v27, v25  }
0x1ee: {  	v26 =	vsel vm0, $0x3F800000, v17  }
0x1ef: {  	(xrf0) =	vmax.scan.msk.f32 $0xffff, v26  }
0x1f0: {  	_ =	sdelay $0x2  }
0x1f1: {  	v21 =	vlaneseq.u32 @p2  }
0x1f2: {  	v21 =	vmul.u32 @p2 $0xFFFFFFFF, v21;
	s19 =	spop (v2sf)  }
0x1f3: {  	p0 =	sgt.f32 s19, $0.0e+00;
	v26, _, _ =	vpop (xrf0)  }
0x1f4: {  	v21 =	vadd.s32 @p2 $0xF, v21;
	v30, _, _ =	vpop @p2 (xrf1);
	(v2sf) =	vpush v26, $0xF  }
0x1f5: {  	v21 =	vperm.xlane @p2 v30, v21;
	vm0 =	vge.f32 @p0 v28, v25;
	v26, _, _ =	vpop @p1 (xrf1)  }
0x1f6: {  	v26 =	vpsel p1, v26, v29;
	v28 =	vnsel @p0 vm0, $0xFF61B1E6, v28  }
0x1f7: {  	v21 =	vmax.f32 @p2 v26, v21;
	(xrf1) =	vsort.ascd.msk.f32 @p0 $0xffff, v28, v28  }
0x1f8: {  	(xrf1) =	vsort.ascd.msk.f32 @p2 $0xffff, v21, v21;
	_ =	sdelay $0x9  }
0x1f9: {  	v21 =	vlaneseq.u32 @p0  }
0x1fa: {  	v21 =	vmul.u32 @p0 $0xFFFFFFFF, v21;
	s24 =	spop (v2sf)  }
0x1fb: {  	p1 =	sgt.f32 s24, $0.0e+00  }
0x1fc: {  	v21 =	vadd.s32 @p0 $0xF, v21;
	v28, _, _ =	vpop @p0 (xrf1)  }
0x1fd: {  	v21 =	vperm.xlane @p0 v28, v21;
	vm0 =	vge.f32 @p1 v27, v25;
	v25, _, _ =	vpop @p2 (xrf1)  }
0x1fe: {  	v25 =	vpsel p2, v25, v26;
	v26 =	vnsel @p1 vm0, $0xFF61B1E6, v27  }
0x1ff: {  	v21 =	vmax.f32 @p0 v25, v21;
	(xrf1) =	vsort.ascd.msk.f32 @p1 $0xffff, v26, v26  }
0x200: {  	(xrf1) =	vsort.ascd.msk.f32 @p0 $0xffff, v21, v21;
	_ =	sdelay $0x9  }
0x201: {  	v21 =	vlaneseq.u32 @p1  }
0x202: {  	v21 =	vmul.u32 @p1 $0xFFFFFFFF, v21;
	_ =	sdelay $0x1  }
0x203: {  	v21 =	vadd.s32 @p1 $0xF, v21;
	v26, _, _ =	vpop @p1 (xrf1)  }
0x204: {  	v21 =	vperm.xlane @p1 v26, v21;
	v26, _, _ =	vpop @p0 (xrf1)  }
0x205: {  	v25 =	vpsel p0, v26, v25  }
0x206: {  	v21 =	vmax.f32 @p1 v25, v21  }
0x207: {  	(xrf1) =	vsort.ascd.msk.f32 @p1 $0xffff, v21, v21;
	_ =	sdelay $0xc  }
0x208: {  	v21 =	vmul.u32 $0xFFFFFFFF, v0  }
0x209: {  	v26, _, _ =	vpop @p1 (xrf1)  }
0x20a: {  	v21 =	vadd.s32 $0xF, v21;
	v25 =	vpsel p1, v26, v25  }
0x20b: {  	v25 =	vperm.xlane v25, v21  }
0x20c: {  	s25 =	simm.s32 $0x0  }
0x20d: {  	[tilespmem:$0x10400] =	vst v25;
	v25 =	vadd.s32 s25, v22  }
0x20e: {  	[tilespmem:s11], [sflag:$0x1] =	stream.strided.gather [hbm4b:s6+s13], $0x8000, s11, s13, $0x38;
	[tilespmem:$0x10600] =	vst v63  }
0x20f: {  	_ =	swait.ge [sflag:s16], $0x8000  }
0x210: {  	[sflag:s16] =	ssyncset.done $0x0  }
0x211: {  	[sflag:s16] =	ssyncadd.s32 $0xFFFF8000  }
0x212: {  	v25 =	vld.idx.msk [tilespmem:v25+s14+$0x0], $0xffff;
	_ =	sdelay $0x4  }
0x213: {  	vm12 =	vge.f32 v25, v24  }
0x214: {  	v26 =	vsel vm12, $0x3F800000, v17  }
0x215: {  	(xrf0) =	vmax.scan.msk.f32 $0xffff, v26;
	_ =	sdelay $0x1  }
0x216: {  	s26 =	simm.s32 $0x100  }
0x217: {  	v26 =	vadd.s32 s26, v22;
	_ =	sdelay $0x2  }
0x218: {  	v27, _, _ =	vpop (xrf0)  }
0x219: {  	(v2sf) =	vpush v27, $0xF  }
0x21a: {  	v28 =	vld.idx.msk [tilespmem:v26+s14+$0x0], $0xffff;
	_ =	sdelay $0x4  }
0x21b: {  	vm13 =	vge.f32 v28, v24  }
0x21c: {  	v26 =	vsel vm13, $0x3F800000, v17  }
0x21d: {  	(xrf0) =	vmax.scan.msk.f32 $0xffff, v26;
	_ =	sdelay $0x5  }
0x21e: {  	v26, _, _ =	vpop (xrf0)  }
0x21f: {  	s28 =	spop (v2sf);
	(v2sf) =	vpush v26, $0xF;
	_ =	sdelay $0x2  }
0x220: {  	s29 =	simm.s32 $0x200  }
0x221: {  	v26 =	vadd.s32 s29, v22  }
0x222: {  	p1 =	sgt.f32 s28, $0.0e+00;
	_ =	sdelay $0x1  }
0x223: {  	vm0 =	vge.f32 @p1 v25, v24  }
0x224: {  	v25 =	vnsel @p1 vm0, $0xFF61B1E6, v25  }
0x225: {  	(xrf1) =	vsort.ascd.msk.f32 @p1 $0xffff, v25, v25;
	v26 =	vld.idx.msk [tilespmem:v26+s14+$0x0], $0xffff;
	_ =	sdelay $0x4  }
0x226: {  	vm14 =	vge.f32 v26, v24  }
0x227: {  	v27 =	vsel vm14, $0x3F800000, v17;
	s31 =	spop (v2sf)  }
0x228: {  	(xrf0) =	vmax.scan.msk.f32 $0xffff, v27;
	p2 =	sgt.f32 s31, $0.0e+00;
	_ =	sdelay $0x1  }
0x229: {  	vm0 =	vge.f32 @p2 v28, v24  }
0x22a: {  	v28 =	vnsel @p2 vm0, $0xFF61B1E6, v28  }
0x22b: {  	s30 =	simm.s32 $0x300;
	v29 =	vlaneseq.u32 @p1  }
0x22c: {  	v25 =	vadd.s32 s30, v22;
	v27 =	vmul.u32 @p1 $0xFFFFFFFF, v29  }
0x22d: {  	(xrf1) =	vsort.ascd.msk.f32 @p2 $0xffff, v28, v28;
	v28, _, _ =	vpop (xrf0)  }
0x22e: {  	v27 =	vadd.s32 @p1 $0xF, v27;
	v29, _, _ =	vpop @p1 (xrf1);
	(v2sf) =	vpush v28, $0xF  }
0x22f: {  	v29 =	vperm.xlane @p1 v29, v27  }
0x230: {  	v27 =	vimm.f32 $-3.000000010e+38  }
0x231: {  	v25 =	vld.idx.msk [tilespmem:v25+s14+$0x0], $0xffff;
	v29 =	vmax.f32 @p1 v27, v29  }
0x232: {  	(xrf1) =	vsort.ascd.msk.f32 @p1 $0xffff, v29, v29;
	_ =	sdelay $0x3  }
0x233: {  	vm15 =	vge.f32 v25, v24  }
0x234: {  	v29 =	vsel vm15, $0x3F800000, v17  }
0x235: {  	s19 =	simm.s32 $0x400;
	(xrf0) =	vmax.scan.msk.f32 $0xffff, v29  }
.LBB2_4:
0x236: {  	_ =	sdelay $0x2  }
0x237: {  	v28 =	vadd.s32 s19, v22;
	v29 =	vlaneseq.u32 @p2;
	s20 =	smov.u32 s19;
	s19 =	sadd.s32 $0x400, s19  }
0x238: {  	p0 =	sne.s32 s19, $0x8000;
	v29 =	vmul.u32 @p2 $0xFFFFFFFF, v29;
	s21 =	spop (v2sf)  }
0x239: {  	p3 =	sgt.f32 s21, $0.0e+00;
	v30, _, _ =	vpop (xrf0)  }
0x23a: {  	v29 =	vadd.s32 @p2 $0xF, v29;
	v31, _, _ =	vpop @p2 (xrf1);
	(v2sf) =	vpush v30, $0xF  }
0x23b: {  	v29 =	vperm.xlane @p2 v31, v29;
	vm0 =	vge.f32 @p3 v26, v24;
	v30, _, _ =	vpop @p1 (xrf1)  }
0x23c: {  	v28 =	vld.idx.msk [tilespmem:v28+s14+$0x0], $0xffff;
	v27 =	vpsel p1, v30, v27;
	v26 =	vnsel @p3 vm0, $0xFF61B1E6, v26  }
0x23d: {  	v29 =	vmax.f32 @p2 v27, v29;
	(xrf1) =	vsort.ascd.msk.f32 @p3 $0xffff, v26, v26  }
0x23e: {  	(xrf1) =	vsort.ascd.msk.f32 @p2 $0xffff, v29, v29;
	_ =	sdelay $0x3  }
0x23f: {  	vm0 =	vge.f32 v28, v24  }
0x240: {  	v26 =	vsel vm0, $0x3F800000, v17  }
0x241: {  	(xrf0) =	vmax.scan.msk.f32 $0xffff, v26;
	_ =	sdelay $0x2  }
0x242: {  	s21 =	sadd.s32 $0x100, s20  }
0x243: {  	v29 =	vlaneseq.u32 @p3;
	v26 =	vadd.s32 s21, v22  }
0x244: {  	v29 =	vmul.u32 @p3 $0xFFFFFFFF, v29;
	s21 =	spop (v2sf)  }
0x245: {  	v30, _, _ =	vpop (xrf0);
	p4 =	sgt.f32 s21, $0.0e+00  }
0x246: {  	v29 =	vadd.s32 @p3 $0xF, v29;
	(v2sf) =	vpush v30, $0xF;
	v30, _, _ =	vpop @p3 (xrf1)  }
0x247: {  	v29 =	vperm.xlane @p3 v30, v29;
	vm0 =	vge.f32 @p4 v25, v24;
	v30, _, _ =	vpop @p2 (xrf1)  }
0x248: {  	v31 =	vld.idx.msk [tilespmem:v26+s14+$0x0], $0xffff;
	v27 =	vpsel p2, v30, v27;
	v25 =	vnsel @p4 vm0, $0xFF61B1E6, v25  }
0x249: {  	v26 =	vmax.f32 @p3 v27, v29;
	(xrf1) =	vsort.ascd.msk.f32 @p4 $0xffff, v25, v25  }
0x24a: {  	(xrf1) =	vsort.ascd.msk.f32 @p3 $0xffff, v26, v26;
	_ =	sdelay $0x3  }
0x24b: {  	vm0 =	vge.f32 v31, v24  }
0x24c: {  	v25 =	vsel vm0, $0x3F800000, v17  }
0x24d: {  	(xrf0) =	vmax.scan.msk.f32 $0xffff, v25;
	_ =	sdelay $0x2  }
0x24e: {  	s21 =	sadd.s32 $0x200, s20  }
0x24f: {  	v26 =	vlaneseq.u32 @p4;
	v25 =	vadd.s32 s21, v22  }
0x250: {  	v26 =	vmul.u32 @p4 $0xFFFFFFFF, v26;
	s21 =	spop (v2sf)  }
0x251: {  	p1 =	sgt.f32 s21, $0.0e+00;
	v29, _, _ =	vpop (xrf0)  }
0x252: {  	v26 =	vadd.s32 @p4 $0xF, v26;
	(v2sf) =	vpush v29, $0xF;
	v29, _, _ =	vpop @p4 (xrf1)  }
0x253: {  	vm0 =	vge.f32 @p1 v28, v24;
	v29 =	vperm.xlane @p4 v29, v26;
	v30, _, _ =	vpop @p3 (xrf1)  }
0x254: {  	v28 =	vnsel @p1 vm0, $0xFF61B1E6, v28;
	v26 =	vld.idx.msk [tilespmem:v25+s14+$0x0], $0xffff;
	v27 =	vpsel p3, v30, v27  }
0x255: {  	(xrf1) =	vsort.ascd.msk.f32 @p1 $0xffff, v28, v28;
	v25 =	vmax.f32 @p4 v27, v29  }
0x256: {  	(xrf1) =	vsort.ascd.msk.f32 @p4 $0xffff, v25, v25;
	_ =	sdelay $0x3  }
0x257: {  	vm0 =	vge.f32 v26, v24  }
0x258: {  	v25 =	vsel vm0, $0x3F800000, v17  }
0x259: {  	(xrf0) =	vmax.scan.msk.f32 $0xffff, v25;
	_ =	sdelay $0x2  }
0x25a: {  	s20 =	sadd.s32 $0x300, s20  }
0x25b: {  	v28 =	vadd.s32 s20, v22;
	v25 =	vlaneseq.u32 @p1  }
0x25c: {  	v25 =	vmul.u32 @p1 $0xFFFFFFFF, v25;
	s20 =	spop (v2sf)  }
0x25d: {  	p2 =	sgt.f32 s20, $0.0e+00;
	v29, _, _ =	vpop (xrf0)  }
0x25e: {  	v25 =	vadd.s32 @p1 $0xF, v25;
	v30, _, _ =	vpop @p1 (xrf1);
	(v2sf) =	vpush v29, $0xF  }
0x25f: {  	v29 =	vperm.xlane @p1 v30, v25;
	vm0 =	vge.f32 @p2 v31, v24;
	v30, _, _ =	vpop @p4 (xrf1)  }
0x260: {  	v31 =	vnsel @p2 vm0, $0xFF61B1E6, v31;
	v25 =	vld.idx.msk [tilespmem:v28+s14+$0x0], $0xffff;
	v27 =	vpsel p4, v30, v27  }
0x261: {  	v28 =	vmax.f32 @p1 v27, v29;
	(xrf1) =	vsort.ascd.msk.f32 @p2 $0xffff, v31, v31  }
0x262: {  	(xrf1) =	vsort.ascd.msk.f32 @p1 $0xffff, v28, v28;
	_ =	sdelay $0x1  }
.Ltmp1:
0x263: {  	(pc) =	sbr.rel @p0 .LBB2_4-.Ltmp1, $4  }
0x264: {  	_ = 	snop  }
0x265: {  	vm0 =	vge.f32 v25, v24  }
0x266: {  	v28 =	vsel vm0, $0x3F800000, v17  }
0x267: {  	(xrf0) =	vmax.scan.msk.f32 $0xffff, v28  }
0x268: {  	_ =	sdelay $0x2  }
0x269: {  	v22 =	vlaneseq.u32 @p2  }
0x26a: {  	v22 =	vmul.u32 @p2 $0xFFFFFFFF, v22;
	s19 =	spop (v2sf)  }
0x26b: {  	p0 =	sgt.f32 s19, $0.0e+00;
	v28, _, _ =	vpop (xrf0)  }
0x26c: {  	v22 =	vadd.s32 @p2 $0xF, v22;
	v29, _, _ =	vpop @p2 (xrf1);
	(v2sf) =	vpush v28, $0xF  }
0x26d: {  	v22 =	vperm.xlane @p2 v29, v22;
	vm0 =	vge.f32 @p0 v26, v24;
	v28, _, _ =	vpop @p1 (xrf1)  }
0x26e: {  	v27 =	vpsel p1, v28, v27;
	v26 =	vnsel @p0 vm0, $0xFF61B1E6, v26  }
0x26f: {  	v22 =	vmax.f32 @p2 v27, v22;
	(xrf1) =	vsort.ascd.msk.f32 @p0 $0xffff, v26, v26  }
0x270: {  	(xrf1) =	vsort.ascd.msk.f32 @p2 $0xffff, v22, v22;
	_ =	sdelay $0x9  }
0x271: {  	v22 =	vlaneseq.u32 @p0  }
0x272: {  	v22 =	vmul.u32 @p0 $0xFFFFFFFF, v22;
	s24 =	spop (v2sf)  }
0x273: {  	p1 =	sgt.f32 s24, $0.0e+00  }
0x274: {  	v22 =	vadd.s32 @p0 $0xF, v22;
	v26, _, _ =	vpop @p0 (xrf1)  }
0x275: {  	v22 =	vperm.xlane @p0 v26, v22;
	vm0 =	vge.f32 @p1 v25, v24;
	v24, _, _ =	vpop @p2 (xrf1)  }
0x276: {  	v24 =	vpsel p2, v24, v27;
	v25 =	vnsel @p1 vm0, $0xFF61B1E6, v25  }
0x277: {  	v22 =	vmax.f32 @p0 v24, v22;
	(xrf1) =	vsort.ascd.msk.f32 @p1 $0xffff, v25, v25  }
0x278: {  	(xrf1) =	vsort.ascd.msk.f32 @p0 $0xffff, v22, v22;
	_ =	sdelay $0x9  }
0x279: {  	v22 =	vlaneseq.u32 @p1  }
0x27a: {  	v22 =	vmul.u32 @p1 $0xFFFFFFFF, v22;
	_ =	sdelay $0x1  }
0x27b: {  	v22 =	vadd.s32 @p1 $0xF, v22;
	v25, _, _ =	vpop @p1 (xrf1)  }
0x27c: {  	v22 =	vperm.xlane @p1 v25, v22;
	v25, _, _ =	vpop @p0 (xrf1)  }
0x27d: {  	v24 =	vpsel p0, v25, v24  }
0x27e: {  	v22 =	vmax.f32 @p1 v24, v22  }
0x27f: {  	(xrf1) =	vsort.ascd.msk.f32 @p1 $0xffff, v22, v22;
	_ =	sdelay $0xd  }
0x280: {  	v22, _, _ =	vpop @p1 (xrf1)  }
0x281: {  	v22 =	vpsel p1, v22, v24  }
0x282: {  	v22 =	vperm.xlane v22, v21  }
0x283: {  	s25 =	simm.s32 $0x0  }
0x284: {  	[tilespmem:$0x10480] =	vst v22;
	v22 =	vadd.s32 s25, v20  }
0x285: {  	[tilespmem:s14], [sflag:$0x2] =	stream.strided.gather [hbm4b:s7+s13], $0x8000, s11, s13, $0x38;
	[tilespmem:$0x10600] =	vst v63  }
0x286: {  	_ =	swait.ge [sflag:s15], $0x8000  }
0x287: {  	[sflag:s15] =	ssyncset.done $0x0  }
0x288: {  	[sflag:s15] =	ssyncadd.s32 $0xFFFF8000  }
0x289: {  	v22 =	vld.idx.msk [tilespmem:v22+s11+$0x0], $0xffff;
	_ =	sdelay $0x4  }
0x28a: {  	vm12 =	vge.f32 v22, v23  }
0x28b: {  	v24 =	vsel vm12, $0x3F800000, v17  }
0x28c: {  	(xrf0) =	vmax.scan.msk.f32 $0xffff, v24;
	_ =	sdelay $0x1  }
0x28d: {  	s26 =	simm.s32 $0x100  }
0x28e: {  	v24 =	vadd.s32 s26, v20;
	_ =	sdelay $0x2  }
0x28f: {  	v25, _, _ =	vpop (xrf0)  }
0x290: {  	(v2sf) =	vpush v25, $0xF  }
0x291: {  	v26 =	vld.idx.msk [tilespmem:v24+s11+$0x0], $0xffff;
	_ =	sdelay $0x4  }
0x292: {  	vm13 =	vge.f32 v26, v23  }
0x293: {  	v24 =	vsel vm13, $0x3F800000, v17  }
0x294: {  	(xrf0) =	vmax.scan.msk.f32 $0xffff, v24;
	_ =	sdelay $0x5  }
0x295: {  	v24, _, _ =	vpop (xrf0)  }
0x296: {  	s28 =	spop (v2sf);
	(v2sf) =	vpush v24, $0xF;
	_ =	sdelay $0x2  }
0x297: {  	s29 =	simm.s32 $0x200  }
0x298: {  	v24 =	vadd.s32 s29, v20  }
0x299: {  	p1 =	sgt.f32 s28, $0.0e+00;
	_ =	sdelay $0x1  }
0x29a: {  	vm0 =	vge.f32 @p1 v22, v23  }
0x29b: {  	v22 =	vnsel @p1 vm0, $0xFF61B1E6, v22  }
0x29c: {  	(xrf1) =	vsort.ascd.msk.f32 @p1 $0xffff, v22, v22;
	v24 =	vld.idx.msk [tilespmem:v24+s11+$0x0], $0xffff;
	_ =	sdelay $0x4  }
0x29d: {  	vm14 =	vge.f32 v24, v23  }
0x29e: {  	v25 =	vsel vm14, $0x3F800000, v17;
	s31 =	spop (v2sf)  }
0x29f: {  	(xrf0) =	vmax.scan.msk.f32 $0xffff, v25;
	p2 =	sgt.f32 s31, $0.0e+00;
	_ =	sdelay $0x1  }
0x2a0: {  	vm0 =	vge.f32 @p2 v26, v23  }
0x2a1: {  	v26 =	vnsel @p2 vm0, $0xFF61B1E6, v26  }
0x2a2: {  	s30 =	simm.s32 $0x300;
	v27 =	vlaneseq.u32 @p1  }
0x2a3: {  	v22 =	vadd.s32 s30, v20;
	v25 =	vmul.u32 @p1 $0xFFFFFFFF, v27  }
0x2a4: {  	(xrf1) =	vsort.ascd.msk.f32 @p2 $0xffff, v26, v26;
	v26, _, _ =	vpop (xrf0)  }
0x2a5: {  	v25 =	vadd.s32 @p1 $0xF, v25;
	v27, _, _ =	vpop @p1 (xrf1);
	(v2sf) =	vpush v26, $0xF  }
0x2a6: {  	v27 =	vperm.xlane @p1 v27, v25  }
0x2a7: {  	v25 =	vimm.f32 $-3.000000010e+38  }
0x2a8: {  	v22 =	vld.idx.msk [tilespmem:v22+s11+$0x0], $0xffff;
	v27 =	vmax.f32 @p1 v25, v27  }
0x2a9: {  	(xrf1) =	vsort.ascd.msk.f32 @p1 $0xffff, v27, v27;
	_ =	sdelay $0x3  }
0x2aa: {  	vm15 =	vge.f32 v22, v23  }
0x2ab: {  	v27 =	vsel vm15, $0x3F800000, v17  }
0x2ac: {  	s19 =	simm.s32 $0x400;
	(xrf0) =	vmax.scan.msk.f32 $0xffff, v27  }
.LBB2_6:
0x2ad: {  	_ =	sdelay $0x2  }
0x2ae: {  	v26 =	vadd.s32 s19, v20;
	v27 =	vlaneseq.u32 @p2;
	s20 =	smov.u32 s19;
	s19 =	sadd.s32 $0x400, s19  }
0x2af: {  	p0 =	sne.s32 s19, $0x8000;
	v27 =	vmul.u32 @p2 $0xFFFFFFFF, v27;
	s21 =	spop (v2sf)  }
0x2b0: {  	p3 =	sgt.f32 s21, $0.0e+00;
	v28, _, _ =	vpop (xrf0)  }
0x2b1: {  	v27 =	vadd.s32 @p2 $0xF, v27;
	v29, _, _ =	vpop @p2 (xrf1);
	(v2sf) =	vpush v28, $0xF  }
0x2b2: {  	v27 =	vperm.xlane @p2 v29, v27;
	vm0 =	vge.f32 @p3 v24, v23;
	v28, _, _ =	vpop @p1 (xrf1)  }
0x2b3: {  	v26 =	vld.idx.msk [tilespmem:v26+s11+$0x0], $0xffff;
	v25 =	vpsel p1, v28, v25;
	v24 =	vnsel @p3 vm0, $0xFF61B1E6, v24  }
0x2b4: {  	v27 =	vmax.f32 @p2 v25, v27;
	(xrf1) =	vsort.ascd.msk.f32 @p3 $0xffff, v24, v24  }
0x2b5: {  	(xrf1) =	vsort.ascd.msk.f32 @p2 $0xffff, v27, v27;
	_ =	sdelay $0x3  }
0x2b6: {  	vm0 =	vge.f32 v26, v23  }
0x2b7: {  	v24 =	vsel vm0, $0x3F800000, v17  }
0x2b8: {  	(xrf0) =	vmax.scan.msk.f32 $0xffff, v24;
	_ =	sdelay $0x2  }
0x2b9: {  	s21 =	sadd.s32 $0x100, s20  }
0x2ba: {  	v27 =	vlaneseq.u32 @p3;
	v24 =	vadd.s32 s21, v20  }
0x2bb: {  	v27 =	vmul.u32 @p3 $0xFFFFFFFF, v27;
	s21 =	spop (v2sf)  }
0x2bc: {  	v28, _, _ =	vpop (xrf0);
	p4 =	sgt.f32 s21, $0.0e+00  }
0x2bd: {  	v27 =	vadd.s32 @p3 $0xF, v27;
	(v2sf) =	vpush v28, $0xF;
	v28, _, _ =	vpop @p3 (xrf1)  }
0x2be: {  	v27 =	vperm.xlane @p3 v28, v27;
	vm0 =	vge.f32 @p4 v22, v23;
	v28, _, _ =	vpop @p2 (xrf1)  }
0x2bf: {  	v29 =	vld.idx.msk [tilespmem:v24+s11+$0x0], $0xffff;
	v25 =	vpsel p2, v28, v25;
	v22 =	vnsel @p4 vm0, $0xFF61B1E6, v22  }
0x2c0: {  	v24 =	vmax.f32 @p3 v25, v27;
	(xrf1) =	vsort.ascd.msk.f32 @p4 $0xffff, v22, v22  }
0x2c1: {  	(xrf1) =	vsort.ascd.msk.f32 @p3 $0xffff, v24, v24;
	_ =	sdelay $0x3  }
0x2c2: {  	vm0 =	vge.f32 v29, v23  }
0x2c3: {  	v22 =	vsel vm0, $0x3F800000, v17  }
0x2c4: {  	(xrf0) =	vmax.scan.msk.f32 $0xffff, v22;
	_ =	sdelay $0x2  }
0x2c5: {  	s21 =	sadd.s32 $0x200, s20  }
0x2c6: {  	v24 =	vlaneseq.u32 @p4;
	v22 =	vadd.s32 s21, v20  }
0x2c7: {  	v24 =	vmul.u32 @p4 $0xFFFFFFFF, v24;
	s21 =	spop (v2sf)  }
0x2c8: {  	p1 =	sgt.f32 s21, $0.0e+00;
	v27, _, _ =	vpop (xrf0)  }
0x2c9: {  	v24 =	vadd.s32 @p4 $0xF, v24;
	(v2sf) =	vpush v27, $0xF;
	v27, _, _ =	vpop @p4 (xrf1)  }
0x2ca: {  	vm0 =	vge.f32 @p1 v26, v23;
	v27 =	vperm.xlane @p4 v27, v24;
	v28, _, _ =	vpop @p3 (xrf1)  }
0x2cb: {  	v26 =	vnsel @p1 vm0, $0xFF61B1E6, v26;
	v24 =	vld.idx.msk [tilespmem:v22+s11+$0x0], $0xffff;
	v25 =	vpsel p3, v28, v25  }
0x2cc: {  	(xrf1) =	vsort.ascd.msk.f32 @p1 $0xffff, v26, v26;
	v22 =	vmax.f32 @p4 v25, v27  }
0x2cd: {  	(xrf1) =	vsort.ascd.msk.f32 @p4 $0xffff, v22, v22;
	_ =	sdelay $0x3  }
0x2ce: {  	vm0 =	vge.f32 v24, v23  }
0x2cf: {  	v22 =	vsel vm0, $0x3F800000, v17  }
0x2d0: {  	(xrf0) =	vmax.scan.msk.f32 $0xffff, v22;
	_ =	sdelay $0x2  }
0x2d1: {  	s20 =	sadd.s32 $0x300, s20  }
0x2d2: {  	v26 =	vadd.s32 s20, v20;
	v22 =	vlaneseq.u32 @p1  }
0x2d3: {  	v22 =	vmul.u32 @p1 $0xFFFFFFFF, v22;
	s20 =	spop (v2sf)  }
0x2d4: {  	p2 =	sgt.f32 s20, $0.0e+00;
	v27, _, _ =	vpop (xrf0)  }
0x2d5: {  	v22 =	vadd.s32 @p1 $0xF, v22;
	v28, _, _ =	vpop @p1 (xrf1);
	(v2sf) =	vpush v27, $0xF  }
0x2d6: {  	v27 =	vperm.xlane @p1 v28, v22;
	vm0 =	vge.f32 @p2 v29, v23;
	v28, _, _ =	vpop @p4 (xrf1)  }
0x2d7: {  	v29 =	vnsel @p2 vm0, $0xFF61B1E6, v29;
	v22 =	vld.idx.msk [tilespmem:v26+s11+$0x0], $0xffff;
	v25 =	vpsel p4, v28, v25  }
0x2d8: {  	v26 =	vmax.f32 @p1 v25, v27;
	(xrf1) =	vsort.ascd.msk.f32 @p2 $0xffff, v29, v29  }
0x2d9: {  	(xrf1) =	vsort.ascd.msk.f32 @p1 $0xffff, v26, v26;
	_ =	sdelay $0x1  }
.Ltmp2:
0x2da: {  	(pc) =	sbr.rel @p0 .LBB2_6-.Ltmp2, $4  }
0x2db: {  	_ = 	snop  }
0x2dc: {  	vm0 =	vge.f32 v22, v23  }
0x2dd: {  	v26 =	vsel vm0, $0x3F800000, v17  }
0x2de: {  	(xrf0) =	vmax.scan.msk.f32 $0xffff, v26  }
0x2df: {  	_ =	sdelay $0x2  }
0x2e0: {  	v20 =	vlaneseq.u32 @p2  }
0x2e1: {  	v20 =	vmul.u32 @p2 $0xFFFFFFFF, v20;
	s19 =	spop (v2sf)  }
0x2e2: {  	p0 =	sgt.f32 s19, $0.0e+00;
	v26, _, _ =	vpop (xrf0)  }
0x2e3: {  	v20 =	vadd.s32 @p2 $0xF, v20;
	v27, _, _ =	vpop @p2 (xrf1);
	(v2sf) =	vpush v26, $0xF  }
0x2e4: {  	v20 =	vperm.xlane @p2 v27, v20;
	vm0 =	vge.f32 @p0 v24, v23;
	v26, _, _ =	vpop @p1 (xrf1)  }
0x2e5: {  	v25 =	vpsel p1, v26, v25;
	v24 =	vnsel @p0 vm0, $0xFF61B1E6, v24  }
0x2e6: {  	v20 =	vmax.f32 @p2 v25, v20;
	(xrf1) =	vsort.ascd.msk.f32 @p0 $0xffff, v24, v24  }
0x2e7: {  	(xrf1) =	vsort.ascd.msk.f32 @p2 $0xffff, v20, v20;
	_ =	sdelay $0x9  }
0x2e8: {  	v20 =	vlaneseq.u32 @p0  }
0x2e9: {  	v20 =	vmul.u32 @p0 $0xFFFFFFFF, v20;
	s24 =	spop (v2sf)  }
0x2ea: {  	p1 =	sgt.f32 s24, $0.0e+00  }
0x2eb: {  	v20 =	vadd.s32 @p0 $0xF, v20;
	v24, _, _ =	vpop @p0 (xrf1)  }
0x2ec: {  	v20 =	vperm.xlane @p0 v24, v20;
	vm0 =	vge.f32 @p1 v22, v23;
	v23, _, _ =	vpop @p2 (xrf1)  }
0x2ed: {  	v23 =	vpsel p2, v23, v25;
	v22 =	vnsel @p1 vm0, $0xFF61B1E6, v22  }
0x2ee: {  	v20 =	vmax.f32 @p0 v23, v20;
	(xrf1) =	vsort.ascd.msk.f32 @p1 $0xffff, v22, v22  }
0x2ef: {  	(xrf1) =	vsort.ascd.msk.f32 @p0 $0xffff, v20, v20;
	_ =	sdelay $0x9  }
0x2f0: {  	v20 =	vlaneseq.u32 @p1  }
0x2f1: {  	v20 =	vmul.u32 @p1 $0xFFFFFFFF, v20;
	_ =	sdelay $0x1  }
0x2f2: {  	v20 =	vadd.s32 @p1 $0xF, v20;
	v22, _, _ =	vpop @p1 (xrf1)  }
0x2f3: {  	v20 =	vperm.xlane @p1 v22, v20;
	v22, _, _ =	vpop @p0 (xrf1)  }
0x2f4: {  	v22 =	vpsel p0, v22, v23  }
0x2f5: {  	v20 =	vmax.f32 @p1 v22, v20  }
0x2f6: {  	(xrf1) =	vsort.ascd.msk.f32 @p1 $0xffff, v20, v20;
	_ =	sdelay $0xd  }
0x2f7: {  	v20, _, _ =	vpop @p1 (xrf1)  }
0x2f8: {  	v20 =	vpsel p1, v20, v22  }
0x2f9: {  	s25 =	simm.s32 $0x0;
	v20 =	vperm.xlane v20, v21  }
0x2fa: {  	v22 =	vadd.s32 s25, v18  }
0x2fb: {  	[tilespmem:$0x10500] =	vst v20  }
0x2fc: {  	_ =	swait.ge [sflag:s16], $0x8000  }
0x2fd: {  	[sflag:s16] =	ssyncset.done $0x0  }
0x2fe: {  	[sflag:s16] =	ssyncadd.s32 $0xFFFF8000  }
0x2ff: {  	v20 =	vld.idx.msk [tilespmem:v22+s14+$0x0], $0xffff;
	_ =	sdelay $0x4  }
0x300: {  	vm12 =	vge.f32 v20, v19  }
0x301: {  	v22 =	vsel vm12, $0x3F800000, v17  }
0x302: {  	(xrf0) =	vmax.scan.msk.f32 $0xffff, v22;
	_ =	sdelay $0x1  }
0x303: {  	s26 =	simm.s32 $0x100  }
0x304: {  	v22 =	vadd.s32 s26, v18;
	_ =	sdelay $0x2  }
0x305: {  	v23, _, _ =	vpop (xrf0)  }
0x306: {  	(v2sf) =	vpush v23, $0xF  }
0x307: {  	v24 =	vld.idx.msk [tilespmem:v22+s14+$0x0], $0xffff;
	_ =	sdelay $0x4  }
0x308: {  	vm13 =	vge.f32 v24, v19  }
0x309: {  	v22 =	vsel vm13, $0x3F800000, v17  }
0x30a: {  	(xrf0) =	vmax.scan.msk.f32 $0xffff, v22;
	_ =	sdelay $0x5  }
0x30b: {  	s29 =	simm.s32 $0x200;
	v22, _, _ =	vpop (xrf0)  }
0x30c: {  	s28 =	spop (v2sf);
	(v2sf) =	vpush v22, $0xF;
	v22 =	vadd.s32 s29, v18  }
0x30d: {  	p1 =	sgt.f32 s28, $0.0e+00;
	_ =	sdelay $0x1  }
0x30e: {  	vm0 =	vge.f32 @p1 v20, v19  }
0x30f: {  	v20 =	vnsel @p1 vm0, $0xFF61B1E6, v20  }
0x310: {  	(xrf1) =	vsort.ascd.msk.f32 @p1 $0xffff, v20, v20;
	v22 =	vld.idx.msk [tilespmem:v22+s14+$0x0], $0xffff;
	_ =	sdelay $0x4  }
0x311: {  	vm14 =	vge.f32 v22, v19  }
0x312: {  	v23 =	vsel vm14, $0x3F800000, v17  }
0x313: {  	(xrf0) =	vmax.scan.msk.f32 $0xffff, v23;
	_ =	sdelay $0x3  }
0x314: {  	s30 =	simm.s32 $0x300;
	v25 =	vlaneseq.u32 @p1  }
0x315: {  	v20 =	vadd.s32 s30, v18;
	v23 =	vmul.u32 @p1 $0xFFFFFFFF, v25;
	s31 =	spop (v2sf)  }
0x316: {  	p2 =	sgt.f32 s31, $0.0e+00;
	v62, _, _ =	vpop (xrf0)  }
0x317: {  	v23 =	vadd.s32 @p1 $0xF, v23;
	v25, _, _ =	vpop @p1 (xrf1);
	(v2sf) =	vpush v62, $0xF  }
0x318: {  	vm0 =	vge.f32 @p2 v24, v19;
	v25 =	vperm.xlane @p1 v25, v23  }
0x319: {  	v24 =	vnsel @p2 vm0, $0xFF61B1E6, v24;
	v23 =	vimm.f32 $-3.000000010e+38  }
0x31a: {  	v20 =	vld.idx.msk [tilespmem:v20+s14+$0x0], $0xffff;
	(xrf1) =	vsort.ascd.msk.f32 @p2 $0xffff, v24, v24;
	v25 =	vmax.f32 @p1 v23, v25  }
0x31b: {  	(xrf1) =	vsort.ascd.msk.f32 @p1 $0xffff, v25, v25;
	_ =	sdelay $0x3  }
0x31c: {  	vm15 =	vge.f32 v20, v19  }
0x31d: {  	v63 =	vsel vm15, $0x3F800000, v17  }
0x31e: {  	s19 =	simm.s32 $0x400;
	(xrf0) =	vmax.scan.msk.f32 $0xffff, v63  }
.LBB2_8:
0x31f: {  	_ =	sdelay $0x2  }
0x320: {  	v24 =	vadd.s32 s19, v18;
	v25 =	vlaneseq.u32 @p2;
	s20 =	smov.u32 s19;
	s19 =	sadd.s32 $0x400, s19  }
0x321: {  	p0 =	sne.s32 s19, $0x8000;
	v25 =	vmul.u32 @p2 $0xFFFFFFFF, v25;
	s21 =	spop (v2sf)  }
0x322: {  	p3 =	sgt.f32 s21, $0.0e+00;
	v26, _, _ =	vpop (xrf0)  }
0x323: {  	v25 =	vadd.s32 @p2 $0xF, v25;
	v27, _, _ =	vpop @p2 (xrf1);
	(v2sf) =	vpush v26, $0xF  }
0x324: {  	v25 =	vperm.xlane @p2 v27, v25;
	vm0 =	vge.f32 @p3 v22, v19;
	v26, _, _ =	vpop @p1 (xrf1)  }
0x325: {  	v24 =	vld.idx.msk [tilespmem:v24+s14+$0x0], $0xffff;
	v23 =	vpsel p1, v26, v23;
	v22 =	vnsel @p3 vm0, $0xFF61B1E6, v22  }
0x326: {  	v25 =	vmax.f32 @p2 v23, v25;
	(xrf1) =	vsort.ascd.msk.f32 @p3 $0xffff, v22, v22  }
0x327: {  	(xrf1) =	vsort.ascd.msk.f32 @p2 $0xffff, v25, v25;
	_ =	sdelay $0x3  }
0x328: {  	vm0 =	vge.f32 v24, v19  }
0x329: {  	v22 =	vsel vm0, $0x3F800000, v17  }
0x32a: {  	(xrf0) =	vmax.scan.msk.f32 $0xffff, v22;
	_ =	sdelay $0x2  }
0x32b: {  	s21 =	sadd.s32 $0x100, s20  }
0x32c: {  	v25 =	vlaneseq.u32 @p3;
	v22 =	vadd.s32 s21, v18  }
0x32d: {  	v25 =	vmul.u32 @p3 $0xFFFFFFFF, v25;
	s21 =	spop (v2sf)  }
0x32e: {  	v26, _, _ =	vpop (xrf0);
	p4 =	sgt.f32 s21, $0.0e+00  }
0x32f: {  	v25 =	vadd.s32 @p3 $0xF, v25;
	(v2sf) =	vpush v26, $0xF;
	v26, _, _ =	vpop @p3 (xrf1)  }
0x330: {  	v25 =	vperm.xlane @p3 v26, v25;
	vm0 =	vge.f32 @p4 v20, v19;
	v26, _, _ =	vpop @p2 (xrf1)  }
0x331: {  	v27 =	vld.idx.msk [tilespmem:v22+s14+$0x0], $0xffff;
	v23 =	vpsel p2, v26, v23;
	v20 =	vnsel @p4 vm0, $0xFF61B1E6, v20  }
0x332: {  	v22 =	vmax.f32 @p3 v23, v25;
	(xrf1) =	vsort.ascd.msk.f32 @p4 $0xffff, v20, v20  }
0x333: {  	(xrf1) =	vsort.ascd.msk.f32 @p3 $0xffff, v22, v22;
	_ =	sdelay $0x3  }
0x334: {  	vm0 =	vge.f32 v27, v19  }
0x335: {  	v20 =	vsel vm0, $0x3F800000, v17  }
0x336: {  	(xrf0) =	vmax.scan.msk.f32 $0xffff, v20;
	_ =	sdelay $0x2  }
0x337: {  	s21 =	sadd.s32 $0x200, s20  }
0x338: {  	v22 =	vlaneseq.u32 @p4;
	v20 =	vadd.s32 s21, v18  }
0x339: {  	v22 =	vmul.u32 @p4 $0xFFFFFFFF, v22;
	s21 =	spop (v2sf)  }
0x33a: {  	p1 =	sgt.f32 s21, $0.0e+00;
	v25, _, _ =	vpop (xrf0)  }
0x33b: {  	v22 =	vadd.s32 @p4 $0xF, v22;
	(v2sf) =	vpush v25, $0xF;
	v25, _, _ =	vpop @p4 (xrf1)  }
0x33c: {  	vm0 =	vge.f32 @p1 v24, v19;
	v25 =	vperm.xlane @p4 v25, v22;
	v26, _, _ =	vpop @p3 (xrf1)  }
0x33d: {  	v24 =	vnsel @p1 vm0, $0xFF61B1E6, v24;
	v22 =	vld.idx.msk [tilespmem:v20+s14+$0x0], $0xffff;
	v23 =	vpsel p3, v26, v23  }
0x33e: {  	(xrf1) =	vsort.ascd.msk.f32 @p1 $0xffff, v24, v24;
	v20 =	vmax.f32 @p4 v23, v25  }
0x33f: {  	(xrf1) =	vsort.ascd.msk.f32 @p4 $0xffff, v20, v20;
	_ =	sdelay $0x3  }
0x340: {  	vm0 =	vge.f32 v22, v19  }
0x341: {  	v20 =	vsel vm0, $0x3F800000, v17  }
0x342: {  	(xrf0) =	vmax.scan.msk.f32 $0xffff, v20;
	_ =	sdelay $0x2  }
0x343: {  	s20 =	sadd.s32 $0x300, s20  }
0x344: {  	v24 =	vadd.s32 s20, v18;
	v20 =	vlaneseq.u32 @p1  }
0x345: {  	v20 =	vmul.u32 @p1 $0xFFFFFFFF, v20;
	s20 =	spop (v2sf)  }
0x346: {  	p2 =	sgt.f32 s20, $0.0e+00;
	v25, _, _ =	vpop (xrf0)  }
0x347: {  	v20 =	vadd.s32 @p1 $0xF, v20;
	v26, _, _ =	vpop @p1 (xrf1);
	(v2sf) =	vpush v25, $0xF  }
0x348: {  	v25 =	vperm.xlane @p1 v26, v20;
	vm0 =	vge.f32 @p2 v27, v19;
	v26, _, _ =	vpop @p4 (xrf1)  }
0x349: {  	v27 =	vnsel @p2 vm0, $0xFF61B1E6, v27;
	v20 =	vld.idx.msk [tilespmem:v24+s14+$0x0], $0xffff;
	v23 =	vpsel p4, v26, v23  }
0x34a: {  	v24 =	vmax.f32 @p1 v23, v25;
	(xrf1) =	vsort.ascd.msk.f32 @p2 $0xffff, v27, v27  }
0x34b: {  	(xrf1) =	vsort.ascd.msk.f32 @p1 $0xffff, v24, v24;
	_ =	sdelay $0x1  }
.Ltmp3:
0x34c: {  	(pc) =	sbr.rel @p0 .LBB2_8-.Ltmp3, $4  }
0x34d: {  	_ = 	snop  }
0x34e: {  	vm0 =	vge.f32 v20, v19  }
0x34f: {  	v24 =	vsel vm0, $0x3F800000, v17  }
0x350: {  	(xrf0) =	vmax.scan.msk.f32 $0xffff, v24  }
0x351: {  	_ =	sdelay $0x2  }
0x352: {  	v18 =	vlaneseq.u32 @p2  }
0x353: {  	v18 =	vmul.u32 @p2 $0xFFFFFFFF, v18;
	s19 =	spop (v2sf)  }
0x354: {  	p0 =	sgt.f32 s19, $0.0e+00;
	v24, _, _ =	vpop (xrf0)  }
0x355: {  	v18 =	vadd.s32 @p2 $0xF, v18;
	v25, _, _ =	vpop @p2 (xrf1);
	(v2sf) =	vpush v24, $0xF  }
0x356: {  	v18 =	vperm.xlane @p2 v25, v18;
	vm0 =	vge.f32 @p0 v22, v19;
	v24, _, _ =	vpop @p1 (xrf1)  }
0x357: {  	v23 =	vpsel p1, v24, v23;
	v22 =	vnsel @p0 vm0, $0xFF61B1E6, v22  }
0x358: {  	v18 =	vmax.f32 @p2 v23, v18;
	(xrf1) =	vsort.ascd.msk.f32 @p0 $0xffff, v22, v22  }
0x359: {  	(xrf1) =	vsort.ascd.msk.f32 @p2 $0xffff, v18, v18;
	_ =	sdelay $0x9  }
0x35a: {  	v18 =	vlaneseq.u32 @p0  }
0x35b: {  	v18 =	vmul.u32 @p0 $0xFFFFFFFF, v18;
	s31 =	spop (v2sf)  }
0x35c: {  	p1 =	sgt.f32 s31, $0.0e+00  }
0x35d: {  	v18 =	vadd.s32 @p0 $0xF, v18;
	v22, _, _ =	vpop @p0 (xrf1)  }
0x35e: {  	v18 =	vperm.xlane @p0 v22, v18;
	vm0 =	vge.f32 @p1 v20, v19;
	v19, _, _ =	vpop @p2 (xrf1)  }
0x35f: {  	v19 =	vpsel p2, v19, v23;
	v20 =	vnsel @p1 vm0, $0xFF61B1E6, v20  }
0x360: {  	v18 =	vmax.f32 @p0 v19, v18;
	(xrf1) =	vsort.ascd.msk.f32 @p1 $0xffff, v20, v20  }
0x361: {  	(xrf1) =	vsort.ascd.msk.f32 @p0 $0xffff, v18, v18;
	_ =	sdelay $0x9  }
0x362: {  	v18 =	vlaneseq.u32 @p1  }
0x363: {  	v18 =	vmul.u32 @p1 $0xFFFFFFFF, v18;
	_ =	sdelay $0x1  }
0x364: {  	v18 =	vadd.s32 @p1 $0xF, v18;
	v20, _, _ =	vpop @p1 (xrf1)  }
0x365: {  	v18 =	vperm.xlane @p1 v20, v18;
	v20, _, _ =	vpop @p0 (xrf1)  }
0x366: {  	v19 =	vpsel p0, v20, v19  }
0x367: {  	v18 =	vmax.f32 @p1 v19, v18  }
0x368: {  	(xrf1) =	vsort.ascd.msk.f32 @p1 $0xffff, v18, v18;
	_ =	sdelay $0xd  }
0x369: {  	v18, _, _ =	vpop @p1 (xrf1)  }
0x36a: {  	v18 =	vpsel p1, v18, v19  }
0x36b: {  	s18 =	sadd.s32 $0x1, s18;
	v18 =	vperm.xlane v18, v21  }
0x36c: {  	p0 =	sne.s32 s18, s9  }
.Ltmp4:
0x36d: {  	[tilespmem:$0x10580] =	vst v18;
	(pc) =	sbr.rel @p0 .LBB2_1-.Ltmp4, $4  }
0x36e: {  	[hbm4b:s8+s2] =	stream.linear.scatter [tilespmem:s17], [sflag:$0x3], $0x200, $0x38;
	[tilespmem:$0x10600] =	vst v63  }
0x36f: {  	_ =	swait.ge [sflag:s12], $0x200  }
0x370: {  	[sflag:s12] =	ssyncset.done $0x0  }
0x371: {  	[sflag:s12] =	ssyncadd.s32 $0xFFFFFE00  }
0x372: {  	_ =	sfence.sel $0x180000  }
0x373: {  	[bflag:$0x0] =	sbarrier.arrive $0xFFFF  }
0x374: {  	p0 =	sne.s32 s1, $0x0;
	_ =	strace $0x90000047  }
0x375: {  	s0 =	sadd.s32 @!p0 $0x100000, s0;
	[bflag:$0x2] =	sbarrier.arrive $0xFFFF  }
0x376: {  	[sflag:s0] =	ssyncadd.tile.s32 @!p0 $0x1;
	_ =	shalt  }
.Lfunc_end2:
_tile_overlayer_lowered:
.L_overlay_start_2:
0x377: {  	(tag) =	ssettag $0x2  }
0x378: {  	s0 =	rddreg [dreg:$0x0];
	s2 =	stileid.u32  }
0x379: {  	s1 =	rddreg [dreg:$0x1];
	p0 =	sne.s32 s2, $0x0  }
0x37a: {  	s3 =	rddreg [dreg:$0x2];
	[bflag:$0x3] =	sbarrier.arrive $0xFFFF;
	s2 =	simm.s32 @!p0 $0x1C03  }
0x37b: {  	[timem:s3], [sflag:s2] =	dma.local @!p0 [hbm:s0], s1  }
0x37c: {  	s0 =	simm.s32 @!p0 $0x3  }
0x37d: {  	_ =	swait.ge @!p0 [sflag:s0], s1  }
0x37e: {  	s1 =	ssub.s32 @!p0 $0x0, s1;
	[sflag:s0] =	ssyncset.done @!p0 $0x0  }
0x37f: {  	[sflag:s0] =	ssyncadd.s32 @!p0 s1  }
0x380: {  	[bflag:$0x3] =	sbarrier.arrive $0xFFFF  }
0x381: {  	_ =	shalt  }

</sc_bundles>
